<compile_context>
chip_gen: v7x
topology: tpu7x:2x2x1
jax: 0.10.2.dev20260603
libtpu: 0.0.44.dev20260713+nightly
codegen_flags: <defaults>
</compile_context>

<pallas_src>
import functools
import jax
import jax.numpy as jnp
from jax import lax
from jax.experimental import pallas as pl
from jax.experimental.pallas import tpu as pltpu
from jax.experimental.pallas import tpu_sc as plsc

NC, NS = 2, 16
NW = NC * NS
BK = 128
D = 10000
B = 16
F = 32
E = 160000
NBLK = E // BK
NB0 = NBLK // NW
NXTRA = NBLK % NW
NPAD = 10240
CHUNK = NPAD // NS
DUMMY = 10200
RGRID = 4
R = NPAD // RGRID
PB = R // 4
NBUF = 12
LOOK = 6

@functools.lru_cache(maxsize=None)
def _sc_kernels(nblk):
    mesh = plsc.VectorSubcoreMesh(
        core_axis_name="c", subcore_axis_name="s",
        num_cores=NC, num_subcores=NS)

    params = pltpu.CompilerParams(use_tc_tiling_on_sc=False)
    nb0 = nblk // NW
    nxtra = nblk % NW

    sc_degree = functools.partial(
        pl.kernel,
        out_type=jax.ShapeDtypeStruct((NC, NPAD), jnp.float32),
        mesh=mesh,
        compiler_params=params,
        scratch_types=[
            pltpu.VMEM((nb0 + 1, BK), jnp.int32),
            pltpu.VMEM((BK,), jnp.float32),
            pltpu.VMEM_SHARED((NPAD,), jnp.float32),
            pltpu.SemaphoreType.DMA,
        ],
    )(functools.partial(_sc_degree_body, nb0, nxtra))

    sc_edge_pass = functools.partial(
        pl.kernel,
        out_type=jax.ShapeDtypeStruct((NC, NPAD, F), jnp.float32),
        mesh=mesh,
        compiler_params=params,
        scratch_types=[
            pltpu.VMEM((nb0 + 1, BK), jnp.int32),
            pltpu.VMEM((nb0 + 1, BK), jnp.int32),
            [pltpu.VMEM((BK, F), jnp.float32) for _ in range(NBUF)],
            pltpu.VMEM_SHARED((NPAD, F), jnp.float32),
            [pltpu.SemaphoreType.DMA for _ in range(NBUF)],
            [pltpu.SemaphoreType.DMA for _ in range(NBUF)],
        ],
    )(functools.partial(_sc_edge_pass_body, nb0, nxtra))

    return sc_degree, sc_edge_pass


def _load_my_blocks(nb0, nxtra, ei_hbm, row, idx_v, w):
    pltpu.sync_copy(ei_hbm.at[row, pl.ds(w * nb0, nb0)],
                    idx_v.at[pl.ds(0, nb0)])
    if nxtra:
        @pl.when(w < nxtra)
        def _():
            pltpu.sync_copy(ei_hbm.at[row, pl.ds(nb0 * NW + w, 1)],
                            idx_v.at[pl.ds(nb0, 1)])


def _sc_degree_body(nb0, nxtra, ei_hbm, ones_hbm, zeros1_hbm, deg_out,
                    idx_v, ones_v, deg_sh, ssem):
    c = lax.axis_index("c")
    s = lax.axis_index("s")
    w = c * NS + s
    pltpu.sync_copy(zeros1_hbm.at[pl.ds(s * CHUNK, CHUNK)],
                    deg_sh.at[pl.ds(s * CHUNK, CHUNK)])
    pltpu.sync_copy(ones_hbm, ones_v)
    _load_my_blocks(nb0, nxtra, ei_hbm, 1, idx_v, w)
    plsc.subcore_barrier()

    def fire(j, carry):
        pltpu.async_copy(ones_v, deg_sh.at[idx_v.at[j]], ssem, add=True)
        return carry

    lax.fori_loop(0, nb0, fire, 0, unroll=False)
    if nxtra:
        @pl.when(w < nxtra)
        def _():
            pltpu.async_copy(ones_v, deg_sh.at[idx_v.at[nb0]], ssem,
                             add=True)

    def drain(j, carry):
        pltpu.make_async_copy(ones_v, deg_sh.at[idx_v.at[0]], ssem).wait()
        return carry

    lax.fori_loop(0, nb0, drain, 0, unroll=False)
    if nxtra:
        @pl.when(w < nxtra)
        def _():
            pltpu.make_async_copy(ones_v, deg_sh.at[idx_v.at[0]],
                                  ssem).wait()
    plsc.subcore_barrier()
    pltpu.sync_copy(deg_sh.at[pl.ds(s * CHUNK, CHUNK)],
                    deg_out.at[c, pl.ds(s * CHUNK, CHUNK)])


def _sc_edge_pass_body(nb0, nxtra, ei_hbm, table_hbm, zeros_hbm, acc_out,
                       src_v, dst_v, rows, acc_sh, gsem, ssem):
    c = lax.axis_index("c")
    s = lax.axis_index("s")
    w = c * NS + s
    @pl.when(c == 0)
    def _():
        pltpu.sync_copy(table_hbm.at[pl.ds(s * CHUNK, CHUNK)],
                        acc_sh.at[pl.ds(s * CHUNK, CHUNK)])

    @pl.when(c != 0)
    def _():
        pltpu.sync_copy(zeros_hbm.at[pl.ds(s * CHUNK, CHUNK)],
                        acc_sh.at[pl.ds(s * CHUNK, CHUNK)])

    _load_my_blocks(nb0, nxtra, ei_hbm, 0, src_v, w)
    _load_my_blocks(nb0, nxtra, ei_hbm, 1, dst_v, w)
    for j in range(LOOK):
        pltpu.async_copy(table_hbm.at[src_v.at[j]], rows[j], gsem[j])
    plsc.subcore_barrier()

    def step(i, k):
        pltpu.make_async_copy(table_hbm.at[src_v.at[i]], rows[k],
                              gsem[k]).wait()
        pltpu.async_copy(rows[k], acc_sh.at[dst_v.at[i]], ssem[k], add=True)
        kn = (k + LOOK) % NBUF

        def _wait_prev():
            pltpu.make_async_copy(rows[kn], acc_sh.at[dst_v.at[i - LOOK]],
                                  ssem[kn]).wait()

        def _next_gather():
            pltpu.async_copy(table_hbm.at[src_v.at[i + LOOK]], rows[kn],
                             gsem[kn])

        if isinstance(i, int):
            if i >= LOOK:
                _wait_prev()
            if i + LOOK < nb0:
                _next_gather()
        else:
            pl.when(i >= LOOK)(_wait_prev)
            pl.when(i + LOOK < nb0)(_next_gather)

    nmain = (nb0 // NBUF) * NBUF

    def round_body(r, carry):
        for k in range(NBUF):
            step(r * NBUF + k, k)
        return carry

    lax.fori_loop(0, nb0 // NBUF, round_body, 0, unroll=False)
    for i in range(nmain, nb0):
        step(i, i % NBUF)
    for j in range(LOOK):
        k = (nb0 - LOOK + j) % NBUF
        pltpu.make_async_copy(rows[k], acc_sh.at[dst_v.at[nb0 - LOOK + j]],
                              ssem[k]).wait()
    if nxtra:
        @pl.when(w < nxtra)
        def _():
            pltpu.sync_copy(table_hbm.at[src_v.at[nb0]], rows[0])
            pltpu.sync_copy(rows[0], acc_sh.at[dst_v.at[nb0]], add=True)
    plsc.subcore_barrier()
    pltpu.sync_copy(acc_sh.at[pl.ds(s * CHUNK, CHUNK)],
                    acc_out.at[c, pl.ds(s * CHUNK, CHUNK)])


def _tc_frontA_body(x_ref, v_ref, ew_ref, eb_ref, w1t4_ref, b1t_ref,
                    bd2_ref, b2t_ref, sel_ref, outd_ref):
    i = pl.program_id(0)
    ev = jnp.dot(v_ref[...], ew_ref[...].T,
                 preferred_element_type=jnp.float32) + eb_ref[...]
    g1t4 = jnp.dot(ev, w1t4_ref[...], preferred_element_type=jnp.float32)
    xthin = x_ref[...].T
    row = i * R + lax.broadcasted_iota(jnp.int32, (R, 1), 0)
    valid = row < D
    psums = []
    for g in range(B // 4):
        xs = jnp.dot(xthin, sel_ref[:, 128 * g:128 * (g + 1)],
                     preferred_element_type=jnp.float32)
        z1p = jnp.maximum(xs * g1t4 + b1t_ref[...], 0.0)
        h2p = jnp.dot(z1p, bd2_ref[...], preferred_element_type=jnp.float32)
        z2p = jnp.where(valid, jnp.maximum(h2p + b2t_ref[...], 0.0), 0.0)
        psums.append(jnp.sum(z2p, axis=0, keepdims=True))
    part = jnp.concatenate(psums, axis=0) * (1.0 / D)

    @pl.when(i == 0)
    def _():
        outd_ref[...] = jnp.zeros_like(outd_ref)

    outd_ref[...] += part


def _tc_frontV_body(vp_ref, bde_ref, bd1_ref, ebp_ref, g1p_ref):
    evp = jnp.dot(vp_ref[...], bde_ref[...],
                  preferred_element_type=jnp.float32) + ebp_ref[...]
    g1p_ref[...] = jnp.dot(evp, bd1_ref[...],
                           preferred_element_type=jnp.float32)


def _tc_frontB_body(g1p_ref, x04_ref, deg8_ref, m84_ref, sel4_ref, hs1_ref):
    dinvp4 = _packed_dinv4(deg8_ref, m84_ref[...])
    m4 = dinvp4 * x04_ref[...]
    mp = jnp.dot(m4, sel4_ref[...], preferred_element_type=jnp.float32)
    hs1_ref[...] = mp * g1p_ref[...]


def _packed_dinv4(deg8_ref, m84):
    deg4 = jnp.dot(deg8_ref[...], m84,
                   preferred_element_type=jnp.float32) + 1.0
    return lax.rsqrt(deg4)


def _packed_dinv(deg8_ref, m84, sel4):
    return jnp.dot(_packed_dinv4(deg8_ref, m84), sel4,
                   preferred_element_type=jnp.float32)


def _tc_mid_body(acc_ref, deg8_ref, m84_ref, sel4_ref, bd2_ref, b1t_ref,
                 hs2_ref):
    dinvp = _packed_dinv(deg8_ref, m84_ref[...], sel4_ref[...])
    srows = acc_ref[0] + acc_ref[1]
    z1 = jnp.maximum(dinvp * srows + b1t_ref[...], 0.0)
    h2 = jnp.dot(z1, bd2_ref[...], preferred_element_type=jnp.float32)
    hs2_ref[...] = dinvp * h2


def _tc_back_body(acc_ref, deg8_ref, m84_ref, sel4_ref, b2t_ref, out0_ref):
    i = pl.program_id(0)
    dinvp = _packed_dinv(deg8_ref, m84_ref[...], sel4_ref[...])
    srows = acc_ref[0] + acc_ref[1]
    z2 = jnp.maximum(dinvp * srows + b2t_ref[...], 0.0)
    rowp = (i * R + 4 * lax.broadcasted_iota(jnp.int32, (PB, 128), 0)
            + lax.broadcasted_iota(jnp.int32, (PB, 128), 1) // F)
    z2 = jnp.where(rowp < D, z2, 0.0)
    p = jnp.sum(z2, axis=0, keepdims=True) * (1.0 / D)
    part = p[:, 0:F] + p[:, F:2 * F] + p[:, 2 * F:3 * F] + p[:, 3 * F:4 * F]

    @pl.when(i == 0)
    def _():
        out0_ref[...] = jnp.zeros_like(out0_ref)

    out0_ref[...] += part


def kernel(X_num, X_cat, V, edge_index, embed_W, embed_b, conv1_W, conv1_b,
           conv2_W, conv2_b):
    f32 = jnp.float32
    x = jnp.concatenate([X_num, X_cat], axis=1)
    x04 = jnp.concatenate([X_num[0], X_cat[0]]).reshape(D // 4, 4)
    vp = V.reshape(D // 4, 4 * 128)

    ei = edge_index.astype(jnp.int32)
    e = ei.shape[1]
    if e % BK:
        pad = BK - e % BK
        pad_src = jnp.zeros((1, pad), jnp.int32)
        pad_dst = DUMMY + (jnp.arange(pad, dtype=jnp.int32) % (NPAD - DUMMY))
        ei = jnp.concatenate([ei, jnp.concatenate([pad_src, pad_dst[None]])],
                             axis=1)
    nblk = ei.shape[1] // BK
    ei3 = ei.reshape(2, nblk, BK)

    ones_bk = jnp.ones((BK,), f32)
    zeros1 = jnp.zeros((NPAD,), f32)
    zeros2 = jnp.zeros((NPAD, F), f32)

    eb = embed_b.reshape(1, F)
    b1 = conv1_b.reshape(1, F)
    b2 = conv2_b.reshape(1, F)
    w1t4 = jnp.tile(conv1_W.T, (1, 4))
    b1t = jnp.tile(b1, (1, 4))
    b2t = jnp.tile(b2, (1, 4))
    bd2 = jnp.kron(jnp.eye(4, dtype=f32), conv2_W.T)
    sel = jnp.kron(jnp.eye(B, dtype=f32), jnp.ones((1, F), f32))
    sel4 = jnp.kron(jnp.eye(4, dtype=f32), jnp.ones((1, F), f32))
    m84 = jnp.kron(jnp.eye(4, dtype=f32), jnp.ones((2, 1), f32))
    bde = jnp.kron(jnp.eye(4, dtype=f32), embed_W.T)
    bd1 = jnp.kron(jnp.eye(4, dtype=f32), conv1_W.T)
    ebp = jnp.tile(eb, (1, 4))

    sc_degree, sc_edge_pass = _sc_kernels(nblk)

    deg8 = sc_degree(ei3, ones_bk, zeros1).T.reshape(NPAD // 4, 8)

    outd = pl.pallas_call(
        _tc_frontA_body,
        grid=(RGRID,),
        in_specs=[
            pl.BlockSpec((B, R), lambda i: (0, i)),
            pl.BlockSpec((R, 128), lambda i: (i, 0)),
            pl.BlockSpec((F, 128), lambda i: (0, 0)),
            pl.BlockSpec((1, F), lambda i: (0, 0)),
            pl.BlockSpec((F, 128), lambda i: (0, 0)),
            pl.BlockSpec((1, 128), lambda i: (0, 0)),
            pl.BlockSpec((128, 128), lambda i: (0, 0)),
            pl.BlockSpec((1, 128), lambda i: (0, 0)),
            pl.BlockSpec((B, 512), lambda i: (0, 0)),
        ],
        out_specs=pl.BlockSpec((4, 128), lambda i: (0, 0)),
        out_shape=jax.ShapeDtypeStruct((4, 128), f32),
    )(x, V, embed_W, eb, w1t4, b1t, bd2, b2t, sel)

    g1p = pl.pallas_call(
        _tc_frontV_body,
        grid=(RGRID,),
        in_specs=[
            pl.BlockSpec((PB, 512), lambda i: (i, 0)),
            pl.BlockSpec((512, 128), lambda i: (0, 0)),
            pl.BlockSpec((128, 128), lambda i: (0, 0)),
            pl.BlockSpec((1, 128), lambda i: (0, 0)),
        ],
        out_specs=pl.BlockSpec((PB, 4 * F), lambda i: (i, 0)),
        out_shape=jax.ShapeDtypeStruct((NPAD // 4, 4 * F), f32),
    )(vp, bde, bd1, ebp)

    hs1p = pl.pallas_call(
        _tc_frontB_body,
        grid=(RGRID,),
        in_specs=[
            pl.BlockSpec((PB, 4 * F), lambda i: (i, 0)),
            pl.BlockSpec((PB, 4), lambda i: (i, 0)),
            pl.BlockSpec((PB, 8), lambda i: (i, 0)),
            pl.BlockSpec((8, 4), lambda i: (0, 0)),
            pl.BlockSpec((4, 128), lambda i: (0, 0)),
        ],
        out_specs=pl.BlockSpec((PB, 4 * F), lambda i: (i, 0)),
        out_shape=jax.ShapeDtypeStruct((NPAD // 4, 4 * F), f32),
    )(g1p, x04, deg8, m84, sel4)

    acc1 = sc_edge_pass(ei3, hs1p.reshape(NPAD, F), zeros2)
    acc1p = acc1.reshape(NC, NPAD // 4, 4 * F)

    hs2p = pl.pallas_call(
        _tc_mid_body,
        grid=(RGRID,),
        in_specs=[
            pl.BlockSpec((NC, PB, 4 * F), lambda i: (0, i, 0)),
            pl.BlockSpec((PB, 8), lambda i: (i, 0)),
            pl.BlockSpec((8, 4), lambda i: (0, 0)),
            pl.BlockSpec((4, 128), lambda i: (0, 0)),
            pl.BlockSpec((128, 128), lambda i: (0, 0)),
            pl.BlockSpec((1, 128), lambda i: (0, 0)),
        ],
        out_specs=pl.BlockSpec((PB, 4 * F), lambda i: (i, 0)),
        out_shape=jax.ShapeDtypeStruct((NPAD // 4, 4 * F), f32),
    )(acc1p, deg8, m84, sel4, bd2, b1t)

    acc2 = sc_edge_pass(ei3, hs2p.reshape(NPAD, F), zeros2)
    acc2p = acc2.reshape(NC, NPAD // 4, 4 * F)

    out0 = pl.pallas_call(
        _tc_back_body,
        grid=(RGRID,),
        in_specs=[
            pl.BlockSpec((NC, PB, 4 * F), lambda i: (0, i, 0)),
            pl.BlockSpec((PB, 8), lambda i: (i, 0)),
            pl.BlockSpec((8, 4), lambda i: (0, 0)),
            pl.BlockSpec((4, 128), lambda i: (0, 0)),
            pl.BlockSpec((1, 128), lambda i: (0, 0)),
        ],
        out_specs=pl.BlockSpec((1, F), lambda i: (0, 0)),
        out_shape=jax.ShapeDtypeStruct((1, F), f32),
    )(acc2p, deg8, m84, sel4, b2t)

    out_rest = outd.reshape(B, F)
    return jnp.concatenate([out0, out_rest[1:]], axis=0)

# --- scband reference (transcript-rebuilt; emitter-appended) ---
"""Pipeline reference for scband-gnnbackbone-1941325218075 (READ-ONLY COPY).

The authoritative reference and input builder live on the scoring server;
editing this copy changes nothing except your own understanding.
"""

import math
import jax
import jax.numpy as jnp
import numpy as np

D_NODES = 10000
V_DIM = 128
E0 = 320000
B = 16
N_NUM = 6000
N_CAT = 4000
EMBED = 32
HID = 32
RATIO = 0.5


def _build_kg_edges():
    rng = np.random.RandomState(0)
    edge_index = rng.randint(0, D_NODES, size=(2, E0)).astype(np.int64)
    ew = rng.uniform(-1.0, 1.0, size=E0).astype(np.float32)
    w_pos = np.sort(ew[ew > 0.0])[::-1]
    w_neg = np.sort(ew[ew < 0.0])
    x_pos = w_pos[math.ceil(len(w_pos) * RATIO) - 1]
    x_neg = w_neg[math.ceil(len(w_neg) * RATIO) - 1] if len(w_neg) else -1e8
    mask = (ew >= x_pos) | (ew <= x_neg)
    return edge_index[:, mask]


def gcn_conv(x, edge_index, W, b):
    # Faithful pyg GCNConv: linear (no bias) -> sym-normalized propagate with
    # self-loops (num_nodes = x.shape[0]) -> add bias.
    n = x.shape[0]
    loop = jnp.arange(n, dtype=edge_index.dtype)
    src = jnp.concatenate([edge_index[0], loop])
    dst = jnp.concatenate([edge_index[1], loop])
    w = jnp.ones(src.shape[0], dtype=x.dtype)
    deg = jnp.zeros((n,), dtype=x.dtype).at[dst].add(w)
    dinv = jnp.where(deg > 0, deg ** -0.5, 0.0)
    norm = dinv[src] * w * dinv[dst]
    h = x @ W.T
    out = jnp.zeros_like(h).at[dst].add(norm[:, None] * h[src])
    return out + b


def setup_inputs(seed: int = 0):
    key = jax.random.key(seed)
    ks = jax.random.split(key, 8)
    edge_index = jnp.asarray(_build_kg_edges())
    V = jax.random.normal(ks[0], (D_NODES, V_DIM), dtype=jnp.float32)
    X_num = jax.random.normal(ks[1], (B, N_NUM), dtype=jnp.float32)
    X_cat = jax.random.normal(ks[2], (B, N_CAT), dtype=jnp.float32)
    sc = 1.0 / np.sqrt(V_DIM)
    embed_W = jax.random.uniform(ks[3], (EMBED, V_DIM), minval=-sc, maxval=sc, dtype=jnp.float32)
    embed_b = jax.random.uniform(ks[4], (EMBED,), minval=-sc, maxval=sc, dtype=jnp.float32)
    g1 = float(np.sqrt(6.0 / (EMBED + HID)))
    conv1_W = jax.random.uniform(ks[5], (HID, EMBED), minval=-g1, maxval=g1, dtype=jnp.float32)
    conv1_b = jnp.zeros((HID,), dtype=jnp.float32)
    g2 = float(np.sqrt(6.0 / (HID + HID)))
    conv2_W = jax.random.uniform(ks[6], (HID, HID), minval=-g2, maxval=g2, dtype=jnp.float32)
    conv2_b = jnp.zeros((HID,), dtype=jnp.float32)
    return {"X_num": X_num, "X_cat": X_cat, "V": V, "edge_index": edge_index,
            "embed_W": embed_W, "embed_b": embed_b,
            "conv1_W": conv1_W, "conv1_b": conv1_b,
            "conv2_W": conv2_W, "conv2_b": conv2_b}


def reference(X_num, X_cat, V, edge_index, embed_W, embed_b, conv1_W, conv1_b, conv2_W, conv2_b):
    x = jnp.concatenate([X_num, X_cat], axis=1)          # [B, D]
    ev = V @ embed_W.T + embed_b                         # [D, EMBED]
    x = x[:, :, None] * ev[None, :, :]                   # [B, D, EMBED]
    Bb, Dn = x.shape[0], x.shape[1]
    x = x.reshape(Bb * Dn, -1)
    # NOTE: original torch forward builds a batched edge_index but then passes
    # self.edge_index (the unbatched one) to the conv; we keep that behavior.
    x = jax.nn.relu(gcn_conv(x, edge_index, conv1_W, conv1_b))
    x = jax.nn.relu(gcn_conv(x, edge_index, conv2_W, conv2_b))
    x = x.reshape(Bb, Dn, -1)
    return jnp.mean(x, axis=1)                           # conv_pool_method == 'mean'

if __name__ == "__main__":
    import jax
    _d = setup_inputs()
    print(jax.jit(kernel)(*tuple(_d.values())))

</pallas_src>

<mosaic_0001>
#map = affine_map<(d0, d1) -> (0, 0, 0)>
#map1 = affine_map<(d0, d1) -> (0)>
#map2 = affine_map<(d0, d1) -> (0, 0)>
module attributes {stable_mosaic.version = 14 : i64} {
  func.func @_sc_degree_body(%arg0: i32, %arg1: i32, %arg2: memref<2x1250x128xi32, #tpu.memory_space<hbm>>, %arg3: memref<128xf32, #tpu.memory_space<hbm>>, %arg4: memref<10240xf32, #tpu.memory_space<hbm>>, %arg5: memref<2x10240xf32, #tpu.memory_space<hbm>>, %arg6: memref<40x128xi32, #tpu.memory_space<vmem>>, %arg7: memref<128xf32, #tpu.memory_space<vmem>>, %arg8: memref<10240xf32, #tpu.memory_space<vmem_shared>>, %arg9: memref<!tpu.dma_semaphore, #tpu.memory_space<semaphore_mem>>) attributes {dimension_semantics = [#tpu.dimension_semantics<core_parallel>, #tpu.dimension_semantics<subcore_parallel>], iteration_bounds = array<i64: 2, 16>, scalar_prefetch = 0 : i64, scratch_operands = 4 : i64, tpu.core_type = #tpu.core_type<sc_vector_subcore>, window_params = [{transform_indices = #map}, {transform_indices = #map1}, {transform_indices = #map1}, {transform_indices = #map2}]} {
    %mul3A = arith.constant 16 : i32
    %mul3A_0 = arith.muli %arg0, %mul3A : i32
    %add3A = arith.addi %mul3A_0, %arg1 : i32
    %mul3A_1 = arith.constant 640 : i32
    %mul3A_2 = arith.muli %arg1, %mul3A_1 : i32
    %mul3A_3 = arith.constant 640 : i32
    %mul3A_4 = arith.muli %arg1, %mul3A_3 : i32
    "tpu.region"() ({
      %run_scoped3A_35 = tpu.sem_alloc : memref<!tpu.dma_semaphore, #tpu.memory_space<semaphore_mem>>
      %dma_start3A = tpu.memref_slice %arg8[%mul3A_4] : memref<10240xf32, #tpu.memory_space<vmem_shared>> -> memref<640xf32, #tpu.memory_space<vmem_shared>>
      %dma_start3A_36 = tpu.memref_slice %arg4[%mul3A_2] : memref<10240xf32, #tpu.memory_space<hbm>> -> memref<640xf32, #tpu.memory_space<hbm>>
      tpu.enqueue_dma source(%dma_start3A_36 : memref<640xf32, #tpu.memory_space<hbm>>) target(%dma_start3A : memref<640xf32, #tpu.memory_space<vmem_shared>>) target_semaphore(%run_scoped3A_35 : memref<!tpu.dma_semaphore, #tpu.memory_space<semaphore_mem>>)
      %dma_wait3A = tpu.memref_slice %arg8[%mul3A_4] : memref<10240xf32, #tpu.memory_space<vmem_shared>> -> memref<640xf32, #tpu.memory_space<vmem_shared>>
      %dma_wait3A_37 = tpu.memref_slice %arg4[%mul3A_2] : memref<10240xf32, #tpu.memory_space<hbm>> -> memref<640xf32, #tpu.memory_space<hbm>>
      tpu.wait_dma2 semaphore(%run_scoped3A_35 : memref<!tpu.dma_semaphore, #tpu.memory_space<semaphore_mem>>) src(%dma_wait3A_37 : memref<640xf32, #tpu.memory_space<hbm>>) dst(%dma_wait3A : memref<640xf32, #tpu.memory_space<vmem_shared>>)
      tpu.yield
    }) : () -> ()
    "tpu.region"() ({
      %run_scoped3A_35 = tpu.sem_alloc : memref<!tpu.dma_semaphore, #tpu.memory_space<semaphore_mem>>
      tpu.enqueue_dma source(%arg3 : memref<128xf32, #tpu.memory_space<hbm>>) target(%arg7 : memref<128xf32, #tpu.memory_space<vmem>>) target_semaphore(%run_scoped3A_35 : memref<!tpu.dma_semaphore, #tpu.memory_space<semaphore_mem>>)
      tpu.wait_dma2 semaphore(%run_scoped3A_35 : memref<!tpu.dma_semaphore, #tpu.memory_space<semaphore_mem>>) src(%arg3 : memref<128xf32, #tpu.memory_space<hbm>>) dst(%arg7 : memref<128xf32, #tpu.memory_space<vmem>>)
      tpu.yield
    }) : () -> ()
    %mul3A_5 = arith.constant 39 : i32
    %mul3A_6 = arith.muli %add3A, %mul3A_5 : i32
    %run_scoped3A = arith.constant 1 : i32
    "tpu.region"() ({
      %run_scoped3A_35 = tpu.sem_alloc : memref<!tpu.dma_semaphore, #tpu.memory_space<semaphore_mem>>
      %dma_start3A = arith.constant 0 : i32
      %dma_start3A_36 = arith.constant 0 : i32
      %dma_start3A_37 = tpu.memref_slice %arg6[%dma_start3A, %dma_start3A_36] : memref<40x128xi32, #tpu.memory_space<vmem>> -> memref<39x128xi32, #tpu.memory_space<vmem>>
      %dma_start3A_38 = arith.constant 0 : i32
      %dma_start3A_39 = tpu.memref_slice %arg2[%run_scoped3A, %mul3A_6, %dma_start3A_38] : memref<2x1250x128xi32, #tpu.memory_space<hbm>> -> memref<1x39x128xi32, #tpu.memory_space<hbm>>
      %dma_start3A_40 = tpu.memref_squeeze %dma_start3A_39 : memref<1x39x128xi32, #tpu.memory_space<hbm>> -> memref<39x128xi32, #tpu.memory_space<hbm>>
      %dma_start3A_41 = arith.constant 0 : i32
      %dma_start3A_42 = arith.constant 0 : i32
      %dma_start3A_43 = tpu.memref_slice %arg6[%dma_start3A_41, %dma_start3A_42] : memref<40x128xi32, #tpu.memory_space<vmem>> -> memref<39x128xi32, #tpu.memory_space<vmem>>
      %dma_start3A_44 = arith.constant 0 : i32
      %dma_start3A_45 = tpu.memref_slice %arg2[%run_scoped3A, %mul3A_6, %dma_start3A_44] : memref<2x1250x128xi32, #tpu.memory_space<hbm>> -> memref<1x39x128xi32, #tpu.memory_space<hbm>>
      %dma_start3A_46 = tpu.memref_squeeze %dma_start3A_45 : memref<1x39x128xi32, #tpu.memory_space<hbm>> -> memref<39x128xi32, #tpu.memory_space<hbm>>
      tpu.enqueue_dma source(%dma_start3A_46 : memref<39x128xi32, #tpu.memory_space<hbm>>) target(%dma_start3A_43 : memref<39x128xi32, #tpu.memory_space<vmem>>) target_semaphore(%run_scoped3A_35 : memref<!tpu.dma_semaphore, #tpu.memory_space<semaphore_mem>>)
      %dma_wait3A = arith.constant 0 : i32
      %dma_wait3A_47 = arith.constant 0 : i32
      %dma_wait3A_48 = tpu.memref_slice %arg6[%dma_wait3A, %dma_wait3A_47] : memref<40x128xi32, #tpu.memory_space<vmem>> -> memref<39x128xi32, #tpu.memory_space<vmem>>
      %dma_wait3A_49 = arith.constant 0 : i32
      %dma_wait3A_50 = tpu.memref_slice %arg2[%run_scoped3A, %mul3A_6, %dma_wait3A_49] : memref<2x1250x128xi32, #tpu.memory_space<hbm>> -> memref<1x39x128xi32, #tpu.memory_space<hbm>>
      %dma_wait3A_51 = tpu.memref_squeeze %dma_wait3A_50 : memref<1x39x128xi32, #tpu.memory_space<hbm>> -> memref<39x128xi32, #tpu.memory_space<hbm>>
      %dma_wait3A_52 = arith.constant 0 : i32
      %dma_wait3A_53 = arith.constant 0 : i32
      %dma_wait3A_54 = tpu.memref_slice %arg6[%dma_wait3A_52, %dma_wait3A_53] : memref<40x128xi32, #tpu.memory_space<vmem>> -> memref<39x128xi32, #tpu.memory_space<vmem>>
      %dma_wait3A_55 = arith.constant 0 : i32
      %dma_wait3A_56 = tpu.memref_slice %arg2[%run_scoped3A, %mul3A_6, %dma_wait3A_55] : memref<2x1250x128xi32, #tpu.memory_space<hbm>> -> memref<1x39x128xi32, #tpu.memory_space<hbm>>
      %dma_wait3A_57 = tpu.memref_squeeze %dma_wait3A_56 : memref<1x39x128xi32, #tpu.memory_space<hbm>> -> memref<39x128xi32, #tpu.memory_space<hbm>>
      tpu.wait_dma2 semaphore(%run_scoped3A_35 : memref<!tpu.dma_semaphore, #tpu.memory_space<semaphore_mem>>) src(%dma_wait3A_57 : memref<39x128xi32, #tpu.memory_space<hbm>>) dst(%dma_wait3A_54 : memref<39x128xi32, #tpu.memory_space<vmem>>)
      tpu.yield
    }) : () -> ()
    %lt3A = arith.constant 2 : i32
    %lt3A_7 = arith.cmpi slt, %add3A, %lt3A : i32
    %convert_element_type3A = arith.extui %lt3A_7 : i1 to i32
    %cond3A = arith.constant 0 : i32
    %cond3A_8 = arith.cmpi ne, %convert_element_type3A, %cond3A : i32
    scf.if %cond3A_8 {
      %add3A_35 = arith.constant 1248 : i32
      %add3A_36 = arith.addi %add3A_35, %add3A : i32
      %run_scoped3A_37 = arith.constant 1 : i32
      "tpu.region"() ({
        %run_scoped3A_38 = tpu.sem_alloc : memref<!tpu.dma_semaphore, #tpu.memory_space<semaphore_mem>>
        %dma_start3A = arith.constant 39 : i32
        %dma_start3A_39 = arith.constant 0 : i32
        %dma_start3A_40 = tpu.memref_slice %arg6[%dma_start3A, %dma_start3A_39] : memref<40x128xi32, #tpu.memory_space<vmem>> -> memref<1x128xi32, #tpu.memory_space<vmem>>
        %dma_start3A_41 = arith.constant 0 : i32
        %dma_start3A_42 = tpu.memref_slice %arg2[%run_scoped3A_37, %add3A_36, %dma_start3A_41] : memref<2x1250x128xi32, #tpu.memory_space<hbm>> -> memref<1x1x128xi32, #tpu.memory_space<hbm>>
        %dma_start3A_43 = tpu.memref_squeeze %dma_start3A_42 : memref<1x1x128xi32, #tpu.memory_space<hbm>> -> memref<1x128xi32, #tpu.memory_space<hbm>>
        %dma_start3A_44 = arith.constant 39 : i32
        %dma_start3A_45 = arith.constant 0 : i32
        %dma_start3A_46 = tpu.memref_slice %arg6[%dma_start3A_44, %dma_start3A_45] : memref<40x128xi32, #tpu.memory_space<vmem>> -> memref<1x128xi32, #tpu.memory_space<vmem>>
        %dma_start3A_47 = arith.constant 0 : i32
        %dma_start3A_48 = tpu.memref_slice %arg2[%run_scoped3A_37, %add3A_36, %dma_start3A_47] : memref<2x1250x128xi32, #tpu.memory_space<hbm>> -> memref<1x1x128xi32, #tpu.memory_space<hbm>>
        %dma_start3A_49 = tpu.memref_squeeze %dma_start3A_48 : memref<1x1x128xi32, #tpu.memory_space<hbm>> -> memref<1x128xi32, #tpu.memory_space<hbm>>
        tpu.enqueue_dma source(%dma_start3A_49 : memref<1x128xi32, #tpu.memory_space<hbm>>) target(%dma_start3A_46 : memref<1x128xi32, #tpu.memory_space<vmem>>) target_semaphore(%run_scoped3A_38 : memref<!tpu.dma_semaphore, #tpu.memory_space<semaphore_mem>>)
        %dma_wait3A = arith.constant 39 : i32
        %dma_wait3A_50 = arith.constant 0 : i32
        %dma_wait3A_51 = tpu.memref_slice %arg6[%dma_wait3A, %dma_wait3A_50] : memref<40x128xi32, #tpu.memory_space<vmem>> -> memref<1x128xi32, #tpu.memory_space<vmem>>
        %dma_wait3A_52 = arith.constant 0 : i32
        %dma_wait3A_53 = tpu.memref_slice %arg2[%run_scoped3A_37, %add3A_36, %dma_wait3A_52] : memref<2x1250x128xi32, #tpu.memory_space<hbm>> -> memref<1x1x128xi32, #tpu.memory_space<hbm>>
        %dma_wait3A_54 = tpu.memref_squeeze %dma_wait3A_53 : memref<1x1x128xi32, #tpu.memory_space<hbm>> -> memref<1x128xi32, #tpu.memory_space<hbm>>
        %dma_wait3A_55 = arith.constant 39 : i32
        %dma_wait3A_56 = arith.constant 0 : i32
        %dma_wait3A_57 = tpu.memref_slice %arg6[%dma_wait3A_55, %dma_wait3A_56] : memref<40x128xi32, #tpu.memory_space<vmem>> -> memref<1x128xi32, #tpu.memory_space<vmem>>
        %dma_wait3A_58 = arith.constant 0 : i32
        %dma_wait3A_59 = tpu.memref_slice %arg2[%run_scoped3A_37, %add3A_36, %dma_wait3A_58] : memref<2x1250x128xi32, #tpu.memory_space<hbm>> -> memref<1x1x128xi32, #tpu.memory_space<hbm>>
        %dma_wait3A_60 = tpu.memref_squeeze %dma_wait3A_59 : memref<1x1x128xi32, #tpu.memory_space<hbm>> -> memref<1x128xi32, #tpu.memory_space<hbm>>
        tpu.wait_dma2 semaphore(%run_scoped3A_38 : memref<!tpu.dma_semaphore, #tpu.memory_space<semaphore_mem>>) src(%dma_wait3A_60 : memref<1x128xi32, #tpu.memory_space<hbm>>) dst(%dma_wait3A_57 : memref<1x128xi32, #tpu.memory_space<vmem>>)
        tpu.yield
      }) : () -> ()
    } else {
    }
    %barrier3A = arith.constant 0 : index
    tpu.barrier barrier_id(%barrier3A)
    %scan3A = arith.constant 0 : i32
    %scan3A_9 = arith.constant 0 : i32
    %scan3A_10 = arith.constant 39 : i32
    %scan3A_11 = arith.addi %scan3A_9, %scan3A_10 : i32
    %scan3A_12 = arith.constant 1 : i32
    scf.for %scan3A_35 = %scan3A_9 to %scan3A_11 step %scan3A_12  : i32 {
      %dma_start3A = arith.constant 0 : i32
      %dma_start3A_36 = tpu.memref_slice %arg6[%scan3A_35, %dma_start3A] : memref<40x128xi32, #tpu.memory_space<vmem>> -> memref<1x128xi32, #tpu.memory_space<vmem>>
      %dma_start3A_37 = tpu.memref_squeeze %dma_start3A_36 : memref<1x128xi32, #tpu.memory_space<vmem>> -> memref<128xi32, #tpu.memory_space<vmem>>
      %dma_start3A_38 = arith.constant 0 : i32
      %dma_start3A_39 = tpu.memref_slice %arg8[%dma_start3A_38] : memref<10240xf32, #tpu.memory_space<vmem_shared>> -> memref<10240xf32, #tpu.memory_space<vmem_shared>>
      tpu.enqueue_indirect_dma source(%arg7 : memref<128xf32, #tpu.memory_space<vmem>>) target(%dma_start3A_39 : memref<10240xf32, #tpu.memory_space<vmem_shared>>) offsets(%dma_start3A_37 : memref<128xi32, #tpu.memory_space<vmem>>) semaphore(%arg9 : memref<!tpu.dma_semaphore, #tpu.memory_space<semaphore_mem>>) {add = true}
    }
    %scan3A_13 = arith.constant 39 : i32
    %lt3A_14 = arith.constant 2 : i32
    %lt3A_15 = arith.cmpi slt, %add3A, %lt3A_14 : i32
    %convert_element_type3A_16 = arith.extui %lt3A_15 : i1 to i32
    %cond3A_17 = arith.constant 0 : i32
    %cond3A_18 = arith.cmpi ne, %convert_element_type3A_16, %cond3A_17 : i32
    scf.if %cond3A_18 {
      %dma_start3A = arith.constant 39 : i32
      %dma_start3A_35 = arith.constant 0 : i32
      %dma_start3A_36 = tpu.memref_slice %arg6[%dma_start3A, %dma_start3A_35] : memref<40x128xi32, #tpu.memory_space<vmem>> -> memref<1x128xi32, #tpu.memory_space<vmem>>
      %dma_start3A_37 = tpu.memref_squeeze %dma_start3A_36 : memref<1x128xi32, #tpu.memory_space<vmem>> -> memref<128xi32, #tpu.memory_space<vmem>>
      %dma_start3A_38 = arith.constant 0 : i32
      %dma_start3A_39 = tpu.memref_slice %arg8[%dma_start3A_38] : memref<10240xf32, #tpu.memory_space<vmem_shared>> -> memref<10240xf32, #tpu.memory_space<vmem_shared>>
      tpu.enqueue_indirect_dma source(%arg7 : memref<128xf32, #tpu.memory_space<vmem>>) target(%dma_start3A_39 : memref<10240xf32, #tpu.memory_space<vmem_shared>>) offsets(%dma_start3A_37 : memref<128xi32, #tpu.memory_space<vmem>>) semaphore(%arg9 : memref<!tpu.dma_semaphore, #tpu.memory_space<semaphore_mem>>) {add = true}
    } else {
    }
    %scan3A_19 = arith.constant 0 : i32
    %scan3A_20 = arith.constant 0 : i32
    %scan3A_21 = arith.constant 39 : i32
    %scan3A_22 = arith.addi %scan3A_20, %scan3A_21 : i32
    %scan3A_23 = arith.constant 1 : i32
    scf.for %scan3A_35 = %scan3A_20 to %scan3A_22 step %scan3A_23  : i32 {
      %dma_wait3A = arith.constant 0 : i32
      %dma_wait3A_36 = arith.constant 0 : i32
      %dma_wait3A_37 = tpu.memref_slice %arg6[%dma_wait3A, %dma_wait3A_36] : memref<40x128xi32, #tpu.memory_space<vmem>> -> memref<1x128xi32, #tpu.memory_space<vmem>>
      %dma_wait3A_38 = tpu.memref_squeeze %dma_wait3A_37 : memref<1x128xi32, #tpu.memory_space<vmem>> -> memref<128xi32, #tpu.memory_space<vmem>>
      %dma_wait3A_39 = arith.constant 0 : i32
      %dma_wait3A_40 = tpu.memref_slice %arg8[%dma_wait3A_39] : memref<10240xf32, #tpu.memory_space<vmem_shared>> -> memref<10240xf32, #tpu.memory_space<vmem_shared>>
      tpu.wait_indirect_dma semaphore(%arg9 : memref<!tpu.dma_semaphore, #tpu.memory_space<semaphore_mem>>) src(%arg7 : memref<128xf32, #tpu.memory_space<vmem>>) dst(%dma_wait3A_40 : memref<10240xf32, #tpu.memory_space<vmem_shared>>)
    }
    %scan3A_24 = arith.constant 39 : i32
    %lt3A_25 = arith.constant 2 : i32
    %lt3A_26 = arith.cmpi slt, %add3A, %lt3A_25 : i32
    %convert_element_type3A_27 = arith.extui %lt3A_26 : i1 to i32
    %cond3A_28 = arith.constant 0 : i32
    %cond3A_29 = arith.cmpi ne, %convert_element_type3A_27, %cond3A_28 : i32
    scf.if %cond3A_29 {
      %dma_wait3A = arith.constant 0 : i32
      %dma_wait3A_35 = arith.constant 0 : i32
      %dma_wait3A_36 = tpu.memref_slice %arg6[%dma_wait3A, %dma_wait3A_35] : memref<40x128xi32, #tpu.memory_space<vmem>> -> memref<1x128xi32, #tpu.memory_space<vmem>>
      %dma_wait3A_37 = tpu.memref_squeeze %dma_wait3A_36 : memref<1x128xi32, #tpu.memory_space<vmem>> -> memref<128xi32, #tpu.memory_space<vmem>>
      %dma_wait3A_38 = arith.constant 0 : i32
      %dma_wait3A_39 = tpu.memref_slice %arg8[%dma_wait3A_38] : memref<10240xf32, #tpu.memory_space<vmem_shared>> -> memref<10240xf32, #tpu.memory_space<vmem_shared>>
      tpu.wait_indirect_dma semaphore(%arg9 : memref<!tpu.dma_semaphore, #tpu.memory_space<semaphore_mem>>) src(%arg7 : memref<128xf32, #tpu.memory_space<vmem>>) dst(%dma_wait3A_39 : memref<10240xf32, #tpu.memory_space<vmem_shared>>)
    } else {
    }
    %barrier3A_30 = arith.constant 0 : index
    tpu.barrier barrier_id(%barrier3A_30)
    %mul3A_31 = arith.constant 640 : i32
    %mul3A_32 = arith.muli %arg1, %mul3A_31 : i32
    %mul3A_33 = arith.constant 640 : i32
    %mul3A_34 = arith.muli %arg1, %mul3A_33 : i32
    "tpu.region"() ({
      %run_scoped3A_35 = tpu.sem_alloc : memref<!tpu.dma_semaphore, #tpu.memory_space<semaphore_mem>>
      %dma_start3A = tpu.memref_slice %arg5[%arg0, %mul3A_34] : memref<2x10240xf32, #tpu.memory_space<hbm>> -> memref<1x640xf32, #tpu.memory_space<hbm>>
      %dma_start3A_36 = tpu.memref_squeeze %dma_start3A : memref<1x640xf32, #tpu.memory_space<hbm>> -> memref<640xf32, #tpu.memory_space<hbm>>
      %dma_start3A_37 = tpu.memref_slice %arg8[%mul3A_32] : memref<10240xf32, #tpu.memory_space<vmem_shared>> -> memref<640xf32, #tpu.memory_space<vmem_shared>>
      tpu.enqueue_dma source(%dma_start3A_37 : memref<640xf32, #tpu.memory_space<vmem_shared>>) target(%dma_start3A_36 : memref<640xf32, #tpu.memory_space<hbm>>) target_semaphore(%run_scoped3A_35 : memref<!tpu.dma_semaphore, #tpu.memory_space<semaphore_mem>>)
      %dma_wait3A = tpu.memref_slice %arg5[%arg0, %mul3A_34] : memref<2x10240xf32, #tpu.memory_space<hbm>> -> memref<1x640xf32, #tpu.memory_space<hbm>>
      %dma_wait3A_38 = tpu.memref_squeeze %dma_wait3A : memref<1x640xf32, #tpu.memory_space<hbm>> -> memref<640xf32, #tpu.memory_space<hbm>>
      %dma_wait3A_39 = tpu.memref_slice %arg8[%mul3A_32] : memref<10240xf32, #tpu.memory_space<vmem_shared>> -> memref<640xf32, #tpu.memory_space<vmem_shared>>
      tpu.wait_dma2 semaphore(%run_scoped3A_35 : memref<!tpu.dma_semaphore, #tpu.memory_space<semaphore_mem>>) src(%dma_wait3A_39 : memref<640xf32, #tpu.memory_space<vmem_shared>>) dst(%dma_wait3A_38 : memref<640xf32, #tpu.memory_space<hbm>>)
      tpu.yield
    }) : () -> ()
    return
  }
}

#map = affine_map<(d0, d1) -> (0, 0, 0)>
#map1 = affine_map<(d0, d1) -> (0, 0)>
module attributes {stable_mosaic.version = 14 : i64} {
  func.func @_sc_edge_pass_body(%arg0: i32, %arg1: i32, %arg2: memref<2x1250x128xi32, #tpu.memory_space<hbm>>, %arg3: memref<10240x32xf32, #tpu.memory_space<hbm>>, %arg4: memref<10240x32xf32, #tpu.memory_space<hbm>>, %arg5: memref<2x10240x32xf32, #tpu.memory_space<hbm>>, %arg6: memref<40x128xi32, #tpu.memory_space<vmem>>, %arg7: memref<40x128xi32, #tpu.memory_space<vmem>>, %arg8: memref<128x32xf32, #tpu.memory_space<vmem>>, %arg9: memref<128x32xf32, #tpu.memory_space<vmem>>, %arg10: memref<128x32xf32, #tpu.memory_space<vmem>>, %arg11: memref<128x32xf32, #tpu.memory_space<vmem>>, %arg12: memref<128x32xf32, #tpu.memory_space<vmem>>, %arg13: memref<128x32xf32, #tpu.memory_space<vmem>>, %arg14: memref<128x32xf32, #tpu.memory_space<vmem>>, %arg15: memref<128x32xf32, #tpu.memory_space<vmem>>, %arg16: memref<128x32xf32, #tpu.memory_space<vmem>>, %arg17: memref<128x32xf32, #tpu.memory_space<vmem>>, %arg18: memref<128x32xf32, #tpu.memory_space<vmem>>, %arg19: memref<128x32xf32, #tpu.memory_space<vmem>>, %arg20: memref<10240x32xf32, #tpu.memory_space<vmem_shared>>, %arg21: memref<!tpu.dma_semaphore, #tpu.memory_space<semaphore_mem>>, %arg22: memref<!tpu.dma_semaphore, #tpu.memory_space<semaphore_mem>>, %arg23: memref<!tpu.dma_semaphore, #tpu.memory_space<semaphore_mem>>, %arg24: memref<!tpu.dma_semaphore, #tpu.memory_space<semaphore_mem>>, %arg25: memref<!tpu.dma_semaphore, #tpu.memory_space<semaphore_mem>>, %arg26: memref<!tpu.dma_semaphore, #tpu.memory_space<semaphore_mem>>, %arg27: memref<!tpu.dma_semaphore, #tpu.memory_space<semaphore_mem>>, %arg28: memref<!tpu.dma_semaphore, #tpu.memory_space<semaphore_mem>>, %arg29: memref<!tpu.dma_semaphore, #tpu.memory_space<semaphore_mem>>, %arg30: memref<!tpu.dma_semaphore, #tpu.memory_space<semaphore_mem>>, %arg31: memref<!tpu.dma_semaphore, #tpu.memory_space<semaphore_mem>>, %arg32: memref<!tpu.dma_semaphore, #tpu.memory_space<semaphore_mem>>, %arg33: memref<!tpu.dma_semaphore, #tpu.memory_space<semaphore_mem>>, %arg34: memref<!tpu.dma_semaphore, #tpu.memory_space<semaphore_mem>>, %arg35: memref<!tpu.dma_semaphore, #tpu.memory_space<semaphore_mem>>, %arg36: memref<!tpu.dma_semaphore, #tpu.memory_space<semaphore_mem>>, %arg37: memref<!tpu.dma_semaphore, #tpu.memory_space<semaphore_mem>>, %arg38: memref<!tpu.dma_semaphore, #tpu.memory_space<semaphore_mem>>, %arg39: memref<!tpu.dma_semaphore, #tpu.memory_space<semaphore_mem>>, %arg40: memref<!tpu.dma_semaphore, #tpu.memory_space<semaphore_mem>>, %arg41: memref<!tpu.dma_semaphore, #tpu.memory_space<semaphore_mem>>, %arg42: memref<!tpu.dma_semaphore, #tpu.memory_space<semaphore_mem>>, %arg43: memref<!tpu.dma_semaphore, #tpu.memory_space<semaphore_mem>>, %arg44: memref<!tpu.dma_semaphore, #tpu.memory_space<semaphore_mem>>) attributes {dimension_semantics = [#tpu.dimension_semantics<core_parallel>, #tpu.dimension_semantics<subcore_parallel>], iteration_bounds = array<i64: 2, 16>, scalar_prefetch = 0 : i64, scratch_operands = 39 : i64, tpu.core_type = #tpu.core_type<sc_vector_subcore>, window_params = [{transform_indices = #map}, {transform_indices = #map1}, {transform_indices = #map1}, {transform_indices = #map}]} {
    %mul3A = arith.constant 16 : i32
    %mul3A_0 = arith.muli %arg0, %mul3A : i32
    %add3A = arith.addi %mul3A_0, %arg1 : i32
    %eq3A = arith.constant 0 : i32
    %eq3A_1 = arith.cmpi eq, %arg0, %eq3A : i32
    %convert_element_type3A = arith.extui %eq3A_1 : i1 to i32
    %cond3A = arith.constant 0 : i32
    %cond3A_2 = arith.cmpi ne, %convert_element_type3A, %cond3A : i32
    scf.if %cond3A_2 {
      %mul3A_181 = arith.constant 640 : i32
      %mul3A_182 = arith.muli %arg1, %mul3A_181 : i32
      %mul3A_183 = arith.constant 640 : i32
      %mul3A_184 = arith.muli %arg1, %mul3A_183 : i32
      "tpu.region"() ({
        %run_scoped3A_185 = tpu.sem_alloc : memref<!tpu.dma_semaphore, #tpu.memory_space<semaphore_mem>>
        %dma_start3A_186 = arith.constant 0 : i32
        %dma_start3A_187 = tpu.memref_slice %arg20[%mul3A_184, %dma_start3A_186] : memref<10240x32xf32, #tpu.memory_space<vmem_shared>> -> memref<640x32xf32, #tpu.memory_space<vmem_shared>>
        %dma_start3A_188 = arith.constant 0 : i32
        %dma_start3A_189 = tpu.memref_slice %arg3[%mul3A_182, %dma_start3A_188] : memref<10240x32xf32, #tpu.memory_space<hbm>> -> memref<640x32xf32, #tpu.memory_space<hbm>>
        tpu.enqueue_dma source(%dma_start3A_189 : memref<640x32xf32, #tpu.memory_space<hbm>>) target(%dma_start3A_187 : memref<640x32xf32, #tpu.memory_space<vmem_shared>>) target_semaphore(%run_scoped3A_185 : memref<!tpu.dma_semaphore, #tpu.memory_space<semaphore_mem>>)
        %dma_wait3A_190 = arith.constant 0 : i32
        %dma_wait3A_191 = tpu.memref_slice %arg20[%mul3A_184, %dma_wait3A_190] : memref<10240x32xf32, #tpu.memory_space<vmem_shared>> -> memref<640x32xf32, #tpu.memory_space<vmem_shared>>
        %dma_wait3A_192 = arith.constant 0 : i32
        %dma_wait3A_193 = tpu.memref_slice %arg3[%mul3A_182, %dma_wait3A_192] : memref<10240x32xf32, #tpu.memory_space<hbm>> -> memref<640x32xf32, #tpu.memory_space<hbm>>
        tpu.wait_dma2 semaphore(%run_scoped3A_185 : memref<!tpu.dma_semaphore, #tpu.memory_space<semaphore_mem>>) src(%dma_wait3A_193 : memref<640x32xf32, #tpu.memory_space<hbm>>) dst(%dma_wait3A_191 : memref<640x32xf32, #tpu.memory_space<vmem_shared>>)
        tpu.yield
      }) : () -> ()
    } else {
    }
    %ne3A = arith.constant 0 : i32
    %ne3A_3 = arith.cmpi ne, %arg0, %ne3A : i32
    %convert_element_type3A_4 = arith.extui %ne3A_3 : i1 to i32
    %cond3A_5 = arith.constant 0 : i32
    %cond3A_6 = arith.cmpi ne, %convert_element_type3A_4, %cond3A_5 : i32
    scf.if %cond3A_6 {
      %mul3A_181 = arith.constant 640 : i32
      %mul3A_182 = arith.muli %arg1, %mul3A_181 : i32
      %mul3A_183 = arith.constant 640 : i32
      %mul3A_184 = arith.muli %arg1, %mul3A_183 : i32
      "tpu.region"() ({
        %run_scoped3A_185 = tpu.sem_alloc : memref<!tpu.dma_semaphore, #tpu.memory_space<semaphore_mem>>
        %dma_start3A_186 = arith.constant 0 : i32
        %dma_start3A_187 = tpu.memref_slice %arg20[%mul3A_184, %dma_start3A_186] : memref<10240x32xf32, #tpu.memory_space<vmem_shared>> -> memref<640x32xf32, #tpu.memory_space<vmem_shared>>
        %dma_start3A_188 = arith.constant 0 : i32
        %dma_start3A_189 = tpu.memref_slice %arg4[%mul3A_182, %dma_start3A_188] : memref<10240x32xf32, #tpu.memory_space<hbm>> -> memref<640x32xf32, #tpu.memory_space<hbm>>
        tpu.enqueue_dma source(%dma_start3A_189 : memref<640x32xf32, #tpu.memory_space<hbm>>) target(%dma_start3A_187 : memref<640x32xf32, #tpu.memory_space<vmem_shared>>) target_semaphore(%run_scoped3A_185 : memref<!tpu.dma_semaphore, #tpu.memory_space<semaphore_mem>>)
        %dma_wait3A_190 = arith.constant 0 : i32
        %dma_wait3A_191 = tpu.memref_slice %arg20[%mul3A_184, %dma_wait3A_190] : memref<10240x32xf32, #tpu.memory_space<vmem_shared>> -> memref<640x32xf32, #tpu.memory_space<vmem_shared>>
        %dma_wait3A_192 = arith.constant 0 : i32
        %dma_wait3A_193 = tpu.memref_slice %arg4[%mul3A_182, %dma_wait3A_192] : memref<10240x32xf32, #tpu.memory_space<hbm>> -> memref<640x32xf32, #tpu.memory_space<hbm>>
        tpu.wait_dma2 semaphore(%run_scoped3A_185 : memref<!tpu.dma_semaphore, #tpu.memory_space<semaphore_mem>>) src(%dma_wait3A_193 : memref<640x32xf32, #tpu.memory_space<hbm>>) dst(%dma_wait3A_191 : memref<640x32xf32, #tpu.memory_space<vmem_shared>>)
        tpu.yield
      }) : () -> ()
    } else {
    }
    %mul3A_7 = arith.constant 39 : i32
    %mul3A_8 = arith.muli %add3A, %mul3A_7 : i32
    %run_scoped3A = arith.constant 0 : i32
    "tpu.region"() ({
      %run_scoped3A_181 = tpu.sem_alloc : memref<!tpu.dma_semaphore, #tpu.memory_space<semaphore_mem>>
      %dma_start3A_182 = arith.constant 0 : i32
      %dma_start3A_183 = arith.constant 0 : i32
      %dma_start3A_184 = tpu.memref_slice %arg6[%dma_start3A_182, %dma_start3A_183] : memref<40x128xi32, #tpu.memory_space<vmem>> -> memref<39x128xi32, #tpu.memory_space<vmem>>
      %dma_start3A_185 = arith.constant 0 : i32
      %dma_start3A_186 = tpu.memref_slice %arg2[%run_scoped3A, %mul3A_8, %dma_start3A_185] : memref<2x1250x128xi32, #tpu.memory_space<hbm>> -> memref<1x39x128xi32, #tpu.memory_space<hbm>>
      %dma_start3A_187 = tpu.memref_squeeze %dma_start3A_186 : memref<1x39x128xi32, #tpu.memory_space<hbm>> -> memref<39x128xi32, #tpu.memory_space<hbm>>
      %dma_start3A_188 = arith.constant 0 : i32
      %dma_start3A_189 = arith.constant 0 : i32
      %dma_start3A_190 = tpu.memref_slice %arg6[%dma_start3A_188, %dma_start3A_189] : memref<40x128xi32, #tpu.memory_space<vmem>> -> memref<39x128xi32, #tpu.memory_space<vmem>>
      %dma_start3A_191 = arith.constant 0 : i32
      %dma_start3A_192 = tpu.memref_slice %arg2[%run_scoped3A, %mul3A_8, %dma_start3A_191] : memref<2x1250x128xi32, #tpu.memory_space<hbm>> -> memref<1x39x128xi32, #tpu.memory_space<hbm>>
      %dma_start3A_193 = tpu.memref_squeeze %dma_start3A_192 : memref<1x39x128xi32, #tpu.memory_space<hbm>> -> memref<39x128xi32, #tpu.memory_space<hbm>>
      tpu.enqueue_dma source(%dma_start3A_193 : memref<39x128xi32, #tpu.memory_space<hbm>>) target(%dma_start3A_190 : memref<39x128xi32, #tpu.memory_space<vmem>>) target_semaphore(%run_scoped3A_181 : memref<!tpu.dma_semaphore, #tpu.memory_space<semaphore_mem>>)
      %dma_wait3A_194 = arith.constant 0 : i32
      %dma_wait3A_195 = arith.constant 0 : i32
      %dma_wait3A_196 = tpu.memref_slice %arg6[%dma_wait3A_194, %dma_wait3A_195] : memref<40x128xi32, #tpu.memory_space<vmem>> -> memref<39x128xi32, #tpu.memory_space<vmem>>
      %dma_wait3A_197 = arith.constant 0 : i32
      %dma_wait3A_198 = tpu.memref_slice %arg2[%run_scoped3A, %mul3A_8, %dma_wait3A_197] : memref<2x1250x128xi32, #tpu.memory_space<hbm>> -> memref<1x39x128xi32, #tpu.memory_space<hbm>>
      %dma_wait3A_199 = tpu.memref_squeeze %dma_wait3A_198 : memref<1x39x128xi32, #tpu.memory_space<hbm>> -> memref<39x128xi32, #tpu.memory_space<hbm>>
      %dma_wait3A_200 = arith.constant 0 : i32
      %dma_wait3A_201 = arith.constant 0 : i32
      %dma_wait3A_202 = tpu.memref_slice %arg6[%dma_wait3A_200, %dma_wait3A_201] : memref<40x128xi32, #tpu.memory_space<vmem>> -> memref<39x128xi32, #tpu.memory_space<vmem>>
      %dma_wait3A_203 = arith.constant 0 : i32
      %dma_wait3A_204 = tpu.memref_slice %arg2[%run_scoped3A, %mul3A_8, %dma_wait3A_203] : memref<2x1250x128xi32, #tpu.memory_space<hbm>> -> memref<1x39x128xi32, #tpu.memory_space<hbm>>
      %dma_wait3A_205 = tpu.memref_squeeze %dma_wait3A_204 : memref<1x39x128xi32, #tpu.memory_space<hbm>> -> memref<39x128xi32, #tpu.memory_space<hbm>>
      tpu.wait_dma2 semaphore(%run_scoped3A_181 : memref<!tpu.dma_semaphore, #tpu.memory_space<semaphore_mem>>) src(%dma_wait3A_205 : memref<39x128xi32, #tpu.memory_space<hbm>>) dst(%dma_wait3A_202 : memref<39x128xi32, #tpu.memory_space<vmem>>)
      tpu.yield
    }) : () -> ()
    %lt3A = arith.constant 2 : i32
    %lt3A_9 = arith.cmpi slt, %add3A, %lt3A : i32
    %convert_element_type3A_10 = arith.extui %lt3A_9 : i1 to i32
    %cond3A_11 = arith.constant 0 : i32
    %cond3A_12 = arith.cmpi ne, %convert_element_type3A_10, %cond3A_11 : i32
    scf.if %cond3A_12 {
      %add3A_181 = arith.constant 1248 : i32
      %add3A_182 = arith.addi %add3A_181, %add3A : i32
      %run_scoped3A_183 = arith.constant 0 : i32
      "tpu.region"() ({
        %run_scoped3A_184 = tpu.sem_alloc : memref<!tpu.dma_semaphore, #tpu.memory_space<semaphore_mem>>
        %dma_start3A_185 = arith.constant 39 : i32
        %dma_start3A_186 = arith.constant 0 : i32
        %dma_start3A_187 = tpu.memref_slice %arg6[%dma_start3A_185, %dma_start3A_186] : memref<40x128xi32, #tpu.memory_space<vmem>> -> memref<1x128xi32, #tpu.memory_space<vmem>>
        %dma_start3A_188 = arith.constant 0 : i32
        %dma_start3A_189 = tpu.memref_slice %arg2[%run_scoped3A_183, %add3A_182, %dma_start3A_188] : memref<2x1250x128xi32, #tpu.memory_space<hbm>> -> memref<1x1x128xi32, #tpu.memory_space<hbm>>
        %dma_start3A_190 = tpu.memref_squeeze %dma_start3A_189 : memref<1x1x128xi32, #tpu.memory_space<hbm>> -> memref<1x128xi32, #tpu.memory_space<hbm>>
        %dma_start3A_191 = arith.constant 39 : i32
        %dma_start3A_192 = arith.constant 0 : i32
        %dma_start3A_193 = tpu.memref_slice %arg6[%dma_start3A_191, %dma_start3A_192] : memref<40x128xi32, #tpu.memory_space<vmem>> -> memref<1x128xi32, #tpu.memory_space<vmem>>
        %dma_start3A_194 = arith.constant 0 : i32
        %dma_start3A_195 = tpu.memref_slice %arg2[%run_scoped3A_183, %add3A_182, %dma_start3A_194] : memref<2x1250x128xi32, #tpu.memory_space<hbm>> -> memref<1x1x128xi32, #tpu.memory_space<hbm>>
        %dma_start3A_196 = tpu.memref_squeeze %dma_start3A_195 : memref<1x1x128xi32, #tpu.memory_space<hbm>> -> memref<1x128xi32, #tpu.memory_space<hbm>>
        tpu.enqueue_dma source(%dma_start3A_196 : memref<1x128xi32, #tpu.memory_space<hbm>>) target(%dma_start3A_193 : memref<1x128xi32, #tpu.memory_space<vmem>>) target_semaphore(%run_scoped3A_184 : memref<!tpu.dma_semaphore, #tpu.memory_space<semaphore_mem>>)
        %dma_wait3A_197 = arith.constant 39 : i32
        %dma_wait3A_198 = arith.constant 0 : i32
        %dma_wait3A_199 = tpu.memref_slice %arg6[%dma_wait3A_197, %dma_wait3A_198] : memref<40x128xi32, #tpu.memory_space<vmem>> -> memref<1x128xi32, #tpu.memory_space<vmem>>
        %dma_wait3A_200 = arith.constant 0 : i32
        %dma_wait3A_201 = tpu.memref_slice %arg2[%run_scoped3A_183, %add3A_182, %dma_wait3A_200] : memref<2x1250x128xi32, #tpu.memory_space<hbm>> -> memref<1x1x128xi32, #tpu.memory_space<hbm>>
        %dma_wait3A_202 = tpu.memref_squeeze %dma_wait3A_201 : memref<1x1x128xi32, #tpu.memory_space<hbm>> -> memref<1x128xi32, #tpu.memory_space<hbm>>
        %dma_wait3A_203 = arith.constant 39 : i32
        %dma_wait3A_204 = arith.constant 0 : i32
        %dma_wait3A_205 = tpu.memref_slice %arg6[%dma_wait3A_203, %dma_wait3A_204] : memref<40x128xi32, #tpu.memory_space<vmem>> -> memref<1x128xi32, #tpu.memory_space<vmem>>
        %dma_wait3A_206 = arith.constant 0 : i32
        %dma_wait3A_207 = tpu.memref_slice %arg2[%run_scoped3A_183, %add3A_182, %dma_wait3A_206] : memref<2x1250x128xi32, #tpu.memory_space<hbm>> -> memref<1x1x128xi32, #tpu.memory_space<hbm>>
        %dma_wait3A_208 = tpu.memref_squeeze %dma_wait3A_207 : memref<1x1x128xi32, #tpu.memory_space<hbm>> -> memref<1x128xi32, #tpu.memory_space<hbm>>
        tpu.wait_dma2 semaphore(%run_scoped3A_184 : memref<!tpu.dma_semaphore, #tpu.memory_space<semaphore_mem>>) src(%dma_wait3A_208 : memref<1x128xi32, #tpu.memory_space<hbm>>) dst(%dma_wait3A_205 : memref<1x128xi32, #tpu.memory_space<vmem>>)
        tpu.yield
      }) : () -> ()
    } else {
    }
    %mul3A_13 = arith.constant 39 : i32
    %mul3A_14 = arith.muli %add3A, %mul3A_13 : i32
    %run_scoped3A_15 = arith.constant 1 : i32
    "tpu.region"() ({
      %run_scoped3A_181 = tpu.sem_alloc : memref<!tpu.dma_semaphore, #tpu.memory_space<semaphore_mem>>
      %dma_start3A_182 = arith.constant 0 : i32
      %dma_start3A_183 = arith.constant 0 : i32
      %dma_start3A_184 = tpu.memref_slice %arg7[%dma_start3A_182, %dma_start3A_183] : memref<40x128xi32, #tpu.memory_space<vmem>> -> memref<39x128xi32, #tpu.memory_space<vmem>>
      %dma_start3A_185 = arith.constant 0 : i32
      %dma_start3A_186 = tpu.memref_slice %arg2[%run_scoped3A_15, %mul3A_14, %dma_start3A_185] : memref<2x1250x128xi32, #tpu.memory_space<hbm>> -> memref<1x39x128xi32, #tpu.memory_space<hbm>>
      %dma_start3A_187 = tpu.memref_squeeze %dma_start3A_186 : memref<1x39x128xi32, #tpu.memory_space<hbm>> -> memref<39x128xi32, #tpu.memory_space<hbm>>
      %dma_start3A_188 = arith.constant 0 : i32
      %dma_start3A_189 = arith.constant 0 : i32
      %dma_start3A_190 = tpu.memref_slice %arg7[%dma_start3A_188, %dma_start3A_189] : memref<40x128xi32, #tpu.memory_space<vmem>> -> memref<39x128xi32, #tpu.memory_space<vmem>>
      %dma_start3A_191 = arith.constant 0 : i32
      %dma_start3A_192 = tpu.memref_slice %arg2[%run_scoped3A_15, %mul3A_14, %dma_start3A_191] : memref<2x1250x128xi32, #tpu.memory_space<hbm>> -> memref<1x39x128xi32, #tpu.memory_space<hbm>>
      %dma_start3A_193 = tpu.memref_squeeze %dma_start3A_192 : memref<1x39x128xi32, #tpu.memory_space<hbm>> -> memref<39x128xi32, #tpu.memory_space<hbm>>
      tpu.enqueue_dma source(%dma_start3A_193 : memref<39x128xi32, #tpu.memory_space<hbm>>) target(%dma_start3A_190 : memref<39x128xi32, #tpu.memory_space<vmem>>) target_semaphore(%run_scoped3A_181 : memref<!tpu.dma_semaphore, #tpu.memory_space<semaphore_mem>>)
      %dma_wait3A_194 = arith.constant 0 : i32
      %dma_wait3A_195 = arith.constant 0 : i32
      %dma_wait3A_196 = tpu.memref_slice %arg7[%dma_wait3A_194, %dma_wait3A_195] : memref<40x128xi32, #tpu.memory_space<vmem>> -> memref<39x128xi32, #tpu.memory_space<vmem>>
      %dma_wait3A_197 = arith.constant 0 : i32
      %dma_wait3A_198 = tpu.memref_slice %arg2[%run_scoped3A_15, %mul3A_14, %dma_wait3A_197] : memref<2x1250x128xi32, #tpu.memory_space<hbm>> -> memref<1x39x128xi32, #tpu.memory_space<hbm>>
      %dma_wait3A_199 = tpu.memref_squeeze %dma_wait3A_198 : memref<1x39x128xi32, #tpu.memory_space<hbm>> -> memref<39x128xi32, #tpu.memory_space<hbm>>
      %dma_wait3A_200 = arith.constant 0 : i32
      %dma_wait3A_201 = arith.constant 0 : i32
      %dma_wait3A_202 = tpu.memref_slice %arg7[%dma_wait3A_200, %dma_wait3A_201] : memref<40x128xi32, #tpu.memory_space<vmem>> -> memref<39x128xi32, #tpu.memory_space<vmem>>
      %dma_wait3A_203 = arith.constant 0 : i32
      %dma_wait3A_204 = tpu.memref_slice %arg2[%run_scoped3A_15, %mul3A_14, %dma_wait3A_203] : memref<2x1250x128xi32, #tpu.memory_space<hbm>> -> memref<1x39x128xi32, #tpu.memory_space<hbm>>
      %dma_wait3A_205 = tpu.memref_squeeze %dma_wait3A_204 : memref<1x39x128xi32, #tpu.memory_space<hbm>> -> memref<39x128xi32, #tpu.memory_space<hbm>>
      tpu.wait_dma2 semaphore(%run_scoped3A_181 : memref<!tpu.dma_semaphore, #tpu.memory_space<semaphore_mem>>) src(%dma_wait3A_205 : memref<39x128xi32, #tpu.memory_space<hbm>>) dst(%dma_wait3A_202 : memref<39x128xi32, #tpu.memory_space<vmem>>)
      tpu.yield
    }) : () -> ()
    %lt3A_16 = arith.constant 2 : i32
    %lt3A_17 = arith.cmpi slt, %add3A, %lt3A_16 : i32
    %convert_element_type3A_18 = arith.extui %lt3A_17 : i1 to i32
    %cond3A_19 = arith.constant 0 : i32
    %cond3A_20 = arith.cmpi ne, %convert_element_type3A_18, %cond3A_19 : i32
    scf.if %cond3A_20 {
      %add3A_181 = arith.constant 1248 : i32
      %add3A_182 = arith.addi %add3A_181, %add3A : i32
      %run_scoped3A_183 = arith.constant 1 : i32
      "tpu.region"() ({
        %run_scoped3A_184 = tpu.sem_alloc : memref<!tpu.dma_semaphore, #tpu.memory_space<semaphore_mem>>
        %dma_start3A_185 = arith.constant 39 : i32
        %dma_start3A_186 = arith.constant 0 : i32
        %dma_start3A_187 = tpu.memref_slice %arg7[%dma_start3A_185, %dma_start3A_186] : memref<40x128xi32, #tpu.memory_space<vmem>> -> memref<1x128xi32, #tpu.memory_space<vmem>>
        %dma_start3A_188 = arith.constant 0 : i32
        %dma_start3A_189 = tpu.memref_slice %arg2[%run_scoped3A_183, %add3A_182, %dma_start3A_188] : memref<2x1250x128xi32, #tpu.memory_space<hbm>> -> memref<1x1x128xi32, #tpu.memory_space<hbm>>
        %dma_start3A_190 = tpu.memref_squeeze %dma_start3A_189 : memref<1x1x128xi32, #tpu.memory_space<hbm>> -> memref<1x128xi32, #tpu.memory_space<hbm>>
        %dma_start3A_191 = arith.constant 39 : i32
        %dma_start3A_192 = arith.constant 0 : i32
        %dma_start3A_193 = tpu.memref_slice %arg7[%dma_start3A_191, %dma_start3A_192] : memref<40x128xi32, #tpu.memory_space<vmem>> -> memref<1x128xi32, #tpu.memory_space<vmem>>
        %dma_start3A_194 = arith.constant 0 : i32
        %dma_start3A_195 = tpu.memref_slice %arg2[%run_scoped3A_183, %add3A_182, %dma_start3A_194] : memref<2x1250x128xi32, #tpu.memory_space<hbm>> -> memref<1x1x128xi32, #tpu.memory_space<hbm>>
        %dma_start3A_196 = tpu.memref_squeeze %dma_start3A_195 : memref<1x1x128xi32, #tpu.memory_space<hbm>> -> memref<1x128xi32, #tpu.memory_space<hbm>>
        tpu.enqueue_dma source(%dma_start3A_196 : memref<1x128xi32, #tpu.memory_space<hbm>>) target(%dma_start3A_193 : memref<1x128xi32, #tpu.memory_space<vmem>>) target_semaphore(%run_scoped3A_184 : memref<!tpu.dma_semaphore, #tpu.memory_space<semaphore_mem>>)
        %dma_wait3A_197 = arith.constant 39 : i32
        %dma_wait3A_198 = arith.constant 0 : i32
        %dma_wait3A_199 = tpu.memref_slice %arg7[%dma_wait3A_197, %dma_wait3A_198] : memref<40x128xi32, #tpu.memory_space<vmem>> -> memref<1x128xi32, #tpu.memory_space<vmem>>
        %dma_wait3A_200 = arith.constant 0 : i32
        %dma_wait3A_201 = tpu.memref_slice %arg2[%run_scoped3A_183, %add3A_182, %dma_wait3A_200] : memref<2x1250x128xi32, #tpu.memory_space<hbm>> -> memref<1x1x128xi32, #tpu.memory_space<hbm>>
        %dma_wait3A_202 = tpu.memref_squeeze %dma_wait3A_201 : memref<1x1x128xi32, #tpu.memory_space<hbm>> -> memref<1x128xi32, #tpu.memory_space<hbm>>
        %dma_wait3A_203 = arith.constant 39 : i32
        %dma_wait3A_204 = arith.constant 0 : i32
        %dma_wait3A_205 = tpu.memref_slice %arg7[%dma_wait3A_203, %dma_wait3A_204] : memref<40x128xi32, #tpu.memory_space<vmem>> -> memref<1x128xi32, #tpu.memory_space<vmem>>
        %dma_wait3A_206 = arith.constant 0 : i32
        %dma_wait3A_207 = tpu.memref_slice %arg2[%run_scoped3A_183, %add3A_182, %dma_wait3A_206] : memref<2x1250x128xi32, #tpu.memory_space<hbm>> -> memref<1x1x128xi32, #tpu.memory_space<hbm>>
        %dma_wait3A_208 = tpu.memref_squeeze %dma_wait3A_207 : memref<1x1x128xi32, #tpu.memory_space<hbm>> -> memref<1x128xi32, #tpu.memory_space<hbm>>
        tpu.wait_dma2 semaphore(%run_scoped3A_184 : memref<!tpu.dma_semaphore, #tpu.memory_space<semaphore_mem>>) src(%dma_wait3A_208 : memref<1x128xi32, #tpu.memory_space<hbm>>) dst(%dma_wait3A_205 : memref<1x128xi32, #tpu.memory_space<vmem>>)
        tpu.yield
      }) : () -> ()
    } else {
    }
    %dma_start3A = arith.constant 0 : i32
    %dma_start3A_21 = arith.constant 0 : i32
    %dma_start3A_22 = tpu.memref_slice %arg6[%dma_start3A, %dma_start3A_21] : memref<40x128xi32, #tpu.memory_space<vmem>> -> memref<1x128xi32, #tpu.memory_space<vmem>>
    %dma_start3A_23 = tpu.memref_squeeze %dma_start3A_22 : memref<1x128xi32, #tpu.memory_space<vmem>> -> memref<128xi32, #tpu.memory_space<vmem>>
    %dma_start3A_24 = arith.constant 0 : i32
    %dma_start3A_25 = arith.constant 0 : i32
    %dma_start3A_26 = tpu.memref_slice %arg3[%dma_start3A_24, %dma_start3A_25] : memref<10240x32xf32, #tpu.memory_space<hbm>> -> memref<10240x32xf32, #tpu.memory_space<hbm>>
    tpu.enqueue_indirect_dma source(%dma_start3A_26 : memref<10240x32xf32, #tpu.memory_space<hbm>>) target(%arg8 : memref<128x32xf32, #tpu.memory_space<vmem>>) offsets(%dma_start3A_23 : memref<128xi32, #tpu.memory_space<vmem>>) semaphore(%arg21 : memref<!tpu.dma_semaphore, #tpu.memory_space<semaphore_mem>>)
    %dma_start3A_27 = arith.constant 1 : i32
    %dma_start3A_28 = arith.constant 0 : i32
    %dma_start3A_29 = tpu.memref_slice %arg6[%dma_start3A_27, %dma_start3A_28] : memref<40x128xi32, #tpu.memory_space<vmem>> -> memref<1x128xi32, #tpu.memory_space<vmem>>
    %dma_start3A_30 = tpu.memref_squeeze %dma_start3A_29 : memref<1x128xi32, #tpu.memory_space<vmem>> -> memref<128xi32, #tpu.memory_space<vmem>>
    %dma_start3A_31 = arith.constant 0 : i32
    %dma_start3A_32 = arith.constant 0 : i32
    %dma_start3A_33 = tpu.memref_slice %arg3[%dma_start3A_31, %dma_start3A_32] : memref<10240x32xf32, #tpu.memory_space<hbm>> -> memref<10240x32xf32, #tpu.memory_space<hbm>>
    tpu.enqueue_indirect_dma source(%dma_start3A_33 : memref<10240x32xf32, #tpu.memory_space<hbm>>) target(%arg9 : memref<128x32xf32, #tpu.memory_space<vmem>>) offsets(%dma_start3A_30 : memref<128xi32, #tpu.memory_space<vmem>>) semaphore(%arg22 : memref<!tpu.dma_semaphore, #tpu.memory_space<semaphore_mem>>)
    %dma_start3A_34 = arith.constant 2 : i32
    %dma_start3A_35 = arith.constant 0 : i32
    %dma_start3A_36 = tpu.memref_slice %arg6[%dma_start3A_34, %dma_start3A_35] : memref<40x128xi32, #tpu.memory_space<vmem>> -> memref<1x128xi32, #tpu.memory_space<vmem>>
    %dma_start3A_37 = tpu.memref_squeeze %dma_start3A_36 : memref<1x128xi32, #tpu.memory_space<vmem>> -> memref<128xi32, #tpu.memory_space<vmem>>
    %dma_start3A_38 = arith.constant 0 : i32
    %dma_start3A_39 = arith.constant 0 : i32
    %dma_start3A_40 = tpu.memref_slice %arg3[%dma_start3A_38, %dma_start3A_39] : memref<10240x32xf32, #tpu.memory_space<hbm>> -> memref<10240x32xf32, #tpu.memory_space<hbm>>
    tpu.enqueue_indirect_dma source(%dma_start3A_40 : memref<10240x32xf32, #tpu.memory_space<hbm>>) target(%arg10 : memref<128x32xf32, #tpu.memory_space<vmem>>) offsets(%dma_start3A_37 : memref<128xi32, #tpu.memory_space<vmem>>) semaphore(%arg23 : memref<!tpu.dma_semaphore, #tpu.memory_space<semaphore_mem>>)
    %dma_start3A_41 = arith.constant 3 : i32
    %dma_start3A_42 = arith.constant 0 : i32
    %dma_start3A_43 = tpu.memref_slice %arg6[%dma_start3A_41, %dma_start3A_42] : memref<40x128xi32, #tpu.memory_space<vmem>> -> memref<1x128xi32, #tpu.memory_space<vmem>>
    %dma_start3A_44 = tpu.memref_squeeze %dma_start3A_43 : memref<1x128xi32, #tpu.memory_space<vmem>> -> memref<128xi32, #tpu.memory_space<vmem>>
    %dma_start3A_45 = arith.constant 0 : i32
    %dma_start3A_46 = arith.constant 0 : i32
    %dma_start3A_47 = tpu.memref_slice %arg3[%dma_start3A_45, %dma_start3A_46] : memref<10240x32xf32, #tpu.memory_space<hbm>> -> memref<10240x32xf32, #tpu.memory_space<hbm>>
    tpu.enqueue_indirect_dma source(%dma_start3A_47 : memref<10240x32xf32, #tpu.memory_space<hbm>>) target(%arg11 : memref<128x32xf32, #tpu.memory_space<vmem>>) offsets(%dma_start3A_44 : memref<128xi32, #tpu.memory_space<vmem>>) semaphore(%arg24 : memref<!tpu.dma_semaphore, #tpu.memory_space<semaphore_mem>>)
    %dma_start3A_48 = arith.constant 4 : i32
    %dma_start3A_49 = arith.constant 0 : i32
    %dma_start3A_50 = tpu.memref_slice %arg6[%dma_start3A_48, %dma_start3A_49] : memref<40x128xi32, #tpu.memory_space<vmem>> -> memref<1x128xi32, #tpu.memory_space<vmem>>
    %dma_start3A_51 = tpu.memref_squeeze %dma_start3A_50 : memref<1x128xi32, #tpu.memory_space<vmem>> -> memref<128xi32, #tpu.memory_space<vmem>>
    %dma_start3A_52 = arith.constant 0 : i32
    %dma_start3A_53 = arith.constant 0 : i32
    %dma_start3A_54 = tpu.memref_slice %arg3[%dma_start3A_52, %dma_start3A_53] : memref<10240x32xf32, #tpu.memory_space<hbm>> -> memref<10240x32xf32, #tpu.memory_space<hbm>>
    tpu.enqueue_indirect_dma source(%dma_start3A_54 : memref<10240x32xf32, #tpu.memory_space<hbm>>) target(%arg12 : memref<128x32xf32, #tpu.memory_space<vmem>>) offsets(%dma_start3A_51 : memref<128xi32, #tpu.memory_space<vmem>>) semaphore(%arg25 : memref<!tpu.dma_semaphore, #tpu.memory_space<semaphore_mem>>)
    %dma_start3A_55 = arith.constant 5 : i32
    %dma_start3A_56 = arith.constant 0 : i32
    %dma_start3A_57 = tpu.memref_slice %arg6[%dma_start3A_55, %dma_start3A_56] : memref<40x128xi32, #tpu.memory_space<vmem>> -> memref<1x128xi32, #tpu.memory_space<vmem>>
    %dma_start3A_58 = tpu.memref_squeeze %dma_start3A_57 : memref<1x128xi32, #tpu.memory_space<vmem>> -> memref<128xi32, #tpu.memory_space<vmem>>
    %dma_start3A_59 = arith.constant 0 : i32
    %dma_start3A_60 = arith.constant 0 : i32
    %dma_start3A_61 = tpu.memref_slice %arg3[%dma_start3A_59, %dma_start3A_60] : memref<10240x32xf32, #tpu.memory_space<hbm>> -> memref<10240x32xf32, #tpu.memory_space<hbm>>
    tpu.enqueue_indirect_dma source(%dma_start3A_61 : memref<10240x32xf32, #tpu.memory_space<hbm>>) target(%arg13 : memref<128x32xf32, #tpu.memory_space<vmem>>) offsets(%dma_start3A_58 : memref<128xi32, #tpu.memory_space<vmem>>) semaphore(%arg26 : memref<!tpu.dma_semaphore, #tpu.memory_space<semaphore_mem>>)
    %barrier3A = arith.constant 0 : index
    tpu.barrier barrier_id(%barrier3A)
    %scan3A = arith.constant 0 : i32
    %scan3A_62 = arith.constant 0 : i32
    %scan3A_63 = arith.constant 3 : i32
    %scan3A_64 = arith.addi %scan3A_62, %scan3A_63 : i32
    %scan3A_65 = arith.constant 1 : i32
    scf.for %scan3A_181 = %scan3A_62 to %scan3A_64 step %scan3A_65  : i32 {
      %mul3A_182 = arith.constant 12 : i32
      %mul3A_183 = arith.muli %scan3A_181, %mul3A_182 : i32
      %add3A_184 = arith.constant 0 : i32
      %add3A_185 = arith.addi %mul3A_183, %add3A_184 : i32
      %dma_wait3A_186 = arith.constant 0 : i32
      %dma_wait3A_187 = tpu.memref_slice %arg6[%add3A_185, %dma_wait3A_186] : memref<40x128xi32, #tpu.memory_space<vmem>> -> memref<1x128xi32, #tpu.memory_space<vmem>>
      %dma_wait3A_188 = tpu.memref_squeeze %dma_wait3A_187 : memref<1x128xi32, #tpu.memory_space<vmem>> -> memref<128xi32, #tpu.memory_space<vmem>>
      %dma_wait3A_189 = arith.constant 0 : i32
      %dma_wait3A_190 = arith.constant 0 : i32
      %dma_wait3A_191 = tpu.memref_slice %arg3[%dma_wait3A_189, %dma_wait3A_190] : memref<10240x32xf32, #tpu.memory_space<hbm>> -> memref<10240x32xf32, #tpu.memory_space<hbm>>
      tpu.wait_indirect_dma semaphore(%arg21 : memref<!tpu.dma_semaphore, #tpu.memory_space<semaphore_mem>>) src(%dma_wait3A_191 : memref<10240x32xf32, #tpu.memory_space<hbm>>) dst(%arg8 : memref<128x32xf32, #tpu.memory_space<vmem>>)
      %dma_start3A_192 = arith.constant 0 : i32
      %dma_start3A_193 = tpu.memref_slice %arg7[%add3A_185, %dma_start3A_192] : memref<40x128xi32, #tpu.memory_space<vmem>> -> memref<1x128xi32, #tpu.memory_space<vmem>>
      %dma_start3A_194 = tpu.memref_squeeze %dma_start3A_193 : memref<1x128xi32, #tpu.memory_space<vmem>> -> memref<128xi32, #tpu.memory_space<vmem>>
      %dma_start3A_195 = arith.constant 0 : i32
      %dma_start3A_196 = arith.constant 0 : i32
      %dma_start3A_197 = tpu.memref_slice %arg20[%dma_start3A_195, %dma_start3A_196] : memref<10240x32xf32, #tpu.memory_space<vmem_shared>> -> memref<10240x32xf32, #tpu.memory_space<vmem_shared>>
      tpu.enqueue_indirect_dma source(%arg8 : memref<128x32xf32, #tpu.memory_space<vmem>>) target(%dma_start3A_197 : memref<10240x32xf32, #tpu.memory_space<vmem_shared>>) offsets(%dma_start3A_194 : memref<128xi32, #tpu.memory_space<vmem>>) semaphore(%arg33 : memref<!tpu.dma_semaphore, #tpu.memory_space<semaphore_mem>>) {add = true}
      %ge3A = arith.constant 6 : i32
      %ge3A_198 = arith.cmpi sge, %add3A_185, %ge3A : i32
      %convert_element_type3A_199 = arith.extui %ge3A_198 : i1 to i32
      %cond3A_200 = arith.constant 0 : i32
      %cond3A_201 = arith.cmpi ne, %convert_element_type3A_199, %cond3A_200 : i32
      scf.if %cond3A_201 {
        %sub3A = arith.constant 6 : i32
        %sub3A_517 = arith.subi %add3A_185, %sub3A : i32
        %dma_wait3A_518 = arith.constant 0 : i32
        %dma_wait3A_519 = tpu.memref_slice %arg7[%sub3A_517, %dma_wait3A_518] : memref<40x128xi32, #tpu.memory_space<vmem>> -> memref<1x128xi32, #tpu.memory_space<vmem>>
        %dma_wait3A_520 = tpu.memref_squeeze %dma_wait3A_519 : memref<1x128xi32, #tpu.memory_space<vmem>> -> memref<128xi32, #tpu.memory_space<vmem>>
        %dma_wait3A_521 = arith.constant 0 : i32
        %dma_wait3A_522 = arith.constant 0 : i32
        %dma_wait3A_523 = tpu.memref_slice %arg20[%dma_wait3A_521, %dma_wait3A_522] : memref<10240x32xf32, #tpu.memory_space<vmem_shared>> -> memref<10240x32xf32, #tpu.memory_space<vmem_shared>>
        tpu.wait_indirect_dma semaphore(%arg39 : memref<!tpu.dma_semaphore, #tpu.memory_space<semaphore_mem>>) src(%arg14 : memref<128x32xf32, #tpu.memory_space<vmem>>) dst(%dma_wait3A_523 : memref<10240x32xf32, #tpu.memory_space<vmem_shared>>)
      } else {
      }
      %add3A_202 = arith.constant 6 : i32
      %add3A_203 = arith.addi %add3A_185, %add3A_202 : i32
      %lt3A_204 = arith.constant 39 : i32
      %lt3A_205 = arith.cmpi slt, %add3A_203, %lt3A_204 : i32
      %convert_element_type3A_206 = arith.extui %lt3A_205 : i1 to i32
      %cond3A_207 = arith.constant 0 : i32
      %cond3A_208 = arith.cmpi ne, %convert_element_type3A_206, %cond3A_207 : i32
      scf.if %cond3A_208 {
        %add3A_517 = arith.constant 6 : i32
        %add3A_518 = arith.addi %add3A_185, %add3A_517 : i32
        %dma_start3A_519 = arith.constant 0 : i32
        %dma_start3A_520 = tpu.memref_slice %arg6[%add3A_518, %dma_start3A_519] : memref<40x128xi32, #tpu.memory_space<vmem>> -> memref<1x128xi32, #tpu.memory_space<vmem>>
        %dma_start3A_521 = tpu.memref_squeeze %dma_start3A_520 : memref<1x128xi32, #tpu.memory_space<vmem>> -> memref<128xi32, #tpu.memory_space<vmem>>
        %dma_start3A_522 = arith.constant 0 : i32
        %dma_start3A_523 = arith.constant 0 : i32
        %dma_start3A_524 = tpu.memref_slice %arg3[%dma_start3A_522, %dma_start3A_523] : memref<10240x32xf32, #tpu.memory_space<hbm>> -> memref<10240x32xf32, #tpu.memory_space<hbm>>
        tpu.enqueue_indirect_dma source(%dma_start3A_524 : memref<10240x32xf32, #tpu.memory_space<hbm>>) target(%arg14 : memref<128x32xf32, #tpu.memory_space<vmem>>) offsets(%dma_start3A_521 : memref<128xi32, #tpu.memory_space<vmem>>) semaphore(%arg27 : memref<!tpu.dma_semaphore, #tpu.memory_space<semaphore_mem>>)
      } else {
      }
      %mul3A_209 = arith.constant 12 : i32
      %mul3A_210 = arith.muli %scan3A_181, %mul3A_209 : i32
      %add3A_211 = arith.constant 1 : i32
      %add3A_212 = arith.addi %mul3A_210, %add3A_211 : i32
      %dma_wait3A_213 = arith.constant 0 : i32
      %dma_wait3A_214 = tpu.memref_slice %arg6[%add3A_212, %dma_wait3A_213] : memref<40x128xi32, #tpu.memory_space<vmem>> -> memref<1x128xi32, #tpu.memory_space<vmem>>
      %dma_wait3A_215 = tpu.memref_squeeze %dma_wait3A_214 : memref<1x128xi32, #tpu.memory_space<vmem>> -> memref<128xi32, #tpu.memory_space<vmem>>
      %dma_wait3A_216 = arith.constant 0 : i32
      %dma_wait3A_217 = arith.constant 0 : i32
      %dma_wait3A_218 = tpu.memref_slice %arg3[%dma_wait3A_216, %dma_wait3A_217] : memref<10240x32xf32, #tpu.memory_space<hbm>> -> memref<10240x32xf32, #tpu.memory_space<hbm>>
      tpu.wait_indirect_dma semaphore(%arg22 : memref<!tpu.dma_semaphore, #tpu.memory_space<semaphore_mem>>) src(%dma_wait3A_218 : memref<10240x32xf32, #tpu.memory_space<hbm>>) dst(%arg9 : memref<128x32xf32, #tpu.memory_space<vmem>>)
      %dma_start3A_219 = arith.constant 0 : i32
      %dma_start3A_220 = tpu.memref_slice %arg7[%add3A_212, %dma_start3A_219] : memref<40x128xi32, #tpu.memory_space<vmem>> -> memref<1x128xi32, #tpu.memory_space<vmem>>
      %dma_start3A_221 = tpu.memref_squeeze %dma_start3A_220 : memref<1x128xi32, #tpu.memory_space<vmem>> -> memref<128xi32, #tpu.memory_space<vmem>>
      %dma_start3A_222 = arith.constant 0 : i32
      %dma_start3A_223 = arith.constant 0 : i32
      %dma_start3A_224 = tpu.memref_slice %arg20[%dma_start3A_222, %dma_start3A_223] : memref<10240x32xf32, #tpu.memory_space<vmem_shared>> -> memref<10240x32xf32, #tpu.memory_space<vmem_shared>>
      tpu.enqueue_indirect_dma source(%arg9 : memref<128x32xf32, #tpu.memory_space<vmem>>) target(%dma_start3A_224 : memref<10240x32xf32, #tpu.memory_space<vmem_shared>>) offsets(%dma_start3A_221 : memref<128xi32, #tpu.memory_space<vmem>>) semaphore(%arg34 : memref<!tpu.dma_semaphore, #tpu.memory_space<semaphore_mem>>) {add = true}
      %ge3A_225 = arith.constant 6 : i32
      %ge3A_226 = arith.cmpi sge, %add3A_212, %ge3A_225 : i32
      %convert_element_type3A_227 = arith.extui %ge3A_226 : i1 to i32
      %cond3A_228 = arith.constant 0 : i32
      %cond3A_229 = arith.cmpi ne, %convert_element_type3A_227, %cond3A_228 : i32
      scf.if %cond3A_229 {
        %sub3A = arith.constant 6 : i32
        %sub3A_517 = arith.subi %add3A_212, %sub3A : i32
        %dma_wait3A_518 = arith.constant 0 : i32
        %dma_wait3A_519 = tpu.memref_slice %arg7[%sub3A_517, %dma_wait3A_518] : memref<40x128xi32, #tpu.memory_space<vmem>> -> memref<1x128xi32, #tpu.memory_space<vmem>>
        %dma_wait3A_520 = tpu.memref_squeeze %dma_wait3A_519 : memref<1x128xi32, #tpu.memory_space<vmem>> -> memref<128xi32, #tpu.memory_space<vmem>>
        %dma_wait3A_521 = arith.constant 0 : i32
        %dma_wait3A_522 = arith.constant 0 : i32
        %dma_wait3A_523 = tpu.memref_slice %arg20[%dma_wait3A_521, %dma_wait3A_522] : memref<10240x32xf32, #tpu.memory_space<vmem_shared>> -> memref<10240x32xf32, #tpu.memory_space<vmem_shared>>
        tpu.wait_indirect_dma semaphore(%arg40 : memref<!tpu.dma_semaphore, #tpu.memory_space<semaphore_mem>>) src(%arg15 : memref<128x32xf32, #tpu.memory_space<vmem>>) dst(%dma_wait3A_523 : memref<10240x32xf32, #tpu.memory_space<vmem_shared>>)
      } else {
      }
      %add3A_230 = arith.constant 6 : i32
      %add3A_231 = arith.addi %add3A_212, %add3A_230 : i32
      %lt3A_232 = arith.constant 39 : i32
      %lt3A_233 = arith.cmpi slt, %add3A_231, %lt3A_232 : i32
      %convert_element_type3A_234 = arith.extui %lt3A_233 : i1 to i32
      %cond3A_235 = arith.constant 0 : i32
      %cond3A_236 = arith.cmpi ne, %convert_element_type3A_234, %cond3A_235 : i32
      scf.if %cond3A_236 {
        %add3A_517 = arith.constant 6 : i32
        %add3A_518 = arith.addi %add3A_212, %add3A_517 : i32
        %dma_start3A_519 = arith.constant 0 : i32
        %dma_start3A_520 = tpu.memref_slice %arg6[%add3A_518, %dma_start3A_519] : memref<40x128xi32, #tpu.memory_space<vmem>> -> memref<1x128xi32, #tpu.memory_space<vmem>>
        %dma_start3A_521 = tpu.memref_squeeze %dma_start3A_520 : memref<1x128xi32, #tpu.memory_space<vmem>> -> memref<128xi32, #tpu.memory_space<vmem>>
        %dma_start3A_522 = arith.constant 0 : i32
        %dma_start3A_523 = arith.constant 0 : i32
        %dma_start3A_524 = tpu.memref_slice %arg3[%dma_start3A_522, %dma_start3A_523] : memref<10240x32xf32, #tpu.memory_space<hbm>> -> memref<10240x32xf32, #tpu.memory_space<hbm>>
        tpu.enqueue_indirect_dma source(%dma_start3A_524 : memref<10240x32xf32, #tpu.memory_space<hbm>>) target(%arg15 : memref<128x32xf32, #tpu.memory_space<vmem>>) offsets(%dma_start3A_521 : memref<128xi32, #tpu.memory_space<vmem>>) semaphore(%arg28 : memref<!tpu.dma_semaphore, #tpu.memory_space<semaphore_mem>>)
      } else {
      }
      %mul3A_237 = arith.constant 12 : i32
      %mul3A_238 = arith.muli %scan3A_181, %mul3A_237 : i32
      %add3A_239 = arith.constant 2 : i32
      %add3A_240 = arith.addi %mul3A_238, %add3A_239 : i32
      %dma_wait3A_241 = arith.constant 0 : i32
      %dma_wait3A_242 = tpu.memref_slice %arg6[%add3A_240, %dma_wait3A_241] : memref<40x128xi32, #tpu.memory_space<vmem>> -> memref<1x128xi32, #tpu.memory_space<vmem>>
      %dma_wait3A_243 = tpu.memref_squeeze %dma_wait3A_242 : memref<1x128xi32, #tpu.memory_space<vmem>> -> memref<128xi32, #tpu.memory_space<vmem>>
      %dma_wait3A_244 = arith.constant 0 : i32
      %dma_wait3A_245 = arith.constant 0 : i32
      %dma_wait3A_246 = tpu.memref_slice %arg3[%dma_wait3A_244, %dma_wait3A_245] : memref<10240x32xf32, #tpu.memory_space<hbm>> -> memref<10240x32xf32, #tpu.memory_space<hbm>>
      tpu.wait_indirect_dma semaphore(%arg23 : memref<!tpu.dma_semaphore, #tpu.memory_space<semaphore_mem>>) src(%dma_wait3A_246 : memref<10240x32xf32, #tpu.memory_space<hbm>>) dst(%arg10 : memref<128x32xf32, #tpu.memory_space<vmem>>)
      %dma_start3A_247 = arith.constant 0 : i32
      %dma_start3A_248 = tpu.memref_slice %arg7[%add3A_240, %dma_start3A_247] : memref<40x128xi32, #tpu.memory_space<vmem>> -> memref<1x128xi32, #tpu.memory_space<vmem>>
      %dma_start3A_249 = tpu.memref_squeeze %dma_start3A_248 : memref<1x128xi32, #tpu.memory_space<vmem>> -> memref<128xi32, #tpu.memory_space<vmem>>
      %dma_start3A_250 = arith.constant 0 : i32
      %dma_start3A_251 = arith.constant 0 : i32
      %dma_start3A_252 = tpu.memref_slice %arg20[%dma_start3A_250, %dma_start3A_251] : memref<10240x32xf32, #tpu.memory_space<vmem_shared>> -> memref<10240x32xf32, #tpu.memory_space<vmem_shared>>
      tpu.enqueue_indirect_dma source(%arg10 : memref<128x32xf32, #tpu.memory_space<vmem>>) target(%dma_start3A_252 : memref<10240x32xf32, #tpu.memory_space<vmem_shared>>) offsets(%dma_start3A_249 : memref<128xi32, #tpu.memory_space<vmem>>) semaphore(%arg35 : memref<!tpu.dma_semaphore, #tpu.memory_space<semaphore_mem>>) {add = true}
      %ge3A_253 = arith.constant 6 : i32
      %ge3A_254 = arith.cmpi sge, %add3A_240, %ge3A_253 : i32
      %convert_element_type3A_255 = arith.extui %ge3A_254 : i1 to i32
      %cond3A_256 = arith.constant 0 : i32
      %cond3A_257 = arith.cmpi ne, %convert_element_type3A_255, %cond3A_256 : i32
      scf.if %cond3A_257 {
        %sub3A = arith.constant 6 : i32
        %sub3A_517 = arith.subi %add3A_240, %sub3A : i32
        %dma_wait3A_518 = arith.constant 0 : i32
        %dma_wait3A_519 = tpu.memref_slice %arg7[%sub3A_517, %dma_wait3A_518] : memref<40x128xi32, #tpu.memory_space<vmem>> -> memref<1x128xi32, #tpu.memory_space<vmem>>
        %dma_wait3A_520 = tpu.memref_squeeze %dma_wait3A_519 : memref<1x128xi32, #tpu.memory_space<vmem>> -> memref<128xi32, #tpu.memory_space<vmem>>
        %dma_wait3A_521 = arith.constant 0 : i32
        %dma_wait3A_522 = arith.constant 0 : i32
        %dma_wait3A_523 = tpu.memref_slice %arg20[%dma_wait3A_521, %dma_wait3A_522] : memref<10240x32xf32, #tpu.memory_space<vmem_shared>> -> memref<10240x32xf32, #tpu.memory_space<vmem_shared>>
        tpu.wait_indirect_dma semaphore(%arg41 : memref<!tpu.dma_semaphore, #tpu.memory_space<semaphore_mem>>) src(%arg16 : memref<128x32xf32, #tpu.memory_space<vmem>>) dst(%dma_wait3A_523 : memref<10240x32xf32, #tpu.memory_space<vmem_shared>>)
      } else {
      }
      %add3A_258 = arith.constant 6 : i32
      %add3A_259 = arith.addi %add3A_240, %add3A_258 : i32
      %lt3A_260 = arith.constant 39 : i32
      %lt3A_261 = arith.cmpi slt, %add3A_259, %lt3A_260 : i32
      %convert_element_type3A_262 = arith.extui %lt3A_261 : i1 to i32
      %cond3A_263 = arith.constant 0 : i32
      %cond3A_264 = arith.cmpi ne, %convert_element_type3A_262, %cond3A_263 : i32
      scf.if %cond3A_264 {
        %add3A_517 = arith.constant 6 : i32
        %add3A_518 = arith.addi %add3A_240, %add3A_517 : i32
        %dma_start3A_519 = arith.constant 0 : i32
        %dma_start3A_520 = tpu.memref_slice %arg6[%add3A_518, %dma_start3A_519] : memref<40x128xi32, #tpu.memory_space<vmem>> -> memref<1x128xi32, #tpu.memory_space<vmem>>
        %dma_start3A_521 = tpu.memref_squeeze %dma_start3A_520 : memref<1x128xi32, #tpu.memory_space<vmem>> -> memref<128xi32, #tpu.memory_space<vmem>>
        %dma_start3A_522 = arith.constant 0 : i32
        %dma_start3A_523 = arith.constant 0 : i32
        %dma_start3A_524 = tpu.memref_slice %arg3[%dma_start3A_522, %dma_start3A_523] : memref<10240x32xf32, #tpu.memory_space<hbm>> -> memref<10240x32xf32, #tpu.memory_space<hbm>>
        tpu.enqueue_indirect_dma source(%dma_start3A_524 : memref<10240x32xf32, #tpu.memory_space<hbm>>) target(%arg16 : memref<128x32xf32, #tpu.memory_space<vmem>>) offsets(%dma_start3A_521 : memref<128xi32, #tpu.memory_space<vmem>>) semaphore(%arg29 : memref<!tpu.dma_semaphore, #tpu.memory_space<semaphore_mem>>)
      } else {
      }
      %mul3A_265 = arith.constant 12 : i32
      %mul3A_266 = arith.muli %scan3A_181, %mul3A_265 : i32
      %add3A_267 = arith.constant 3 : i32
      %add3A_268 = arith.addi %mul3A_266, %add3A_267 : i32
      %dma_wait3A_269 = arith.constant 0 : i32
      %dma_wait3A_270 = tpu.memref_slice %arg6[%add3A_268, %dma_wait3A_269] : memref<40x128xi32, #tpu.memory_space<vmem>> -> memref<1x128xi32, #tpu.memory_space<vmem>>
      %dma_wait3A_271 = tpu.memref_squeeze %dma_wait3A_270 : memref<1x128xi32, #tpu.memory_space<vmem>> -> memref<128xi32, #tpu.memory_space<vmem>>
      %dma_wait3A_272 = arith.constant 0 : i32
      %dma_wait3A_273 = arith.constant 0 : i32
      %dma_wait3A_274 = tpu.memref_slice %arg3[%dma_wait3A_272, %dma_wait3A_273] : memref<10240x32xf32, #tpu.memory_space<hbm>> -> memref<10240x32xf32, #tpu.memory_space<hbm>>
      tpu.wait_indirect_dma semaphore(%arg24 : memref<!tpu.dma_semaphore, #tpu.memory_space<semaphore_mem>>) src(%dma_wait3A_274 : memref<10240x32xf32, #tpu.memory_space<hbm>>) dst(%arg11 : memref<128x32xf32, #tpu.memory_space<vmem>>)
      %dma_start3A_275 = arith.constant 0 : i32
      %dma_start3A_276 = tpu.memref_slice %arg7[%add3A_268, %dma_start3A_275] : memref<40x128xi32, #tpu.memory_space<vmem>> -> memref<1x128xi32, #tpu.memory_space<vmem>>
      %dma_start3A_277 = tpu.memref_squeeze %dma_start3A_276 : memref<1x128xi32, #tpu.memory_space<vmem>> -> memref<128xi32, #tpu.memory_space<vmem>>
      %dma_start3A_278 = arith.constant 0 : i32
      %dma_start3A_279 = arith.constant 0 : i32
      %dma_start3A_280 = tpu.memref_slice %arg20[%dma_start3A_278, %dma_start3A_279] : memref<10240x32xf32, #tpu.memory_space<vmem_shared>> -> memref<10240x32xf32, #tpu.memory_space<vmem_shared>>
      tpu.enqueue_indirect_dma source(%arg11 : memref<128x32xf32, #tpu.memory_space<vmem>>) target(%dma_start3A_280 : memref<10240x32xf32, #tpu.memory_space<vmem_shared>>) offsets(%dma_start3A_277 : memref<128xi32, #tpu.memory_space<vmem>>) semaphore(%arg36 : memref<!tpu.dma_semaphore, #tpu.memory_space<semaphore_mem>>) {add = true}
      %ge3A_281 = arith.constant 6 : i32
      %ge3A_282 = arith.cmpi sge, %add3A_268, %ge3A_281 : i32
      %convert_element_type3A_283 = arith.extui %ge3A_282 : i1 to i32
      %cond3A_284 = arith.constant 0 : i32
      %cond3A_285 = arith.cmpi ne, %convert_element_type3A_283, %cond3A_284 : i32
      scf.if %cond3A_285 {
        %sub3A = arith.constant 6 : i32
        %sub3A_517 = arith.subi %add3A_268, %sub3A : i32
        %dma_wait3A_518 = arith.constant 0 : i32
        %dma_wait3A_519 = tpu.memref_slice %arg7[%sub3A_517, %dma_wait3A_518] : memref<40x128xi32, #tpu.memory_space<vmem>> -> memref<1x128xi32, #tpu.memory_space<vmem>>
        %dma_wait3A_520 = tpu.memref_squeeze %dma_wait3A_519 : memref<1x128xi32, #tpu.memory_space<vmem>> -> memref<128xi32, #tpu.memory_space<vmem>>
        %dma_wait3A_521 = arith.constant 0 : i32
        %dma_wait3A_522 = arith.constant 0 : i32
        %dma_wait3A_523 = tpu.memref_slice %arg20[%dma_wait3A_521, %dma_wait3A_522] : memref<10240x32xf32, #tpu.memory_space<vmem_shared>> -> memref<10240x32xf32, #tpu.memory_space<vmem_shared>>
        tpu.wait_indirect_dma semaphore(%arg42 : memref<!tpu.dma_semaphore, #tpu.memory_space<semaphore_mem>>) src(%arg17 : memref<128x32xf32, #tpu.memory_space<vmem>>) dst(%dma_wait3A_523 : memref<10240x32xf32, #tpu.memory_space<vmem_shared>>)
      } else {
      }
      %add3A_286 = arith.constant 6 : i32
      %add3A_287 = arith.addi %add3A_268, %add3A_286 : i32
      %lt3A_288 = arith.constant 39 : i32
      %lt3A_289 = arith.cmpi slt, %add3A_287, %lt3A_288 : i32
      %convert_element_type3A_290 = arith.extui %lt3A_289 : i1 to i32
      %cond3A_291 = arith.constant 0 : i32
      %cond3A_292 = arith.cmpi ne, %convert_element_type3A_290, %cond3A_291 : i32
      scf.if %cond3A_292 {
        %add3A_517 = arith.constant 6 : i32
        %add3A_518 = arith.addi %add3A_268, %add3A_517 : i32
        %dma_start3A_519 = arith.constant 0 : i32
        %dma_start3A_520 = tpu.memref_slice %arg6[%add3A_518, %dma_start3A_519] : memref<40x128xi32, #tpu.memory_space<vmem>> -> memref<1x128xi32, #tpu.memory_space<vmem>>
        %dma_start3A_521 = tpu.memref_squeeze %dma_start3A_520 : memref<1x128xi32, #tpu.memory_space<vmem>> -> memref<128xi32, #tpu.memory_space<vmem>>
        %dma_start3A_522 = arith.constant 0 : i32
        %dma_start3A_523 = arith.constant 0 : i32
        %dma_start3A_524 = tpu.memref_slice %arg3[%dma_start3A_522, %dma_start3A_523] : memref<10240x32xf32, #tpu.memory_space<hbm>> -> memref<10240x32xf32, #tpu.memory_space<hbm>>
        tpu.enqueue_indirect_dma source(%dma_start3A_524 : memref<10240x32xf32, #tpu.memory_space<hbm>>) target(%arg17 : memref<128x32xf32, #tpu.memory_space<vmem>>) offsets(%dma_start3A_521 : memref<128xi32, #tpu.memory_space<vmem>>) semaphore(%arg30 : memref<!tpu.dma_semaphore, #tpu.memory_space<semaphore_mem>>)
      } else {
      }
      %mul3A_293 = arith.constant 12 : i32
      %mul3A_294 = arith.muli %scan3A_181, %mul3A_293 : i32
      %add3A_295 = arith.constant 4 : i32
      %add3A_296 = arith.addi %mul3A_294, %add3A_295 : i32
      %dma_wait3A_297 = arith.constant 0 : i32
      %dma_wait3A_298 = tpu.memref_slice %arg6[%add3A_296, %dma_wait3A_297] : memref<40x128xi32, #tpu.memory_space<vmem>> -> memref<1x128xi32, #tpu.memory_space<vmem>>
      %dma_wait3A_299 = tpu.memref_squeeze %dma_wait3A_298 : memref<1x128xi32, #tpu.memory_space<vmem>> -> memref<128xi32, #tpu.memory_space<vmem>>
      %dma_wait3A_300 = arith.constant 0 : i32
      %dma_wait3A_301 = arith.constant 0 : i32
      %dma_wait3A_302 = tpu.memref_slice %arg3[%dma_wait3A_300, %dma_wait3A_301] : memref<10240x32xf32, #tpu.memory_space<hbm>> -> memref<10240x32xf32, #tpu.memory_space<hbm>>
      tpu.wait_indirect_dma semaphore(%arg25 : memref<!tpu.dma_semaphore, #tpu.memory_space<semaphore_mem>>) src(%dma_wait3A_302 : memref<10240x32xf32, #tpu.memory_space<hbm>>) dst(%arg12 : memref<128x32xf32, #tpu.memory_space<vmem>>)
      %dma_start3A_303 = arith.constant 0 : i32
      %dma_start3A_304 = tpu.memref_slice %arg7[%add3A_296, %dma_start3A_303] : memref<40x128xi32, #tpu.memory_space<vmem>> -> memref<1x128xi32, #tpu.memory_space<vmem>>
      %dma_start3A_305 = tpu.memref_squeeze %dma_start3A_304 : memref<1x128xi32, #tpu.memory_space<vmem>> -> memref<128xi32, #tpu.memory_space<vmem>>
      %dma_start3A_306 = arith.constant 0 : i32
      %dma_start3A_307 = arith.constant 0 : i32
      %dma_start3A_308 = tpu.memref_slice %arg20[%dma_start3A_306, %dma_start3A_307] : memref<10240x32xf32, #tpu.memory_space<vmem_shared>> -> memref<10240x32xf32, #tpu.memory_space<vmem_shared>>
      tpu.enqueue_indirect_dma source(%arg12 : memref<128x32xf32, #tpu.memory_space<vmem>>) target(%dma_start3A_308 : memref<10240x32xf32, #tpu.memory_space<vmem_shared>>) offsets(%dma_start3A_305 : memref<128xi32, #tpu.memory_space<vmem>>) semaphore(%arg37 : memref<!tpu.dma_semaphore, #tpu.memory_space<semaphore_mem>>) {add = true}
      %ge3A_309 = arith.constant 6 : i32
      %ge3A_310 = arith.cmpi sge, %add3A_296, %ge3A_309 : i32
      %convert_element_type3A_311 = arith.extui %ge3A_310 : i1 to i32
      %cond3A_312 = arith.constant 0 : i32
      %cond3A_313 = arith.cmpi ne, %convert_element_type3A_311, %cond3A_312 : i32
      scf.if %cond3A_313 {
        %sub3A = arith.constant 6 : i32
        %sub3A_517 = arith.subi %add3A_296, %sub3A : i32
        %dma_wait3A_518 = arith.constant 0 : i32
        %dma_wait3A_519 = tpu.memref_slice %arg7[%sub3A_517, %dma_wait3A_518] : memref<40x128xi32, #tpu.memory_space<vmem>> -> memref<1x128xi32, #tpu.memory_space<vmem>>
        %dma_wait3A_520 = tpu.memref_squeeze %dma_wait3A_519 : memref<1x128xi32, #tpu.memory_space<vmem>> -> memref<128xi32, #tpu.memory_space<vmem>>
        %dma_wait3A_521 = arith.constant 0 : i32
        %dma_wait3A_522 = arith.constant 0 : i32
        %dma_wait3A_523 = tpu.memref_slice %arg20[%dma_wait3A_521, %dma_wait3A_522] : memref<10240x32xf32, #tpu.memory_space<vmem_shared>> -> memref<10240x32xf32, #tpu.memory_space<vmem_shared>>
        tpu.wait_indirect_dma semaphore(%arg43 : memref<!tpu.dma_semaphore, #tpu.memory_space<semaphore_mem>>) src(%arg18 : memref<128x32xf32, #tpu.memory_space<vmem>>) dst(%dma_wait3A_523 : memref<10240x32xf32, #tpu.memory_space<vmem_shared>>)
      } else {
      }
      %add3A_314 = arith.constant 6 : i32
      %add3A_315 = arith.addi %add3A_296, %add3A_314 : i32
      %lt3A_316 = arith.constant 39 : i32
      %lt3A_317 = arith.cmpi slt, %add3A_315, %lt3A_316 : i32
      %convert_element_type3A_318 = arith.extui %lt3A_317 : i1 to i32
      %cond3A_319 = arith.constant 0 : i32
      %cond3A_320 = arith.cmpi ne, %convert_element_type3A_318, %cond3A_319 : i32
      scf.if %cond3A_320 {
        %add3A_517 = arith.constant 6 : i32
        %add3A_518 = arith.addi %add3A_296, %add3A_517 : i32
        %dma_start3A_519 = arith.constant 0 : i32
        %dma_start3A_520 = tpu.memref_slice %arg6[%add3A_518, %dma_start3A_519] : memref<40x128xi32, #tpu.memory_space<vmem>> -> memref<1x128xi32, #tpu.memory_space<vmem>>
        %dma_start3A_521 = tpu.memref_squeeze %dma_start3A_520 : memref<1x128xi32, #tpu.memory_space<vmem>> -> memref<128xi32, #tpu.memory_space<vmem>>
        %dma_start3A_522 = arith.constant 0 : i32
        %dma_start3A_523 = arith.constant 0 : i32
        %dma_start3A_524 = tpu.memref_slice %arg3[%dma_start3A_522, %dma_start3A_523] : memref<10240x32xf32, #tpu.memory_space<hbm>> -> memref<10240x32xf32, #tpu.memory_space<hbm>>
        tpu.enqueue_indirect_dma source(%dma_start3A_524 : memref<10240x32xf32, #tpu.memory_space<hbm>>) target(%arg18 : memref<128x32xf32, #tpu.memory_space<vmem>>) offsets(%dma_start3A_521 : memref<128xi32, #tpu.memory_space<vmem>>) semaphore(%arg31 : memref<!tpu.dma_semaphore, #tpu.memory_space<semaphore_mem>>)
      } else {
      }
      %mul3A_321 = arith.constant 12 : i32
      %mul3A_322 = arith.muli %scan3A_181, %mul3A_321 : i32
      %add3A_323 = arith.constant 5 : i32
      %add3A_324 = arith.addi %mul3A_322, %add3A_323 : i32
      %dma_wait3A_325 = arith.constant 0 : i32
      %dma_wait3A_326 = tpu.memref_slice %arg6[%add3A_324, %dma_wait3A_325] : memref<40x128xi32, #tpu.memory_space<vmem>> -> memref<1x128xi32, #tpu.memory_space<vmem>>
      %dma_wait3A_327 = tpu.memref_squeeze %dma_wait3A_326 : memref<1x128xi32, #tpu.memory_space<vmem>> -> memref<128xi32, #tpu.memory_space<vmem>>
      %dma_wait3A_328 = arith.constant 0 : i32
      %dma_wait3A_329 = arith.constant 0 : i32
      %dma_wait3A_330 = tpu.memref_slice %arg3[%dma_wait3A_328, %dma_wait3A_329] : memref<10240x32xf32, #tpu.memory_space<hbm>> -> memref<10240x32xf32, #tpu.memory_space<hbm>>
      tpu.wait_indirect_dma semaphore(%arg26 : memref<!tpu.dma_semaphore, #tpu.memory_space<semaphore_mem>>) src(%dma_wait3A_330 : memref<10240x32xf32, #tpu.memory_space<hbm>>) dst(%arg13 : memref<128x32xf32, #tpu.memory_space<vmem>>)
      %dma_start3A_331 = arith.constant 0 : i32
      %dma_start3A_332 = tpu.memref_slice %arg7[%add3A_324, %dma_start3A_331] : memref<40x128xi32, #tpu.memory_space<vmem>> -> memref<1x128xi32, #tpu.memory_space<vmem>>
      %dma_start3A_333 = tpu.memref_squeeze %dma_start3A_332 : memref<1x128xi32, #tpu.memory_space<vmem>> -> memref<128xi32, #tpu.memory_space<vmem>>
      %dma_start3A_334 = arith.constant 0 : i32
      %dma_start3A_335 = arith.constant 0 : i32
      %dma_start3A_336 = tpu.memref_slice %arg20[%dma_start3A_334, %dma_start3A_335] : memref<10240x32xf32, #tpu.memory_space<vmem_shared>> -> memref<10240x32xf32, #tpu.memory_space<vmem_shared>>
      tpu.enqueue_indirect_dma source(%arg13 : memref<128x32xf32, #tpu.memory_space<vmem>>) target(%dma_start3A_336 : memref<10240x32xf32, #tpu.memory_space<vmem_shared>>) offsets(%dma_start3A_333 : memref<128xi32, #tpu.memory_space<vmem>>) semaphore(%arg38 : memref<!tpu.dma_semaphore, #tpu.memory_space<semaphore_mem>>) {add = true}
      %ge3A_337 = arith.constant 6 : i32
      %ge3A_338 = arith.cmpi sge, %add3A_324, %ge3A_337 : i32
      %convert_element_type3A_339 = arith.extui %ge3A_338 : i1 to i32
      %cond3A_340 = arith.constant 0 : i32
      %cond3A_341 = arith.cmpi ne, %convert_element_type3A_339, %cond3A_340 : i32
      scf.if %cond3A_341 {
        %sub3A = arith.constant 6 : i32
        %sub3A_517 = arith.subi %add3A_324, %sub3A : i32
        %dma_wait3A_518 = arith.constant 0 : i32
        %dma_wait3A_519 = tpu.memref_slice %arg7[%sub3A_517, %dma_wait3A_518] : memref<40x128xi32, #tpu.memory_space<vmem>> -> memref<1x128xi32, #tpu.memory_space<vmem>>
        %dma_wait3A_520 = tpu.memref_squeeze %dma_wait3A_519 : memref<1x128xi32, #tpu.memory_space<vmem>> -> memref<128xi32, #tpu.memory_space<vmem>>
        %dma_wait3A_521 = arith.constant 0 : i32
        %dma_wait3A_522 = arith.constant 0 : i32
        %dma_wait3A_523 = tpu.memref_slice %arg20[%dma_wait3A_521, %dma_wait3A_522] : memref<10240x32xf32, #tpu.memory_space<vmem_shared>> -> memref<10240x32xf32, #tpu.memory_space<vmem_shared>>
        tpu.wait_indirect_dma semaphore(%arg44 : memref<!tpu.dma_semaphore, #tpu.memory_space<semaphore_mem>>) src(%arg19 : memref<128x32xf32, #tpu.memory_space<vmem>>) dst(%dma_wait3A_523 : memref<10240x32xf32, #tpu.memory_space<vmem_shared>>)
      } else {
      }
      %add3A_342 = arith.constant 6 : i32
      %add3A_343 = arith.addi %add3A_324, %add3A_342 : i32
      %lt3A_344 = arith.constant 39 : i32
      %lt3A_345 = arith.cmpi slt, %add3A_343, %lt3A_344 : i32
      %convert_element_type3A_346 = arith.extui %lt3A_345 : i1 to i32
      %cond3A_347 = arith.constant 0 : i32
      %cond3A_348 = arith.cmpi ne, %convert_element_type3A_346, %cond3A_347 : i32
      scf.if %cond3A_348 {
        %add3A_517 = arith.constant 6 : i32
        %add3A_518 = arith.addi %add3A_324, %add3A_517 : i32
        %dma_start3A_519 = arith.constant 0 : i32
        %dma_start3A_520 = tpu.memref_slice %arg6[%add3A_518, %dma_start3A_519] : memref<40x128xi32, #tpu.memory_space<vmem>> -> memref<1x128xi32, #tpu.memory_space<vmem>>
        %dma_start3A_521 = tpu.memref_squeeze %dma_start3A_520 : memref<1x128xi32, #tpu.memory_space<vmem>> -> memref<128xi32, #tpu.memory_space<vmem>>
        %dma_start3A_522 = arith.constant 0 : i32
        %dma_start3A_523 = arith.constant 0 : i32
        %dma_start3A_524 = tpu.memref_slice %arg3[%dma_start3A_522, %dma_start3A_523] : memref<10240x32xf32, #tpu.memory_space<hbm>> -> memref<10240x32xf32, #tpu.memory_space<hbm>>
        tpu.enqueue_indirect_dma source(%dma_start3A_524 : memref<10240x32xf32, #tpu.memory_space<hbm>>) target(%arg19 : memref<128x32xf32, #tpu.memory_space<vmem>>) offsets(%dma_start3A_521 : memref<128xi32, #tpu.memory_space<vmem>>) semaphore(%arg32 : memref<!tpu.dma_semaphore, #tpu.memory_space<semaphore_mem>>)
      } else {
      }
      %mul3A_349 = arith.constant 12 : i32
      %mul3A_350 = arith.muli %scan3A_181, %mul3A_349 : i32
      %add3A_351 = arith.constant 6 : i32
      %add3A_352 = arith.addi %mul3A_350, %add3A_351 : i32
      %dma_wait3A_353 = arith.constant 0 : i32
      %dma_wait3A_354 = tpu.memref_slice %arg6[%add3A_352, %dma_wait3A_353] : memref<40x128xi32, #tpu.memory_space<vmem>> -> memref<1x128xi32, #tpu.memory_space<vmem>>
      %dma_wait3A_355 = tpu.memref_squeeze %dma_wait3A_354 : memref<1x128xi32, #tpu.memory_space<vmem>> -> memref<128xi32, #tpu.memory_space<vmem>>
      %dma_wait3A_356 = arith.constant 0 : i32
      %dma_wait3A_357 = arith.constant 0 : i32
      %dma_wait3A_358 = tpu.memref_slice %arg3[%dma_wait3A_356, %dma_wait3A_357] : memref<10240x32xf32, #tpu.memory_space<hbm>> -> memref<10240x32xf32, #tpu.memory_space<hbm>>
      tpu.wait_indirect_dma semaphore(%arg27 : memref<!tpu.dma_semaphore, #tpu.memory_space<semaphore_mem>>) src(%dma_wait3A_358 : memref<10240x32xf32, #tpu.memory_space<hbm>>) dst(%arg14 : memref<128x32xf32, #tpu.memory_space<vmem>>)
      %dma_start3A_359 = arith.constant 0 : i32
      %dma_start3A_360 = tpu.memref_slice %arg7[%add3A_352, %dma_start3A_359] : memref<40x128xi32, #tpu.memory_space<vmem>> -> memref<1x128xi32, #tpu.memory_space<vmem>>
      %dma_start3A_361 = tpu.memref_squeeze %dma_start3A_360 : memref<1x128xi32, #tpu.memory_space<vmem>> -> memref<128xi32, #tpu.memory_space<vmem>>
      %dma_start3A_362 = arith.constant 0 : i32
      %dma_start3A_363 = arith.constant 0 : i32
      %dma_start3A_364 = tpu.memref_slice %arg20[%dma_start3A_362, %dma_start3A_363] : memref<10240x32xf32, #tpu.memory_space<vmem_shared>> -> memref<10240x32xf32, #tpu.memory_space<vmem_shared>>
      tpu.enqueue_indirect_dma source(%arg14 : memref<128x32xf32, #tpu.memory_space<vmem>>) target(%dma_start3A_364 : memref<10240x32xf32, #tpu.memory_space<vmem_shared>>) offsets(%dma_start3A_361 : memref<128xi32, #tpu.memory_space<vmem>>) semaphore(%arg39 : memref<!tpu.dma_semaphore, #tpu.memory_space<semaphore_mem>>) {add = true}
      %ge3A_365 = arith.constant 6 : i32
      %ge3A_366 = arith.cmpi sge, %add3A_352, %ge3A_365 : i32
      %convert_element_type3A_367 = arith.extui %ge3A_366 : i1 to i32
      %cond3A_368 = arith.constant 0 : i32
      %cond3A_369 = arith.cmpi ne, %convert_element_type3A_367, %cond3A_368 : i32
      scf.if %cond3A_369 {
        %sub3A = arith.constant 6 : i32
        %sub3A_517 = arith.subi %add3A_352, %sub3A : i32
        %dma_wait3A_518 = arith.constant 0 : i32
        %dma_wait3A_519 = tpu.memref_slice %arg7[%sub3A_517, %dma_wait3A_518] : memref<40x128xi32, #tpu.memory_space<vmem>> -> memref<1x128xi32, #tpu.memory_space<vmem>>
        %dma_wait3A_520 = tpu.memref_squeeze %dma_wait3A_519 : memref<1x128xi32, #tpu.memory_space<vmem>> -> memref<128xi32, #tpu.memory_space<vmem>>
        %dma_wait3A_521 = arith.constant 0 : i32
        %dma_wait3A_522 = arith.constant 0 : i32
        %dma_wait3A_523 = tpu.memref_slice %arg20[%dma_wait3A_521, %dma_wait3A_522] : memref<10240x32xf32, #tpu.memory_space<vmem_shared>> -> memref<10240x32xf32, #tpu.memory_space<vmem_shared>>
        tpu.wait_indirect_dma semaphore(%arg33 : memref<!tpu.dma_semaphore, #tpu.memory_space<semaphore_mem>>) src(%arg8 : memref<128x32xf32, #tpu.memory_space<vmem>>) dst(%dma_wait3A_523 : memref<10240x32xf32, #tpu.memory_space<vmem_shared>>)
      } else {
      }
      %add3A_370 = arith.constant 6 : i32
      %add3A_371 = arith.addi %add3A_352, %add3A_370 : i32
      %lt3A_372 = arith.constant 39 : i32
      %lt3A_373 = arith.cmpi slt, %add3A_371, %lt3A_372 : i32
      %convert_element_type3A_374 = arith.extui %lt3A_373 : i1 to i32
      %cond3A_375 = arith.constant 0 : i32
      %cond3A_376 = arith.cmpi ne, %convert_element_type3A_374, %cond3A_375 : i32
      scf.if %cond3A_376 {
        %add3A_517 = arith.constant 6 : i32
        %add3A_518 = arith.addi %add3A_352, %add3A_517 : i32
        %dma_start3A_519 = arith.constant 0 : i32
        %dma_start3A_520 = tpu.memref_slice %arg6[%add3A_518, %dma_start3A_519] : memref<40x128xi32, #tpu.memory_space<vmem>> -> memref<1x128xi32, #tpu.memory_space<vmem>>
        %dma_start3A_521 = tpu.memref_squeeze %dma_start3A_520 : memref<1x128xi32, #tpu.memory_space<vmem>> -> memref<128xi32, #tpu.memory_space<vmem>>
        %dma_start3A_522 = arith.constant 0 : i32
        %dma_start3A_523 = arith.constant 0 : i32
        %dma_start3A_524 = tpu.memref_slice %arg3[%dma_start3A_522, %dma_start3A_523] : memref<10240x32xf32, #tpu.memory_space<hbm>> -> memref<10240x32xf32, #tpu.memory_space<hbm>>
        tpu.enqueue_indirect_dma source(%dma_start3A_524 : memref<10240x32xf32, #tpu.memory_space<hbm>>) target(%arg8 : memref<128x32xf32, #tpu.memory_space<vmem>>) offsets(%dma_start3A_521 : memref<128xi32, #tpu.memory_space<vmem>>) semaphore(%arg21 : memref<!tpu.dma_semaphore, #tpu.memory_space<semaphore_mem>>)
      } else {
      }
      %mul3A_377 = arith.constant 12 : i32
      %mul3A_378 = arith.muli %scan3A_181, %mul3A_377 : i32
      %add3A_379 = arith.constant 7 : i32
      %add3A_380 = arith.addi %mul3A_378, %add3A_379 : i32
      %dma_wait3A_381 = arith.constant 0 : i32
      %dma_wait3A_382 = tpu.memref_slice %arg6[%add3A_380, %dma_wait3A_381] : memref<40x128xi32, #tpu.memory_space<vmem>> -> memref<1x128xi32, #tpu.memory_space<vmem>>
      %dma_wait3A_383 = tpu.memref_squeeze %dma_wait3A_382 : memref<1x128xi32, #tpu.memory_space<vmem>> -> memref<128xi32, #tpu.memory_space<vmem>>
      %dma_wait3A_384 = arith.constant 0 : i32
      %dma_wait3A_385 = arith.constant 0 : i32
      %dma_wait3A_386 = tpu.memref_slice %arg3[%dma_wait3A_384, %dma_wait3A_385] : memref<10240x32xf32, #tpu.memory_space<hbm>> -> memref<10240x32xf32, #tpu.memory_space<hbm>>
      tpu.wait_indirect_dma semaphore(%arg28 : memref<!tpu.dma_semaphore, #tpu.memory_space<semaphore_mem>>) src(%dma_wait3A_386 : memref<10240x32xf32, #tpu.memory_space<hbm>>) dst(%arg15 : memref<128x32xf32, #tpu.memory_space<vmem>>)
      %dma_start3A_387 = arith.constant 0 : i32
      %dma_start3A_388 = tpu.memref_slice %arg7[%add3A_380, %dma_start3A_387] : memref<40x128xi32, #tpu.memory_space<vmem>> -> memref<1x128xi32, #tpu.memory_space<vmem>>
      %dma_start3A_389 = tpu.memref_squeeze %dma_start3A_388 : memref<1x128xi32, #tpu.memory_space<vmem>> -> memref<128xi32, #tpu.memory_space<vmem>>
      %dma_start3A_390 = arith.constant 0 : i32
      %dma_start3A_391 = arith.constant 0 : i32
      %dma_start3A_392 = tpu.memref_slice %arg20[%dma_start3A_390, %dma_start3A_391] : memref<10240x32xf32, #tpu.memory_space<vmem_shared>> -> memref<10240x32xf32, #tpu.memory_space<vmem_shared>>
      tpu.enqueue_indirect_dma source(%arg15 : memref<128x32xf32, #tpu.memory_space<vmem>>) target(%dma_start3A_392 : memref<10240x32xf32, #tpu.memory_space<vmem_shared>>) offsets(%dma_start3A_389 : memref<128xi32, #tpu.memory_space<vmem>>) semaphore(%arg40 : memref<!tpu.dma_semaphore, #tpu.memory_space<semaphore_mem>>) {add = true}
      %ge3A_393 = arith.constant 6 : i32
      %ge3A_394 = arith.cmpi sge, %add3A_380, %ge3A_393 : i32
      %convert_element_type3A_395 = arith.extui %ge3A_394 : i1 to i32
      %cond3A_396 = arith.constant 0 : i32
      %cond3A_397 = arith.cmpi ne, %convert_element_type3A_395, %cond3A_396 : i32
      scf.if %cond3A_397 {
        %sub3A = arith.constant 6 : i32
        %sub3A_517 = arith.subi %add3A_380, %sub3A : i32
        %dma_wait3A_518 = arith.constant 0 : i32
        %dma_wait3A_519 = tpu.memref_slice %arg7[%sub3A_517, %dma_wait3A_518] : memref<40x128xi32, #tpu.memory_space<vmem>> -> memref<1x128xi32, #tpu.memory_space<vmem>>
        %dma_wait3A_520 = tpu.memref_squeeze %dma_wait3A_519 : memref<1x128xi32, #tpu.memory_space<vmem>> -> memref<128xi32, #tpu.memory_space<vmem>>
        %dma_wait3A_521 = arith.constant 0 : i32
        %dma_wait3A_522 = arith.constant 0 : i32
        %dma_wait3A_523 = tpu.memref_slice %arg20[%dma_wait3A_521, %dma_wait3A_522] : memref<10240x32xf32, #tpu.memory_space<vmem_shared>> -> memref<10240x32xf32, #tpu.memory_space<vmem_shared>>
        tpu.wait_indirect_dma semaphore(%arg34 : memref<!tpu.dma_semaphore, #tpu.memory_space<semaphore_mem>>) src(%arg9 : memref<128x32xf32, #tpu.memory_space<vmem>>) dst(%dma_wait3A_523 : memref<10240x32xf32, #tpu.memory_space<vmem_shared>>)
      } else {
      }
      %add3A_398 = arith.constant 6 : i32
      %add3A_399 = arith.addi %add3A_380, %add3A_398 : i32
      %lt3A_400 = arith.constant 39 : i32
      %lt3A_401 = arith.cmpi slt, %add3A_399, %lt3A_400 : i32
      %convert_element_type3A_402 = arith.extui %lt3A_401 : i1 to i32
      %cond3A_403 = arith.constant 0 : i32
      %cond3A_404 = arith.cmpi ne, %convert_element_type3A_402, %cond3A_403 : i32
      scf.if %cond3A_404 {
        %add3A_517 = arith.constant 6 : i32
        %add3A_518 = arith.addi %add3A_380, %add3A_517 : i32
        %dma_start3A_519 = arith.constant 0 : i32
        %dma_start3A_520 = tpu.memref_slice %arg6[%add3A_518, %dma_start3A_519] : memref<40x128xi32, #tpu.memory_space<vmem>> -> memref<1x128xi32, #tpu.memory_space<vmem>>
        %dma_start3A_521 = tpu.memref_squeeze %dma_start3A_520 : memref<1x128xi32, #tpu.memory_space<vmem>> -> memref<128xi32, #tpu.memory_space<vmem>>
        %dma_start3A_522 = arith.constant 0 : i32
        %dma_start3A_523 = arith.constant 0 : i32
        %dma_start3A_524 = tpu.memref_slice %arg3[%dma_start3A_522, %dma_start3A_523] : memref<10240x32xf32, #tpu.memory_space<hbm>> -> memref<10240x32xf32, #tpu.memory_space<hbm>>
        tpu.enqueue_indirect_dma source(%dma_start3A_524 : memref<10240x32xf32, #tpu.memory_space<hbm>>) target(%arg9 : memref<128x32xf32, #tpu.memory_space<vmem>>) offsets(%dma_start3A_521 : memref<128xi32, #tpu.memory_space<vmem>>) semaphore(%arg22 : memref<!tpu.dma_semaphore, #tpu.memory_space<semaphore_mem>>)
      } else {
      }
      %mul3A_405 = arith.constant 12 : i32
      %mul3A_406 = arith.muli %scan3A_181, %mul3A_405 : i32
      %add3A_407 = arith.constant 8 : i32
      %add3A_408 = arith.addi %mul3A_406, %add3A_407 : i32
      %dma_wait3A_409 = arith.constant 0 : i32
      %dma_wait3A_410 = tpu.memref_slice %arg6[%add3A_408, %dma_wait3A_409] : memref<40x128xi32, #tpu.memory_space<vmem>> -> memref<1x128xi32, #tpu.memory_space<vmem>>
      %dma_wait3A_411 = tpu.memref_squeeze %dma_wait3A_410 : memref<1x128xi32, #tpu.memory_space<vmem>> -> memref<128xi32, #tpu.memory_space<vmem>>
      %dma_wait3A_412 = arith.constant 0 : i32
      %dma_wait3A_413 = arith.constant 0 : i32
      %dma_wait3A_414 = tpu.memref_slice %arg3[%dma_wait3A_412, %dma_wait3A_413] : memref<10240x32xf32, #tpu.memory_space<hbm>> -> memref<10240x32xf32, #tpu.memory_space<hbm>>
      tpu.wait_indirect_dma semaphore(%arg29 : memref<!tpu.dma_semaphore, #tpu.memory_space<semaphore_mem>>) src(%dma_wait3A_414 : memref<10240x32xf32, #tpu.memory_space<hbm>>) dst(%arg16 : memref<128x32xf32, #tpu.memory_space<vmem>>)
      %dma_start3A_415 = arith.constant 0 : i32
      %dma_start3A_416 = tpu.memref_slice %arg7[%add3A_408, %dma_start3A_415] : memref<40x128xi32, #tpu.memory_space<vmem>> -> memref<1x128xi32, #tpu.memory_space<vmem>>
      %dma_start3A_417 = tpu.memref_squeeze %dma_start3A_416 : memref<1x128xi32, #tpu.memory_space<vmem>> -> memref<128xi32, #tpu.memory_space<vmem>>
      %dma_start3A_418 = arith.constant 0 : i32
      %dma_start3A_419 = arith.constant 0 : i32
      %dma_start3A_420 = tpu.memref_slice %arg20[%dma_start3A_418, %dma_start3A_419] : memref<10240x32xf32, #tpu.memory_space<vmem_shared>> -> memref<10240x32xf32, #tpu.memory_space<vmem_shared>>
      tpu.enqueue_indirect_dma source(%arg16 : memref<128x32xf32, #tpu.memory_space<vmem>>) target(%dma_start3A_420 : memref<10240x32xf32, #tpu.memory_space<vmem_shared>>) offsets(%dma_start3A_417 : memref<128xi32, #tpu.memory_space<vmem>>) semaphore(%arg41 : memref<!tpu.dma_semaphore, #tpu.memory_space<semaphore_mem>>) {add = true}
      %ge3A_421 = arith.constant 6 : i32
      %ge3A_422 = arith.cmpi sge, %add3A_408, %ge3A_421 : i32
      %convert_element_type3A_423 = arith.extui %ge3A_422 : i1 to i32
      %cond3A_424 = arith.constant 0 : i32
      %cond3A_425 = arith.cmpi ne, %convert_element_type3A_423, %cond3A_424 : i32
      scf.if %cond3A_425 {
        %sub3A = arith.constant 6 : i32
        %sub3A_517 = arith.subi %add3A_408, %sub3A : i32
        %dma_wait3A_518 = arith.constant 0 : i32
        %dma_wait3A_519 = tpu.memref_slice %arg7[%sub3A_517, %dma_wait3A_518] : memref<40x128xi32, #tpu.memory_space<vmem>> -> memref<1x128xi32, #tpu.memory_space<vmem>>
        %dma_wait3A_520 = tpu.memref_squeeze %dma_wait3A_519 : memref<1x128xi32, #tpu.memory_space<vmem>> -> memref<128xi32, #tpu.memory_space<vmem>>
        %dma_wait3A_521 = arith.constant 0 : i32
        %dma_wait3A_522 = arith.constant 0 : i32
        %dma_wait3A_523 = tpu.memref_slice %arg20[%dma_wait3A_521, %dma_wait3A_522] : memref<10240x32xf32, #tpu.memory_space<vmem_shared>> -> memref<10240x32xf32, #tpu.memory_space<vmem_shared>>
        tpu.wait_indirect_dma semaphore(%arg35 : memref<!tpu.dma_semaphore, #tpu.memory_space<semaphore_mem>>) src(%arg10 : memref<128x32xf32, #tpu.memory_space<vmem>>) dst(%dma_wait3A_523 : memref<10240x32xf32, #tpu.memory_space<vmem_shared>>)
      } else {
      }
      %add3A_426 = arith.constant 6 : i32
      %add3A_427 = arith.addi %add3A_408, %add3A_426 : i32
      %lt3A_428 = arith.constant 39 : i32
      %lt3A_429 = arith.cmpi slt, %add3A_427, %lt3A_428 : i32
      %convert_element_type3A_430 = arith.extui %lt3A_429 : i1 to i32
      %cond3A_431 = arith.constant 0 : i32
      %cond3A_432 = arith.cmpi ne, %convert_element_type3A_430, %cond3A_431 : i32
      scf.if %cond3A_432 {
        %add3A_517 = arith.constant 6 : i32
        %add3A_518 = arith.addi %add3A_408, %add3A_517 : i32
        %dma_start3A_519 = arith.constant 0 : i32
        %dma_start3A_520 = tpu.memref_slice %arg6[%add3A_518, %dma_start3A_519] : memref<40x128xi32, #tpu.memory_space<vmem>> -> memref<1x128xi32, #tpu.memory_space<vmem>>
        %dma_start3A_521 = tpu.memref_squeeze %dma_start3A_520 : memref<1x128xi32, #tpu.memory_space<vmem>> -> memref<128xi32, #tpu.memory_space<vmem>>
        %dma_start3A_522 = arith.constant 0 : i32
        %dma_start3A_523 = arith.constant 0 : i32
        %dma_start3A_524 = tpu.memref_slice %arg3[%dma_start3A_522, %dma_start3A_523] : memref<10240x32xf32, #tpu.memory_space<hbm>> -> memref<10240x32xf32, #tpu.memory_space<hbm>>
        tpu.enqueue_indirect_dma source(%dma_start3A_524 : memref<10240x32xf32, #tpu.memory_space<hbm>>) target(%arg10 : memref<128x32xf32, #tpu.memory_space<vmem>>) offsets(%dma_start3A_521 : memref<128xi32, #tpu.memory_space<vmem>>) semaphore(%arg23 : memref<!tpu.dma_semaphore, #tpu.memory_space<semaphore_mem>>)
      } else {
      }
      %mul3A_433 = arith.constant 12 : i32
      %mul3A_434 = arith.muli %scan3A_181, %mul3A_433 : i32
      %add3A_435 = arith.constant 9 : i32
      %add3A_436 = arith.addi %mul3A_434, %add3A_435 : i32
      %dma_wait3A_437 = arith.constant 0 : i32
      %dma_wait3A_438 = tpu.memref_slice %arg6[%add3A_436, %dma_wait3A_437] : memref<40x128xi32, #tpu.memory_space<vmem>> -> memref<1x128xi32, #tpu.memory_space<vmem>>
      %dma_wait3A_439 = tpu.memref_squeeze %dma_wait3A_438 : memref<1x128xi32, #tpu.memory_space<vmem>> -> memref<128xi32, #tpu.memory_space<vmem>>
      %dma_wait3A_440 = arith.constant 0 : i32
      %dma_wait3A_441 = arith.constant 0 : i32
      %dma_wait3A_442 = tpu.memref_slice %arg3[%dma_wait3A_440, %dma_wait3A_441] : memref<10240x32xf32, #tpu.memory_space<hbm>> -> memref<10240x32xf32, #tpu.memory_space<hbm>>
      tpu.wait_indirect_dma semaphore(%arg30 : memref<!tpu.dma_semaphore, #tpu.memory_space<semaphore_mem>>) src(%dma_wait3A_442 : memref<10240x32xf32, #tpu.memory_space<hbm>>) dst(%arg17 : memref<128x32xf32, #tpu.memory_space<vmem>>)
      %dma_start3A_443 = arith.constant 0 : i32
      %dma_start3A_444 = tpu.memref_slice %arg7[%add3A_436, %dma_start3A_443] : memref<40x128xi32, #tpu.memory_space<vmem>> -> memref<1x128xi32, #tpu.memory_space<vmem>>
      %dma_start3A_445 = tpu.memref_squeeze %dma_start3A_444 : memref<1x128xi32, #tpu.memory_space<vmem>> -> memref<128xi32, #tpu.memory_space<vmem>>
      %dma_start3A_446 = arith.constant 0 : i32
      %dma_start3A_447 = arith.constant 0 : i32
      %dma_start3A_448 = tpu.memref_slice %arg20[%dma_start3A_446, %dma_start3A_447] : memref<10240x32xf32, #tpu.memory_space<vmem_shared>> -> memref<10240x32xf32, #tpu.memory_space<vmem_shared>>
      tpu.enqueue_indirect_dma source(%arg17 : memref<128x32xf32, #tpu.memory_space<vmem>>) target(%dma_start3A_448 : memref<10240x32xf32, #tpu.memory_space<vmem_shared>>) offsets(%dma_start3A_445 : memref<128xi32, #tpu.memory_space<vmem>>) semaphore(%arg42 : memref<!tpu.dma_semaphore, #tpu.memory_space<semaphore_mem>>) {add = true}
      %ge3A_449 = arith.constant 6 : i32
      %ge3A_450 = arith.cmpi sge, %add3A_436, %ge3A_449 : i32
      %convert_element_type3A_451 = arith.extui %ge3A_450 : i1 to i32
      %cond3A_452 = arith.constant 0 : i32
      %cond3A_453 = arith.cmpi ne, %convert_element_type3A_451, %cond3A_452 : i32
      scf.if %cond3A_453 {
        %sub3A = arith.constant 6 : i32
        %sub3A_517 = arith.subi %add3A_436, %sub3A : i32
        %dma_wait3A_518 = arith.constant 0 : i32
        %dma_wait3A_519 = tpu.memref_slice %arg7[%sub3A_517, %dma_wait3A_518] : memref<40x128xi32, #tpu.memory_space<vmem>> -> memref<1x128xi32, #tpu.memory_space<vmem>>
        %dma_wait3A_520 = tpu.memref_squeeze %dma_wait3A_519 : memref<1x128xi32, #tpu.memory_space<vmem>> -> memref<128xi32, #tpu.memory_space<vmem>>
        %dma_wait3A_521 = arith.constant 0 : i32
        %dma_wait3A_522 = arith.constant 0 : i32
        %dma_wait3A_523 = tpu.memref_slice %arg20[%dma_wait3A_521, %dma_wait3A_522] : memref<10240x32xf32, #tpu.memory_space<vmem_shared>> -> memref<10240x32xf32, #tpu.memory_space<vmem_shared>>
        tpu.wait_indirect_dma semaphore(%arg36 : memref<!tpu.dma_semaphore, #tpu.memory_space<semaphore_mem>>) src(%arg11 : memref<128x32xf32, #tpu.memory_space<vmem>>) dst(%dma_wait3A_523 : memref<10240x32xf32, #tpu.memory_space<vmem_shared>>)
      } else {
      }
      %add3A_454 = arith.constant 6 : i32
      %add3A_455 = arith.addi %add3A_436, %add3A_454 : i32
      %lt3A_456 = arith.constant 39 : i32
      %lt3A_457 = arith.cmpi slt, %add3A_455, %lt3A_456 : i32
      %convert_element_type3A_458 = arith.extui %lt3A_457 : i1 to i32
      %cond3A_459 = arith.constant 0 : i32
      %cond3A_460 = arith.cmpi ne, %convert_element_type3A_458, %cond3A_459 : i32
      scf.if %cond3A_460 {
        %add3A_517 = arith.constant 6 : i32
        %add3A_518 = arith.addi %add3A_436, %add3A_517 : i32
        %dma_start3A_519 = arith.constant 0 : i32
        %dma_start3A_520 = tpu.memref_slice %arg6[%add3A_518, %dma_start3A_519] : memref<40x128xi32, #tpu.memory_space<vmem>> -> memref<1x128xi32, #tpu.memory_space<vmem>>
        %dma_start3A_521 = tpu.memref_squeeze %dma_start3A_520 : memref<1x128xi32, #tpu.memory_space<vmem>> -> memref<128xi32, #tpu.memory_space<vmem>>
        %dma_start3A_522 = arith.constant 0 : i32
        %dma_start3A_523 = arith.constant 0 : i32
        %dma_start3A_524 = tpu.memref_slice %arg3[%dma_start3A_522, %dma_start3A_523] : memref<10240x32xf32, #tpu.memory_space<hbm>> -> memref<10240x32xf32, #tpu.memory_space<hbm>>
        tpu.enqueue_indirect_dma source(%dma_start3A_524 : memref<10240x32xf32, #tpu.memory_space<hbm>>) target(%arg11 : memref<128x32xf32, #tpu.memory_space<vmem>>) offsets(%dma_start3A_521 : memref<128xi32, #tpu.memory_space<vmem>>) semaphore(%arg24 : memref<!tpu.dma_semaphore, #tpu.memory_space<semaphore_mem>>)
      } else {
      }
      %mul3A_461 = arith.constant 12 : i32
      %mul3A_462 = arith.muli %scan3A_181, %mul3A_461 : i32
      %add3A_463 = arith.constant 10 : i32
      %add3A_464 = arith.addi %mul3A_462, %add3A_463 : i32
      %dma_wait3A_465 = arith.constant 0 : i32
      %dma_wait3A_466 = tpu.memref_slice %arg6[%add3A_464, %dma_wait3A_465] : memref<40x128xi32, #tpu.memory_space<vmem>> -> memref<1x128xi32, #tpu.memory_space<vmem>>
      %dma_wait3A_467 = tpu.memref_squeeze %dma_wait3A_466 : memref<1x128xi32, #tpu.memory_space<vmem>> -> memref<128xi32, #tpu.memory_space<vmem>>
      %dma_wait3A_468 = arith.constant 0 : i32
      %dma_wait3A_469 = arith.constant 0 : i32
      %dma_wait3A_470 = tpu.memref_slice %arg3[%dma_wait3A_468, %dma_wait3A_469] : memref<10240x32xf32, #tpu.memory_space<hbm>> -> memref<10240x32xf32, #tpu.memory_space<hbm>>
      tpu.wait_indirect_dma semaphore(%arg31 : memref<!tpu.dma_semaphore, #tpu.memory_space<semaphore_mem>>) src(%dma_wait3A_470 : memref<10240x32xf32, #tpu.memory_space<hbm>>) dst(%arg18 : memref<128x32xf32, #tpu.memory_space<vmem>>)
      %dma_start3A_471 = arith.constant 0 : i32
      %dma_start3A_472 = tpu.memref_slice %arg7[%add3A_464, %dma_start3A_471] : memref<40x128xi32, #tpu.memory_space<vmem>> -> memref<1x128xi32, #tpu.memory_space<vmem>>
      %dma_start3A_473 = tpu.memref_squeeze %dma_start3A_472 : memref<1x128xi32, #tpu.memory_space<vmem>> -> memref<128xi32, #tpu.memory_space<vmem>>
      %dma_start3A_474 = arith.constant 0 : i32
      %dma_start3A_475 = arith.constant 0 : i32
      %dma_start3A_476 = tpu.memref_slice %arg20[%dma_start3A_474, %dma_start3A_475] : memref<10240x32xf32, #tpu.memory_space<vmem_shared>> -> memref<10240x32xf32, #tpu.memory_space<vmem_shared>>
      tpu.enqueue_indirect_dma source(%arg18 : memref<128x32xf32, #tpu.memory_space<vmem>>) target(%dma_start3A_476 : memref<10240x32xf32, #tpu.memory_space<vmem_shared>>) offsets(%dma_start3A_473 : memref<128xi32, #tpu.memory_space<vmem>>) semaphore(%arg43 : memref<!tpu.dma_semaphore, #tpu.memory_space<semaphore_mem>>) {add = true}
      %ge3A_477 = arith.constant 6 : i32
      %ge3A_478 = arith.cmpi sge, %add3A_464, %ge3A_477 : i32
      %convert_element_type3A_479 = arith.extui %ge3A_478 : i1 to i32
      %cond3A_480 = arith.constant 0 : i32
      %cond3A_481 = arith.cmpi ne, %convert_element_type3A_479, %cond3A_480 : i32
      scf.if %cond3A_481 {
        %sub3A = arith.constant 6 : i32
        %sub3A_517 = arith.subi %add3A_464, %sub3A : i32
        %dma_wait3A_518 = arith.constant 0 : i32
        %dma_wait3A_519 = tpu.memref_slice %arg7[%sub3A_517, %dma_wait3A_518] : memref<40x128xi32, #tpu.memory_space<vmem>> -> memref<1x128xi32, #tpu.memory_space<vmem>>
        %dma_wait3A_520 = tpu.memref_squeeze %dma_wait3A_519 : memref<1x128xi32, #tpu.memory_space<vmem>> -> memref<128xi32, #tpu.memory_space<vmem>>
        %dma_wait3A_521 = arith.constant 0 : i32
        %dma_wait3A_522 = arith.constant 0 : i32
        %dma_wait3A_523 = tpu.memref_slice %arg20[%dma_wait3A_521, %dma_wait3A_522] : memref<10240x32xf32, #tpu.memory_space<vmem_shared>> -> memref<10240x32xf32, #tpu.memory_space<vmem_shared>>
        tpu.wait_indirect_dma semaphore(%arg37 : memref<!tpu.dma_semaphore, #tpu.memory_space<semaphore_mem>>) src(%arg12 : memref<128x32xf32, #tpu.memory_space<vmem>>) dst(%dma_wait3A_523 : memref<10240x32xf32, #tpu.memory_space<vmem_shared>>)
      } else {
      }
      %add3A_482 = arith.constant 6 : i32
      %add3A_483 = arith.addi %add3A_464, %add3A_482 : i32
      %lt3A_484 = arith.constant 39 : i32
      %lt3A_485 = arith.cmpi slt, %add3A_483, %lt3A_484 : i32
      %convert_element_type3A_486 = arith.extui %lt3A_485 : i1 to i32
      %cond3A_487 = arith.constant 0 : i32
      %cond3A_488 = arith.cmpi ne, %convert_element_type3A_486, %cond3A_487 : i32
      scf.if %cond3A_488 {
        %add3A_517 = arith.constant 6 : i32
        %add3A_518 = arith.addi %add3A_464, %add3A_517 : i32
        %dma_start3A_519 = arith.constant 0 : i32
        %dma_start3A_520 = tpu.memref_slice %arg6[%add3A_518, %dma_start3A_519] : memref<40x128xi32, #tpu.memory_space<vmem>> -> memref<1x128xi32, #tpu.memory_space<vmem>>
        %dma_start3A_521 = tpu.memref_squeeze %dma_start3A_520 : memref<1x128xi32, #tpu.memory_space<vmem>> -> memref<128xi32, #tpu.memory_space<vmem>>
        %dma_start3A_522 = arith.constant 0 : i32
        %dma_start3A_523 = arith.constant 0 : i32
        %dma_start3A_524 = tpu.memref_slice %arg3[%dma_start3A_522, %dma_start3A_523] : memref<10240x32xf32, #tpu.memory_space<hbm>> -> memref<10240x32xf32, #tpu.memory_space<hbm>>
        tpu.enqueue_indirect_dma source(%dma_start3A_524 : memref<10240x32xf32, #tpu.memory_space<hbm>>) target(%arg12 : memref<128x32xf32, #tpu.memory_space<vmem>>) offsets(%dma_start3A_521 : memref<128xi32, #tpu.memory_space<vmem>>) semaphore(%arg25 : memref<!tpu.dma_semaphore, #tpu.memory_space<semaphore_mem>>)
      } else {
      }
      %mul3A_489 = arith.constant 12 : i32
      %mul3A_490 = arith.muli %scan3A_181, %mul3A_489 : i32
      %add3A_491 = arith.constant 11 : i32
      %add3A_492 = arith.addi %mul3A_490, %add3A_491 : i32
      %dma_wait3A_493 = arith.constant 0 : i32
      %dma_wait3A_494 = tpu.memref_slice %arg6[%add3A_492, %dma_wait3A_493] : memref<40x128xi32, #tpu.memory_space<vmem>> -> memref<1x128xi32, #tpu.memory_space<vmem>>
      %dma_wait3A_495 = tpu.memref_squeeze %dma_wait3A_494 : memref<1x128xi32, #tpu.memory_space<vmem>> -> memref<128xi32, #tpu.memory_space<vmem>>
      %dma_wait3A_496 = arith.constant 0 : i32
      %dma_wait3A_497 = arith.constant 0 : i32
      %dma_wait3A_498 = tpu.memref_slice %arg3[%dma_wait3A_496, %dma_wait3A_497] : memref<10240x32xf32, #tpu.memory_space<hbm>> -> memref<10240x32xf32, #tpu.memory_space<hbm>>
      tpu.wait_indirect_dma semaphore(%arg32 : memref<!tpu.dma_semaphore, #tpu.memory_space<semaphore_mem>>) src(%dma_wait3A_498 : memref<10240x32xf32, #tpu.memory_space<hbm>>) dst(%arg19 : memref<128x32xf32, #tpu.memory_space<vmem>>)
      %dma_start3A_499 = arith.constant 0 : i32
      %dma_start3A_500 = tpu.memref_slice %arg7[%add3A_492, %dma_start3A_499] : memref<40x128xi32, #tpu.memory_space<vmem>> -> memref<1x128xi32, #tpu.memory_space<vmem>>
      %dma_start3A_501 = tpu.memref_squeeze %dma_start3A_500 : memref<1x128xi32, #tpu.memory_space<vmem>> -> memref<128xi32, #tpu.memory_space<vmem>>
      %dma_start3A_502 = arith.constant 0 : i32
      %dma_start3A_503 = arith.constant 0 : i32
      %dma_start3A_504 = tpu.memref_slice %arg20[%dma_start3A_502, %dma_start3A_503] : memref<10240x32xf32, #tpu.memory_space<vmem_shared>> -> memref<10240x32xf32, #tpu.memory_space<vmem_shared>>
      tpu.enqueue_indirect_dma source(%arg19 : memref<128x32xf32, #tpu.memory_space<vmem>>) target(%dma_start3A_504 : memref<10240x32xf32, #tpu.memory_space<vmem_shared>>) offsets(%dma_start3A_501 : memref<128xi32, #tpu.memory_space<vmem>>) semaphore(%arg44 : memref<!tpu.dma_semaphore, #tpu.memory_space<semaphore_mem>>) {add = true}
      %ge3A_505 = arith.constant 6 : i32
      %ge3A_506 = arith.cmpi sge, %add3A_492, %ge3A_505 : i32
      %convert_element_type3A_507 = arith.extui %ge3A_506 : i1 to i32
      %cond3A_508 = arith.constant 0 : i32
      %cond3A_509 = arith.cmpi ne, %convert_element_type3A_507, %cond3A_508 : i32
      scf.if %cond3A_509 {
        %sub3A = arith.constant 6 : i32
        %sub3A_517 = arith.subi %add3A_492, %sub3A : i32
        %dma_wait3A_518 = arith.constant 0 : i32
        %dma_wait3A_519 = tpu.memref_slice %arg7[%sub3A_517, %dma_wait3A_518] : memref<40x128xi32, #tpu.memory_space<vmem>> -> memref<1x128xi32, #tpu.memory_space<vmem>>
        %dma_wait3A_520 = tpu.memref_squeeze %dma_wait3A_519 : memref<1x128xi32, #tpu.memory_space<vmem>> -> memref<128xi32, #tpu.memory_space<vmem>>
        %dma_wait3A_521 = arith.constant 0 : i32
        %dma_wait3A_522 = arith.constant 0 : i32
        %dma_wait3A_523 = tpu.memref_slice %arg20[%dma_wait3A_521, %dma_wait3A_522] : memref<10240x32xf32, #tpu.memory_space<vmem_shared>> -> memref<10240x32xf32, #tpu.memory_space<vmem_shared>>
        tpu.wait_indirect_dma semaphore(%arg38 : memref<!tpu.dma_semaphore, #tpu.memory_space<semaphore_mem>>) src(%arg13 : memref<128x32xf32, #tpu.memory_space<vmem>>) dst(%dma_wait3A_523 : memref<10240x32xf32, #tpu.memory_space<vmem_shared>>)
      } else {
      }
      %add3A_510 = arith.constant 6 : i32
      %add3A_511 = arith.addi %add3A_492, %add3A_510 : i32
      %lt3A_512 = arith.constant 39 : i32
      %lt3A_513 = arith.cmpi slt, %add3A_511, %lt3A_512 : i32
      %convert_element_type3A_514 = arith.extui %lt3A_513 : i1 to i32
      %cond3A_515 = arith.constant 0 : i32
      %cond3A_516 = arith.cmpi ne, %convert_element_type3A_514, %cond3A_515 : i32
      scf.if %cond3A_516 {
        %add3A_517 = arith.constant 6 : i32
        %add3A_518 = arith.addi %add3A_492, %add3A_517 : i32
        %dma_start3A_519 = arith.constant 0 : i32
        %dma_start3A_520 = tpu.memref_slice %arg6[%add3A_518, %dma_start3A_519] : memref<40x128xi32, #tpu.memory_space<vmem>> -> memref<1x128xi32, #tpu.memory_space<vmem>>
        %dma_start3A_521 = tpu.memref_squeeze %dma_start3A_520 : memref<1x128xi32, #tpu.memory_space<vmem>> -> memref<128xi32, #tpu.memory_space<vmem>>
        %dma_start3A_522 = arith.constant 0 : i32
        %dma_start3A_523 = arith.constant 0 : i32
        %dma_start3A_524 = tpu.memref_slice %arg3[%dma_start3A_522, %dma_start3A_523] : memref<10240x32xf32, #tpu.memory_space<hbm>> -> memref<10240x32xf32, #tpu.memory_space<hbm>>
        tpu.enqueue_indirect_dma source(%dma_start3A_524 : memref<10240x32xf32, #tpu.memory_space<hbm>>) target(%arg13 : memref<128x32xf32, #tpu.memory_space<vmem>>) offsets(%dma_start3A_521 : memref<128xi32, #tpu.memory_space<vmem>>) semaphore(%arg26 : memref<!tpu.dma_semaphore, #tpu.memory_space<semaphore_mem>>)
      } else {
      }
    }
    %scan3A_66 = arith.constant 3 : i32
    %dma_wait3A = arith.constant 36 : i32
    %dma_wait3A_67 = arith.constant 0 : i32
    %dma_wait3A_68 = tpu.memref_slice %arg6[%dma_wait3A, %dma_wait3A_67] : memref<40x128xi32, #tpu.memory_space<vmem>> -> memref<1x128xi32, #tpu.memory_space<vmem>>
    %dma_wait3A_69 = tpu.memref_squeeze %dma_wait3A_68 : memref<1x128xi32, #tpu.memory_space<vmem>> -> memref<128xi32, #tpu.memory_space<vmem>>
    %dma_wait3A_70 = arith.constant 0 : i32
    %dma_wait3A_71 = arith.constant 0 : i32
    %dma_wait3A_72 = tpu.memref_slice %arg3[%dma_wait3A_70, %dma_wait3A_71] : memref<10240x32xf32, #tpu.memory_space<hbm>> -> memref<10240x32xf32, #tpu.memory_space<hbm>>
    tpu.wait_indirect_dma semaphore(%arg21 : memref<!tpu.dma_semaphore, #tpu.memory_space<semaphore_mem>>) src(%dma_wait3A_72 : memref<10240x32xf32, #tpu.memory_space<hbm>>) dst(%arg8 : memref<128x32xf32, #tpu.memory_space<vmem>>)
    %dma_start3A_73 = arith.constant 36 : i32
    %dma_start3A_74 = arith.constant 0 : i32
    %dma_start3A_75 = tpu.memref_slice %arg7[%dma_start3A_73, %dma_start3A_74] : memref<40x128xi32, #tpu.memory_space<vmem>> -> memref<1x128xi32, #tpu.memory_space<vmem>>
    %dma_start3A_76 = tpu.memref_squeeze %dma_start3A_75 : memref<1x128xi32, #tpu.memory_space<vmem>> -> memref<128xi32, #tpu.memory_space<vmem>>
    %dma_start3A_77 = arith.constant 0 : i32
    %dma_start3A_78 = arith.constant 0 : i32
    %dma_start3A_79 = tpu.memref_slice %arg20[%dma_start3A_77, %dma_start3A_78] : memref<10240x32xf32, #tpu.memory_space<vmem_shared>> -> memref<10240x32xf32, #tpu.memory_space<vmem_shared>>
    tpu.enqueue_indirect_dma source(%arg8 : memref<128x32xf32, #tpu.memory_space<vmem>>) target(%dma_start3A_79 : memref<10240x32xf32, #tpu.memory_space<vmem_shared>>) offsets(%dma_start3A_76 : memref<128xi32, #tpu.memory_space<vmem>>) semaphore(%arg33 : memref<!tpu.dma_semaphore, #tpu.memory_space<semaphore_mem>>) {add = true}
    %dma_wait3A_80 = arith.constant 30 : i32
    %dma_wait3A_81 = arith.constant 0 : i32
    %dma_wait3A_82 = tpu.memref_slice %arg7[%dma_wait3A_80, %dma_wait3A_81] : memref<40x128xi32, #tpu.memory_space<vmem>> -> memref<1x128xi32, #tpu.memory_space<vmem>>
    %dma_wait3A_83 = tpu.memref_squeeze %dma_wait3A_82 : memref<1x128xi32, #tpu.memory_space<vmem>> -> memref<128xi32, #tpu.memory_space<vmem>>
    %dma_wait3A_84 = arith.constant 0 : i32
    %dma_wait3A_85 = arith.constant 0 : i32
    %dma_wait3A_86 = tpu.memref_slice %arg20[%dma_wait3A_84, %dma_wait3A_85] : memref<10240x32xf32, #tpu.memory_space<vmem_shared>> -> memref<10240x32xf32, #tpu.memory_space<vmem_shared>>
    tpu.wait_indirect_dma semaphore(%arg39 : memref<!tpu.dma_semaphore, #tpu.memory_space<semaphore_mem>>) src(%arg14 : memref<128x32xf32, #tpu.memory_space<vmem>>) dst(%dma_wait3A_86 : memref<10240x32xf32, #tpu.memory_space<vmem_shared>>)
    %dma_wait3A_87 = arith.constant 37 : i32
    %dma_wait3A_88 = arith.constant 0 : i32
    %dma_wait3A_89 = tpu.memref_slice %arg6[%dma_wait3A_87, %dma_wait3A_88] : memref<40x128xi32, #tpu.memory_space<vmem>> -> memref<1x128xi32, #tpu.memory_space<vmem>>
    %dma_wait3A_90 = tpu.memref_squeeze %dma_wait3A_89 : memref<1x128xi32, #tpu.memory_space<vmem>> -> memref<128xi32, #tpu.memory_space<vmem>>
    %dma_wait3A_91 = arith.constant 0 : i32
    %dma_wait3A_92 = arith.constant 0 : i32
    %dma_wait3A_93 = tpu.memref_slice %arg3[%dma_wait3A_91, %dma_wait3A_92] : memref<10240x32xf32, #tpu.memory_space<hbm>> -> memref<10240x32xf32, #tpu.memory_space<hbm>>
    tpu.wait_indirect_dma semaphore(%arg22 : memref<!tpu.dma_semaphore, #tpu.memory_space<semaphore_mem>>) src(%dma_wait3A_93 : memref<10240x32xf32, #tpu.memory_space<hbm>>) dst(%arg9 : memref<128x32xf32, #tpu.memory_space<vmem>>)
    %dma_start3A_94 = arith.constant 37 : i32
    %dma_start3A_95 = arith.constant 0 : i32
    %dma_start3A_96 = tpu.memref_slice %arg7[%dma_start3A_94, %dma_start3A_95] : memref<40x128xi32, #tpu.memory_space<vmem>> -> memref<1x128xi32, #tpu.memory_space<vmem>>
    %dma_start3A_97 = tpu.memref_squeeze %dma_start3A_96 : memref<1x128xi32, #tpu.memory_space<vmem>> -> memref<128xi32, #tpu.memory_space<vmem>>
    %dma_start3A_98 = arith.constant 0 : i32
    %dma_start3A_99 = arith.constant 0 : i32
    %dma_start3A_100 = tpu.memref_slice %arg20[%dma_start3A_98, %dma_start3A_99] : memref<10240x32xf32, #tpu.memory_space<vmem_shared>> -> memref<10240x32xf32, #tpu.memory_space<vmem_shared>>
    tpu.enqueue_indirect_dma source(%arg9 : memref<128x32xf32, #tpu.memory_space<vmem>>) target(%dma_start3A_100 : memref<10240x32xf32, #tpu.memory_space<vmem_shared>>) offsets(%dma_start3A_97 : memref<128xi32, #tpu.memory_space<vmem>>) semaphore(%arg34 : memref<!tpu.dma_semaphore, #tpu.memory_space<semaphore_mem>>) {add = true}
    %dma_wait3A_101 = arith.constant 31 : i32
    %dma_wait3A_102 = arith.constant 0 : i32
    %dma_wait3A_103 = tpu.memref_slice %arg7[%dma_wait3A_101, %dma_wait3A_102] : memref<40x128xi32, #tpu.memory_space<vmem>> -> memref<1x128xi32, #tpu.memory_space<vmem>>
    %dma_wait3A_104 = tpu.memref_squeeze %dma_wait3A_103 : memref<1x128xi32, #tpu.memory_space<vmem>> -> memref<128xi32, #tpu.memory_space<vmem>>
    %dma_wait3A_105 = arith.constant 0 : i32
    %dma_wait3A_106 = arith.constant 0 : i32
    %dma_wait3A_107 = tpu.memref_slice %arg20[%dma_wait3A_105, %dma_wait3A_106] : memref<10240x32xf32, #tpu.memory_space<vmem_shared>> -> memref<10240x32xf32, #tpu.memory_space<vmem_shared>>
    tpu.wait_indirect_dma semaphore(%arg40 : memref<!tpu.dma_semaphore, #tpu.memory_space<semaphore_mem>>) src(%arg15 : memref<128x32xf32, #tpu.memory_space<vmem>>) dst(%dma_wait3A_107 : memref<10240x32xf32, #tpu.memory_space<vmem_shared>>)
    %dma_wait3A_108 = arith.constant 38 : i32
    %dma_wait3A_109 = arith.constant 0 : i32
    %dma_wait3A_110 = tpu.memref_slice %arg6[%dma_wait3A_108, %dma_wait3A_109] : memref<40x128xi32, #tpu.memory_space<vmem>> -> memref<1x128xi32, #tpu.memory_space<vmem>>
    %dma_wait3A_111 = tpu.memref_squeeze %dma_wait3A_110 : memref<1x128xi32, #tpu.memory_space<vmem>> -> memref<128xi32, #tpu.memory_space<vmem>>
    %dma_wait3A_112 = arith.constant 0 : i32
    %dma_wait3A_113 = arith.constant 0 : i32
    %dma_wait3A_114 = tpu.memref_slice %arg3[%dma_wait3A_112, %dma_wait3A_113] : memref<10240x32xf32, #tpu.memory_space<hbm>> -> memref<10240x32xf32, #tpu.memory_space<hbm>>
    tpu.wait_indirect_dma semaphore(%arg23 : memref<!tpu.dma_semaphore, #tpu.memory_space<semaphore_mem>>) src(%dma_wait3A_114 : memref<10240x32xf32, #tpu.memory_space<hbm>>) dst(%arg10 : memref<128x32xf32, #tpu.memory_space<vmem>>)
    %dma_start3A_115 = arith.constant 38 : i32
    %dma_start3A_116 = arith.constant 0 : i32
    %dma_start3A_117 = tpu.memref_slice %arg7[%dma_start3A_115, %dma_start3A_116] : memref<40x128xi32, #tpu.memory_space<vmem>> -> memref<1x128xi32, #tpu.memory_space<vmem>>
    %dma_start3A_118 = tpu.memref_squeeze %dma_start3A_117 : memref<1x128xi32, #tpu.memory_space<vmem>> -> memref<128xi32, #tpu.memory_space<vmem>>
    %dma_start3A_119 = arith.constant 0 : i32
    %dma_start3A_120 = arith.constant 0 : i32
    %dma_start3A_121 = tpu.memref_slice %arg20[%dma_start3A_119, %dma_start3A_120] : memref<10240x32xf32, #tpu.memory_space<vmem_shared>> -> memref<10240x32xf32, #tpu.memory_space<vmem_shared>>
    tpu.enqueue_indirect_dma source(%arg10 : memref<128x32xf32, #tpu.memory_space<vmem>>) target(%dma_start3A_121 : memref<10240x32xf32, #tpu.memory_space<vmem_shared>>) offsets(%dma_start3A_118 : memref<128xi32, #tpu.memory_space<vmem>>) semaphore(%arg35 : memref<!tpu.dma_semaphore, #tpu.memory_space<semaphore_mem>>) {add = true}
    %dma_wait3A_122 = arith.constant 32 : i32
    %dma_wait3A_123 = arith.constant 0 : i32
    %dma_wait3A_124 = tpu.memref_slice %arg7[%dma_wait3A_122, %dma_wait3A_123] : memref<40x128xi32, #tpu.memory_space<vmem>> -> memref<1x128xi32, #tpu.memory_space<vmem>>
    %dma_wait3A_125 = tpu.memref_squeeze %dma_wait3A_124 : memref<1x128xi32, #tpu.memory_space<vmem>> -> memref<128xi32, #tpu.memory_space<vmem>>
    %dma_wait3A_126 = arith.constant 0 : i32
    %dma_wait3A_127 = arith.constant 0 : i32
    %dma_wait3A_128 = tpu.memref_slice %arg20[%dma_wait3A_126, %dma_wait3A_127] : memref<10240x32xf32, #tpu.memory_space<vmem_shared>> -> memref<10240x32xf32, #tpu.memory_space<vmem_shared>>
    tpu.wait_indirect_dma semaphore(%arg41 : memref<!tpu.dma_semaphore, #tpu.memory_space<semaphore_mem>>) src(%arg16 : memref<128x32xf32, #tpu.memory_space<vmem>>) dst(%dma_wait3A_128 : memref<10240x32xf32, #tpu.memory_space<vmem_shared>>)
    %dma_wait3A_129 = arith.constant 33 : i32
    %dma_wait3A_130 = arith.constant 0 : i32
    %dma_wait3A_131 = tpu.memref_slice %arg7[%dma_wait3A_129, %dma_wait3A_130] : memref<40x128xi32, #tpu.memory_space<vmem>> -> memref<1x128xi32, #tpu.memory_space<vmem>>
    %dma_wait3A_132 = tpu.memref_squeeze %dma_wait3A_131 : memref<1x128xi32, #tpu.memory_space<vmem>> -> memref<128xi32, #tpu.memory_space<vmem>>
    %dma_wait3A_133 = arith.constant 0 : i32
    %dma_wait3A_134 = arith.constant 0 : i32
    %dma_wait3A_135 = tpu.memref_slice %arg20[%dma_wait3A_133, %dma_wait3A_134] : memref<10240x32xf32, #tpu.memory_space<vmem_shared>> -> memref<10240x32xf32, #tpu.memory_space<vmem_shared>>
    tpu.wait_indirect_dma semaphore(%arg42 : memref<!tpu.dma_semaphore, #tpu.memory_space<semaphore_mem>>) src(%arg17 : memref<128x32xf32, #tpu.memory_space<vmem>>) dst(%dma_wait3A_135 : memref<10240x32xf32, #tpu.memory_space<vmem_shared>>)
    %dma_wait3A_136 = arith.constant 34 : i32
    %dma_wait3A_137 = arith.constant 0 : i32
    %dma_wait3A_138 = tpu.memref_slice %arg7[%dma_wait3A_136, %dma_wait3A_137] : memref<40x128xi32, #tpu.memory_space<vmem>> -> memref<1x128xi32, #tpu.memory_space<vmem>>
    %dma_wait3A_139 = tpu.memref_squeeze %dma_wait3A_138 : memref<1x128xi32, #tpu.memory_space<vmem>> -> memref<128xi32, #tpu.memory_space<vmem>>
    %dma_wait3A_140 = arith.constant 0 : i32
    %dma_wait3A_141 = arith.constant 0 : i32
    %dma_wait3A_142 = tpu.memref_slice %arg20[%dma_wait3A_140, %dma_wait3A_141] : memref<10240x32xf32, #tpu.memory_space<vmem_shared>> -> memref<10240x32xf32, #tpu.memory_space<vmem_shared>>
    tpu.wait_indirect_dma semaphore(%arg43 : memref<!tpu.dma_semaphore, #tpu.memory_space<semaphore_mem>>) src(%arg18 : memref<128x32xf32, #tpu.memory_space<vmem>>) dst(%dma_wait3A_142 : memref<10240x32xf32, #tpu.memory_space<vmem_shared>>)
    %dma_wait3A_143 = arith.constant 35 : i32
    %dma_wait3A_144 = arith.constant 0 : i32
    %dma_wait3A_145 = tpu.memref_slice %arg7[%dma_wait3A_143, %dma_wait3A_144] : memref<40x128xi32, #tpu.memory_space<vmem>> -> memref<1x128xi32, #tpu.memory_space<vmem>>
    %dma_wait3A_146 = tpu.memref_squeeze %dma_wait3A_145 : memref<1x128xi32, #tpu.memory_space<vmem>> -> memref<128xi32, #tpu.memory_space<vmem>>
    %dma_wait3A_147 = arith.constant 0 : i32
    %dma_wait3A_148 = arith.constant 0 : i32
    %dma_wait3A_149 = tpu.memref_slice %arg20[%dma_wait3A_147, %dma_wait3A_148] : memref<10240x32xf32, #tpu.memory_space<vmem_shared>> -> memref<10240x32xf32, #tpu.memory_space<vmem_shared>>
    tpu.wait_indirect_dma semaphore(%arg44 : memref<!tpu.dma_semaphore, #tpu.memory_space<semaphore_mem>>) src(%arg19 : memref<128x32xf32, #tpu.memory_space<vmem>>) dst(%dma_wait3A_149 : memref<10240x32xf32, #tpu.memory_space<vmem_shared>>)
    %dma_wait3A_150 = arith.constant 36 : i32
    %dma_wait3A_151 = arith.constant 0 : i32
    %dma_wait3A_152 = tpu.memref_slice %arg7[%dma_wait3A_150, %dma_wait3A_151] : memref<40x128xi32, #tpu.memory_space<vmem>> -> memref<1x128xi32, #tpu.memory_space<vmem>>
    %dma_wait3A_153 = tpu.memref_squeeze %dma_wait3A_152 : memref<1x128xi32, #tpu.memory_space<vmem>> -> memref<128xi32, #tpu.memory_space<vmem>>
    %dma_wait3A_154 = arith.constant 0 : i32
    %dma_wait3A_155 = arith.constant 0 : i32
    %dma_wait3A_156 = tpu.memref_slice %arg20[%dma_wait3A_154, %dma_wait3A_155] : memref<10240x32xf32, #tpu.memory_space<vmem_shared>> -> memref<10240x32xf32, #tpu.memory_space<vmem_shared>>
    tpu.wait_indirect_dma semaphore(%arg33 : memref<!tpu.dma_semaphore, #tpu.memory_space<semaphore_mem>>) src(%arg8 : memref<128x32xf32, #tpu.memory_space<vmem>>) dst(%dma_wait3A_156 : memref<10240x32xf32, #tpu.memory_space<vmem_shared>>)
    %dma_wait3A_157 = arith.constant 37 : i32
    %dma_wait3A_158 = arith.constant 0 : i32
    %dma_wait3A_159 = tpu.memref_slice %arg7[%dma_wait3A_157, %dma_wait3A_158] : memref<40x128xi32, #tpu.memory_space<vmem>> -> memref<1x128xi32, #tpu.memory_space<vmem>>
    %dma_wait3A_160 = tpu.memref_squeeze %dma_wait3A_159 : memref<1x128xi32, #tpu.memory_space<vmem>> -> memref<128xi32, #tpu.memory_space<vmem>>
    %dma_wait3A_161 = arith.constant 0 : i32
    %dma_wait3A_162 = arith.constant 0 : i32
    %dma_wait3A_163 = tpu.memref_slice %arg20[%dma_wait3A_161, %dma_wait3A_162] : memref<10240x32xf32, #tpu.memory_space<vmem_shared>> -> memref<10240x32xf32, #tpu.memory_space<vmem_shared>>
    tpu.wait_indirect_dma semaphore(%arg34 : memref<!tpu.dma_semaphore, #tpu.memory_space<semaphore_mem>>) src(%arg9 : memref<128x32xf32, #tpu.memory_space<vmem>>) dst(%dma_wait3A_163 : memref<10240x32xf32, #tpu.memory_space<vmem_shared>>)
    %dma_wait3A_164 = arith.constant 38 : i32
    %dma_wait3A_165 = arith.constant 0 : i32
    %dma_wait3A_166 = tpu.memref_slice %arg7[%dma_wait3A_164, %dma_wait3A_165] : memref<40x128xi32, #tpu.memory_space<vmem>> -> memref<1x128xi32, #tpu.memory_space<vmem>>
    %dma_wait3A_167 = tpu.memref_squeeze %dma_wait3A_166 : memref<1x128xi32, #tpu.memory_space<vmem>> -> memref<128xi32, #tpu.memory_space<vmem>>
    %dma_wait3A_168 = arith.constant 0 : i32
    %dma_wait3A_169 = arith.constant 0 : i32
    %dma_wait3A_170 = tpu.memref_slice %arg20[%dma_wait3A_168, %dma_wait3A_169] : memref<10240x32xf32, #tpu.memory_space<vmem_shared>> -> memref<10240x32xf32, #tpu.memory_space<vmem_shared>>
    tpu.wait_indirect_dma semaphore(%arg35 : memref<!tpu.dma_semaphore, #tpu.memory_space<semaphore_mem>>) src(%arg10 : memref<128x32xf32, #tpu.memory_space<vmem>>) dst(%dma_wait3A_170 : memref<10240x32xf32, #tpu.memory_space<vmem_shared>>)
    %lt3A_171 = arith.constant 2 : i32
    %lt3A_172 = arith.cmpi slt, %add3A, %lt3A_171 : i32
    %convert_element_type3A_173 = arith.extui %lt3A_172 : i1 to i32
    %cond3A_174 = arith.constant 0 : i32
    %cond3A_175 = arith.cmpi ne, %convert_element_type3A_173, %cond3A_174 : i32
    scf.if %cond3A_175 {
      %run_scoped3A_181 = arith.constant 39 : i32
      "tpu.region"() ({
        %run_scoped3A_183 = tpu.sem_alloc : memref<!tpu.dma_semaphore, #tpu.memory_space<semaphore_mem>>
        %dma_start3A_184 = arith.constant 0 : i32
        %dma_start3A_185 = tpu.memref_slice %arg6[%run_scoped3A_181, %dma_start3A_184] : memref<40x128xi32, #tpu.memory_space<vmem>> -> memref<1x128xi32, #tpu.memory_space<vmem>>
        %dma_start3A_186 = tpu.memref_squeeze %dma_start3A_185 : memref<1x128xi32, #tpu.memory_space<vmem>> -> memref<128xi32, #tpu.memory_space<vmem>>
        %dma_start3A_187 = arith.constant 0 : i32
        %dma_start3A_188 = arith.constant 0 : i32
        %dma_start3A_189 = tpu.memref_slice %arg3[%dma_start3A_187, %dma_start3A_188] : memref<10240x32xf32, #tpu.memory_space<hbm>> -> memref<10240x32xf32, #tpu.memory_space<hbm>>
        tpu.enqueue_indirect_dma source(%dma_start3A_189 : memref<10240x32xf32, #tpu.memory_space<hbm>>) target(%arg8 : memref<128x32xf32, #tpu.memory_space<vmem>>) offsets(%dma_start3A_186 : memref<128xi32, #tpu.memory_space<vmem>>) semaphore(%run_scoped3A_183 : memref<!tpu.dma_semaphore, #tpu.memory_space<semaphore_mem>>)
        %dma_wait3A_190 = arith.constant 0 : i32
        %dma_wait3A_191 = tpu.memref_slice %arg6[%run_scoped3A_181, %dma_wait3A_190] : memref<40x128xi32, #tpu.memory_space<vmem>> -> memref<1x128xi32, #tpu.memory_space<vmem>>
        %dma_wait3A_192 = tpu.memref_squeeze %dma_wait3A_191 : memref<1x128xi32, #tpu.memory_space<vmem>> -> memref<128xi32, #tpu.memory_space<vmem>>
        %dma_wait3A_193 = arith.constant 0 : i32
        %dma_wait3A_194 = arith.constant 0 : i32
        %dma_wait3A_195 = tpu.memref_slice %arg3[%dma_wait3A_193, %dma_wait3A_194] : memref<10240x32xf32, #tpu.memory_space<hbm>> -> memref<10240x32xf32, #tpu.memory_space<hbm>>
        tpu.wait_indirect_dma semaphore(%run_scoped3A_183 : memref<!tpu.dma_semaphore, #tpu.memory_space<semaphore_mem>>) src(%dma_wait3A_195 : memref<10240x32xf32, #tpu.memory_space<hbm>>) dst(%arg8 : memref<128x32xf32, #tpu.memory_space<vmem>>)
        tpu.yield
      }) : () -> ()
      %run_scoped3A_182 = arith.constant 39 : i32
      "tpu.region"() ({
        %run_scoped3A_183 = tpu.sem_alloc : memref<!tpu.dma_semaphore, #tpu.memory_space<semaphore_mem>>
        %dma_start3A_184 = arith.constant 0 : i32
        %dma_start3A_185 = tpu.memref_slice %arg7[%run_scoped3A_182, %dma_start3A_184] : memref<40x128xi32, #tpu.memory_space<vmem>> -> memref<1x128xi32, #tpu.memory_space<vmem>>
        %dma_start3A_186 = tpu.memref_squeeze %dma_start3A_185 : memref<1x128xi32, #tpu.memory_space<vmem>> -> memref<128xi32, #tpu.memory_space<vmem>>
        %dma_start3A_187 = arith.constant 0 : i32
        %dma_start3A_188 = arith.constant 0 : i32
        %dma_start3A_189 = tpu.memref_slice %arg20[%dma_start3A_187, %dma_start3A_188] : memref<10240x32xf32, #tpu.memory_space<vmem_shared>> -> memref<10240x32xf32, #tpu.memory_space<vmem_shared>>
        tpu.enqueue_indirect_dma source(%arg8 : memref<128x32xf32, #tpu.memory_space<vmem>>) target(%dma_start3A_189 : memref<10240x32xf32, #tpu.memory_space<vmem_shared>>) offsets(%dma_start3A_186 : memref<128xi32, #tpu.memory_space<vmem>>) semaphore(%run_scoped3A_183 : memref<!tpu.dma_semaphore, #tpu.memory_space<semaphore_mem>>) {add = true}
        %dma_wait3A_190 = arith.constant 0 : i32
        %dma_wait3A_191 = tpu.memref_slice %arg7[%run_scoped3A_182, %dma_wait3A_190] : memref<40x128xi32, #tpu.memory_space<vmem>> -> memref<1x128xi32, #tpu.memory_space<vmem>>
        %dma_wait3A_192 = tpu.memref_squeeze %dma_wait3A_191 : memref<1x128xi32, #tpu.memory_space<vmem>> -> memref<128xi32, #tpu.memory_space<vmem>>
        %dma_wait3A_193 = arith.constant 0 : i32
        %dma_wait3A_194 = arith.constant 0 : i32
        %dma_wait3A_195 = tpu.memref_slice %arg20[%dma_wait3A_193, %dma_wait3A_194] : memref<10240x32xf32, #tpu.memory_space<vmem_shared>> -> memref<10240x32xf32, #tpu.memory_space<vmem_shared>>
        tpu.wait_indirect_dma semaphore(%run_scoped3A_183 : memref<!tpu.dma_semaphore, #tpu.memory_space<semaphore_mem>>) src(%arg8 : memref<128x32xf32, #tpu.memory_space<vmem>>) dst(%dma_wait3A_195 : memref<10240x32xf32, #tpu.memory_space<vmem_shared>>)
        tpu.yield
      }) : () -> ()
    } else {
    }
    %barrier3A_176 = arith.constant 0 : index
    tpu.barrier barrier_id(%barrier3A_176)
    %mul3A_177 = arith.constant 640 : i32
    %mul3A_178 = arith.muli %arg1, %mul3A_177 : i32
    %mul3A_179 = arith.constant 640 : i32
    %mul3A_180 = arith.muli %arg1, %mul3A_179 : i32
    "tpu.region"() ({
      %run_scoped3A_181 = tpu.sem_alloc : memref<!tpu.dma_semaphore, #tpu.memory_space<semaphore_mem>>
      %dma_start3A_182 = arith.constant 0 : i32
      %dma_start3A_183 = tpu.memref_slice %arg5[%arg0, %mul3A_180, %dma_start3A_182] : memref<2x10240x32xf32, #tpu.memory_space<hbm>> -> memref<1x640x32xf32, #tpu.memory_space<hbm>>
      %dma_start3A_184 = tpu.memref_squeeze %dma_start3A_183 : memref<1x640x32xf32, #tpu.memory_space<hbm>> -> memref<640x32xf32, #tpu.memory_space<hbm>>
      %dma_start3A_185 = arith.constant 0 : i32
      %dma_start3A_186 = tpu.memref_slice %arg20[%mul3A_178, %dma_start3A_185] : memref<10240x32xf32, #tpu.memory_space<vmem_shared>> -> memref<640x32xf32, #tpu.memory_space<vmem_shared>>
      tpu.enqueue_dma source(%dma_start3A_186 : memref<640x32xf32, #tpu.memory_space<vmem_shared>>) target(%dma_start3A_184 : memref<640x32xf32, #tpu.memory_space<hbm>>) target_semaphore(%run_scoped3A_181 : memref<!tpu.dma_semaphore, #tpu.memory_space<semaphore_mem>>)
      %dma_wait3A_187 = arith.constant 0 : i32
      %dma_wait3A_188 = tpu.memref_slice %arg5[%arg0, %mul3A_180, %dma_wait3A_187] : memref<2x10240x32xf32, #tpu.memory_space<hbm>> -> memref<1x640x32xf32, #tpu.memory_space<hbm>>
      %dma_wait3A_189 = tpu.memref_squeeze %dma_wait3A_188 : memref<1x640x32xf32, #tpu.memory_space<hbm>> -> memref<640x32xf32, #tpu.memory_space<hbm>>
      %dma_wait3A_190 = arith.constant 0 : i32
      %dma_wait3A_191 = tpu.memref_slice %arg20[%mul3A_178, %dma_wait3A_190] : memref<10240x32xf32, #tpu.memory_space<vmem_shared>> -> memref<640x32xf32, #tpu.memory_space<vmem_shared>>
      tpu.wait_dma2 semaphore(%run_scoped3A_181 : memref<!tpu.dma_semaphore, #tpu.memory_space<semaphore_mem>>) src(%dma_wait3A_191 : memref<640x32xf32, #tpu.memory_space<vmem_shared>>) dst(%dma_wait3A_189 : memref<640x32xf32, #tpu.memory_space<hbm>>)
      tpu.yield
    }) : () -> ()
    return
  }
}

#map = affine_map<(d0, d1) -> (0, 0, 0)>
#map1 = affine_map<(d0, d1) -> (0, 0)>
module attributes {stable_mosaic.version = 14 : i64} {
  func.func @_sc_edge_pass_body(%arg0: i32, %arg1: i32, %arg2: memref<2x1250x128xi32, #tpu.memory_space<hbm>>, %arg3: memref<10240x32xf32, #tpu.memory_space<hbm>>, %arg4: memref<10240x32xf32, #tpu.memory_space<hbm>>, %arg5: memref<2x10240x32xf32, #tpu.memory_space<hbm>>, %arg6: memref<40x128xi32, #tpu.memory_space<vmem>>, %arg7: memref<40x128xi32, #tpu.memory_space<vmem>>, %arg8: memref<128x32xf32, #tpu.memory_space<vmem>>, %arg9: memref<128x32xf32, #tpu.memory_space<vmem>>, %arg10: memref<128x32xf32, #tpu.memory_space<vmem>>, %arg11: memref<128x32xf32, #tpu.memory_space<vmem>>, %arg12: memref<128x32xf32, #tpu.memory_space<vmem>>, %arg13: memref<128x32xf32, #tpu.memory_space<vmem>>, %arg14: memref<128x32xf32, #tpu.memory_space<vmem>>, %arg15: memref<128x32xf32, #tpu.memory_space<vmem>>, %arg16: memref<128x32xf32, #tpu.memory_space<vmem>>, %arg17: memref<128x32xf32, #tpu.memory_space<vmem>>, %arg18: memref<128x32xf32, #tpu.memory_space<vmem>>, %arg19: memref<128x32xf32, #tpu.memory_space<vmem>>, %arg20: memref<10240x32xf32, #tpu.memory_space<vmem_shared>>, %arg21: memref<!tpu.dma_semaphore, #tpu.memory_space<semaphore_mem>>, %arg22: memref<!tpu.dma_semaphore, #tpu.memory_space<semaphore_mem>>, %arg23: memref<!tpu.dma_semaphore, #tpu.memory_space<semaphore_mem>>, %arg24: memref<!tpu.dma_semaphore, #tpu.memory_space<semaphore_mem>>, %arg25: memref<!tpu.dma_semaphore, #tpu.memory_space<semaphore_mem>>, %arg26: memref<!tpu.dma_semaphore, #tpu.memory_space<semaphore_mem>>, %arg27: memref<!tpu.dma_semaphore, #tpu.memory_space<semaphore_mem>>, %arg28: memref<!tpu.dma_semaphore, #tpu.memory_space<semaphore_mem>>, %arg29: memref<!tpu.dma_semaphore, #tpu.memory_space<semaphore_mem>>, %arg30: memref<!tpu.dma_semaphore, #tpu.memory_space<semaphore_mem>>, %arg31: memref<!tpu.dma_semaphore, #tpu.memory_space<semaphore_mem>>, %arg32: memref<!tpu.dma_semaphore, #tpu.memory_space<semaphore_mem>>, %arg33: memref<!tpu.dma_semaphore, #tpu.memory_space<semaphore_mem>>, %arg34: memref<!tpu.dma_semaphore, #tpu.memory_space<semaphore_mem>>, %arg35: memref<!tpu.dma_semaphore, #tpu.memory_space<semaphore_mem>>, %arg36: memref<!tpu.dma_semaphore, #tpu.memory_space<semaphore_mem>>, %arg37: memref<!tpu.dma_semaphore, #tpu.memory_space<semaphore_mem>>, %arg38: memref<!tpu.dma_semaphore, #tpu.memory_space<semaphore_mem>>, %arg39: memref<!tpu.dma_semaphore, #tpu.memory_space<semaphore_mem>>, %arg40: memref<!tpu.dma_semaphore, #tpu.memory_space<semaphore_mem>>, %arg41: memref<!tpu.dma_semaphore, #tpu.memory_space<semaphore_mem>>, %arg42: memref<!tpu.dma_semaphore, #tpu.memory_space<semaphore_mem>>, %arg43: memref<!tpu.dma_semaphore, #tpu.memory_space<semaphore_mem>>, %arg44: memref<!tpu.dma_semaphore, #tpu.memory_space<semaphore_mem>>) attributes {dimension_semantics = [#tpu.dimension_semantics<core_parallel>, #tpu.dimension_semantics<subcore_parallel>], iteration_bounds = array<i64: 2, 16>, scalar_prefetch = 0 : i64, scratch_operands = 39 : i64, tpu.core_type = #tpu.core_type<sc_vector_subcore>, window_params = [{transform_indices = #map}, {transform_indices = #map1}, {transform_indices = #map1}, {transform_indices = #map}]} {
    %mul3A = arith.constant 16 : i32
    %mul3A_0 = arith.muli %arg0, %mul3A : i32
    %add3A = arith.addi %mul3A_0, %arg1 : i32
    %eq3A = arith.constant 0 : i32
    %eq3A_1 = arith.cmpi eq, %arg0, %eq3A : i32
    %convert_element_type3A = arith.extui %eq3A_1 : i1 to i32
    %cond3A = arith.constant 0 : i32
    %cond3A_2 = arith.cmpi ne, %convert_element_type3A, %cond3A : i32
    scf.if %cond3A_2 {
      %mul3A_181 = arith.constant 640 : i32
      %mul3A_182 = arith.muli %arg1, %mul3A_181 : i32
      %mul3A_183 = arith.constant 640 : i32
      %mul3A_184 = arith.muli %arg1, %mul3A_183 : i32
      "tpu.region"() ({
        %run_scoped3A_185 = tpu.sem_alloc : memref<!tpu.dma_semaphore, #tpu.memory_space<semaphore_mem>>
        %dma_start3A_186 = arith.constant 0 : i32
        %dma_start3A_187 = tpu.memref_slice %arg20[%mul3A_184, %dma_start3A_186] : memref<10240x32xf32, #tpu.memory_space<vmem_shared>> -> memref<640x32xf32, #tpu.memory_space<vmem_shared>>
        %dma_start3A_188 = arith.constant 0 : i32
        %dma_start3A_189 = tpu.memref_slice %arg3[%mul3A_182, %dma_start3A_188] : memref<10240x32xf32, #tpu.memory_space<hbm>> -> memref<640x32xf32, #tpu.memory_space<hbm>>
        tpu.enqueue_dma source(%dma_start3A_189 : memref<640x32xf32, #tpu.memory_space<hbm>>) target(%dma_start3A_187 : memref<640x32xf32, #tpu.memory_space<vmem_shared>>) target_semaphore(%run_scoped3A_185 : memref<!tpu.dma_semaphore, #tpu.memory_space<semaphore_mem>>)
        %dma_wait3A_190 = arith.constant 0 : i32
        %dma_wait3A_191 = tpu.memref_slice %arg20[%mul3A_184, %dma_wait3A_190] : memref<10240x32xf32, #tpu.memory_space<vmem_shared>> -> memref<640x32xf32, #tpu.memory_space<vmem_shared>>
        %dma_wait3A_192 = arith.constant 0 : i32
        %dma_wait3A_193 = tpu.memref_slice %arg3[%mul3A_182, %dma_wait3A_192] : memref<10240x32xf32, #tpu.memory_space<hbm>> -> memref<640x32xf32, #tpu.memory_space<hbm>>
        tpu.wait_dma2 semaphore(%run_scoped3A_185 : memref<!tpu.dma_semaphore, #tpu.memory_space<semaphore_mem>>) src(%dma_wait3A_193 : memref<640x32xf32, #tpu.memory_space<hbm>>) dst(%dma_wait3A_191 : memref<640x32xf32, #tpu.memory_space<vmem_shared>>)
        tpu.yield
      }) : () -> ()
    } else {
    }
    %ne3A = arith.constant 0 : i32
    %ne3A_3 = arith.cmpi ne, %arg0, %ne3A : i32
    %convert_element_type3A_4 = arith.extui %ne3A_3 : i1 to i32
    %cond3A_5 = arith.constant 0 : i32
    %cond3A_6 = arith.cmpi ne, %convert_element_type3A_4, %cond3A_5 : i32
    scf.if %cond3A_6 {
      %mul3A_181 = arith.constant 640 : i32
      %mul3A_182 = arith.muli %arg1, %mul3A_181 : i32
      %mul3A_183 = arith.constant 640 : i32
      %mul3A_184 = arith.muli %arg1, %mul3A_183 : i32
      "tpu.region"() ({
        %run_scoped3A_185 = tpu.sem_alloc : memref<!tpu.dma_semaphore, #tpu.memory_space<semaphore_mem>>
        %dma_start3A_186 = arith.constant 0 : i32
        %dma_start3A_187 = tpu.memref_slice %arg20[%mul3A_184, %dma_start3A_186] : memref<10240x32xf32, #tpu.memory_space<vmem_shared>> -> memref<640x32xf32, #tpu.memory_space<vmem_shared>>
        %dma_start3A_188 = arith.constant 0 : i32
        %dma_start3A_189 = tpu.memref_slice %arg4[%mul3A_182, %dma_start3A_188] : memref<10240x32xf32, #tpu.memory_space<hbm>> -> memref<640x32xf32, #tpu.memory_space<hbm>>
        tpu.enqueue_dma source(%dma_start3A_189 : memref<640x32xf32, #tpu.memory_space<hbm>>) target(%dma_start3A_187 : memref<640x32xf32, #tpu.memory_space<vmem_shared>>) target_semaphore(%run_scoped3A_185 : memref<!tpu.dma_semaphore, #tpu.memory_space<semaphore_mem>>)
        %dma_wait3A_190 = arith.constant 0 : i32
        %dma_wait3A_191 = tpu.memref_slice %arg20[%mul3A_184, %dma_wait3A_190] : memref<10240x32xf32, #tpu.memory_space<vmem_shared>> -> memref<640x32xf32, #tpu.memory_space<vmem_shared>>
        %dma_wait3A_192 = arith.constant 0 : i32
        %dma_wait3A_193 = tpu.memref_slice %arg4[%mul3A_182, %dma_wait3A_192] : memref<10240x32xf32, #tpu.memory_space<hbm>> -> memref<640x32xf32, #tpu.memory_space<hbm>>
        tpu.wait_dma2 semaphore(%run_scoped3A_185 : memref<!tpu.dma_semaphore, #tpu.memory_space<semaphore_mem>>) src(%dma_wait3A_193 : memref<640x32xf32, #tpu.memory_space<hbm>>) dst(%dma_wait3A_191 : memref<640x32xf32, #tpu.memory_space<vmem_shared>>)
        tpu.yield
      }) : () -> ()
    } else {
    }
    %mul3A_7 = arith.constant 39 : i32
    %mul3A_8 = arith.muli %add3A, %mul3A_7 : i32
    %run_scoped3A = arith.constant 0 : i32
    "tpu.region"() ({
      %run_scoped3A_181 = tpu.sem_alloc : memref<!tpu.dma_semaphore, #tpu.memory_space<semaphore_mem>>
      %dma_start3A_182 = arith.constant 0 : i32
      %dma_start3A_183 = arith.constant 0 : i32
      %dma_start3A_184 = tpu.memref_slice %arg6[%dma_start3A_182, %dma_start3A_183] : memref<40x128xi32, #tpu.memory_space<vmem>> -> memref<39x128xi32, #tpu.memory_space<vmem>>
      %dma_start3A_185 = arith.constant 0 : i32
      %dma_start3A_186 = tpu.memref_slice %arg2[%run_scoped3A, %mul3A_8, %dma_start3A_185] : memref<2x1250x128xi32, #tpu.memory_space<hbm>> -> memref<1x39x128xi32, #tpu.memory_space<hbm>>
      %dma_start3A_187 = tpu.memref_squeeze %dma_start3A_186 : memref<1x39x128xi32, #tpu.memory_space<hbm>> -> memref<39x128xi32, #tpu.memory_space<hbm>>
      %dma_start3A_188 = arith.constant 0 : i32
      %dma_start3A_189 = arith.constant 0 : i32
      %dma_start3A_190 = tpu.memref_slice %arg6[%dma_start3A_188, %dma_start3A_189] : memref<40x128xi32, #tpu.memory_space<vmem>> -> memref<39x128xi32, #tpu.memory_space<vmem>>
      %dma_start3A_191 = arith.constant 0 : i32
      %dma_start3A_192 = tpu.memref_slice %arg2[%run_scoped3A, %mul3A_8, %dma_start3A_191] : memref<2x1250x128xi32, #tpu.memory_space<hbm>> -> memref<1x39x128xi32, #tpu.memory_space<hbm>>
      %dma_start3A_193 = tpu.memref_squeeze %dma_start3A_192 : memref<1x39x128xi32, #tpu.memory_space<hbm>> -> memref<39x128xi32, #tpu.memory_space<hbm>>
      tpu.enqueue_dma source(%dma_start3A_193 : memref<39x128xi32, #tpu.memory_space<hbm>>) target(%dma_start3A_190 : memref<39x128xi32, #tpu.memory_space<vmem>>) target_semaphore(%run_scoped3A_181 : memref<!tpu.dma_semaphore, #tpu.memory_space<semaphore_mem>>)
      %dma_wait3A_194 = arith.constant 0 : i32
      %dma_wait3A_195 = arith.constant 0 : i32
      %dma_wait3A_196 = tpu.memref_slice %arg6[%dma_wait3A_194, %dma_wait3A_195] : memref<40x128xi32, #tpu.memory_space<vmem>> -> memref<39x128xi32, #tpu.memory_space<vmem>>
      %dma_wait3A_197 = arith.constant 0 : i32
      %dma_wait3A_198 = tpu.memref_slice %arg2[%run_scoped3A, %mul3A_8, %dma_wait3A_197] : memref<2x1250x128xi32, #tpu.memory_space<hbm>> -> memref<1x39x128xi32, #tpu.memory_space<hbm>>
      %dma_wait3A_199 = tpu.memref_squeeze %dma_wait3A_198 : memref<1x39x128xi32, #tpu.memory_space<hbm>> -> memref<39x128xi32, #tpu.memory_space<hbm>>
      %dma_wait3A_200 = arith.constant 0 : i32
      %dma_wait3A_201 = arith.constant 0 : i32
      %dma_wait3A_202 = tpu.memref_slice %arg6[%dma_wait3A_200, %dma_wait3A_201] : memref<40x128xi32, #tpu.memory_space<vmem>> -> memref<39x128xi32, #tpu.memory_space<vmem>>
      %dma_wait3A_203 = arith.constant 0 : i32
      %dma_wait3A_204 = tpu.memref_slice %arg2[%run_scoped3A, %mul3A_8, %dma_wait3A_203] : memref<2x1250x128xi32, #tpu.memory_space<hbm>> -> memref<1x39x128xi32, #tpu.memory_space<hbm>>
      %dma_wait3A_205 = tpu.memref_squeeze %dma_wait3A_204 : memref<1x39x128xi32, #tpu.memory_space<hbm>> -> memref<39x128xi32, #tpu.memory_space<hbm>>
      tpu.wait_dma2 semaphore(%run_scoped3A_181 : memref<!tpu.dma_semaphore, #tpu.memory_space<semaphore_mem>>) src(%dma_wait3A_205 : memref<39x128xi32, #tpu.memory_space<hbm>>) dst(%dma_wait3A_202 : memref<39x128xi32, #tpu.memory_space<vmem>>)
      tpu.yield
    }) : () -> ()
    %lt3A = arith.constant 2 : i32
    %lt3A_9 = arith.cmpi slt, %add3A, %lt3A : i32
    %convert_element_type3A_10 = arith.extui %lt3A_9 : i1 to i32
    %cond3A_11 = arith.constant 0 : i32
    %cond3A_12 = arith.cmpi ne, %convert_element_type3A_10, %cond3A_11 : i32
    scf.if %cond3A_12 {
      %add3A_181 = arith.constant 1248 : i32
      %add3A_182 = arith.addi %add3A_181, %add3A : i32
      %run_scoped3A_183 = arith.constant 0 : i32
      "tpu.region"() ({
        %run_scoped3A_184 = tpu.sem_alloc : memref<!tpu.dma_semaphore, #tpu.memory_space<semaphore_mem>>
        %dma_start3A_185 = arith.constant 39 : i32
        %dma_start3A_186 = arith.constant 0 : i32
        %dma_start3A_187 = tpu.memref_slice %arg6[%dma_start3A_185, %dma_start3A_186] : memref<40x128xi32, #tpu.memory_space<vmem>> -> memref<1x128xi32, #tpu.memory_space<vmem>>
        %dma_start3A_188 = arith.constant 0 : i32
        %dma_start3A_189 = tpu.memref_slice %arg2[%run_scoped3A_183, %add3A_182, %dma_start3A_188] : memref<2x1250x128xi32, #tpu.memory_space<hbm>> -> memref<1x1x128xi32, #tpu.memory_space<hbm>>
        %dma_start3A_190 = tpu.memref_squeeze %dma_start3A_189 : memref<1x1x128xi32, #tpu.memory_space<hbm>> -> memref<1x128xi32, #tpu.memory_space<hbm>>
        %dma_start3A_191 = arith.constant 39 : i32
        %dma_start3A_192 = arith.constant 0 : i32
        %dma_start3A_193 = tpu.memref_slice %arg6[%dma_start3A_191, %dma_start3A_192] : memref<40x128xi32, #tpu.memory_space<vmem>> -> memref<1x128xi32, #tpu.memory_space<vmem>>
        %dma_start3A_194 = arith.constant 0 : i32
        %dma_start3A_195 = tpu.memref_slice %arg2[%run_scoped3A_183, %add3A_182, %dma_start3A_194] : memref<2x1250x128xi32, #tpu.memory_space<hbm>> -> memref<1x1x128xi32, #tpu.memory_space<hbm>>
        %dma_start3A_196 = tpu.memref_squeeze %dma_start3A_195 : memref<1x1x128xi32, #tpu.memory_space<hbm>> -> memref<1x128xi32, #tpu.memory_space<hbm>>
        tpu.enqueue_dma source(%dma_start3A_196 : memref<1x128xi32, #tpu.memory_space<hbm>>) target(%dma_start3A_193 : memref<1x128xi32, #tpu.memory_space<vmem>>) target_semaphore(%run_scoped3A_184 : memref<!tpu.dma_semaphore, #tpu.memory_space<semaphore_mem>>)
        %dma_wait3A_197 = arith.constant 39 : i32
        %dma_wait3A_198 = arith.constant 0 : i32
        %dma_wait3A_199 = tpu.memref_slice %arg6[%dma_wait3A_197, %dma_wait3A_198] : memref<40x128xi32, #tpu.memory_space<vmem>> -> memref<1x128xi32, #tpu.memory_space<vmem>>
        %dma_wait3A_200 = arith.constant 0 : i32
        %dma_wait3A_201 = tpu.memref_slice %arg2[%run_scoped3A_183, %add3A_182, %dma_wait3A_200] : memref<2x1250x128xi32, #tpu.memory_space<hbm>> -> memref<1x1x128xi32, #tpu.memory_space<hbm>>
        %dma_wait3A_202 = tpu.memref_squeeze %dma_wait3A_201 : memref<1x1x128xi32, #tpu.memory_space<hbm>> -> memref<1x128xi32, #tpu.memory_space<hbm>>
        %dma_wait3A_203 = arith.constant 39 : i32
        %dma_wait3A_204 = arith.constant 0 : i32
        %dma_wait3A_205 = tpu.memref_slice %arg6[%dma_wait3A_203, %dma_wait3A_204] : memref<40x128xi32, #tpu.memory_space<vmem>> -> memref<1x128xi32, #tpu.memory_space<vmem>>
        %dma_wait3A_206 = arith.constant 0 : i32
        %dma_wait3A_207 = tpu.memref_slice %arg2[%run_scoped3A_183, %add3A_182, %dma_wait3A_206] : memref<2x1250x128xi32, #tpu.memory_space<hbm>> -> memref<1x1x128xi32, #tpu.memory_space<hbm>>
        %dma_wait3A_208 = tpu.memref_squeeze %dma_wait3A_207 : memref<1x1x128xi32, #tpu.memory_space<hbm>> -> memref<1x128xi32, #tpu.memory_space<hbm>>
        tpu.wait_dma2 semaphore(%run_scoped3A_184 : memref<!tpu.dma_semaphore, #tpu.memory_space<semaphore_mem>>) src(%dma_wait3A_208 : memref<1x128xi32, #tpu.memory_space<hbm>>) dst(%dma_wait3A_205 : memref<1x128xi32, #tpu.memory_space<vmem>>)
        tpu.yield
      }) : () -> ()
    } else {
    }
    %mul3A_13 = arith.constant 39 : i32
    %mul3A_14 = arith.muli %add3A, %mul3A_13 : i32
    %run_scoped3A_15 = arith.constant 1 : i32
    "tpu.region"() ({
      %run_scoped3A_181 = tpu.sem_alloc : memref<!tpu.dma_semaphore, #tpu.memory_space<semaphore_mem>>
      %dma_start3A_182 = arith.constant 0 : i32
      %dma_start3A_183 = arith.constant 0 : i32
      %dma_start3A_184 = tpu.memref_slice %arg7[%dma_start3A_182, %dma_start3A_183] : memref<40x128xi32, #tpu.memory_space<vmem>> -> memref<39x128xi32, #tpu.memory_space<vmem>>
      %dma_start3A_185 = arith.constant 0 : i32
      %dma_start3A_186 = tpu.memref_slice %arg2[%run_scoped3A_15, %mul3A_14, %dma_start3A_185] : memref<2x1250x128xi32, #tpu.memory_space<hbm>> -> memref<1x39x128xi32, #tpu.memory_space<hbm>>
      %dma_start3A_187 = tpu.memref_squeeze %dma_start3A_186 : memref<1x39x128xi32, #tpu.memory_space<hbm>> -> memref<39x128xi32, #tpu.memory_space<hbm>>
      %dma_start3A_188 = arith.constant 0 : i32
      %dma_start3A_189 = arith.constant 0 : i32
      %dma_start3A_190 = tpu.memref_slice %arg7[%dma_start3A_188, %dma_start3A_189] : memref<40x128xi32, #tpu.memory_space<vmem>> -> memref<39x128xi32, #tpu.memory_space<vmem>>
      %dma_start3A_191 = arith.constant 0 : i32
      %dma_start3A_192 = tpu.memref_slice %arg2[%run_scoped3A_15, %mul3A_14, %dma_start3A_191] : memref<2x1250x128xi32, #tpu.memory_space<hbm>> -> memref<1x39x128xi32, #tpu.memory_space<hbm>>
      %dma_start3A_193 = tpu.memref_squeeze %dma_start3A_192 : memref<1x39x128xi32, #tpu.memory_space<hbm>> -> memref<39x128xi32, #tpu.memory_space<hbm>>
      tpu.enqueue_dma source(%dma_start3A_193 : memref<39x128xi32, #tpu.memory_space<hbm>>) target(%dma_start3A_190 : memref<39x128xi32, #tpu.memory_space<vmem>>) target_semaphore(%run_scoped3A_181 : memref<!tpu.dma_semaphore, #tpu.memory_space<semaphore_mem>>)
      %dma_wait3A_194 = arith.constant 0 : i32
      %dma_wait3A_195 = arith.constant 0 : i32
      %dma_wait3A_196 = tpu.memref_slice %arg7[%dma_wait3A_194, %dma_wait3A_195] : memref<40x128xi32, #tpu.memory_space<vmem>> -> memref<39x128xi32, #tpu.memory_space<vmem>>
      %dma_wait3A_197 = arith.constant 0 : i32
      %dma_wait3A_198 = tpu.memref_slice %arg2[%run_scoped3A_15, %mul3A_14, %dma_wait3A_197] : memref<2x1250x128xi32, #tpu.memory_space<hbm>> -> memref<1x39x128xi32, #tpu.memory_space<hbm>>
      %dma_wait3A_199 = tpu.memref_squeeze %dma_wait3A_198 : memref<1x39x128xi32, #tpu.memory_space<hbm>> -> memref<39x128xi32, #tpu.memory_space<hbm>>
      %dma_wait3A_200 = arith.constant 0 : i32
      %dma_wait3A_201 = arith.constant 0 : i32
      %dma_wait3A_202 = tpu.memref_slice %arg7[%dma_wait3A_200, %dma_wait3A_201] : memref<40x128xi32, #tpu.memory_space<vmem>> -> memref<39x128xi32, #tpu.memory_space<vmem>>
      %dma_wait3A_203 = arith.constant 0 : i32
      %dma_wait3A_204 = tpu.memref_slice %arg2[%run_scoped3A_15, %mul3A_14, %dma_wait3A_203] : memref<2x1250x128xi32, #tpu.memory_space<hbm>> -> memref<1x39x128xi32, #tpu.memory_space<hbm>>
      %dma_wait3A_205 = tpu.memref_squeeze %dma_wait3A_204 : memref<1x39x128xi32, #tpu.memory_space<hbm>> -> memref<39x128xi32, #tpu.memory_space<hbm>>
      tpu.wait_dma2 semaphore(%run_scoped3A_181 : memref<!tpu.dma_semaphore, #tpu.memory_space<semaphore_mem>>) src(%dma_wait3A_205 : memref<39x128xi32, #tpu.memory_space<hbm>>) dst(%dma_wait3A_202 : memref<39x128xi32, #tpu.memory_space<vmem>>)
      tpu.yield
    }) : () -> ()
    %lt3A_16 = arith.constant 2 : i32
    %lt3A_17 = arith.cmpi slt, %add3A, %lt3A_16 : i32
    %convert_element_type3A_18 = arith.extui %lt3A_17 : i1 to i32
    %cond3A_19 = arith.constant 0 : i32
    %cond3A_20 = arith.cmpi ne, %convert_element_type3A_18, %cond3A_19 : i32
    scf.if %cond3A_20 {
      %add3A_181 = arith.constant 1248 : i32
      %add3A_182 = arith.addi %add3A_181, %add3A : i32
      %run_scoped3A_183 = arith.constant 1 : i32
      "tpu.region"() ({
        %run_scoped3A_184 = tpu.sem_alloc : memref<!tpu.dma_semaphore, #tpu.memory_space<semaphore_mem>>
        %dma_start3A_185 = arith.constant 39 : i32
        %dma_start3A_186 = arith.constant 0 : i32
        %dma_start3A_187 = tpu.memref_slice %arg7[%dma_start3A_185, %dma_start3A_186] : memref<40x128xi32, #tpu.memory_space<vmem>> -> memref<1x128xi32, #tpu.memory_space<vmem>>
        %dma_start3A_188 = arith.constant 0 : i32
        %dma_start3A_189 = tpu.memref_slice %arg2[%run_scoped3A_183, %add3A_182, %dma_start3A_188] : memref<2x1250x128xi32, #tpu.memory_space<hbm>> -> memref<1x1x128xi32, #tpu.memory_space<hbm>>
        %dma_start3A_190 = tpu.memref_squeeze %dma_start3A_189 : memref<1x1x128xi32, #tpu.memory_space<hbm>> -> memref<1x128xi32, #tpu.memory_space<hbm>>
        %dma_start3A_191 = arith.constant 39 : i32
        %dma_start3A_192 = arith.constant 0 : i32
        %dma_start3A_193 = tpu.memref_slice %arg7[%dma_start3A_191, %dma_start3A_192] : memref<40x128xi32, #tpu.memory_space<vmem>> -> memref<1x128xi32, #tpu.memory_space<vmem>>
        %dma_start3A_194 = arith.constant 0 : i32
        %dma_start3A_195 = tpu.memref_slice %arg2[%run_scoped3A_183, %add3A_182, %dma_start3A_194] : memref<2x1250x128xi32, #tpu.memory_space<hbm>> -> memref<1x1x128xi32, #tpu.memory_space<hbm>>
        %dma_start3A_196 = tpu.memref_squeeze %dma_start3A_195 : memref<1x1x128xi32, #tpu.memory_space<hbm>> -> memref<1x128xi32, #tpu.memory_space<hbm>>
        tpu.enqueue_dma source(%dma_start3A_196 : memref<1x128xi32, #tpu.memory_space<hbm>>) target(%dma_start3A_193 : memref<1x128xi32, #tpu.memory_space<vmem>>) target_semaphore(%run_scoped3A_184 : memref<!tpu.dma_semaphore, #tpu.memory_space<semaphore_mem>>)
        %dma_wait3A_197 = arith.constant 39 : i32
        %dma_wait3A_198 = arith.constant 0 : i32
        %dma_wait3A_199 = tpu.memref_slice %arg7[%dma_wait3A_197, %dma_wait3A_198] : memref<40x128xi32, #tpu.memory_space<vmem>> -> memref<1x128xi32, #tpu.memory_space<vmem>>
        %dma_wait3A_200 = arith.constant 0 : i32
        %dma_wait3A_201 = tpu.memref_slice %arg2[%run_scoped3A_183, %add3A_182, %dma_wait3A_200] : memref<2x1250x128xi32, #tpu.memory_space<hbm>> -> memref<1x1x128xi32, #tpu.memory_space<hbm>>
        %dma_wait3A_202 = tpu.memref_squeeze %dma_wait3A_201 : memref<1x1x128xi32, #tpu.memory_space<hbm>> -> memref<1x128xi32, #tpu.memory_space<hbm>>
        %dma_wait3A_203 = arith.constant 39 : i32
        %dma_wait3A_204 = arith.constant 0 : i32
        %dma_wait3A_205 = tpu.memref_slice %arg7[%dma_wait3A_203, %dma_wait3A_204] : memref<40x128xi32, #tpu.memory_space<vmem>> -> memref<1x128xi32, #tpu.memory_space<vmem>>
        %dma_wait3A_206 = arith.constant 0 : i32
        %dma_wait3A_207 = tpu.memref_slice %arg2[%run_scoped3A_183, %add3A_182, %dma_wait3A_206] : memref<2x1250x128xi32, #tpu.memory_space<hbm>> -> memref<1x1x128xi32, #tpu.memory_space<hbm>>
        %dma_wait3A_208 = tpu.memref_squeeze %dma_wait3A_207 : memref<1x1x128xi32, #tpu.memory_space<hbm>> -> memref<1x128xi32, #tpu.memory_space<hbm>>
        tpu.wait_dma2 semaphore(%run_scoped3A_184 : memref<!tpu.dma_semaphore, #tpu.memory_space<semaphore_mem>>) src(%dma_wait3A_208 : memref<1x128xi32, #tpu.memory_space<hbm>>) dst(%dma_wait3A_205 : memref<1x128xi32, #tpu.memory_space<vmem>>)
        tpu.yield
      }) : () -> ()
    } else {
    }
    %dma_start3A = arith.constant 0 : i32
    %dma_start3A_21 = arith.constant 0 : i32
    %dma_start3A_22 = tpu.memref_slice %arg6[%dma_start3A, %dma_start3A_21] : memref<40x128xi32, #tpu.memory_space<vmem>> -> memref<1x128xi32, #tpu.memory_space<vmem>>
    %dma_start3A_23 = tpu.memref_squeeze %dma_start3A_22 : memref<1x128xi32, #tpu.memory_space<vmem>> -> memref<128xi32, #tpu.memory_space<vmem>>
    %dma_start3A_24 = arith.constant 0 : i32
    %dma_start3A_25 = arith.constant 0 : i32
    %dma_start3A_26 = tpu.memref_slice %arg3[%dma_start3A_24, %dma_start3A_25] : memref<10240x32xf32, #tpu.memory_space<hbm>> -> memref<10240x32xf32, #tpu.memory_space<hbm>>
    tpu.enqueue_indirect_dma source(%dma_start3A_26 : memref<10240x32xf32, #tpu.memory_space<hbm>>) target(%arg8 : memref<128x32xf32, #tpu.memory_space<vmem>>) offsets(%dma_start3A_23 : memref<128xi32, #tpu.memory_space<vmem>>) semaphore(%arg21 : memref<!tpu.dma_semaphore, #tpu.memory_space<semaphore_mem>>)
    %dma_start3A_27 = arith.constant 1 : i32
    %dma_start3A_28 = arith.constant 0 : i32
    %dma_start3A_29 = tpu.memref_slice %arg6[%dma_start3A_27, %dma_start3A_28] : memref<40x128xi32, #tpu.memory_space<vmem>> -> memref<1x128xi32, #tpu.memory_space<vmem>>
    %dma_start3A_30 = tpu.memref_squeeze %dma_start3A_29 : memref<1x128xi32, #tpu.memory_space<vmem>> -> memref<128xi32, #tpu.memory_space<vmem>>
    %dma_start3A_31 = arith.constant 0 : i32
    %dma_start3A_32 = arith.constant 0 : i32
    %dma_start3A_33 = tpu.memref_slice %arg3[%dma_start3A_31, %dma_start3A_32] : memref<10240x32xf32, #tpu.memory_space<hbm>> -> memref<10240x32xf32, #tpu.memory_space<hbm>>
    tpu.enqueue_indirect_dma source(%dma_start3A_33 : memref<10240x32xf32, #tpu.memory_space<hbm>>) target(%arg9 : memref<128x32xf32, #tpu.memory_space<vmem>>) offsets(%dma_start3A_30 : memref<128xi32, #tpu.memory_space<vmem>>) semaphore(%arg22 : memref<!tpu.dma_semaphore, #tpu.memory_space<semaphore_mem>>)
    %dma_start3A_34 = arith.constant 2 : i32
    %dma_start3A_35 = arith.constant 0 : i32
    %dma_start3A_36 = tpu.memref_slice %arg6[%dma_start3A_34, %dma_start3A_35] : memref<40x128xi32, #tpu.memory_space<vmem>> -> memref<1x128xi32, #tpu.memory_space<vmem>>
    %dma_start3A_37 = tpu.memref_squeeze %dma_start3A_36 : memref<1x128xi32, #tpu.memory_space<vmem>> -> memref<128xi32, #tpu.memory_space<vmem>>
    %dma_start3A_38 = arith.constant 0 : i32
    %dma_start3A_39 = arith.constant 0 : i32
    %dma_start3A_40 = tpu.memref_slice %arg3[%dma_start3A_38, %dma_start3A_39] : memref<10240x32xf32, #tpu.memory_space<hbm>> -> memref<10240x32xf32, #tpu.memory_space<hbm>>
    tpu.enqueue_indirect_dma source(%dma_start3A_40 : memref<10240x32xf32, #tpu.memory_space<hbm>>) target(%arg10 : memref<128x32xf32, #tpu.memory_space<vmem>>) offsets(%dma_start3A_37 : memref<128xi32, #tpu.memory_space<vmem>>) semaphore(%arg23 : memref<!tpu.dma_semaphore, #tpu.memory_space<semaphore_mem>>)
    %dma_start3A_41 = arith.constant 3 : i32
    %dma_start3A_42 = arith.constant 0 : i32
    %dma_start3A_43 = tpu.memref_slice %arg6[%dma_start3A_41, %dma_start3A_42] : memref<40x128xi32, #tpu.memory_space<vmem>> -> memref<1x128xi32, #tpu.memory_space<vmem>>
    %dma_start3A_44 = tpu.memref_squeeze %dma_start3A_43 : memref<1x128xi32, #tpu.memory_space<vmem>> -> memref<128xi32, #tpu.memory_space<vmem>>
    %dma_start3A_45 = arith.constant 0 : i32
    %dma_start3A_46 = arith.constant 0 : i32
    %dma_start3A_47 = tpu.memref_slice %arg3[%dma_start3A_45, %dma_start3A_46] : memref<10240x32xf32, #tpu.memory_space<hbm>> -> memref<10240x32xf32, #tpu.memory_space<hbm>>
    tpu.enqueue_indirect_dma source(%dma_start3A_47 : memref<10240x32xf32, #tpu.memory_space<hbm>>) target(%arg11 : memref<128x32xf32, #tpu.memory_space<vmem>>) offsets(%dma_start3A_44 : memref<128xi32, #tpu.memory_space<vmem>>) semaphore(%arg24 : memref<!tpu.dma_semaphore, #tpu.memory_space<semaphore_mem>>)
    %dma_start3A_48 = arith.constant 4 : i32
    %dma_start3A_49 = arith.constant 0 : i32
    %dma_start3A_50 = tpu.memref_slice %arg6[%dma_start3A_48, %dma_start3A_49] : memref<40x128xi32, #tpu.memory_space<vmem>> -> memref<1x128xi32, #tpu.memory_space<vmem>>
    %dma_start3A_51 = tpu.memref_squeeze %dma_start3A_50 : memref<1x128xi32, #tpu.memory_space<vmem>> -> memref<128xi32, #tpu.memory_space<vmem>>
    %dma_start3A_52 = arith.constant 0 : i32
    %dma_start3A_53 = arith.constant 0 : i32
    %dma_start3A_54 = tpu.memref_slice %arg3[%dma_start3A_52, %dma_start3A_53] : memref<10240x32xf32, #tpu.memory_space<hbm>> -> memref<10240x32xf32, #tpu.memory_space<hbm>>
    tpu.enqueue_indirect_dma source(%dma_start3A_54 : memref<10240x32xf32, #tpu.memory_space<hbm>>) target(%arg12 : memref<128x32xf32, #tpu.memory_space<vmem>>) offsets(%dma_start3A_51 : memref<128xi32, #tpu.memory_space<vmem>>) semaphore(%arg25 : memref<!tpu.dma_semaphore, #tpu.memory_space<semaphore_mem>>)
    %dma_start3A_55 = arith.constant 5 : i32
    %dma_start3A_56 = arith.constant 0 : i32
    %dma_start3A_57 = tpu.memref_slice %arg6[%dma_start3A_55, %dma_start3A_56] : memref<40x128xi32, #tpu.memory_space<vmem>> -> memref<1x128xi32, #tpu.memory_space<vmem>>
    %dma_start3A_58 = tpu.memref_squeeze %dma_start3A_57 : memref<1x128xi32, #tpu.memory_space<vmem>> -> memref<128xi32, #tpu.memory_space<vmem>>
    %dma_start3A_59 = arith.constant 0 : i32
    %dma_start3A_60 = arith.constant 0 : i32
    %dma_start3A_61 = tpu.memref_slice %arg3[%dma_start3A_59, %dma_start3A_60] : memref<10240x32xf32, #tpu.memory_space<hbm>> -> memref<10240x32xf32, #tpu.memory_space<hbm>>
    tpu.enqueue_indirect_dma source(%dma_start3A_61 : memref<10240x32xf32, #tpu.memory_space<hbm>>) target(%arg13 : memref<128x32xf32, #tpu.memory_space<vmem>>) offsets(%dma_start3A_58 : memref<128xi32, #tpu.memory_space<vmem>>) semaphore(%arg26 : memref<!tpu.dma_semaphore, #tpu.memory_space<semaphore_mem>>)
    %barrier3A = arith.constant 0 : index
    tpu.barrier barrier_id(%barrier3A)
    %scan3A = arith.constant 0 : i32
    %scan3A_62 = arith.constant 0 : i32
    %scan3A_63 = arith.constant 3 : i32
    %scan3A_64 = arith.addi %scan3A_62, %scan3A_63 : i32
    %scan3A_65 = arith.constant 1 : i32
    scf.for %scan3A_181 = %scan3A_62 to %scan3A_64 step %scan3A_65  : i32 {
      %mul3A_182 = arith.constant 12 : i32
      %mul3A_183 = arith.muli %scan3A_181, %mul3A_182 : i32
      %add3A_184 = arith.constant 0 : i32
      %add3A_185 = arith.addi %mul3A_183, %add3A_184 : i32
      %dma_wait3A_186 = arith.constant 0 : i32
      %dma_wait3A_187 = tpu.memref_slice %arg6[%add3A_185, %dma_wait3A_186] : memref<40x128xi32, #tpu.memory_space<vmem>> -> memref<1x128xi32, #tpu.memory_space<vmem>>
      %dma_wait3A_188 = tpu.memref_squeeze %dma_wait3A_187 : memref<1x128xi32, #tpu.memory_space<vmem>> -> memref<128xi32, #tpu.memory_space<vmem>>
      %dma_wait3A_189 = arith.constant 0 : i32
      %dma_wait3A_190 = arith.constant 0 : i32
      %dma_wait3A_191 = tpu.memref_slice %arg3[%dma_wait3A_189, %dma_wait3A_190] : memref<10240x32xf32, #tpu.memory_space<hbm>> -> memref<10240x32xf32, #tpu.memory_space<hbm>>
      tpu.wait_indirect_dma semaphore(%arg21 : memref<!tpu.dma_semaphore, #tpu.memory_space<semaphore_mem>>) src(%dma_wait3A_191 : memref<10240x32xf32, #tpu.memory_space<hbm>>) dst(%arg8 : memref<128x32xf32, #tpu.memory_space<vmem>>)
      %dma_start3A_192 = arith.constant 0 : i32
      %dma_start3A_193 = tpu.memref_slice %arg7[%add3A_185, %dma_start3A_192] : memref<40x128xi32, #tpu.memory_space<vmem>> -> memref<1x128xi32, #tpu.memory_space<vmem>>
      %dma_start3A_194 = tpu.memref_squeeze %dma_start3A_193 : memref<1x128xi32, #tpu.memory_space<vmem>> -> memref<128xi32, #tpu.memory_space<vmem>>
      %dma_start3A_195 = arith.constant 0 : i32
      %dma_start3A_196 = arith.constant 0 : i32
      %dma_start3A_197 = tpu.memref_slice %arg20[%dma_start3A_195, %dma_start3A_196] : memref<10240x32xf32, #tpu.memory_space<vmem_shared>> -> memref<10240x32xf32, #tpu.memory_space<vmem_shared>>
      tpu.enqueue_indirect_dma source(%arg8 : memref<128x32xf32, #tpu.memory_space<vmem>>) target(%dma_start3A_197 : memref<10240x32xf32, #tpu.memory_space<vmem_shared>>) offsets(%dma_start3A_194 : memref<128xi32, #tpu.memory_space<vmem>>) semaphore(%arg33 : memref<!tpu.dma_semaphore, #tpu.memory_space<semaphore_mem>>) {add = true}
      %ge3A = arith.constant 6 : i32
      %ge3A_198 = arith.cmpi sge, %add3A_185, %ge3A : i32
      %convert_element_type3A_199 = arith.extui %ge3A_198 : i1 to i32
      %cond3A_200 = arith.constant 0 : i32
      %cond3A_201 = arith.cmpi ne, %convert_element_type3A_199, %cond3A_200 : i32
      scf.if %cond3A_201 {
        %sub3A = arith.constant 6 : i32
        %sub3A_517 = arith.subi %add3A_185, %sub3A : i32
        %dma_wait3A_518 = arith.constant 0 : i32
        %dma_wait3A_519 = tpu.memref_slice %arg7[%sub3A_517, %dma_wait3A_518] : memref<40x128xi32, #tpu.memory_space<vmem>> -> memref<1x128xi32, #tpu.memory_space<vmem>>
        %dma_wait3A_520 = tpu.memref_squeeze %dma_wait3A_519 : memref<1x128xi32, #tpu.memory_space<vmem>> -> memref<128xi32, #tpu.memory_space<vmem>>
        %dma_wait3A_521 = arith.constant 0 : i32
        %dma_wait3A_522 = arith.constant 0 : i32
        %dma_wait3A_523 = tpu.memref_slice %arg20[%dma_wait3A_521, %dma_wait3A_522] : memref<10240x32xf32, #tpu.memory_space<vmem_shared>> -> memref<10240x32xf32, #tpu.memory_space<vmem_shared>>
        tpu.wait_indirect_dma semaphore(%arg39 : memref<!tpu.dma_semaphore, #tpu.memory_space<semaphore_mem>>) src(%arg14 : memref<128x32xf32, #tpu.memory_space<vmem>>) dst(%dma_wait3A_523 : memref<10240x32xf32, #tpu.memory_space<vmem_shared>>)
      } else {
      }
      %add3A_202 = arith.constant 6 : i32
      %add3A_203 = arith.addi %add3A_185, %add3A_202 : i32
      %lt3A_204 = arith.constant 39 : i32
      %lt3A_205 = arith.cmpi slt, %add3A_203, %lt3A_204 : i32
      %convert_element_type3A_206 = arith.extui %lt3A_205 : i1 to i32
      %cond3A_207 = arith.constant 0 : i32
      %cond3A_208 = arith.cmpi ne, %convert_element_type3A_206, %cond3A_207 : i32
      scf.if %cond3A_208 {
        %add3A_517 = arith.constant 6 : i32
        %add3A_518 = arith.addi %add3A_185, %add3A_517 : i32
        %dma_start3A_519 = arith.constant 0 : i32
        %dma_start3A_520 = tpu.memref_slice %arg6[%add3A_518, %dma_start3A_519] : memref<40x128xi32, #tpu.memory_space<vmem>> -> memref<1x128xi32, #tpu.memory_space<vmem>>
        %dma_start3A_521 = tpu.memref_squeeze %dma_start3A_520 : memref<1x128xi32, #tpu.memory_space<vmem>> -> memref<128xi32, #tpu.memory_space<vmem>>
        %dma_start3A_522 = arith.constant 0 : i32
        %dma_start3A_523 = arith.constant 0 : i32
        %dma_start3A_524 = tpu.memref_slice %arg3[%dma_start3A_522, %dma_start3A_523] : memref<10240x32xf32, #tpu.memory_space<hbm>> -> memref<10240x32xf32, #tpu.memory_space<hbm>>
        tpu.enqueue_indirect_dma source(%dma_start3A_524 : memref<10240x32xf32, #tpu.memory_space<hbm>>) target(%arg14 : memref<128x32xf32, #tpu.memory_space<vmem>>) offsets(%dma_start3A_521 : memref<128xi32, #tpu.memory_space<vmem>>) semaphore(%arg27 : memref<!tpu.dma_semaphore, #tpu.memory_space<semaphore_mem>>)
      } else {
      }
      %mul3A_209 = arith.constant 12 : i32
      %mul3A_210 = arith.muli %scan3A_181, %mul3A_209 : i32
      %add3A_211 = arith.constant 1 : i32
      %add3A_212 = arith.addi %mul3A_210, %add3A_211 : i32
      %dma_wait3A_213 = arith.constant 0 : i32
      %dma_wait3A_214 = tpu.memref_slice %arg6[%add3A_212, %dma_wait3A_213] : memref<40x128xi32, #tpu.memory_space<vmem>> -> memref<1x128xi32, #tpu.memory_space<vmem>>
      %dma_wait3A_215 = tpu.memref_squeeze %dma_wait3A_214 : memref<1x128xi32, #tpu.memory_space<vmem>> -> memref<128xi32, #tpu.memory_space<vmem>>
      %dma_wait3A_216 = arith.constant 0 : i32
      %dma_wait3A_217 = arith.constant 0 : i32
      %dma_wait3A_218 = tpu.memref_slice %arg3[%dma_wait3A_216, %dma_wait3A_217] : memref<10240x32xf32, #tpu.memory_space<hbm>> -> memref<10240x32xf32, #tpu.memory_space<hbm>>
      tpu.wait_indirect_dma semaphore(%arg22 : memref<!tpu.dma_semaphore, #tpu.memory_space<semaphore_mem>>) src(%dma_wait3A_218 : memref<10240x32xf32, #tpu.memory_space<hbm>>) dst(%arg9 : memref<128x32xf32, #tpu.memory_space<vmem>>)
      %dma_start3A_219 = arith.constant 0 : i32
      %dma_start3A_220 = tpu.memref_slice %arg7[%add3A_212, %dma_start3A_219] : memref<40x128xi32, #tpu.memory_space<vmem>> -> memref<1x128xi32, #tpu.memory_space<vmem>>
      %dma_start3A_221 = tpu.memref_squeeze %dma_start3A_220 : memref<1x128xi32, #tpu.memory_space<vmem>> -> memref<128xi32, #tpu.memory_space<vmem>>
      %dma_start3A_222 = arith.constant 0 : i32
      %dma_start3A_223 = arith.constant 0 : i32
      %dma_start3A_224 = tpu.memref_slice %arg20[%dma_start3A_222, %dma_start3A_223] : memref<10240x32xf32, #tpu.memory_space<vmem_shared>> -> memref<10240x32xf32, #tpu.memory_space<vmem_shared>>
      tpu.enqueue_indirect_dma source(%arg9 : memref<128x32xf32, #tpu.memory_space<vmem>>) target(%dma_start3A_224 : memref<10240x32xf32, #tpu.memory_space<vmem_shared>>) offsets(%dma_start3A_221 : memref<128xi32, #tpu.memory_space<vmem>>) semaphore(%arg34 : memref<!tpu.dma_semaphore, #tpu.memory_space<semaphore_mem>>) {add = true}
      %ge3A_225 = arith.constant 6 : i32
      %ge3A_226 = arith.cmpi sge, %add3A_212, %ge3A_225 : i32
      %convert_element_type3A_227 = arith.extui %ge3A_226 : i1 to i32
      %cond3A_228 = arith.constant 0 : i32
      %cond3A_229 = arith.cmpi ne, %convert_element_type3A_227, %cond3A_228 : i32
      scf.if %cond3A_229 {
        %sub3A = arith.constant 6 : i32
        %sub3A_517 = arith.subi %add3A_212, %sub3A : i32
        %dma_wait3A_518 = arith.constant 0 : i32
        %dma_wait3A_519 = tpu.memref_slice %arg7[%sub3A_517, %dma_wait3A_518] : memref<40x128xi32, #tpu.memory_space<vmem>> -> memref<1x128xi32, #tpu.memory_space<vmem>>
        %dma_wait3A_520 = tpu.memref_squeeze %dma_wait3A_519 : memref<1x128xi32, #tpu.memory_space<vmem>> -> memref<128xi32, #tpu.memory_space<vmem>>
        %dma_wait3A_521 = arith.constant 0 : i32
        %dma_wait3A_522 = arith.constant 0 : i32
        %dma_wait3A_523 = tpu.memref_slice %arg20[%dma_wait3A_521, %dma_wait3A_522] : memref<10240x32xf32, #tpu.memory_space<vmem_shared>> -> memref<10240x32xf32, #tpu.memory_space<vmem_shared>>
        tpu.wait_indirect_dma semaphore(%arg40 : memref<!tpu.dma_semaphore, #tpu.memory_space<semaphore_mem>>) src(%arg15 : memref<128x32xf32, #tpu.memory_space<vmem>>) dst(%dma_wait3A_523 : memref<10240x32xf32, #tpu.memory_space<vmem_shared>>)
      } else {
      }
      %add3A_230 = arith.constant 6 : i32
      %add3A_231 = arith.addi %add3A_212, %add3A_230 : i32
      %lt3A_232 = arith.constant 39 : i32
      %lt3A_233 = arith.cmpi slt, %add3A_231, %lt3A_232 : i32
      %convert_element_type3A_234 = arith.extui %lt3A_233 : i1 to i32
      %cond3A_235 = arith.constant 0 : i32
      %cond3A_236 = arith.cmpi ne, %convert_element_type3A_234, %cond3A_235 : i32
      scf.if %cond3A_236 {
        %add3A_517 = arith.constant 6 : i32
        %add3A_518 = arith.addi %add3A_212, %add3A_517 : i32
        %dma_start3A_519 = arith.constant 0 : i32
        %dma_start3A_520 = tpu.memref_slice %arg6[%add3A_518, %dma_start3A_519] : memref<40x128xi32, #tpu.memory_space<vmem>> -> memref<1x128xi32, #tpu.memory_space<vmem>>
        %dma_start3A_521 = tpu.memref_squeeze %dma_start3A_520 : memref<1x128xi32, #tpu.memory_space<vmem>> -> memref<128xi32, #tpu.memory_space<vmem>>
        %dma_start3A_522 = arith.constant 0 : i32
        %dma_start3A_523 = arith.constant 0 : i32
        %dma_start3A_524 = tpu.memref_slice %arg3[%dma_start3A_522, %dma_start3A_523] : memref<10240x32xf32, #tpu.memory_space<hbm>> -> memref<10240x32xf32, #tpu.memory_space<hbm>>
        tpu.enqueue_indirect_dma source(%dma_start3A_524 : memref<10240x32xf32, #tpu.memory_space<hbm>>) target(%arg15 : memref<128x32xf32, #tpu.memory_space<vmem>>) offsets(%dma_start3A_521 : memref<128xi32, #tpu.memory_space<vmem>>) semaphore(%arg28 : memref<!tpu.dma_semaphore, #tpu.memory_space<semaphore_mem>>)
      } else {
      }
      %mul3A_237 = arith.constant 12 : i32
      %mul3A_238 = arith.muli %scan3A_181, %mul3A_237 : i32
      %add3A_239 = arith.constant 2 : i32
      %add3A_240 = arith.addi %mul3A_238, %add3A_239 : i32
      %dma_wait3A_241 = arith.constant 0 : i32
      %dma_wait3A_242 = tpu.memref_slice %arg6[%add3A_240, %dma_wait3A_241] : memref<40x128xi32, #tpu.memory_space<vmem>> -> memref<1x128xi32, #tpu.memory_space<vmem>>
      %dma_wait3A_243 = tpu.memref_squeeze %dma_wait3A_242 : memref<1x128xi32, #tpu.memory_space<vmem>> -> memref<128xi32, #tpu.memory_space<vmem>>
      %dma_wait3A_244 = arith.constant 0 : i32
      %dma_wait3A_245 = arith.constant 0 : i32
      %dma_wait3A_246 = tpu.memref_slice %arg3[%dma_wait3A_244, %dma_wait3A_245] : memref<10240x32xf32, #tpu.memory_space<hbm>> -> memref<10240x32xf32, #tpu.memory_space<hbm>>
      tpu.wait_indirect_dma semaphore(%arg23 : memref<!tpu.dma_semaphore, #tpu.memory_space<semaphore_mem>>) src(%dma_wait3A_246 : memref<10240x32xf32, #tpu.memory_space<hbm>>) dst(%arg10 : memref<128x32xf32, #tpu.memory_space<vmem>>)
      %dma_start3A_247 = arith.constant 0 : i32
      %dma_start3A_248 = tpu.memref_slice %arg7[%add3A_240, %dma_start3A_247] : memref<40x128xi32, #tpu.memory_space<vmem>> -> memref<1x128xi32, #tpu.memory_space<vmem>>
      %dma_start3A_249 = tpu.memref_squeeze %dma_start3A_248 : memref<1x128xi32, #tpu.memory_space<vmem>> -> memref<128xi32, #tpu.memory_space<vmem>>
      %dma_start3A_250 = arith.constant 0 : i32
      %dma_start3A_251 = arith.constant 0 : i32
      %dma_start3A_252 = tpu.memref_slice %arg20[%dma_start3A_250, %dma_start3A_251] : memref<10240x32xf32, #tpu.memory_space<vmem_shared>> -> memref<10240x32xf32, #tpu.memory_space<vmem_shared>>
      tpu.enqueue_indirect_dma source(%arg10 : memref<128x32xf32, #tpu.memory_space<vmem>>) target(%dma_start3A_252 : memref<10240x32xf32, #tpu.memory_space<vmem_shared>>) offsets(%dma_start3A_249 : memref<128xi32, #tpu.memory_space<vmem>>) semaphore(%arg35 : memref<!tpu.dma_semaphore, #tpu.memory_space<semaphore_mem>>) {add = true}
      %ge3A_253 = arith.constant 6 : i32
      %ge3A_254 = arith.cmpi sge, %add3A_240, %ge3A_253 : i32
      %convert_element_type3A_255 = arith.extui %ge3A_254 : i1 to i32
      %cond3A_256 = arith.constant 0 : i32
      %cond3A_257 = arith.cmpi ne, %convert_element_type3A_255, %cond3A_256 : i32
      scf.if %cond3A_257 {
        %sub3A = arith.constant 6 : i32
        %sub3A_517 = arith.subi %add3A_240, %sub3A : i32
        %dma_wait3A_518 = arith.constant 0 : i32
        %dma_wait3A_519 = tpu.memref_slice %arg7[%sub3A_517, %dma_wait3A_518] : memref<40x128xi32, #tpu.memory_space<vmem>> -> memref<1x128xi32, #tpu.memory_space<vmem>>
        %dma_wait3A_520 = tpu.memref_squeeze %dma_wait3A_519 : memref<1x128xi32, #tpu.memory_space<vmem>> -> memref<128xi32, #tpu.memory_space<vmem>>
        %dma_wait3A_521 = arith.constant 0 : i32
        %dma_wait3A_522 = arith.constant 0 : i32
        %dma_wait3A_523 = tpu.memref_slice %arg20[%dma_wait3A_521, %dma_wait3A_522] : memref<10240x32xf32, #tpu.memory_space<vmem_shared>> -> memref<10240x32xf32, #tpu.memory_space<vmem_shared>>
        tpu.wait_indirect_dma semaphore(%arg41 : memref<!tpu.dma_semaphore, #tpu.memory_space<semaphore_mem>>) src(%arg16 : memref<128x32xf32, #tpu.memory_space<vmem>>) dst(%dma_wait3A_523 : memref<10240x32xf32, #tpu.memory_space<vmem_shared>>)
      } else {
      }
      %add3A_258 = arith.constant 6 : i32
      %add3A_259 = arith.addi %add3A_240, %add3A_258 : i32
      %lt3A_260 = arith.constant 39 : i32
      %lt3A_261 = arith.cmpi slt, %add3A_259, %lt3A_260 : i32
      %convert_element_type3A_262 = arith.extui %lt3A_261 : i1 to i32
      %cond3A_263 = arith.constant 0 : i32
      %cond3A_264 = arith.cmpi ne, %convert_element_type3A_262, %cond3A_263 : i32
      scf.if %cond3A_264 {
        %add3A_517 = arith.constant 6 : i32
        %add3A_518 = arith.addi %add3A_240, %add3A_517 : i32
        %dma_start3A_519 = arith.constant 0 : i32
        %dma_start3A_520 = tpu.memref_slice %arg6[%add3A_518, %dma_start3A_519] : memref<40x128xi32, #tpu.memory_space<vmem>> -> memref<1x128xi32, #tpu.memory_space<vmem>>
        %dma_start3A_521 = tpu.memref_squeeze %dma_start3A_520 : memref<1x128xi32, #tpu.memory_space<vmem>> -> memref<128xi32, #tpu.memory_space<vmem>>
        %dma_start3A_522 = arith.constant 0 : i32
        %dma_start3A_523 = arith.constant 0 : i32
        %dma_start3A_524 = tpu.memref_slice %arg3[%dma_start3A_522, %dma_start3A_523] : memref<10240x32xf32, #tpu.memory_space<hbm>> -> memref<10240x32xf32, #tpu.memory_space<hbm>>
        tpu.enqueue_indirect_dma source(%dma_start3A_524 : memref<10240x32xf32, #tpu.memory_space<hbm>>) target(%arg16 : memref<128x32xf32, #tpu.memory_space<vmem>>) offsets(%dma_start3A_521 : memref<128xi32, #tpu.memory_space<vmem>>) semaphore(%arg29 : memref<!tpu.dma_semaphore, #tpu.memory_space<semaphore_mem>>)
      } else {
      }
      %mul3A_265 = arith.constant 12 : i32
      %mul3A_266 = arith.muli %scan3A_181, %mul3A_265 : i32
      %add3A_267 = arith.constant 3 : i32
      %add3A_268 = arith.addi %mul3A_266, %add3A_267 : i32
      %dma_wait3A_269 = arith.constant 0 : i32
      %dma_wait3A_270 = tpu.memref_slice %arg6[%add3A_268, %dma_wait3A_269] : memref<40x128xi32, #tpu.memory_space<vmem>> -> memref<1x128xi32, #tpu.memory_space<vmem>>
      %dma_wait3A_271 = tpu.memref_squeeze %dma_wait3A_270 : memref<1x128xi32, #tpu.memory_space<vmem>> -> memref<128xi32, #tpu.memory_space<vmem>>
      %dma_wait3A_272 = arith.constant 0 : i32
      %dma_wait3A_273 = arith.constant 0 : i32
      %dma_wait3A_274 = tpu.memref_slice %arg3[%dma_wait3A_272, %dma_wait3A_273] : memref<10240x32xf32, #tpu.memory_space<hbm>> -> memref<10240x32xf32, #tpu.memory_space<hbm>>
      tpu.wait_indirect_dma semaphore(%arg24 : memref<!tpu.dma_semaphore, #tpu.memory_space<semaphore_mem>>) src(%dma_wait3A_274 : memref<10240x32xf32, #tpu.memory_space<hbm>>) dst(%arg11 : memref<128x32xf32, #tpu.memory_space<vmem>>)
      %dma_start3A_275 = arith.constant 0 : i32
      %dma_start3A_276 = tpu.memref_slice %arg7[%add3A_268, %dma_start3A_275] : memref<40x128xi32, #tpu.memory_space<vmem>> -> memref<1x128xi32, #tpu.memory_space<vmem>>
      %dma_start3A_277 = tpu.memref_squeeze %dma_start3A_276 : memref<1x128xi32, #tpu.memory_space<vmem>> -> memref<128xi32, #tpu.memory_space<vmem>>
      %dma_start3A_278 = arith.constant 0 : i32
      %dma_start3A_279 = arith.constant 0 : i32
      %dma_start3A_280 = tpu.memref_slice %arg20[%dma_start3A_278, %dma_start3A_279] : memref<10240x32xf32, #tpu.memory_space<vmem_shared>> -> memref<10240x32xf32, #tpu.memory_space<vmem_shared>>
      tpu.enqueue_indirect_dma source(%arg11 : memref<128x32xf32, #tpu.memory_space<vmem>>) target(%dma_start3A_280 : memref<10240x32xf32, #tpu.memory_space<vmem_shared>>) offsets(%dma_start3A_277 : memref<128xi32, #tpu.memory_space<vmem>>) semaphore(%arg36 : memref<!tpu.dma_semaphore, #tpu.memory_space<semaphore_mem>>) {add = true}
      %ge3A_281 = arith.constant 6 : i32
      %ge3A_282 = arith.cmpi sge, %add3A_268, %ge3A_281 : i32
      %convert_element_type3A_283 = arith.extui %ge3A_282 : i1 to i32
      %cond3A_284 = arith.constant 0 : i32
      %cond3A_285 = arith.cmpi ne, %convert_element_type3A_283, %cond3A_284 : i32
      scf.if %cond3A_285 {
        %sub3A = arith.constant 6 : i32
        %sub3A_517 = arith.subi %add3A_268, %sub3A : i32
        %dma_wait3A_518 = arith.constant 0 : i32
        %dma_wait3A_519 = tpu.memref_slice %arg7[%sub3A_517, %dma_wait3A_518] : memref<40x128xi32, #tpu.memory_space<vmem>> -> memref<1x128xi32, #tpu.memory_space<vmem>>
        %dma_wait3A_520 = tpu.memref_squeeze %dma_wait3A_519 : memref<1x128xi32, #tpu.memory_space<vmem>> -> memref<128xi32, #tpu.memory_space<vmem>>
        %dma_wait3A_521 = arith.constant 0 : i32
        %dma_wait3A_522 = arith.constant 0 : i32
        %dma_wait3A_523 = tpu.memref_slice %arg20[%dma_wait3A_521, %dma_wait3A_522] : memref<10240x32xf32, #tpu.memory_space<vmem_shared>> -> memref<10240x32xf32, #tpu.memory_space<vmem_shared>>
        tpu.wait_indirect_dma semaphore(%arg42 : memref<!tpu.dma_semaphore, #tpu.memory_space<semaphore_mem>>) src(%arg17 : memref<128x32xf32, #tpu.memory_space<vmem>>) dst(%dma_wait3A_523 : memref<10240x32xf32, #tpu.memory_space<vmem_shared>>)
      } else {
      }
      %add3A_286 = arith.constant 6 : i32
      %add3A_287 = arith.addi %add3A_268, %add3A_286 : i32
      %lt3A_288 = arith.constant 39 : i32
      %lt3A_289 = arith.cmpi slt, %add3A_287, %lt3A_288 : i32
      %convert_element_type3A_290 = arith.extui %lt3A_289 : i1 to i32
      %cond3A_291 = arith.constant 0 : i32
      %cond3A_292 = arith.cmpi ne, %convert_element_type3A_290, %cond3A_291 : i32
      scf.if %cond3A_292 {
        %add3A_517 = arith.constant 6 : i32
        %add3A_518 = arith.addi %add3A_268, %add3A_517 : i32
        %dma_start3A_519 = arith.constant 0 : i32
        %dma_start3A_520 = tpu.memref_slice %arg6[%add3A_518, %dma_start3A_519] : memref<40x128xi32, #tpu.memory_space<vmem>> -> memref<1x128xi32, #tpu.memory_space<vmem>>
        %dma_start3A_521 = tpu.memref_squeeze %dma_start3A_520 : memref<1x128xi32, #tpu.memory_space<vmem>> -> memref<128xi32, #tpu.memory_space<vmem>>
        %dma_start3A_522 = arith.constant 0 : i32
        %dma_start3A_523 = arith.constant 0 : i32
        %dma_start3A_524 = tpu.memref_slice %arg3[%dma_start3A_522, %dma_start3A_523] : memref<10240x32xf32, #tpu.memory_space<hbm>> -> memref<10240x32xf32, #tpu.memory_space<hbm>>
        tpu.enqueue_indirect_dma source(%dma_start3A_524 : memref<10240x32xf32, #tpu.memory_space<hbm>>) target(%arg17 : memref<128x32xf32, #tpu.memory_space<vmem>>) offsets(%dma_start3A_521 : memref<128xi32, #tpu.memory_space<vmem>>) semaphore(%arg30 : memref<!tpu.dma_semaphore, #tpu.memory_space<semaphore_mem>>)
      } else {
      }
      %mul3A_293 = arith.constant 12 : i32
      %mul3A_294 = arith.muli %scan3A_181, %mul3A_293 : i32
      %add3A_295 = arith.constant 4 : i32
      %add3A_296 = arith.addi %mul3A_294, %add3A_295 : i32
      %dma_wait3A_297 = arith.constant 0 : i32
      %dma_wait3A_298 = tpu.memref_slice %arg6[%add3A_296, %dma_wait3A_297] : memref<40x128xi32, #tpu.memory_space<vmem>> -> memref<1x128xi32, #tpu.memory_space<vmem>>
      %dma_wait3A_299 = tpu.memref_squeeze %dma_wait3A_298 : memref<1x128xi32, #tpu.memory_space<vmem>> -> memref<128xi32, #tpu.memory_space<vmem>>
      %dma_wait3A_300 = arith.constant 0 : i32
      %dma_wait3A_301 = arith.constant 0 : i32
      %dma_wait3A_302 = tpu.memref_slice %arg3[%dma_wait3A_300, %dma_wait3A_301] : memref<10240x32xf32, #tpu.memory_space<hbm>> -> memref<10240x32xf32, #tpu.memory_space<hbm>>
      tpu.wait_indirect_dma semaphore(%arg25 : memref<!tpu.dma_semaphore, #tpu.memory_space<semaphore_mem>>) src(%dma_wait3A_302 : memref<10240x32xf32, #tpu.memory_space<hbm>>) dst(%arg12 : memref<128x32xf32, #tpu.memory_space<vmem>>)
      %dma_start3A_303 = arith.constant 0 : i32
      %dma_start3A_304 = tpu.memref_slice %arg7[%add3A_296, %dma_start3A_303] : memref<40x128xi32, #tpu.memory_space<vmem>> -> memref<1x128xi32, #tpu.memory_space<vmem>>
      %dma_start3A_305 = tpu.memref_squeeze %dma_start3A_304 : memref<1x128xi32, #tpu.memory_space<vmem>> -> memref<128xi32, #tpu.memory_space<vmem>>
      %dma_start3A_306 = arith.constant 0 : i32
      %dma_start3A_307 = arith.constant 0 : i32
      %dma_start3A_308 = tpu.memref_slice %arg20[%dma_start3A_306, %dma_start3A_307] : memref<10240x32xf32, #tpu.memory_space<vmem_shared>> -> memref<10240x32xf32, #tpu.memory_space<vmem_shared>>
      tpu.enqueue_indirect_dma source(%arg12 : memref<128x32xf32, #tpu.memory_space<vmem>>) target(%dma_start3A_308 : memref<10240x32xf32, #tpu.memory_space<vmem_shared>>) offsets(%dma_start3A_305 : memref<128xi32, #tpu.memory_space<vmem>>) semaphore(%arg37 : memref<!tpu.dma_semaphore, #tpu.memory_space<semaphore_mem>>) {add = true}
      %ge3A_309 = arith.constant 6 : i32
      %ge3A_310 = arith.cmpi sge, %add3A_296, %ge3A_309 : i32
      %convert_element_type3A_311 = arith.extui %ge3A_310 : i1 to i32
      %cond3A_312 = arith.constant 0 : i32
      %cond3A_313 = arith.cmpi ne, %convert_element_type3A_311, %cond3A_312 : i32
      scf.if %cond3A_313 {
        %sub3A = arith.constant 6 : i32
        %sub3A_517 = arith.subi %add3A_296, %sub3A : i32
        %dma_wait3A_518 = arith.constant 0 : i32
        %dma_wait3A_519 = tpu.memref_slice %arg7[%sub3A_517, %dma_wait3A_518] : memref<40x128xi32, #tpu.memory_space<vmem>> -> memref<1x128xi32, #tpu.memory_space<vmem>>
        %dma_wait3A_520 = tpu.memref_squeeze %dma_wait3A_519 : memref<1x128xi32, #tpu.memory_space<vmem>> -> memref<128xi32, #tpu.memory_space<vmem>>
        %dma_wait3A_521 = arith.constant 0 : i32
        %dma_wait3A_522 = arith.constant 0 : i32
        %dma_wait3A_523 = tpu.memref_slice %arg20[%dma_wait3A_521, %dma_wait3A_522] : memref<10240x32xf32, #tpu.memory_space<vmem_shared>> -> memref<10240x32xf32, #tpu.memory_space<vmem_shared>>
        tpu.wait_indirect_dma semaphore(%arg43 : memref<!tpu.dma_semaphore, #tpu.memory_space<semaphore_mem>>) src(%arg18 : memref<128x32xf32, #tpu.memory_space<vmem>>) dst(%dma_wait3A_523 : memref<10240x32xf32, #tpu.memory_space<vmem_shared>>)
      } else {
      }
      %add3A_314 = arith.constant 6 : i32
      %add3A_315 = arith.addi %add3A_296, %add3A_314 : i32
      %lt3A_316 = arith.constant 39 : i32
      %lt3A_317 = arith.cmpi slt, %add3A_315, %lt3A_316 : i32
      %convert_element_type3A_318 = arith.extui %lt3A_317 : i1 to i32
      %cond3A_319 = arith.constant 0 : i32
      %cond3A_320 = arith.cmpi ne, %convert_element_type3A_318, %cond3A_319 : i32
      scf.if %cond3A_320 {
        %add3A_517 = arith.constant 6 : i32
        %add3A_518 = arith.addi %add3A_296, %add3A_517 : i32
        %dma_start3A_519 = arith.constant 0 : i32
        %dma_start3A_520 = tpu.memref_slice %arg6[%add3A_518, %dma_start3A_519] : memref<40x128xi32, #tpu.memory_space<vmem>> -> memref<1x128xi32, #tpu.memory_space<vmem>>
        %dma_start3A_521 = tpu.memref_squeeze %dma_start3A_520 : memref<1x128xi32, #tpu.memory_space<vmem>> -> memref<128xi32, #tpu.memory_space<vmem>>
        %dma_start3A_522 = arith.constant 0 : i32
        %dma_start3A_523 = arith.constant 0 : i32
        %dma_start3A_524 = tpu.memref_slice %arg3[%dma_start3A_522, %dma_start3A_523] : memref<10240x32xf32, #tpu.memory_space<hbm>> -> memref<10240x32xf32, #tpu.memory_space<hbm>>
        tpu.enqueue_indirect_dma source(%dma_start3A_524 : memref<10240x32xf32, #tpu.memory_space<hbm>>) target(%arg18 : memref<128x32xf32, #tpu.memory_space<vmem>>) offsets(%dma_start3A_521 : memref<128xi32, #tpu.memory_space<vmem>>) semaphore(%arg31 : memref<!tpu.dma_semaphore, #tpu.memory_space<semaphore_mem>>)
      } else {
      }
      %mul3A_321 = arith.constant 12 : i32
      %mul3A_322 = arith.muli %scan3A_181, %mul3A_321 : i32
      %add3A_323 = arith.constant 5 : i32
      %add3A_324 = arith.addi %mul3A_322, %add3A_323 : i32
      %dma_wait3A_325 = arith.constant 0 : i32
      %dma_wait3A_326 = tpu.memref_slice %arg6[%add3A_324, %dma_wait3A_325] : memref<40x128xi32, #tpu.memory_space<vmem>> -> memref<1x128xi32, #tpu.memory_space<vmem>>
      %dma_wait3A_327 = tpu.memref_squeeze %dma_wait3A_326 : memref<1x128xi32, #tpu.memory_space<vmem>> -> memref<128xi32, #tpu.memory_space<vmem>>
      %dma_wait3A_328 = arith.constant 0 : i32
      %dma_wait3A_329 = arith.constant 0 : i32
      %dma_wait3A_330 = tpu.memref_slice %arg3[%dma_wait3A_328, %dma_wait3A_329] : memref<10240x32xf32, #tpu.memory_space<hbm>> -> memref<10240x32xf32, #tpu.memory_space<hbm>>
      tpu.wait_indirect_dma semaphore(%arg26 : memref<!tpu.dma_semaphore, #tpu.memory_space<semaphore_mem>>) src(%dma_wait3A_330 : memref<10240x32xf32, #tpu.memory_space<hbm>>) dst(%arg13 : memref<128x32xf32, #tpu.memory_space<vmem>>)
      %dma_start3A_331 = arith.constant 0 : i32
      %dma_start3A_332 = tpu.memref_slice %arg7[%add3A_324, %dma_start3A_331] : memref<40x128xi32, #tpu.memory_space<vmem>> -> memref<1x128xi32, #tpu.memory_space<vmem>>
      %dma_start3A_333 = tpu.memref_squeeze %dma_start3A_332 : memref<1x128xi32, #tpu.memory_space<vmem>> -> memref<128xi32, #tpu.memory_space<vmem>>
      %dma_start3A_334 = arith.constant 0 : i32
      %dma_start3A_335 = arith.constant 0 : i32
      %dma_start3A_336 = tpu.memref_slice %arg20[%dma_start3A_334, %dma_start3A_335] : memref<10240x32xf32, #tpu.memory_space<vmem_shared>> -> memref<10240x32xf32, #tpu.memory_space<vmem_shared>>
      tpu.enqueue_indirect_dma source(%arg13 : memref<128x32xf32, #tpu.memory_space<vmem>>) target(%dma_start3A_336 : memref<10240x32xf32, #tpu.memory_space<vmem_shared>>) offsets(%dma_start3A_333 : memref<128xi32, #tpu.memory_space<vmem>>) semaphore(%arg38 : memref<!tpu.dma_semaphore, #tpu.memory_space<semaphore_mem>>) {add = true}
      %ge3A_337 = arith.constant 6 : i32
      %ge3A_338 = arith.cmpi sge, %add3A_324, %ge3A_337 : i32
      %convert_element_type3A_339 = arith.extui %ge3A_338 : i1 to i32
      %cond3A_340 = arith.constant 0 : i32
      %cond3A_341 = arith.cmpi ne, %convert_element_type3A_339, %cond3A_340 : i32
      scf.if %cond3A_341 {
        %sub3A = arith.constant 6 : i32
        %sub3A_517 = arith.subi %add3A_324, %sub3A : i32
        %dma_wait3A_518 = arith.constant 0 : i32
        %dma_wait3A_519 = tpu.memref_slice %arg7[%sub3A_517, %dma_wait3A_518] : memref<40x128xi32, #tpu.memory_space<vmem>> -> memref<1x128xi32, #tpu.memory_space<vmem>>
        %dma_wait3A_520 = tpu.memref_squeeze %dma_wait3A_519 : memref<1x128xi32, #tpu.memory_space<vmem>> -> memref<128xi32, #tpu.memory_space<vmem>>
        %dma_wait3A_521 = arith.constant 0 : i32
        %dma_wait3A_522 = arith.constant 0 : i32
        %dma_wait3A_523 = tpu.memref_slice %arg20[%dma_wait3A_521, %dma_wait3A_522] : memref<10240x32xf32, #tpu.memory_space<vmem_shared>> -> memref<10240x32xf32, #tpu.memory_space<vmem_shared>>
        tpu.wait_indirect_dma semaphore(%arg44 : memref<!tpu.dma_semaphore, #tpu.memory_space<semaphore_mem>>) src(%arg19 : memref<128x32xf32, #tpu.memory_space<vmem>>) dst(%dma_wait3A_523 : memref<10240x32xf32, #tpu.memory_space<vmem_shared>>)
      } else {
      }
      %add3A_342 = arith.constant 6 : i32
      %add3A_343 = arith.addi %add3A_324, %add3A_342 : i32
      %lt3A_344 = arith.constant 39 : i32
      %lt3A_345 = arith.cmpi slt, %add3A_343, %lt3A_344 : i32
      %convert_element_type3A_346 = arith.extui %lt3A_345 : i1 to i32
      %cond3A_347 = arith.constant 0 : i32
      %cond3A_348 = arith.cmpi ne, %convert_element_type3A_346, %cond3A_347 : i32
      scf.if %cond3A_348 {
        %add3A_517 = arith.constant 6 : i32
        %add3A_518 = arith.addi %add3A_324, %add3A_517 : i32
        %dma_start3A_519 = arith.constant 0 : i32
        %dma_start3A_520 = tpu.memref_slice %arg6[%add3A_518, %dma_start3A_519] : memref<40x128xi32, #tpu.memory_space<vmem>> -> memref<1x128xi32, #tpu.memory_space<vmem>>
        %dma_start3A_521 = tpu.memref_squeeze %dma_start3A_520 : memref<1x128xi32, #tpu.memory_space<vmem>> -> memref<128xi32, #tpu.memory_space<vmem>>
        %dma_start3A_522 = arith.constant 0 : i32
        %dma_start3A_523 = arith.constant 0 : i32
        %dma_start3A_524 = tpu.memref_slice %arg3[%dma_start3A_522, %dma_start3A_523] : memref<10240x32xf32, #tpu.memory_space<hbm>> -> memref<10240x32xf32, #tpu.memory_space<hbm>>
        tpu.enqueue_indirect_dma source(%dma_start3A_524 : memref<10240x32xf32, #tpu.memory_space<hbm>>) target(%arg19 : memref<128x32xf32, #tpu.memory_space<vmem>>) offsets(%dma_start3A_521 : memref<128xi32, #tpu.memory_space<vmem>>) semaphore(%arg32 : memref<!tpu.dma_semaphore, #tpu.memory_space<semaphore_mem>>)
      } else {
      }
      %mul3A_349 = arith.constant 12 : i32
      %mul3A_350 = arith.muli %scan3A_181, %mul3A_349 : i32
      %add3A_351 = arith.constant 6 : i32
      %add3A_352 = arith.addi %mul3A_350, %add3A_351 : i32
      %dma_wait3A_353 = arith.constant 0 : i32
      %dma_wait3A_354 = tpu.memref_slice %arg6[%add3A_352, %dma_wait3A_353] : memref<40x128xi32, #tpu.memory_space<vmem>> -> memref<1x128xi32, #tpu.memory_space<vmem>>
      %dma_wait3A_355 = tpu.memref_squeeze %dma_wait3A_354 : memref<1x128xi32, #tpu.memory_space<vmem>> -> memref<128xi32, #tpu.memory_space<vmem>>
      %dma_wait3A_356 = arith.constant 0 : i32
      %dma_wait3A_357 = arith.constant 0 : i32
      %dma_wait3A_358 = tpu.memref_slice %arg3[%dma_wait3A_356, %dma_wait3A_357] : memref<10240x32xf32, #tpu.memory_space<hbm>> -> memref<10240x32xf32, #tpu.memory_space<hbm>>
      tpu.wait_indirect_dma semaphore(%arg27 : memref<!tpu.dma_semaphore, #tpu.memory_space<semaphore_mem>>) src(%dma_wait3A_358 : memref<10240x32xf32, #tpu.memory_space<hbm>>) dst(%arg14 : memref<128x32xf32, #tpu.memory_space<vmem>>)
      %dma_start3A_359 = arith.constant 0 : i32
      %dma_start3A_360 = tpu.memref_slice %arg7[%add3A_352, %dma_start3A_359] : memref<40x128xi32, #tpu.memory_space<vmem>> -> memref<1x128xi32, #tpu.memory_space<vmem>>
      %dma_start3A_361 = tpu.memref_squeeze %dma_start3A_360 : memref<1x128xi32, #tpu.memory_space<vmem>> -> memref<128xi32, #tpu.memory_space<vmem>>
      %dma_start3A_362 = arith.constant 0 : i32
      %dma_start3A_363 = arith.constant 0 : i32
      %dma_start3A_364 = tpu.memref_slice %arg20[%dma_start3A_362, %dma_start3A_363] : memref<10240x32xf32, #tpu.memory_space<vmem_shared>> -> memref<10240x32xf32, #tpu.memory_space<vmem_shared>>
      tpu.enqueue_indirect_dma source(%arg14 : memref<128x32xf32, #tpu.memory_space<vmem>>) target(%dma_start3A_364 : memref<10240x32xf32, #tpu.memory_space<vmem_shared>>) offsets(%dma_start3A_361 : memref<128xi32, #tpu.memory_space<vmem>>) semaphore(%arg39 : memref<!tpu.dma_semaphore, #tpu.memory_space<semaphore_mem>>) {add = true}
      %ge3A_365 = arith.constant 6 : i32
      %ge3A_366 = arith.cmpi sge, %add3A_352, %ge3A_365 : i32
      %convert_element_type3A_367 = arith.extui %ge3A_366 : i1 to i32
      %cond3A_368 = arith.constant 0 : i32
      %cond3A_369 = arith.cmpi ne, %convert_element_type3A_367, %cond3A_368 : i32
      scf.if %cond3A_369 {
        %sub3A = arith.constant 6 : i32
        %sub3A_517 = arith.subi %add3A_352, %sub3A : i32
        %dma_wait3A_518 = arith.constant 0 : i32
        %dma_wait3A_519 = tpu.memref_slice %arg7[%sub3A_517, %dma_wait3A_518] : memref<40x128xi32, #tpu.memory_space<vmem>> -> memref<1x128xi32, #tpu.memory_space<vmem>>
        %dma_wait3A_520 = tpu.memref_squeeze %dma_wait3A_519 : memref<1x128xi32, #tpu.memory_space<vmem>> -> memref<128xi32, #tpu.memory_space<vmem>>
        %dma_wait3A_521 = arith.constant 0 : i32
        %dma_wait3A_522 = arith.constant 0 : i32
        %dma_wait3A_523 = tpu.memref_slice %arg20[%dma_wait3A_521, %dma_wait3A_522] : memref<10240x32xf32, #tpu.memory_space<vmem_shared>> -> memref<10240x32xf32, #tpu.memory_space<vmem_shared>>
        tpu.wait_indirect_dma semaphore(%arg33 : memref<!tpu.dma_semaphore, #tpu.memory_space<semaphore_mem>>) src(%arg8 : memref<128x32xf32, #tpu.memory_space<vmem>>) dst(%dma_wait3A_523 : memref<10240x32xf32, #tpu.memory_space<vmem_shared>>)
      } else {
      }
      %add3A_370 = arith.constant 6 : i32
      %add3A_371 = arith.addi %add3A_352, %add3A_370 : i32
      %lt3A_372 = arith.constant 39 : i32
      %lt3A_373 = arith.cmpi slt, %add3A_371, %lt3A_372 : i32
      %convert_element_type3A_374 = arith.extui %lt3A_373 : i1 to i32
      %cond3A_375 = arith.constant 0 : i32
      %cond3A_376 = arith.cmpi ne, %convert_element_type3A_374, %cond3A_375 : i32
      scf.if %cond3A_376 {
        %add3A_517 = arith.constant 6 : i32
        %add3A_518 = arith.addi %add3A_352, %add3A_517 : i32
        %dma_start3A_519 = arith.constant 0 : i32
        %dma_start3A_520 = tpu.memref_slice %arg6[%add3A_518, %dma_start3A_519] : memref<40x128xi32, #tpu.memory_space<vmem>> -> memref<1x128xi32, #tpu.memory_space<vmem>>
        %dma_start3A_521 = tpu.memref_squeeze %dma_start3A_520 : memref<1x128xi32, #tpu.memory_space<vmem>> -> memref<128xi32, #tpu.memory_space<vmem>>
        %dma_start3A_522 = arith.constant 0 : i32
        %dma_start3A_523 = arith.constant 0 : i32
        %dma_start3A_524 = tpu.memref_slice %arg3[%dma_start3A_522, %dma_start3A_523] : memref<10240x32xf32, #tpu.memory_space<hbm>> -> memref<10240x32xf32, #tpu.memory_space<hbm>>
        tpu.enqueue_indirect_dma source(%dma_start3A_524 : memref<10240x32xf32, #tpu.memory_space<hbm>>) target(%arg8 : memref<128x32xf32, #tpu.memory_space<vmem>>) offsets(%dma_start3A_521 : memref<128xi32, #tpu.memory_space<vmem>>) semaphore(%arg21 : memref<!tpu.dma_semaphore, #tpu.memory_space<semaphore_mem>>)
      } else {
      }
      %mul3A_377 = arith.constant 12 : i32
      %mul3A_378 = arith.muli %scan3A_181, %mul3A_377 : i32
      %add3A_379 = arith.constant 7 : i32
      %add3A_380 = arith.addi %mul3A_378, %add3A_379 : i32
      %dma_wait3A_381 = arith.constant 0 : i32
      %dma_wait3A_382 = tpu.memref_slice %arg6[%add3A_380, %dma_wait3A_381] : memref<40x128xi32, #tpu.memory_space<vmem>> -> memref<1x128xi32, #tpu.memory_space<vmem>>
      %dma_wait3A_383 = tpu.memref_squeeze %dma_wait3A_382 : memref<1x128xi32, #tpu.memory_space<vmem>> -> memref<128xi32, #tpu.memory_space<vmem>>
      %dma_wait3A_384 = arith.constant 0 : i32
      %dma_wait3A_385 = arith.constant 0 : i32
      %dma_wait3A_386 = tpu.memref_slice %arg3[%dma_wait3A_384, %dma_wait3A_385] : memref<10240x32xf32, #tpu.memory_space<hbm>> -> memref<10240x32xf32, #tpu.memory_space<hbm>>
      tpu.wait_indirect_dma semaphore(%arg28 : memref<!tpu.dma_semaphore, #tpu.memory_space<semaphore_mem>>) src(%dma_wait3A_386 : memref<10240x32xf32, #tpu.memory_space<hbm>>) dst(%arg15 : memref<128x32xf32, #tpu.memory_space<vmem>>)
      %dma_start3A_387 = arith.constant 0 : i32
      %dma_start3A_388 = tpu.memref_slice %arg7[%add3A_380, %dma_start3A_387] : memref<40x128xi32, #tpu.memory_space<vmem>> -> memref<1x128xi32, #tpu.memory_space<vmem>>
      %dma_start3A_389 = tpu.memref_squeeze %dma_start3A_388 : memref<1x128xi32, #tpu.memory_space<vmem>> -> memref<128xi32, #tpu.memory_space<vmem>>
      %dma_start3A_390 = arith.constant 0 : i32
      %dma_start3A_391 = arith.constant 0 : i32
      %dma_start3A_392 = tpu.memref_slice %arg20[%dma_start3A_390, %dma_start3A_391] : memref<10240x32xf32, #tpu.memory_space<vmem_shared>> -> memref<10240x32xf32, #tpu.memory_space<vmem_shared>>
      tpu.enqueue_indirect_dma source(%arg15 : memref<128x32xf32, #tpu.memory_space<vmem>>) target(%dma_start3A_392 : memref<10240x32xf32, #tpu.memory_space<vmem_shared>>) offsets(%dma_start3A_389 : memref<128xi32, #tpu.memory_space<vmem>>) semaphore(%arg40 : memref<!tpu.dma_semaphore, #tpu.memory_space<semaphore_mem>>) {add = true}
      %ge3A_393 = arith.constant 6 : i32
      %ge3A_394 = arith.cmpi sge, %add3A_380, %ge3A_393 : i32
      %convert_element_type3A_395 = arith.extui %ge3A_394 : i1 to i32
      %cond3A_396 = arith.constant 0 : i32
      %cond3A_397 = arith.cmpi ne, %convert_element_type3A_395, %cond3A_396 : i32
      scf.if %cond3A_397 {
        %sub3A = arith.constant 6 : i32
        %sub3A_517 = arith.subi %add3A_380, %sub3A : i32
        %dma_wait3A_518 = arith.constant 0 : i32
        %dma_wait3A_519 = tpu.memref_slice %arg7[%sub3A_517, %dma_wait3A_518] : memref<40x128xi32, #tpu.memory_space<vmem>> -> memref<1x128xi32, #tpu.memory_space<vmem>>
        %dma_wait3A_520 = tpu.memref_squeeze %dma_wait3A_519 : memref<1x128xi32, #tpu.memory_space<vmem>> -> memref<128xi32, #tpu.memory_space<vmem>>
        %dma_wait3A_521 = arith.constant 0 : i32
        %dma_wait3A_522 = arith.constant 0 : i32
        %dma_wait3A_523 = tpu.memref_slice %arg20[%dma_wait3A_521, %dma_wait3A_522] : memref<10240x32xf32, #tpu.memory_space<vmem_shared>> -> memref<10240x32xf32, #tpu.memory_space<vmem_shared>>
        tpu.wait_indirect_dma semaphore(%arg34 : memref<!tpu.dma_semaphore, #tpu.memory_space<semaphore_mem>>) src(%arg9 : memref<128x32xf32, #tpu.memory_space<vmem>>) dst(%dma_wait3A_523 : memref<10240x32xf32, #tpu.memory_space<vmem_shared>>)
      } else {
      }
      %add3A_398 = arith.constant 6 : i32
      %add3A_399 = arith.addi %add3A_380, %add3A_398 : i32
      %lt3A_400 = arith.constant 39 : i32
      %lt3A_401 = arith.cmpi slt, %add3A_399, %lt3A_400 : i32
      %convert_element_type3A_402 = arith.extui %lt3A_401 : i1 to i32
      %cond3A_403 = arith.constant 0 : i32
      %cond3A_404 = arith.cmpi ne, %convert_element_type3A_402, %cond3A_403 : i32
      scf.if %cond3A_404 {
        %add3A_517 = arith.constant 6 : i32
        %add3A_518 = arith.addi %add3A_380, %add3A_517 : i32
        %dma_start3A_519 = arith.constant 0 : i32
        %dma_start3A_520 = tpu.memref_slice %arg6[%add3A_518, %dma_start3A_519] : memref<40x128xi32, #tpu.memory_space<vmem>> -> memref<1x128xi32, #tpu.memory_space<vmem>>
        %dma_start3A_521 = tpu.memref_squeeze %dma_start3A_520 : memref<1x128xi32, #tpu.memory_space<vmem>> -> memref<128xi32, #tpu.memory_space<vmem>>
        %dma_start3A_522 = arith.constant 0 : i32
        %dma_start3A_523 = arith.constant 0 : i32
        %dma_start3A_524 = tpu.memref_slice %arg3[%dma_start3A_522, %dma_start3A_523] : memref<10240x32xf32, #tpu.memory_space<hbm>> -> memref<10240x32xf32, #tpu.memory_space<hbm>>
        tpu.enqueue_indirect_dma source(%dma_start3A_524 : memref<10240x32xf32, #tpu.memory_space<hbm>>) target(%arg9 : memref<128x32xf32, #tpu.memory_space<vmem>>) offsets(%dma_start3A_521 : memref<128xi32, #tpu.memory_space<vmem>>) semaphore(%arg22 : memref<!tpu.dma_semaphore, #tpu.memory_space<semaphore_mem>>)
      } else {
      }
      %mul3A_405 = arith.constant 12 : i32
      %mul3A_406 = arith.muli %scan3A_181, %mul3A_405 : i32
      %add3A_407 = arith.constant 8 : i32
      %add3A_408 = arith.addi %mul3A_406, %add3A_407 : i32
      %dma_wait3A_409 = arith.constant 0 : i32
      %dma_wait3A_410 = tpu.memref_slice %arg6[%add3A_408, %dma_wait3A_409] : memref<40x128xi32, #tpu.memory_space<vmem>> -> memref<1x128xi32, #tpu.memory_space<vmem>>
      %dma_wait3A_411 = tpu.memref_squeeze %dma_wait3A_410 : memref<1x128xi32, #tpu.memory_space<vmem>> -> memref<128xi32, #tpu.memory_space<vmem>>
      %dma_wait3A_412 = arith.constant 0 : i32
      %dma_wait3A_413 = arith.constant 0 : i32
      %dma_wait3A_414 = tpu.memref_slice %arg3[%dma_wait3A_412, %dma_wait3A_413] : memref<10240x32xf32, #tpu.memory_space<hbm>> -> memref<10240x32xf32, #tpu.memory_space<hbm>>
      tpu.wait_indirect_dma semaphore(%arg29 : memref<!tpu.dma_semaphore, #tpu.memory_space<semaphore_mem>>) src(%dma_wait3A_414 : memref<10240x32xf32, #tpu.memory_space<hbm>>) dst(%arg16 : memref<128x32xf32, #tpu.memory_space<vmem>>)
      %dma_start3A_415 = arith.constant 0 : i32
      %dma_start3A_416 = tpu.memref_slice %arg7[%add3A_408, %dma_start3A_415] : memref<40x128xi32, #tpu.memory_space<vmem>> -> memref<1x128xi32, #tpu.memory_space<vmem>>
      %dma_start3A_417 = tpu.memref_squeeze %dma_start3A_416 : memref<1x128xi32, #tpu.memory_space<vmem>> -> memref<128xi32, #tpu.memory_space<vmem>>
      %dma_start3A_418 = arith.constant 0 : i32
      %dma_start3A_419 = arith.constant 0 : i32
      %dma_start3A_420 = tpu.memref_slice %arg20[%dma_start3A_418, %dma_start3A_419] : memref<10240x32xf32, #tpu.memory_space<vmem_shared>> -> memref<10240x32xf32, #tpu.memory_space<vmem_shared>>
      tpu.enqueue_indirect_dma source(%arg16 : memref<128x32xf32, #tpu.memory_space<vmem>>) target(%dma_start3A_420 : memref<10240x32xf32, #tpu.memory_space<vmem_shared>>) offsets(%dma_start3A_417 : memref<128xi32, #tpu.memory_space<vmem>>) semaphore(%arg41 : memref<!tpu.dma_semaphore, #tpu.memory_space<semaphore_mem>>) {add = true}
      %ge3A_421 = arith.constant 6 : i32
      %ge3A_422 = arith.cmpi sge, %add3A_408, %ge3A_421 : i32
      %convert_element_type3A_423 = arith.extui %ge3A_422 : i1 to i32
      %cond3A_424 = arith.constant 0 : i32
      %cond3A_425 = arith.cmpi ne, %convert_element_type3A_423, %cond3A_424 : i32
      scf.if %cond3A_425 {
        %sub3A = arith.constant 6 : i32
        %sub3A_517 = arith.subi %add3A_408, %sub3A : i32
        %dma_wait3A_518 = arith.constant 0 : i32
        %dma_wait3A_519 = tpu.memref_slice %arg7[%sub3A_517, %dma_wait3A_518] : memref<40x128xi32, #tpu.memory_space<vmem>> -> memref<1x128xi32, #tpu.memory_space<vmem>>
        %dma_wait3A_520 = tpu.memref_squeeze %dma_wait3A_519 : memref<1x128xi32, #tpu.memory_space<vmem>> -> memref<128xi32, #tpu.memory_space<vmem>>
        %dma_wait3A_521 = arith.constant 0 : i32
        %dma_wait3A_522 = arith.constant 0 : i32
        %dma_wait3A_523 = tpu.memref_slice %arg20[%dma_wait3A_521, %dma_wait3A_522] : memref<10240x32xf32, #tpu.memory_space<vmem_shared>> -> memref<10240x32xf32, #tpu.memory_space<vmem_shared>>
        tpu.wait_indirect_dma semaphore(%arg35 : memref<!tpu.dma_semaphore, #tpu.memory_space<semaphore_mem>>) src(%arg10 : memref<128x32xf32, #tpu.memory_space<vmem>>) dst(%dma_wait3A_523 : memref<10240x32xf32, #tpu.memory_space<vmem_shared>>)
      } else {
      }
      %add3A_426 = arith.constant 6 : i32
      %add3A_427 = arith.addi %add3A_408, %add3A_426 : i32
      %lt3A_428 = arith.constant 39 : i32
      %lt3A_429 = arith.cmpi slt, %add3A_427, %lt3A_428 : i32
      %convert_element_type3A_430 = arith.extui %lt3A_429 : i1 to i32
      %cond3A_431 = arith.constant 0 : i32
      %cond3A_432 = arith.cmpi ne, %convert_element_type3A_430, %cond3A_431 : i32
      scf.if %cond3A_432 {
        %add3A_517 = arith.constant 6 : i32
        %add3A_518 = arith.addi %add3A_408, %add3A_517 : i32
        %dma_start3A_519 = arith.constant 0 : i32
        %dma_start3A_520 = tpu.memref_slice %arg6[%add3A_518, %dma_start3A_519] : memref<40x128xi32, #tpu.memory_space<vmem>> -> memref<1x128xi32, #tpu.memory_space<vmem>>
        %dma_start3A_521 = tpu.memref_squeeze %dma_start3A_520 : memref<1x128xi32, #tpu.memory_space<vmem>> -> memref<128xi32, #tpu.memory_space<vmem>>
        %dma_start3A_522 = arith.constant 0 : i32
        %dma_start3A_523 = arith.constant 0 : i32
        %dma_start3A_524 = tpu.memref_slice %arg3[%dma_start3A_522, %dma_start3A_523] : memref<10240x32xf32, #tpu.memory_space<hbm>> -> memref<10240x32xf32, #tpu.memory_space<hbm>>
        tpu.enqueue_indirect_dma source(%dma_start3A_524 : memref<10240x32xf32, #tpu.memory_space<hbm>>) target(%arg10 : memref<128x32xf32, #tpu.memory_space<vmem>>) offsets(%dma_start3A_521 : memref<128xi32, #tpu.memory_space<vmem>>) semaphore(%arg23 : memref<!tpu.dma_semaphore, #tpu.memory_space<semaphore_mem>>)
      } else {
      }
      %mul3A_433 = arith.constant 12 : i32
      %mul3A_434 = arith.muli %scan3A_181, %mul3A_433 : i32
      %add3A_435 = arith.constant 9 : i32
      %add3A_436 = arith.addi %mul3A_434, %add3A_435 : i32
      %dma_wait3A_437 = arith.constant 0 : i32
      %dma_wait3A_438 = tpu.memref_slice %arg6[%add3A_436, %dma_wait3A_437] : memref<40x128xi32, #tpu.memory_space<vmem>> -> memref<1x128xi32, #tpu.memory_space<vmem>>
      %dma_wait3A_439 = tpu.memref_squeeze %dma_wait3A_438 : memref<1x128xi32, #tpu.memory_space<vmem>> -> memref<128xi32, #tpu.memory_space<vmem>>
      %dma_wait3A_440 = arith.constant 0 : i32
      %dma_wait3A_441 = arith.constant 0 : i32
      %dma_wait3A_442 = tpu.memref_slice %arg3[%dma_wait3A_440, %dma_wait3A_441] : memref<10240x32xf32, #tpu.memory_space<hbm>> -> memref<10240x32xf32, #tpu.memory_space<hbm>>
      tpu.wait_indirect_dma semaphore(%arg30 : memref<!tpu.dma_semaphore, #tpu.memory_space<semaphore_mem>>) src(%dma_wait3A_442 : memref<10240x32xf32, #tpu.memory_space<hbm>>) dst(%arg17 : memref<128x32xf32, #tpu.memory_space<vmem>>)
      %dma_start3A_443 = arith.constant 0 : i32
      %dma_start3A_444 = tpu.memref_slice %arg7[%add3A_436, %dma_start3A_443] : memref<40x128xi32, #tpu.memory_space<vmem>> -> memref<1x128xi32, #tpu.memory_space<vmem>>
      %dma_start3A_445 = tpu.memref_squeeze %dma_start3A_444 : memref<1x128xi32, #tpu.memory_space<vmem>> -> memref<128xi32, #tpu.memory_space<vmem>>
      %dma_start3A_446 = arith.constant 0 : i32
      %dma_start3A_447 = arith.constant 0 : i32
      %dma_start3A_448 = tpu.memref_slice %arg20[%dma_start3A_446, %dma_start3A_447] : memref<10240x32xf32, #tpu.memory_space<vmem_shared>> -> memref<10240x32xf32, #tpu.memory_space<vmem_shared>>
      tpu.enqueue_indirect_dma source(%arg17 : memref<128x32xf32, #tpu.memory_space<vmem>>) target(%dma_start3A_448 : memref<10240x32xf32, #tpu.memory_space<vmem_shared>>) offsets(%dma_start3A_445 : memref<128xi32, #tpu.memory_space<vmem>>) semaphore(%arg42 : memref<!tpu.dma_semaphore, #tpu.memory_space<semaphore_mem>>) {add = true}
      %ge3A_449 = arith.constant 6 : i32
      %ge3A_450 = arith.cmpi sge, %add3A_436, %ge3A_449 : i32
      %convert_element_type3A_451 = arith.extui %ge3A_450 : i1 to i32
      %cond3A_452 = arith.constant 0 : i32
      %cond3A_453 = arith.cmpi ne, %convert_element_type3A_451, %cond3A_452 : i32
      scf.if %cond3A_453 {
        %sub3A = arith.constant 6 : i32
        %sub3A_517 = arith.subi %add3A_436, %sub3A : i32
        %dma_wait3A_518 = arith.constant 0 : i32
        %dma_wait3A_519 = tpu.memref_slice %arg7[%sub3A_517, %dma_wait3A_518] : memref<40x128xi32, #tpu.memory_space<vmem>> -> memref<1x128xi32, #tpu.memory_space<vmem>>
        %dma_wait3A_520 = tpu.memref_squeeze %dma_wait3A_519 : memref<1x128xi32, #tpu.memory_space<vmem>> -> memref<128xi32, #tpu.memory_space<vmem>>
        %dma_wait3A_521 = arith.constant 0 : i32
        %dma_wait3A_522 = arith.constant 0 : i32
        %dma_wait3A_523 = tpu.memref_slice %arg20[%dma_wait3A_521, %dma_wait3A_522] : memref<10240x32xf32, #tpu.memory_space<vmem_shared>> -> memref<10240x32xf32, #tpu.memory_space<vmem_shared>>
        tpu.wait_indirect_dma semaphore(%arg36 : memref<!tpu.dma_semaphore, #tpu.memory_space<semaphore_mem>>) src(%arg11 : memref<128x32xf32, #tpu.memory_space<vmem>>) dst(%dma_wait3A_523 : memref<10240x32xf32, #tpu.memory_space<vmem_shared>>)
      } else {
      }
      %add3A_454 = arith.constant 6 : i32
      %add3A_455 = arith.addi %add3A_436, %add3A_454 : i32
      %lt3A_456 = arith.constant 39 : i32
      %lt3A_457 = arith.cmpi slt, %add3A_455, %lt3A_456 : i32
      %convert_element_type3A_458 = arith.extui %lt3A_457 : i1 to i32
      %cond3A_459 = arith.constant 0 : i32
      %cond3A_460 = arith.cmpi ne, %convert_element_type3A_458, %cond3A_459 : i32
      scf.if %cond3A_460 {
        %add3A_517 = arith.constant 6 : i32
        %add3A_518 = arith.addi %add3A_436, %add3A_517 : i32
        %dma_start3A_519 = arith.constant 0 : i32
        %dma_start3A_520 = tpu.memref_slice %arg6[%add3A_518, %dma_start3A_519] : memref<40x128xi32, #tpu.memory_space<vmem>> -> memref<1x128xi32, #tpu.memory_space<vmem>>
        %dma_start3A_521 = tpu.memref_squeeze %dma_start3A_520 : memref<1x128xi32, #tpu.memory_space<vmem>> -> memref<128xi32, #tpu.memory_space<vmem>>
        %dma_start3A_522 = arith.constant 0 : i32
        %dma_start3A_523 = arith.constant 0 : i32
        %dma_start3A_524 = tpu.memref_slice %arg3[%dma_start3A_522, %dma_start3A_523] : memref<10240x32xf32, #tpu.memory_space<hbm>> -> memref<10240x32xf32, #tpu.memory_space<hbm>>
        tpu.enqueue_indirect_dma source(%dma_start3A_524 : memref<10240x32xf32, #tpu.memory_space<hbm>>) target(%arg11 : memref<128x32xf32, #tpu.memory_space<vmem>>) offsets(%dma_start3A_521 : memref<128xi32, #tpu.memory_space<vmem>>) semaphore(%arg24 : memref<!tpu.dma_semaphore, #tpu.memory_space<semaphore_mem>>)
      } else {
      }
      %mul3A_461 = arith.constant 12 : i32
      %mul3A_462 = arith.muli %scan3A_181, %mul3A_461 : i32
      %add3A_463 = arith.constant 10 : i32
      %add3A_464 = arith.addi %mul3A_462, %add3A_463 : i32
      %dma_wait3A_465 = arith.constant 0 : i32
      %dma_wait3A_466 = tpu.memref_slice %arg6[%add3A_464, %dma_wait3A_465] : memref<40x128xi32, #tpu.memory_space<vmem>> -> memref<1x128xi32, #tpu.memory_space<vmem>>
      %dma_wait3A_467 = tpu.memref_squeeze %dma_wait3A_466 : memref<1x128xi32, #tpu.memory_space<vmem>> -> memref<128xi32, #tpu.memory_space<vmem>>
      %dma_wait3A_468 = arith.constant 0 : i32
      %dma_wait3A_469 = arith.constant 0 : i32
      %dma_wait3A_470 = tpu.memref_slice %arg3[%dma_wait3A_468, %dma_wait3A_469] : memref<10240x32xf32, #tpu.memory_space<hbm>> -> memref<10240x32xf32, #tpu.memory_space<hbm>>
      tpu.wait_indirect_dma semaphore(%arg31 : memref<!tpu.dma_semaphore, #tpu.memory_space<semaphore_mem>>) src(%dma_wait3A_470 : memref<10240x32xf32, #tpu.memory_space<hbm>>) dst(%arg18 : memref<128x32xf32, #tpu.memory_space<vmem>>)
      %dma_start3A_471 = arith.constant 0 : i32
      %dma_start3A_472 = tpu.memref_slice %arg7[%add3A_464, %dma_start3A_471] : memref<40x128xi32, #tpu.memory_space<vmem>> -> memref<1x128xi32, #tpu.memory_space<vmem>>
      %dma_start3A_473 = tpu.memref_squeeze %dma_start3A_472 : memref<1x128xi32, #tpu.memory_space<vmem>> -> memref<128xi32, #tpu.memory_space<vmem>>
      %dma_start3A_474 = arith.constant 0 : i32
      %dma_start3A_475 = arith.constant 0 : i32
      %dma_start3A_476 = tpu.memref_slice %arg20[%dma_start3A_474, %dma_start3A_475] : memref<10240x32xf32, #tpu.memory_space<vmem_shared>> -> memref<10240x32xf32, #tpu.memory_space<vmem_shared>>
      tpu.enqueue_indirect_dma source(%arg18 : memref<128x32xf32, #tpu.memory_space<vmem>>) target(%dma_start3A_476 : memref<10240x32xf32, #tpu.memory_space<vmem_shared>>) offsets(%dma_start3A_473 : memref<128xi32, #tpu.memory_space<vmem>>) semaphore(%arg43 : memref<!tpu.dma_semaphore, #tpu.memory_space<semaphore_mem>>) {add = true}
      %ge3A_477 = arith.constant 6 : i32
      %ge3A_478 = arith.cmpi sge, %add3A_464, %ge3A_477 : i32
      %convert_element_type3A_479 = arith.extui %ge3A_478 : i1 to i32
      %cond3A_480 = arith.constant 0 : i32
      %cond3A_481 = arith.cmpi ne, %convert_element_type3A_479, %cond3A_480 : i32
      scf.if %cond3A_481 {
        %sub3A = arith.constant 6 : i32
        %sub3A_517 = arith.subi %add3A_464, %sub3A : i32
        %dma_wait3A_518 = arith.constant 0 : i32
        %dma_wait3A_519 = tpu.memref_slice %arg7[%sub3A_517, %dma_wait3A_518] : memref<40x128xi32, #tpu.memory_space<vmem>> -> memref<1x128xi32, #tpu.memory_space<vmem>>
        %dma_wait3A_520 = tpu.memref_squeeze %dma_wait3A_519 : memref<1x128xi32, #tpu.memory_space<vmem>> -> memref<128xi32, #tpu.memory_space<vmem>>
        %dma_wait3A_521 = arith.constant 0 : i32
        %dma_wait3A_522 = arith.constant 0 : i32
        %dma_wait3A_523 = tpu.memref_slice %arg20[%dma_wait3A_521, %dma_wait3A_522] : memref<10240x32xf32, #tpu.memory_space<vmem_shared>> -> memref<10240x32xf32, #tpu.memory_space<vmem_shared>>
        tpu.wait_indirect_dma semaphore(%arg37 : memref<!tpu.dma_semaphore, #tpu.memory_space<semaphore_mem>>) src(%arg12 : memref<128x32xf32, #tpu.memory_space<vmem>>) dst(%dma_wait3A_523 : memref<10240x32xf32, #tpu.memory_space<vmem_shared>>)
      } else {
      }
      %add3A_482 = arith.constant 6 : i32
      %add3A_483 = arith.addi %add3A_464, %add3A_482 : i32
      %lt3A_484 = arith.constant 39 : i32
      %lt3A_485 = arith.cmpi slt, %add3A_483, %lt3A_484 : i32
      %convert_element_type3A_486 = arith.extui %lt3A_485 : i1 to i32
      %cond3A_487 = arith.constant 0 : i32
      %cond3A_488 = arith.cmpi ne, %convert_element_type3A_486, %cond3A_487 : i32
      scf.if %cond3A_488 {
        %add3A_517 = arith.constant 6 : i32
        %add3A_518 = arith.addi %add3A_464, %add3A_517 : i32
        %dma_start3A_519 = arith.constant 0 : i32
        %dma_start3A_520 = tpu.memref_slice %arg6[%add3A_518, %dma_start3A_519] : memref<40x128xi32, #tpu.memory_space<vmem>> -> memref<1x128xi32, #tpu.memory_space<vmem>>
        %dma_start3A_521 = tpu.memref_squeeze %dma_start3A_520 : memref<1x128xi32, #tpu.memory_space<vmem>> -> memref<128xi32, #tpu.memory_space<vmem>>
        %dma_start3A_522 = arith.constant 0 : i32
        %dma_start3A_523 = arith.constant 0 : i32
        %dma_start3A_524 = tpu.memref_slice %arg3[%dma_start3A_522, %dma_start3A_523] : memref<10240x32xf32, #tpu.memory_space<hbm>> -> memref<10240x32xf32, #tpu.memory_space<hbm>>
        tpu.enqueue_indirect_dma source(%dma_start3A_524 : memref<10240x32xf32, #tpu.memory_space<hbm>>) target(%arg12 : memref<128x32xf32, #tpu.memory_space<vmem>>) offsets(%dma_start3A_521 : memref<128xi32, #tpu.memory_space<vmem>>) semaphore(%arg25 : memref<!tpu.dma_semaphore, #tpu.memory_space<semaphore_mem>>)
      } else {
      }
      %mul3A_489 = arith.constant 12 : i32
      %mul3A_490 = arith.muli %scan3A_181, %mul3A_489 : i32
      %add3A_491 = arith.constant 11 : i32
      %add3A_492 = arith.addi %mul3A_490, %add3A_491 : i32
      %dma_wait3A_493 = arith.constant 0 : i32
      %dma_wait3A_494 = tpu.memref_slice %arg6[%add3A_492, %dma_wait3A_493] : memref<40x128xi32, #tpu.memory_space<vmem>> -> memref<1x128xi32, #tpu.memory_space<vmem>>
      %dma_wait3A_495 = tpu.memref_squeeze %dma_wait3A_494 : memref<1x128xi32, #tpu.memory_space<vmem>> -> memref<128xi32, #tpu.memory_space<vmem>>
      %dma_wait3A_496 = arith.constant 0 : i32
      %dma_wait3A_497 = arith.constant 0 : i32
      %dma_wait3A_498 = tpu.memref_slice %arg3[%dma_wait3A_496, %dma_wait3A_497] : memref<10240x32xf32, #tpu.memory_space<hbm>> -> memref<10240x32xf32, #tpu.memory_space<hbm>>
      tpu.wait_indirect_dma semaphore(%arg32 : memref<!tpu.dma_semaphore, #tpu.memory_space<semaphore_mem>>) src(%dma_wait3A_498 : memref<10240x32xf32, #tpu.memory_space<hbm>>) dst(%arg19 : memref<128x32xf32, #tpu.memory_space<vmem>>)
      %dma_start3A_499 = arith.constant 0 : i32
      %dma_start3A_500 = tpu.memref_slice %arg7[%add3A_492, %dma_start3A_499] : memref<40x128xi32, #tpu.memory_space<vmem>> -> memref<1x128xi32, #tpu.memory_space<vmem>>
      %dma_start3A_501 = tpu.memref_squeeze %dma_start3A_500 : memref<1x128xi32, #tpu.memory_space<vmem>> -> memref<128xi32, #tpu.memory_space<vmem>>
      %dma_start3A_502 = arith.constant 0 : i32
      %dma_start3A_503 = arith.constant 0 : i32
      %dma_start3A_504 = tpu.memref_slice %arg20[%dma_start3A_502, %dma_start3A_503] : memref<10240x32xf32, #tpu.memory_space<vmem_shared>> -> memref<10240x32xf32, #tpu.memory_space<vmem_shared>>
      tpu.enqueue_indirect_dma source(%arg19 : memref<128x32xf32, #tpu.memory_space<vmem>>) target(%dma_start3A_504 : memref<10240x32xf32, #tpu.memory_space<vmem_shared>>) offsets(%dma_start3A_501 : memref<128xi32, #tpu.memory_space<vmem>>) semaphore(%arg44 : memref<!tpu.dma_semaphore, #tpu.memory_space<semaphore_mem>>) {add = true}
      %ge3A_505 = arith.constant 6 : i32
      %ge3A_506 = arith.cmpi sge, %add3A_492, %ge3A_505 : i32
      %convert_element_type3A_507 = arith.extui %ge3A_506 : i1 to i32
      %cond3A_508 = arith.constant 0 : i32
      %cond3A_509 = arith.cmpi ne, %convert_element_type3A_507, %cond3A_508 : i32
      scf.if %cond3A_509 {
        %sub3A = arith.constant 6 : i32
        %sub3A_517 = arith.subi %add3A_492, %sub3A : i32
        %dma_wait3A_518 = arith.constant 0 : i32
        %dma_wait3A_519 = tpu.memref_slice %arg7[%sub3A_517, %dma_wait3A_518] : memref<40x128xi32, #tpu.memory_space<vmem>> -> memref<1x128xi32, #tpu.memory_space<vmem>>
        %dma_wait3A_520 = tpu.memref_squeeze %dma_wait3A_519 : memref<1x128xi32, #tpu.memory_space<vmem>> -> memref<128xi32, #tpu.memory_space<vmem>>
        %dma_wait3A_521 = arith.constant 0 : i32
        %dma_wait3A_522 = arith.constant 0 : i32
        %dma_wait3A_523 = tpu.memref_slice %arg20[%dma_wait3A_521, %dma_wait3A_522] : memref<10240x32xf32, #tpu.memory_space<vmem_shared>> -> memref<10240x32xf32, #tpu.memory_space<vmem_shared>>
        tpu.wait_indirect_dma semaphore(%arg38 : memref<!tpu.dma_semaphore, #tpu.memory_space<semaphore_mem>>) src(%arg13 : memref<128x32xf32, #tpu.memory_space<vmem>>) dst(%dma_wait3A_523 : memref<10240x32xf32, #tpu.memory_space<vmem_shared>>)
      } else {
      }
      %add3A_510 = arith.constant 6 : i32
      %add3A_511 = arith.addi %add3A_492, %add3A_510 : i32
      %lt3A_512 = arith.constant 39 : i32
      %lt3A_513 = arith.cmpi slt, %add3A_511, %lt3A_512 : i32
      %convert_element_type3A_514 = arith.extui %lt3A_513 : i1 to i32
      %cond3A_515 = arith.constant 0 : i32
      %cond3A_516 = arith.cmpi ne, %convert_element_type3A_514, %cond3A_515 : i32
      scf.if %cond3A_516 {
        %add3A_517 = arith.constant 6 : i32
        %add3A_518 = arith.addi %add3A_492, %add3A_517 : i32
        %dma_start3A_519 = arith.constant 0 : i32
        %dma_start3A_520 = tpu.memref_slice %arg6[%add3A_518, %dma_start3A_519] : memref<40x128xi32, #tpu.memory_space<vmem>> -> memref<1x128xi32, #tpu.memory_space<vmem>>
        %dma_start3A_521 = tpu.memref_squeeze %dma_start3A_520 : memref<1x128xi32, #tpu.memory_space<vmem>> -> memref<128xi32, #tpu.memory_space<vmem>>
        %dma_start3A_522 = arith.constant 0 : i32
        %dma_start3A_523 = arith.constant 0 : i32
        %dma_start3A_524 = tpu.memref_slice %arg3[%dma_start3A_522, %dma_start3A_523] : memref<10240x32xf32, #tpu.memory_space<hbm>> -> memref<10240x32xf32, #tpu.memory_space<hbm>>
        tpu.enqueue_indirect_dma source(%dma_start3A_524 : memref<10240x32xf32, #tpu.memory_space<hbm>>) target(%arg13 : memref<128x32xf32, #tpu.memory_space<vmem>>) offsets(%dma_start3A_521 : memref<128xi32, #tpu.memory_space<vmem>>) semaphore(%arg26 : memref<!tpu.dma_semaphore, #tpu.memory_space<semaphore_mem>>)
      } else {
      }
    }
    %scan3A_66 = arith.constant 3 : i32
    %dma_wait3A = arith.constant 36 : i32
    %dma_wait3A_67 = arith.constant 0 : i32
    %dma_wait3A_68 = tpu.memref_slice %arg6[%dma_wait3A, %dma_wait3A_67] : memref<40x128xi32, #tpu.memory_space<vmem>> -> memref<1x128xi32, #tpu.memory_space<vmem>>
    %dma_wait3A_69 = tpu.memref_squeeze %dma_wait3A_68 : memref<1x128xi32, #tpu.memory_space<vmem>> -> memref<128xi32, #tpu.memory_space<vmem>>
    %dma_wait3A_70 = arith.constant 0 : i32
    %dma_wait3A_71 = arith.constant 0 : i32
    %dma_wait3A_72 = tpu.memref_slice %arg3[%dma_wait3A_70, %dma_wait3A_71] : memref<10240x32xf32, #tpu.memory_space<hbm>> -> memref<10240x32xf32, #tpu.memory_space<hbm>>
    tpu.wait_indirect_dma semaphore(%arg21 : memref<!tpu.dma_semaphore, #tpu.memory_space<semaphore_mem>>) src(%dma_wait3A_72 : memref<10240x32xf32, #tpu.memory_space<hbm>>) dst(%arg8 : memref<128x32xf32, #tpu.memory_space<vmem>>)
    %dma_start3A_73 = arith.constant 36 : i32
    %dma_start3A_74 = arith.constant 0 : i32
    %dma_start3A_75 = tpu.memref_slice %arg7[%dma_start3A_73, %dma_start3A_74] : memref<40x128xi32, #tpu.memory_space<vmem>> -> memref<1x128xi32, #tpu.memory_space<vmem>>
    %dma_start3A_76 = tpu.memref_squeeze %dma_start3A_75 : memref<1x128xi32, #tpu.memory_space<vmem>> -> memref<128xi32, #tpu.memory_space<vmem>>
    %dma_start3A_77 = arith.constant 0 : i32
    %dma_start3A_78 = arith.constant 0 : i32
    %dma_start3A_79 = tpu.memref_slice %arg20[%dma_start3A_77, %dma_start3A_78] : memref<10240x32xf32, #tpu.memory_space<vmem_shared>> -> memref<10240x32xf32, #tpu.memory_space<vmem_shared>>
    tpu.enqueue_indirect_dma source(%arg8 : memref<128x32xf32, #tpu.memory_space<vmem>>) target(%dma_start3A_79 : memref<10240x32xf32, #tpu.memory_space<vmem_shared>>) offsets(%dma_start3A_76 : memref<128xi32, #tpu.memory_space<vmem>>) semaphore(%arg33 : memref<!tpu.dma_semaphore, #tpu.memory_space<semaphore_mem>>) {add = true}
    %dma_wait3A_80 = arith.constant 30 : i32
    %dma_wait3A_81 = arith.constant 0 : i32
    %dma_wait3A_82 = tpu.memref_slice %arg7[%dma_wait3A_80, %dma_wait3A_81] : memref<40x128xi32, #tpu.memory_space<vmem>> -> memref<1x128xi32, #tpu.memory_space<vmem>>
    %dma_wait3A_83 = tpu.memref_squeeze %dma_wait3A_82 : memref<1x128xi32, #tpu.memory_space<vmem>> -> memref<128xi32, #tpu.memory_space<vmem>>
    %dma_wait3A_84 = arith.constant 0 : i32
    %dma_wait3A_85 = arith.constant 0 : i32
    %dma_wait3A_86 = tpu.memref_slice %arg20[%dma_wait3A_84, %dma_wait3A_85] : memref<10240x32xf32, #tpu.memory_space<vmem_shared>> -> memref<10240x32xf32, #tpu.memory_space<vmem_shared>>
    tpu.wait_indirect_dma semaphore(%arg39 : memref<!tpu.dma_semaphore, #tpu.memory_space<semaphore_mem>>) src(%arg14 : memref<128x32xf32, #tpu.memory_space<vmem>>) dst(%dma_wait3A_86 : memref<10240x32xf32, #tpu.memory_space<vmem_shared>>)
    %dma_wait3A_87 = arith.constant 37 : i32
    %dma_wait3A_88 = arith.constant 0 : i32
    %dma_wait3A_89 = tpu.memref_slice %arg6[%dma_wait3A_87, %dma_wait3A_88] : memref<40x128xi32, #tpu.memory_space<vmem>> -> memref<1x128xi32, #tpu.memory_space<vmem>>
    %dma_wait3A_90 = tpu.memref_squeeze %dma_wait3A_89 : memref<1x128xi32, #tpu.memory_space<vmem>> -> memref<128xi32, #tpu.memory_space<vmem>>
    %dma_wait3A_91 = arith.constant 0 : i32
    %dma_wait3A_92 = arith.constant 0 : i32
    %dma_wait3A_93 = tpu.memref_slice %arg3[%dma_wait3A_91, %dma_wait3A_92] : memref<10240x32xf32, #tpu.memory_space<hbm>> -> memref<10240x32xf32, #tpu.memory_space<hbm>>
    tpu.wait_indirect_dma semaphore(%arg22 : memref<!tpu.dma_semaphore, #tpu.memory_space<semaphore_mem>>) src(%dma_wait3A_93 : memref<10240x32xf32, #tpu.memory_space<hbm>>) dst(%arg9 : memref<128x32xf32, #tpu.memory_space<vmem>>)
    %dma_start3A_94 = arith.constant 37 : i32
    %dma_start3A_95 = arith.constant 0 : i32
    %dma_start3A_96 = tpu.memref_slice %arg7[%dma_start3A_94, %dma_start3A_95] : memref<40x128xi32, #tpu.memory_space<vmem>> -> memref<1x128xi32, #tpu.memory_space<vmem>>
    %dma_start3A_97 = tpu.memref_squeeze %dma_start3A_96 : memref<1x128xi32, #tpu.memory_space<vmem>> -> memref<128xi32, #tpu.memory_space<vmem>>
    %dma_start3A_98 = arith.constant 0 : i32
    %dma_start3A_99 = arith.constant 0 : i32
    %dma_start3A_100 = tpu.memref_slice %arg20[%dma_start3A_98, %dma_start3A_99] : memref<10240x32xf32, #tpu.memory_space<vmem_shared>> -> memref<10240x32xf32, #tpu.memory_space<vmem_shared>>
    tpu.enqueue_indirect_dma source(%arg9 : memref<128x32xf32, #tpu.memory_space<vmem>>) target(%dma_start3A_100 : memref<10240x32xf32, #tpu.memory_space<vmem_shared>>) offsets(%dma_start3A_97 : memref<128xi32, #tpu.memory_space<vmem>>) semaphore(%arg34 : memref<!tpu.dma_semaphore, #tpu.memory_space<semaphore_mem>>) {add = true}
    %dma_wait3A_101 = arith.constant 31 : i32
    %dma_wait3A_102 = arith.constant 0 : i32
    %dma_wait3A_103 = tpu.memref_slice %arg7[%dma_wait3A_101, %dma_wait3A_102] : memref<40x128xi32, #tpu.memory_space<vmem>> -> memref<1x128xi32, #tpu.memory_space<vmem>>
    %dma_wait3A_104 = tpu.memref_squeeze %dma_wait3A_103 : memref<1x128xi32, #tpu.memory_space<vmem>> -> memref<128xi32, #tpu.memory_space<vmem>>
    %dma_wait3A_105 = arith.constant 0 : i32
    %dma_wait3A_106 = arith.constant 0 : i32
    %dma_wait3A_107 = tpu.memref_slice %arg20[%dma_wait3A_105, %dma_wait3A_106] : memref<10240x32xf32, #tpu.memory_space<vmem_shared>> -> memref<10240x32xf32, #tpu.memory_space<vmem_shared>>
    tpu.wait_indirect_dma semaphore(%arg40 : memref<!tpu.dma_semaphore, #tpu.memory_space<semaphore_mem>>) src(%arg15 : memref<128x32xf32, #tpu.memory_space<vmem>>) dst(%dma_wait3A_107 : memref<10240x32xf32, #tpu.memory_space<vmem_shared>>)
    %dma_wait3A_108 = arith.constant 38 : i32
    %dma_wait3A_109 = arith.constant 0 : i32
    %dma_wait3A_110 = tpu.memref_slice %arg6[%dma_wait3A_108, %dma_wait3A_109] : memref<40x128xi32, #tpu.memory_space<vmem>> -> memref<1x128xi32, #tpu.memory_space<vmem>>
    %dma_wait3A_111 = tpu.memref_squeeze %dma_wait3A_110 : memref<1x128xi32, #tpu.memory_space<vmem>> -> memref<128xi32, #tpu.memory_space<vmem>>
    %dma_wait3A_112 = arith.constant 0 : i32
    %dma_wait3A_113 = arith.constant 0 : i32
    %dma_wait3A_114 = tpu.memref_slice %arg3[%dma_wait3A_112, %dma_wait3A_113] : memref<10240x32xf32, #tpu.memory_space<hbm>> -> memref<10240x32xf32, #tpu.memory_space<hbm>>
    tpu.wait_indirect_dma semaphore(%arg23 : memref<!tpu.dma_semaphore, #tpu.memory_space<semaphore_mem>>) src(%dma_wait3A_114 : memref<10240x32xf32, #tpu.memory_space<hbm>>) dst(%arg10 : memref<128x32xf32, #tpu.memory_space<vmem>>)
    %dma_start3A_115 = arith.constant 38 : i32
    %dma_start3A_116 = arith.constant 0 : i32
    %dma_start3A_117 = tpu.memref_slice %arg7[%dma_start3A_115, %dma_start3A_116] : memref<40x128xi32, #tpu.memory_space<vmem>> -> memref<1x128xi32, #tpu.memory_space<vmem>>
    %dma_start3A_118 = tpu.memref_squeeze %dma_start3A_117 : memref<1x128xi32, #tpu.memory_space<vmem>> -> memref<128xi32, #tpu.memory_space<vmem>>
    %dma_start3A_119 = arith.constant 0 : i32
    %dma_start3A_120 = arith.constant 0 : i32
    %dma_start3A_121 = tpu.memref_slice %arg20[%dma_start3A_119, %dma_start3A_120] : memref<10240x32xf32, #tpu.memory_space<vmem_shared>> -> memref<10240x32xf32, #tpu.memory_space<vmem_shared>>
    tpu.enqueue_indirect_dma source(%arg10 : memref<128x32xf32, #tpu.memory_space<vmem>>) target(%dma_start3A_121 : memref<10240x32xf32, #tpu.memory_space<vmem_shared>>) offsets(%dma_start3A_118 : memref<128xi32, #tpu.memory_space<vmem>>) semaphore(%arg35 : memref<!tpu.dma_semaphore, #tpu.memory_space<semaphore_mem>>) {add = true}
    %dma_wait3A_122 = arith.constant 32 : i32
    %dma_wait3A_123 = arith.constant 0 : i32
    %dma_wait3A_124 = tpu.memref_slice %arg7[%dma_wait3A_122, %dma_wait3A_123] : memref<40x128xi32, #tpu.memory_space<vmem>> -> memref<1x128xi32, #tpu.memory_space<vmem>>
    %dma_wait3A_125 = tpu.memref_squeeze %dma_wait3A_124 : memref<1x128xi32, #tpu.memory_space<vmem>> -> memref<128xi32, #tpu.memory_space<vmem>>
    %dma_wait3A_126 = arith.constant 0 : i32
    %dma_wait3A_127 = arith.constant 0 : i32
    %dma_wait3A_128 = tpu.memref_slice %arg20[%dma_wait3A_126, %dma_wait3A_127] : memref<10240x32xf32, #tpu.memory_space<vmem_shared>> -> memref<10240x32xf32, #tpu.memory_space<vmem_shared>>
    tpu.wait_indirect_dma semaphore(%arg41 : memref<!tpu.dma_semaphore, #tpu.memory_space<semaphore_mem>>) src(%arg16 : memref<128x32xf32, #tpu.memory_space<vmem>>) dst(%dma_wait3A_128 : memref<10240x32xf32, #tpu.memory_space<vmem_shared>>)
    %dma_wait3A_129 = arith.constant 33 : i32
    %dma_wait3A_130 = arith.constant 0 : i32
    %dma_wait3A_131 = tpu.memref_slice %arg7[%dma_wait3A_129, %dma_wait3A_130] : memref<40x128xi32, #tpu.memory_space<vmem>> -> memref<1x128xi32, #tpu.memory_space<vmem>>
    %dma_wait3A_132 = tpu.memref_squeeze %dma_wait3A_131 : memref<1x128xi32, #tpu.memory_space<vmem>> -> memref<128xi32, #tpu.memory_space<vmem>>
    %dma_wait3A_133 = arith.constant 0 : i32
    %dma_wait3A_134 = arith.constant 0 : i32
    %dma_wait3A_135 = tpu.memref_slice %arg20[%dma_wait3A_133, %dma_wait3A_134] : memref<10240x32xf32, #tpu.memory_space<vmem_shared>> -> memref<10240x32xf32, #tpu.memory_space<vmem_shared>>
    tpu.wait_indirect_dma semaphore(%arg42 : memref<!tpu.dma_semaphore, #tpu.memory_space<semaphore_mem>>) src(%arg17 : memref<128x32xf32, #tpu.memory_space<vmem>>) dst(%dma_wait3A_135 : memref<10240x32xf32, #tpu.memory_space<vmem_shared>>)
    %dma_wait3A_136 = arith.constant 34 : i32
    %dma_wait3A_137 = arith.constant 0 : i32
    %dma_wait3A_138 = tpu.memref_slice %arg7[%dma_wait3A_136, %dma_wait3A_137] : memref<40x128xi32, #tpu.memory_space<vmem>> -> memref<1x128xi32, #tpu.memory_space<vmem>>
    %dma_wait3A_139 = tpu.memref_squeeze %dma_wait3A_138 : memref<1x128xi32, #tpu.memory_space<vmem>> -> memref<128xi32, #tpu.memory_space<vmem>>
    %dma_wait3A_140 = arith.constant 0 : i32
    %dma_wait3A_141 = arith.constant 0 : i32
    %dma_wait3A_142 = tpu.memref_slice %arg20[%dma_wait3A_140, %dma_wait3A_141] : memref<10240x32xf32, #tpu.memory_space<vmem_shared>> -> memref<10240x32xf32, #tpu.memory_space<vmem_shared>>
    tpu.wait_indirect_dma semaphore(%arg43 : memref<!tpu.dma_semaphore, #tpu.memory_space<semaphore_mem>>) src(%arg18 : memref<128x32xf32, #tpu.memory_space<vmem>>) dst(%dma_wait3A_142 : memref<10240x32xf32, #tpu.memory_space<vmem_shared>>)
    %dma_wait3A_143 = arith.constant 35 : i32
    %dma_wait3A_144 = arith.constant 0 : i32
    %dma_wait3A_145 = tpu.memref_slice %arg7[%dma_wait3A_143, %dma_wait3A_144] : memref<40x128xi32, #tpu.memory_space<vmem>> -> memref<1x128xi32, #tpu.memory_space<vmem>>
    %dma_wait3A_146 = tpu.memref_squeeze %dma_wait3A_145 : memref<1x128xi32, #tpu.memory_space<vmem>> -> memref<128xi32, #tpu.memory_space<vmem>>
    %dma_wait3A_147 = arith.constant 0 : i32
    %dma_wait3A_148 = arith.constant 0 : i32
    %dma_wait3A_149 = tpu.memref_slice %arg20[%dma_wait3A_147, %dma_wait3A_148] : memref<10240x32xf32, #tpu.memory_space<vmem_shared>> -> memref<10240x32xf32, #tpu.memory_space<vmem_shared>>
    tpu.wait_indirect_dma semaphore(%arg44 : memref<!tpu.dma_semaphore, #tpu.memory_space<semaphore_mem>>) src(%arg19 : memref<128x32xf32, #tpu.memory_space<vmem>>) dst(%dma_wait3A_149 : memref<10240x32xf32, #tpu.memory_space<vmem_shared>>)
    %dma_wait3A_150 = arith.constant 36 : i32
    %dma_wait3A_151 = arith.constant 0 : i32
    %dma_wait3A_152 = tpu.memref_slice %arg7[%dma_wait3A_150, %dma_wait3A_151] : memref<40x128xi32, #tpu.memory_space<vmem>> -> memref<1x128xi32, #tpu.memory_space<vmem>>
    %dma_wait3A_153 = tpu.memref_squeeze %dma_wait3A_152 : memref<1x128xi32, #tpu.memory_space<vmem>> -> memref<128xi32, #tpu.memory_space<vmem>>
    %dma_wait3A_154 = arith.constant 0 : i32
    %dma_wait3A_155 = arith.constant 0 : i32
    %dma_wait3A_156 = tpu.memref_slice %arg20[%dma_wait3A_154, %dma_wait3A_155] : memref<10240x32xf32, #tpu.memory_space<vmem_shared>> -> memref<10240x32xf32, #tpu.memory_space<vmem_shared>>
    tpu.wait_indirect_dma semaphore(%arg33 : memref<!tpu.dma_semaphore, #tpu.memory_space<semaphore_mem>>) src(%arg8 : memref<128x32xf32, #tpu.memory_space<vmem>>) dst(%dma_wait3A_156 : memref<10240x32xf32, #tpu.memory_space<vmem_shared>>)
    %dma_wait3A_157 = arith.constant 37 : i32
    %dma_wait3A_158 = arith.constant 0 : i32
    %dma_wait3A_159 = tpu.memref_slice %arg7[%dma_wait3A_157, %dma_wait3A_158] : memref<40x128xi32, #tpu.memory_space<vmem>> -> memref<1x128xi32, #tpu.memory_space<vmem>>
    %dma_wait3A_160 = tpu.memref_squeeze %dma_wait3A_159 : memref<1x128xi32, #tpu.memory_space<vmem>> -> memref<128xi32, #tpu.memory_space<vmem>>
    %dma_wait3A_161 = arith.constant 0 : i32
    %dma_wait3A_162 = arith.constant 0 : i32
    %dma_wait3A_163 = tpu.memref_slice %arg20[%dma_wait3A_161, %dma_wait3A_162] : memref<10240x32xf32, #tpu.memory_space<vmem_shared>> -> memref<10240x32xf32, #tpu.memory_space<vmem_shared>>
    tpu.wait_indirect_dma semaphore(%arg34 : memref<!tpu.dma_semaphore, #tpu.memory_space<semaphore_mem>>) src(%arg9 : memref<128x32xf32, #tpu.memory_space<vmem>>) dst(%dma_wait3A_163 : memref<10240x32xf32, #tpu.memory_space<vmem_shared>>)
    %dma_wait3A_164 = arith.constant 38 : i32
    %dma_wait3A_165 = arith.constant 0 : i32
    %dma_wait3A_166 = tpu.memref_slice %arg7[%dma_wait3A_164, %dma_wait3A_165] : memref<40x128xi32, #tpu.memory_space<vmem>> -> memref<1x128xi32, #tpu.memory_space<vmem>>
    %dma_wait3A_167 = tpu.memref_squeeze %dma_wait3A_166 : memref<1x128xi32, #tpu.memory_space<vmem>> -> memref<128xi32, #tpu.memory_space<vmem>>
    %dma_wait3A_168 = arith.constant 0 : i32
    %dma_wait3A_169 = arith.constant 0 : i32
    %dma_wait3A_170 = tpu.memref_slice %arg20[%dma_wait3A_168, %dma_wait3A_169] : memref<10240x32xf32, #tpu.memory_space<vmem_shared>> -> memref<10240x32xf32, #tpu.memory_space<vmem_shared>>
    tpu.wait_indirect_dma semaphore(%arg35 : memref<!tpu.dma_semaphore, #tpu.memory_space<semaphore_mem>>) src(%arg10 : memref<128x32xf32, #tpu.memory_space<vmem>>) dst(%dma_wait3A_170 : memref<10240x32xf32, #tpu.memory_space<vmem_shared>>)
    %lt3A_171 = arith.constant 2 : i32
    %lt3A_172 = arith.cmpi slt, %add3A, %lt3A_171 : i32
    %convert_element_type3A_173 = arith.extui %lt3A_172 : i1 to i32
    %cond3A_174 = arith.constant 0 : i32
    %cond3A_175 = arith.cmpi ne, %convert_element_type3A_173, %cond3A_174 : i32
    scf.if %cond3A_175 {
      %run_scoped3A_181 = arith.constant 39 : i32
      "tpu.region"() ({
        %run_scoped3A_183 = tpu.sem_alloc : memref<!tpu.dma_semaphore, #tpu.memory_space<semaphore_mem>>
        %dma_start3A_184 = arith.constant 0 : i32
        %dma_start3A_185 = tpu.memref_slice %arg6[%run_scoped3A_181, %dma_start3A_184] : memref<40x128xi32, #tpu.memory_space<vmem>> -> memref<1x128xi32, #tpu.memory_space<vmem>>
        %dma_start3A_186 = tpu.memref_squeeze %dma_start3A_185 : memref<1x128xi32, #tpu.memory_space<vmem>> -> memref<128xi32, #tpu.memory_space<vmem>>
        %dma_start3A_187 = arith.constant 0 : i32
        %dma_start3A_188 = arith.constant 0 : i32
        %dma_start3A_189 = tpu.memref_slice %arg3[%dma_start3A_187, %dma_start3A_188] : memref<10240x32xf32, #tpu.memory_space<hbm>> -> memref<10240x32xf32, #tpu.memory_space<hbm>>
        tpu.enqueue_indirect_dma source(%dma_start3A_189 : memref<10240x32xf32, #tpu.memory_space<hbm>>) target(%arg8 : memref<128x32xf32, #tpu.memory_space<vmem>>) offsets(%dma_start3A_186 : memref<128xi32, #tpu.memory_space<vmem>>) semaphore(%run_scoped3A_183 : memref<!tpu.dma_semaphore, #tpu.memory_space<semaphore_mem>>)
        %dma_wait3A_190 = arith.constant 0 : i32
        %dma_wait3A_191 = tpu.memref_slice %arg6[%run_scoped3A_181, %dma_wait3A_190] : memref<40x128xi32, #tpu.memory_space<vmem>> -> memref<1x128xi32, #tpu.memory_space<vmem>>
        %dma_wait3A_192 = tpu.memref_squeeze %dma_wait3A_191 : memref<1x128xi32, #tpu.memory_space<vmem>> -> memref<128xi32, #tpu.memory_space<vmem>>
        %dma_wait3A_193 = arith.constant 0 : i32
        %dma_wait3A_194 = arith.constant 0 : i32
        %dma_wait3A_195 = tpu.memref_slice %arg3[%dma_wait3A_193, %dma_wait3A_194] : memref<10240x32xf32, #tpu.memory_space<hbm>> -> memref<10240x32xf32, #tpu.memory_space<hbm>>
        tpu.wait_indirect_dma semaphore(%run_scoped3A_183 : memref<!tpu.dma_semaphore, #tpu.memory_space<semaphore_mem>>) src(%dma_wait3A_195 : memref<10240x32xf32, #tpu.memory_space<hbm>>) dst(%arg8 : memref<128x32xf32, #tpu.memory_space<vmem>>)
        tpu.yield
      }) : () -> ()
      %run_scoped3A_182 = arith.constant 39 : i32
      "tpu.region"() ({
        %run_scoped3A_183 = tpu.sem_alloc : memref<!tpu.dma_semaphore, #tpu.memory_space<semaphore_mem>>
        %dma_start3A_184 = arith.constant 0 : i32
        %dma_start3A_185 = tpu.memref_slice %arg7[%run_scoped3A_182, %dma_start3A_184] : memref<40x128xi32, #tpu.memory_space<vmem>> -> memref<1x128xi32, #tpu.memory_space<vmem>>
        %dma_start3A_186 = tpu.memref_squeeze %dma_start3A_185 : memref<1x128xi32, #tpu.memory_space<vmem>> -> memref<128xi32, #tpu.memory_space<vmem>>
        %dma_start3A_187 = arith.constant 0 : i32
        %dma_start3A_188 = arith.constant 0 : i32
        %dma_start3A_189 = tpu.memref_slice %arg20[%dma_start3A_187, %dma_start3A_188] : memref<10240x32xf32, #tpu.memory_space<vmem_shared>> -> memref<10240x32xf32, #tpu.memory_space<vmem_shared>>
        tpu.enqueue_indirect_dma source(%arg8 : memref<128x32xf32, #tpu.memory_space<vmem>>) target(%dma_start3A_189 : memref<10240x32xf32, #tpu.memory_space<vmem_shared>>) offsets(%dma_start3A_186 : memref<128xi32, #tpu.memory_space<vmem>>) semaphore(%run_scoped3A_183 : memref<!tpu.dma_semaphore, #tpu.memory_space<semaphore_mem>>) {add = true}
        %dma_wait3A_190 = arith.constant 0 : i32
        %dma_wait3A_191 = tpu.memref_slice %arg7[%run_scoped3A_182, %dma_wait3A_190] : memref<40x128xi32, #tpu.memory_space<vmem>> -> memref<1x128xi32, #tpu.memory_space<vmem>>
        %dma_wait3A_192 = tpu.memref_squeeze %dma_wait3A_191 : memref<1x128xi32, #tpu.memory_space<vmem>> -> memref<128xi32, #tpu.memory_space<vmem>>
        %dma_wait3A_193 = arith.constant 0 : i32
        %dma_wait3A_194 = arith.constant 0 : i32
        %dma_wait3A_195 = tpu.memref_slice %arg20[%dma_wait3A_193, %dma_wait3A_194] : memref<10240x32xf32, #tpu.memory_space<vmem_shared>> -> memref<10240x32xf32, #tpu.memory_space<vmem_shared>>
        tpu.wait_indirect_dma semaphore(%run_scoped3A_183 : memref<!tpu.dma_semaphore, #tpu.memory_space<semaphore_mem>>) src(%arg8 : memref<128x32xf32, #tpu.memory_space<vmem>>) dst(%dma_wait3A_195 : memref<10240x32xf32, #tpu.memory_space<vmem_shared>>)
        tpu.yield
      }) : () -> ()
    } else {
    }
    %barrier3A_176 = arith.constant 0 : index
    tpu.barrier barrier_id(%barrier3A_176)
    %mul3A_177 = arith.constant 640 : i32
    %mul3A_178 = arith.muli %arg1, %mul3A_177 : i32
    %mul3A_179 = arith.constant 640 : i32
    %mul3A_180 = arith.muli %arg1, %mul3A_179 : i32
    "tpu.region"() ({
      %run_scoped3A_181 = tpu.sem_alloc : memref<!tpu.dma_semaphore, #tpu.memory_space<semaphore_mem>>
      %dma_start3A_182 = arith.constant 0 : i32
      %dma_start3A_183 = tpu.memref_slice %arg5[%arg0, %mul3A_180, %dma_start3A_182] : memref<2x10240x32xf32, #tpu.memory_space<hbm>> -> memref<1x640x32xf32, #tpu.memory_space<hbm>>
      %dma_start3A_184 = tpu.memref_squeeze %dma_start3A_183 : memref<1x640x32xf32, #tpu.memory_space<hbm>> -> memref<640x32xf32, #tpu.memory_space<hbm>>
      %dma_start3A_185 = arith.constant 0 : i32
      %dma_start3A_186 = tpu.memref_slice %arg20[%mul3A_178, %dma_start3A_185] : memref<10240x32xf32, #tpu.memory_space<vmem_shared>> -> memref<640x32xf32, #tpu.memory_space<vmem_shared>>
      tpu.enqueue_dma source(%dma_start3A_186 : memref<640x32xf32, #tpu.memory_space<vmem_shared>>) target(%dma_start3A_184 : memref<640x32xf32, #tpu.memory_space<hbm>>) target_semaphore(%run_scoped3A_181 : memref<!tpu.dma_semaphore, #tpu.memory_space<semaphore_mem>>)
      %dma_wait3A_187 = arith.constant 0 : i32
      %dma_wait3A_188 = tpu.memref_slice %arg5[%arg0, %mul3A_180, %dma_wait3A_187] : memref<2x10240x32xf32, #tpu.memory_space<hbm>> -> memref<1x640x32xf32, #tpu.memory_space<hbm>>
      %dma_wait3A_189 = tpu.memref_squeeze %dma_wait3A_188 : memref<1x640x32xf32, #tpu.memory_space<hbm>> -> memref<640x32xf32, #tpu.memory_space<hbm>>
      %dma_wait3A_190 = arith.constant 0 : i32
      %dma_wait3A_191 = tpu.memref_slice %arg20[%mul3A_178, %dma_wait3A_190] : memref<10240x32xf32, #tpu.memory_space<vmem_shared>> -> memref<640x32xf32, #tpu.memory_space<vmem_shared>>
      tpu.wait_dma2 semaphore(%run_scoped3A_181 : memref<!tpu.dma_semaphore, #tpu.memory_space<semaphore_mem>>) src(%dma_wait3A_191 : memref<640x32xf32, #tpu.memory_space<vmem_shared>>) dst(%dma_wait3A_189 : memref<640x32xf32, #tpu.memory_space<hbm>>)
      tpu.yield
    }) : () -> ()
    return
  }
}

module attributes {stable_mosaic.version = 14 : i64} {
  func.func @_tc_frontV_body(%arg0: i32, %arg1: memref<640x512xf32, #tpu.memory_space<vmem>>, %arg2: memref<512x128xf32, #tpu.memory_space<vmem>>, %arg3: memref<128x128xf32, #tpu.memory_space<vmem>>, %arg4: memref<1x128xf32, #tpu.memory_space<vmem>>, %arg5: memref<640x128xf32, #tpu.memory_space<vmem>>) attributes {dimension_semantics = [#tpu.dimension_semantics<arbitrary>], iteration_bounds = array<i64: 4>, scalar_prefetch = 0 : i64, scratch_operands = 0 : i64, tpu.core_type = #tpu.core_type<tc>, window_params = [{transform_indices = @transform_0, window_bounds = array<i64: 640, 512>}, {pipeline_mode = #tpu.pipeline_mode<synchronous>, transform_indices = @transform_1, window_bounds = array<i64: 512, 128>}, {pipeline_mode = #tpu.pipeline_mode<synchronous>, transform_indices = @transform_2, window_bounds = array<i64: 128, 128>}, {pipeline_mode = #tpu.pipeline_mode<synchronous>, transform_indices = @transform_3, window_bounds = array<i64: 1, 128>}, {transform_indices = @transform_4, window_bounds = array<i64: 640, 128>}]} {
    %get3A = arith.constant 0 : index
    %get3A_0 = arith.constant 0 : index
    %get3A_1 = vector.load %arg1[%get3A, %get3A_0] : memref<640x512xf32, #tpu.memory_space<vmem>>, vector<640x512xf32>
    %get3A_2 = arith.constant 0 : index
    %get3A_3 = arith.constant 0 : index
    %get3A_4 = vector.load %arg2[%get3A_2, %get3A_3] : memref<512x128xf32, #tpu.memory_space<vmem>>, vector<512x128xf32>
    %dot_general3A = arith.constant dense<0.000000e+00> : vector<640x128xf32>
    %dot_general3A_5 = tpu.matmul %get3A_1, %get3A_4, %dot_general3A {dimension_numbers = #tpu.dot_dimension_numbers<[1], [0], [0], [1], [0, 0, 1, 1], [], []>, transpose_lhs_hint = false} : vector<640x512xf32>, vector<512x128xf32>, vector<640x128xf32> -> vector<640x128xf32>
    %get3A_6 = arith.constant 0 : index
    %get3A_7 = arith.constant 0 : index
    %get3A_8 = vector.load %arg4[%get3A_6, %get3A_7] : memref<1x128xf32, #tpu.memory_space<vmem>>, vector<1x128xf32>
    %add3A = vector.broadcast %get3A_8 : vector<1x128xf32> to vector<640x128xf32>
    %add3A_9 = arith.addf %dot_general3A_5, %add3A : vector<640x128xf32>
    %get3A_10 = arith.constant 0 : index
    %get3A_11 = arith.constant 0 : index
    %get3A_12 = vector.load %arg3[%get3A_10, %get3A_11] : memref<128x128xf32, #tpu.memory_space<vmem>>, vector<128x128xf32>
    %dot_general3A_13 = arith.constant dense<0.000000e+00> : vector<640x128xf32>
    %dot_general3A_14 = tpu.matmul %add3A_9, %get3A_12, %dot_general3A_13 {dimension_numbers = #tpu.dot_dimension_numbers<[1], [0], [0], [1], [0, 0, 1, 1], [], []>, transpose_lhs_hint = false} : vector<640x128xf32>, vector<128x128xf32>, vector<640x128xf32> -> vector<640x128xf32>
    %swap3A = arith.constant 0 : index
    %swap3A_15 = arith.constant 0 : index
    %swap3A_16 = vector.load %arg5[%swap3A, %swap3A_15] : memref<640x128xf32, #tpu.memory_space<vmem>>, vector<640x128xf32>
    tpu.vector_store %arg5[%swap3A, %swap3A_15], %dot_general3A_14 {strides = array<i32>} : memref<640x128xf32, #tpu.memory_space<vmem>>, vector<640x128xf32>,
    return
  }
  func.func @transform_0(%arg0: i32) -> (i32, i32) {
    %c0_i32 = arith.constant 0 : i32
    %c0_i32_0 = arith.constant 0 : i32
    return %arg0, %c0_i32 : i32, i32
  }
  func.func @transform_1(%arg0: i32) -> (i32, i32) {
    %c0_i32 = arith.constant 0 : i32
    %c0_i32_0 = arith.constant 0 : i32
    %c0_i32_1 = arith.constant 0 : i32
    return %c0_i32, %c0_i32_0 : i32, i32
  }
  func.func @transform_2(%arg0: i32) -> (i32, i32) {
    %c0_i32 = arith.constant 0 : i32
    %c0_i32_0 = arith.constant 0 : i32
    %c0_i32_1 = arith.constant 0 : i32
    return %c0_i32, %c0_i32_0 : i32, i32
  }
  func.func @transform_3(%arg0: i32) -> (i32, i32) {
    %c0_i32 = arith.constant 0 : i32
    %c0_i32_0 = arith.constant 0 : i32
    %c0_i32_1 = arith.constant 0 : i32
    return %c0_i32, %c0_i32_0 : i32, i32
  }
  func.func @transform_4(%arg0: i32) -> (i32, i32) {
    %c0_i32 = arith.constant 0 : i32
    %c0_i32_0 = arith.constant 0 : i32
    return %arg0, %c0_i32 : i32, i32
  }
}

module attributes {stable_mosaic.version = 14 : i64} {
  func.func @_tc_frontB_body(%arg0: i32, %arg1: memref<640x128xf32, #tpu.memory_space<vmem>>, %arg2: memref<640x4xf32, #tpu.memory_space<vmem>>, %arg3: memref<640x8xf32, #tpu.memory_space<vmem>>, %arg4: memref<8x4xf32, #tpu.memory_space<vmem>>, %arg5: memref<4x128xf32, #tpu.memory_space<vmem>>, %arg6: memref<640x128xf32, #tpu.memory_space<vmem>>) attributes {dimension_semantics = [#tpu.dimension_semantics<arbitrary>], iteration_bounds = array<i64: 4>, scalar_prefetch = 0 : i64, scratch_operands = 0 : i64, tpu.core_type = #tpu.core_type<tc>, window_params = [{transform_indices = @transform_0, window_bounds = array<i64: 640, 128>}, {transform_indices = @transform_1, window_bounds = array<i64: 640, 4>}, {transform_indices = @transform_2, window_bounds = array<i64: 640, 8>}, {pipeline_mode = #tpu.pipeline_mode<synchronous>, transform_indices = @transform_3, window_bounds = array<i64: 8, 4>}, {pipeline_mode = #tpu.pipeline_mode<synchronous>, transform_indices = @transform_4, window_bounds = array<i64: 4, 128>}, {transform_indices = @transform_5, window_bounds = array<i64: 640, 128>}]} {
    %get3A = arith.constant 0 : index
    %get3A_0 = arith.constant 0 : index
    %get3A_1 = vector.load %arg4[%get3A, %get3A_0] : memref<8x4xf32, #tpu.memory_space<vmem>>, vector<8x4xf32>
    %get3A_2 = arith.constant 0 : index
    %get3A_3 = arith.constant 0 : index
    %get3A_4 = vector.load %arg3[%get3A_2, %get3A_3] : memref<640x8xf32, #tpu.memory_space<vmem>>, vector<640x8xf32>
    %dot_general3A = arith.constant dense<0.000000e+00> : vector<640x4xf32>
    %dot_general3A_5 = tpu.matmul %get3A_4, %get3A_1, %dot_general3A {dimension_numbers = #tpu.dot_dimension_numbers<[1], [0], [0], [1], [0, 0, 1, 1], [], []>, transpose_lhs_hint = false} : vector<640x8xf32>, vector<8x4xf32>, vector<640x4xf32> -> vector<640x4xf32>
    %add3A = arith.constant 1.000000e+00 : f32
    %add3A_6 = vector.broadcast %add3A : f32 to vector<640x4xf32>
    %add3A_7 = arith.addf %dot_general3A_5, %add3A_6 : vector<640x4xf32>
    %rsqrt3A = math.rsqrt %add3A_7 : vector<640x4xf32>
    %get3A_8 = arith.constant 0 : index
    %get3A_9 = arith.constant 0 : index
    %get3A_10 = vector.load %arg2[%get3A_8, %get3A_9] : memref<640x4xf32, #tpu.memory_space<vmem>>, vector<640x4xf32>
    %mul3A = arith.mulf %rsqrt3A, %get3A_10 : vector<640x4xf32>
    %get3A_11 = arith.constant 0 : index
    %get3A_12 = arith.constant 0 : index
    %get3A_13 = vector.load %arg5[%get3A_11, %get3A_12] : memref<4x128xf32, #tpu.memory_space<vmem>>, vector<4x128xf32>
    %dot_general3A_14 = arith.constant dense<0.000000e+00> : vector<640x128xf32>
    %dot_general3A_15 = tpu.matmul %mul3A, %get3A_13, %dot_general3A_14 {dimension_numbers = #tpu.dot_dimension_numbers<[1], [0], [0], [1], [0, 0, 1, 1], [], []>, transpose_lhs_hint = false} : vector<640x4xf32>, vector<4x128xf32>, vector<640x128xf32> -> vector<640x128xf32>
    %get3A_16 = arith.constant 0 : index
    %get3A_17 = arith.constant 0 : index
    %get3A_18 = vector.load %arg1[%get3A_16, %get3A_17] : memref<640x128xf32, #tpu.memory_space<vmem>>, vector<640x128xf32>
    %mul3A_19 = arith.mulf %dot_general3A_15, %get3A_18 : vector<640x128xf32>
    %swap3A = arith.constant 0 : index
    %swap3A_20 = arith.constant 0 : index
    %swap3A_21 = vector.load %arg6[%swap3A, %swap3A_20] : memref<640x128xf32, #tpu.memory_space<vmem>>, vector<640x128xf32>
    tpu.vector_store %arg6[%swap3A, %swap3A_20], %mul3A_19 {strides = array<i32>} : memref<640x128xf32, #tpu.memory_space<vmem>>, vector<640x128xf32>,
    return
  }
  func.func @transform_0(%arg0: i32) -> (i32, i32) {
    %c0_i32 = arith.constant 0 : i32
    %c0_i32_0 = arith.constant 0 : i32
    return %arg0, %c0_i32 : i32, i32
  }
  func.func @transform_1(%arg0: i32) -> (i32, i32) {
    %c0_i32 = arith.constant 0 : i32
    %c0_i32_0 = arith.constant 0 : i32
    return %arg0, %c0_i32 : i32, i32
  }
  func.func @transform_2(%arg0: i32) -> (i32, i32) {
    %c0_i32 = arith.constant 0 : i32
    %c0_i32_0 = arith.constant 0 : i32
    return %arg0, %c0_i32 : i32, i32
  }
  func.func @transform_3(%arg0: i32) -> (i32, i32) {
    %c0_i32 = arith.constant 0 : i32
    %c0_i32_0 = arith.constant 0 : i32
    %c0_i32_1 = arith.constant 0 : i32
    return %c0_i32, %c0_i32_0 : i32, i32
  }
  func.func @transform_4(%arg0: i32) -> (i32, i32) {
    %c0_i32 = arith.constant 0 : i32
    %c0_i32_0 = arith.constant 0 : i32
    %c0_i32_1 = arith.constant 0 : i32
    return %c0_i32, %c0_i32_0 : i32, i32
  }
  func.func @transform_5(%arg0: i32) -> (i32, i32) {
    %c0_i32 = arith.constant 0 : i32
    %c0_i32_0 = arith.constant 0 : i32
    return %arg0, %c0_i32 : i32, i32
  }
}

module attributes {stable_mosaic.version = 14 : i64} {
  func.func @_tc_mid_body(%arg0: i32, %arg1: memref<2x640x128xf32, #tpu.memory_space<vmem>>, %arg2: memref<640x8xf32, #tpu.memory_space<vmem>>, %arg3: memref<8x4xf32, #tpu.memory_space<vmem>>, %arg4: memref<4x128xf32, #tpu.memory_space<vmem>>, %arg5: memref<128x128xf32, #tpu.memory_space<vmem>>, %arg6: memref<1x128xf32, #tpu.memory_space<vmem>>, %arg7: memref<640x128xf32, #tpu.memory_space<vmem>>) attributes {dimension_semantics = [#tpu.dimension_semantics<arbitrary>], iteration_bounds = array<i64: 4>, scalar_prefetch = 0 : i64, scratch_operands = 0 : i64, tpu.core_type = #tpu.core_type<tc>, window_params = [{transform_indices = @transform_0, window_bounds = array<i64: 2, 640, 128>}, {transform_indices = @transform_1, window_bounds = array<i64: 640, 8>}, {pipeline_mode = #tpu.pipeline_mode<synchronous>, transform_indices = @transform_2, window_bounds = array<i64: 8, 4>}, {pipeline_mode = #tpu.pipeline_mode<synchronous>, transform_indices = @transform_3, window_bounds = array<i64: 4, 128>}, {pipeline_mode = #tpu.pipeline_mode<synchronous>, transform_indices = @transform_4, window_bounds = array<i64: 128, 128>}, {pipeline_mode = #tpu.pipeline_mode<synchronous>, transform_indices = @transform_5, window_bounds = array<i64: 1, 128>}, {transform_indices = @transform_6, window_bounds = array<i64: 640, 128>}]} {
    %get3A = arith.constant 0 : index
    %get3A_0 = arith.constant 0 : index
    %get3A_1 = vector.load %arg3[%get3A, %get3A_0] : memref<8x4xf32, #tpu.memory_space<vmem>>, vector<8x4xf32>
    %get3A_2 = arith.constant 0 : index
    %get3A_3 = arith.constant 0 : index
    %get3A_4 = vector.load %arg4[%get3A_2, %get3A_3] : memref<4x128xf32, #tpu.memory_space<vmem>>, vector<4x128xf32>
    %get3A_5 = arith.constant 0 : index
    %get3A_6 = arith.constant 0 : index
    %get3A_7 = vector.load %arg2[%get3A_5, %get3A_6] : memref<640x8xf32, #tpu.memory_space<vmem>>, vector<640x8xf32>
    %dot_general3A = arith.constant dense<0.000000e+00> : vector<640x4xf32>
    %dot_general3A_8 = tpu.matmul %get3A_7, %get3A_1, %dot_general3A {dimension_numbers = #tpu.dot_dimension_numbers<[1], [0], [0], [1], [0, 0, 1, 1], [], []>, transpose_lhs_hint = false} : vector<640x8xf32>, vector<8x4xf32>, vector<640x4xf32> -> vector<640x4xf32>
    %add3A = arith.constant 1.000000e+00 : f32
    %add3A_9 = vector.broadcast %add3A : f32 to vector<640x4xf32>
    %add3A_10 = arith.addf %dot_general3A_8, %add3A_9 : vector<640x4xf32>
    %rsqrt3A = math.rsqrt %add3A_10 : vector<640x4xf32>
    %dot_general3A_11 = arith.constant dense<0.000000e+00> : vector<640x128xf32>
    %dot_general3A_12 = tpu.matmul %rsqrt3A, %get3A_4, %dot_general3A_11 {dimension_numbers = #tpu.dot_dimension_numbers<[1], [0], [0], [1], [0, 0, 1, 1], [], []>, transpose_lhs_hint = false} : vector<640x4xf32>, vector<4x128xf32>, vector<640x128xf32> -> vector<640x128xf32>
    %get3A_13 = arith.constant 0 : index
    %get3A_14 = arith.constant 0 : index
    %get3A_15 = arith.constant 0 : index
    %get3A_16 = vector.load %arg1[%get3A_13, %get3A_14, %get3A_15] : memref<2x640x128xf32, #tpu.memory_space<vmem>>, vector<1x640x128xf32>
    %get3A_17 = vector.shape_cast %get3A_16 : vector<1x640x128xf32> to vector<640x128xf32>
    %get3A_18 = arith.constant 1 : index
    %get3A_19 = arith.constant 0 : index
    %get3A_20 = arith.constant 0 : index
    %get3A_21 = vector.load %arg1[%get3A_18, %get3A_19, %get3A_20] : memref<2x640x128xf32, #tpu.memory_space<vmem>>, vector<1x640x128xf32>
    %get3A_22 = vector.shape_cast %get3A_21 : vector<1x640x128xf32> to vector<640x128xf32>
    %add3A_23 = arith.addf %get3A_17, %get3A_22 : vector<640x128xf32>
    %mul3A = arith.mulf %dot_general3A_12, %add3A_23 : vector<640x128xf32>
    %get3A_24 = arith.constant 0 : index
    %get3A_25 = arith.constant 0 : index
    %get3A_26 = vector.load %arg6[%get3A_24, %get3A_25] : memref<1x128xf32, #tpu.memory_space<vmem>>, vector<1x128xf32>
    %add3A_27 = vector.broadcast %get3A_26 : vector<1x128xf32> to vector<640x128xf32>
    %add3A_28 = arith.addf %mul3A, %add3A_27 : vector<640x128xf32>
    %max3A = arith.constant 0.000000e+00 : f32
    %max3A_29 = vector.broadcast %max3A : f32 to vector<640x128xf32>
    %max3A_30 = arith.maximumf %add3A_28, %max3A_29 : vector<640x128xf32>
    %get3A_31 = arith.constant 0 : index
    %get3A_32 = arith.constant 0 : index
    %get3A_33 = vector.load %arg5[%get3A_31, %get3A_32] : memref<128x128xf32, #tpu.memory_space<vmem>>, vector<128x128xf32>
    %dot_general3A_34 = arith.constant dense<0.000000e+00> : vector<640x128xf32>
    %dot_general3A_35 = tpu.matmul %max3A_30, %get3A_33, %dot_general3A_34 {dimension_numbers = #tpu.dot_dimension_numbers<[1], [0], [0], [1], [0, 0, 1, 1], [], []>, transpose_lhs_hint = false} : vector<640x128xf32>, vector<128x128xf32>, vector<640x128xf32> -> vector<640x128xf32>
    %mul3A_36 = arith.mulf %dot_general3A_12, %dot_general3A_35 : vector<640x128xf32>
    %swap3A = arith.constant 0 : index
    %swap3A_37 = arith.constant 0 : index
    %swap3A_38 = vector.load %arg7[%swap3A, %swap3A_37] : memref<640x128xf32, #tpu.memory_space<vmem>>, vector<640x128xf32>
    tpu.vector_store %arg7[%swap3A, %swap3A_37], %mul3A_36 {strides = array<i32>} : memref<640x128xf32, #tpu.memory_space<vmem>>, vector<640x128xf32>,
    return
  }
  func.func @transform_0(%arg0: i32) -> (i32, i32, i32) {
    %c0_i32 = arith.constant 0 : i32
    %c0_i32_0 = arith.constant 0 : i32
    %c0_i32_1 = arith.constant 0 : i32
    return %c0_i32, %arg0, %c0_i32_0 : i32, i32, i32
  }
  func.func @transform_1(%arg0: i32) -> (i32, i32) {
    %c0_i32 = arith.constant 0 : i32
    %c0_i32_0 = arith.constant 0 : i32
    return %arg0, %c0_i32 : i32, i32
  }
  func.func @transform_2(%arg0: i32) -> (i32, i32) {
    %c0_i32 = arith.constant 0 : i32
    %c0_i32_0 = arith.constant 0 : i32
    %c0_i32_1 = arith.constant 0 : i32
    return %c0_i32, %c0_i32_0 : i32, i32
  }
  func.func @transform_3(%arg0: i32) -> (i32, i32) {
    %c0_i32 = arith.constant 0 : i32
    %c0_i32_0 = arith.constant 0 : i32
    %c0_i32_1 = arith.constant 0 : i32
    return %c0_i32, %c0_i32_0 : i32, i32
  }
  func.func @transform_4(%arg0: i32) -> (i32, i32) {
    %c0_i32 = arith.constant 0 : i32
    %c0_i32_0 = arith.constant 0 : i32
    %c0_i32_1 = arith.constant 0 : i32
    return %c0_i32, %c0_i32_0 : i32, i32
  }
  func.func @transform_5(%arg0: i32) -> (i32, i32) {
    %c0_i32 = arith.constant 0 : i32
    %c0_i32_0 = arith.constant 0 : i32
    %c0_i32_1 = arith.constant 0 : i32
    return %c0_i32, %c0_i32_0 : i32, i32
  }
  func.func @transform_6(%arg0: i32) -> (i32, i32) {
    %c0_i32 = arith.constant 0 : i32
    %c0_i32_0 = arith.constant 0 : i32
    return %arg0, %c0_i32 : i32, i32
  }
}

module attributes {stable_mosaic.version = 14 : i64} {
  func.func @_tc_frontA_body(%arg0: i32, %arg1: memref<16x2560xf32, #tpu.memory_space<vmem>>, %arg2: memref<2560x128xf32, #tpu.memory_space<vmem>>, %arg3: memref<32x128xf32, #tpu.memory_space<vmem>>, %arg4: memref<1x32xf32, #tpu.memory_space<vmem>>, %arg5: memref<32x128xf32, #tpu.memory_space<vmem>>, %arg6: memref<1x128xf32, #tpu.memory_space<vmem>>, %arg7: memref<128x128xf32, #tpu.memory_space<vmem>>, %arg8: memref<1x128xf32, #tpu.memory_space<vmem>>, %arg9: memref<16x512xf32, #tpu.memory_space<vmem>>, %arg10: memref<4x128xf32, #tpu.memory_space<vmem>>) attributes {dimension_semantics = [#tpu.dimension_semantics<arbitrary>], iteration_bounds = array<i64: 4>, scalar_prefetch = 0 : i64, scratch_operands = 0 : i64, tpu.core_type = #tpu.core_type<tc>, window_params = [{transform_indices = @transform_0, window_bounds = array<i64: 16, 2560>}, {transform_indices = @transform_1, window_bounds = array<i64: 2560, 128>}, {pipeline_mode = #tpu.pipeline_mode<synchronous>, transform_indices = @transform_2, window_bounds = array<i64: 32, 128>}, {pipeline_mode = #tpu.pipeline_mode<synchronous>, transform_indices = @transform_3, window_bounds = array<i64: 1, 32>}, {pipeline_mode = #tpu.pipeline_mode<synchronous>, transform_indices = @transform_4, window_bounds = array<i64: 32, 128>}, {pipeline_mode = #tpu.pipeline_mode<synchronous>, transform_indices = @transform_5, window_bounds = array<i64: 1, 128>}, {pipeline_mode = #tpu.pipeline_mode<synchronous>, transform_indices = @transform_6, window_bounds = array<i64: 128, 128>}, {pipeline_mode = #tpu.pipeline_mode<synchronous>, transform_indices = @transform_7, window_bounds = array<i64: 1, 128>}, {pipeline_mode = #tpu.pipeline_mode<synchronous>, transform_indices = @transform_8, window_bounds = array<i64: 16, 512>}, {pipeline_mode = #tpu.pipeline_mode<synchronous>, transform_indices = @transform_9, window_bounds = array<i64: 4, 128>}]} {
    %get3A = arith.constant 0 : index
    %get3A_0 = arith.constant 0 : index
    %get3A_1 = vector.load %arg2[%get3A, %get3A_0] : memref<2560x128xf32, #tpu.memory_space<vmem>>, vector<2560x128xf32>
    %get3A_2 = arith.constant 0 : index
    %get3A_3 = arith.constant 0 : index
    %get3A_4 = vector.load %arg3[%get3A_2, %get3A_3] : memref<32x128xf32, #tpu.memory_space<vmem>>, vector<32x128xf32>
    %transpose3A = tpu.transpose %get3A_4, [1, 0] : vector<32x128xf32> -> vector<128x32xf32>
    %dot_general3A = arith.constant dense<0.000000e+00> : vector<2560x32xf32>
    %dot_general3A_5 = tpu.matmul %get3A_1, %transpose3A, %dot_general3A {dimension_numbers = #tpu.dot_dimension_numbers<[1], [0], [0], [1], [0, 0, 1, 1], [], []>, transpose_lhs_hint = false} : vector<2560x128xf32>, vector<128x32xf32>, vector<2560x32xf32> -> vector<2560x32xf32>
    %get3A_6 = arith.constant 0 : index
    %get3A_7 = arith.constant 0 : index
    %get3A_8 = vector.load %arg4[%get3A_6, %get3A_7] : memref<1x32xf32, #tpu.memory_space<vmem>>, vector<1x32xf32>
    %add3A = vector.broadcast %get3A_8 : vector<1x32xf32> to vector<2560x32xf32>
    %add3A_9 = arith.addf %dot_general3A_5, %add3A : vector<2560x32xf32>
    %get3A_10 = arith.constant 0 : index
    %get3A_11 = arith.constant 0 : index
    %get3A_12 = vector.load %arg5[%get3A_10, %get3A_11] : memref<32x128xf32, #tpu.memory_space<vmem>>, vector<32x128xf32>
    %dot_general3A_13 = arith.constant dense<0.000000e+00> : vector<2560x128xf32>
    %dot_general3A_14 = tpu.matmul %add3A_9, %get3A_12, %dot_general3A_13 {dimension_numbers = #tpu.dot_dimension_numbers<[1], [0], [0], [1], [0, 0, 1, 1], [], []>, transpose_lhs_hint = false} : vector<2560x32xf32>, vector<32x128xf32>, vector<2560x128xf32> -> vector<2560x128xf32>
    %get3A_15 = arith.constant 0 : index
    %get3A_16 = arith.constant 0 : index
    %get3A_17 = vector.load %arg1[%get3A_15, %get3A_16] : memref<16x2560xf32, #tpu.memory_space<vmem>>, vector<16x2560xf32>
    %transpose3A_18 = tpu.transpose %get3A_17, [1, 0] : vector<16x2560xf32> -> vector<2560x16xf32>
    %mul3A = arith.constant 2560 : i32
    %mul3A_19 = arith.muli %arg0, %mul3A : i32
    %iota3A = tpu.iota {dimensions = array<i32: 0>} : vector<2560x1xi32>
    %add3A_20 = vector.broadcast %mul3A_19 : i32 to vector<2560x1xi32>
    %add3A_21 = arith.addi %add3A_20, %iota3A : vector<2560x1xi32>
    %lt3A = arith.constant 10000 : i32
    %lt3A_22 = vector.broadcast %lt3A : i32 to vector<2560x1xi32>
    %lt3A_23 = arith.cmpi slt, %add3A_21, %lt3A_22 : vector<2560x1xi32>
    %get3A_24 = arith.constant 0 : index
    %get3A_25 = arith.constant 0 : index
    %get3A_26 = vector.load %arg9[%get3A_24, %get3A_25] : memref<16x512xf32, #tpu.memory_space<vmem>>, vector<16x128xf32>
    %dot_general3A_27 = arith.constant dense<0.000000e+00> : vector<2560x128xf32>
    %dot_general3A_28 = tpu.matmul %transpose3A_18, %get3A_26, %dot_general3A_27 {dimension_numbers = #tpu.dot_dimension_numbers<[1], [0], [0], [1], [0, 0, 1, 1], [], []>, transpose_lhs_hint = false} : vector<2560x16xf32>, vector<16x128xf32>, vector<2560x128xf32> -> vector<2560x128xf32>
    %mul3A_29 = arith.mulf %dot_general3A_28, %dot_general3A_14 : vector<2560x128xf32>
    %get3A_30 = arith.constant 0 : index
    %get3A_31 = arith.constant 0 : index
    %get3A_32 = vector.load %arg6[%get3A_30, %get3A_31] : memref<1x128xf32, #tpu.memory_space<vmem>>, vector<1x128xf32>
    %add3A_33 = vector.broadcast %get3A_32 : vector<1x128xf32> to vector<2560x128xf32>
    %add3A_34 = arith.addf %mul3A_29, %add3A_33 : vector<2560x128xf32>
    %max3A = arith.constant 0.000000e+00 : f32
    %max3A_35 = vector.broadcast %max3A : f32 to vector<2560x128xf32>
    %max3A_36 = arith.maximumf %add3A_34, %max3A_35 : vector<2560x128xf32>
    %get3A_37 = arith.constant 0 : index
    %get3A_38 = arith.constant 0 : index
    %get3A_39 = vector.load %arg7[%get3A_37, %get3A_38] : memref<128x128xf32, #tpu.memory_space<vmem>>, vector<128x128xf32>
    %dot_general3A_40 = arith.constant dense<0.000000e+00> : vector<2560x128xf32>
    %dot_general3A_41 = tpu.matmul %max3A_36, %get3A_39, %dot_general3A_40 {dimension_numbers = #tpu.dot_dimension_numbers<[1], [0], [0], [1], [0, 0, 1, 1], [], []>, transpose_lhs_hint = false} : vector<2560x128xf32>, vector<128x128xf32>, vector<2560x128xf32> -> vector<2560x128xf32>
    %get3A_42 = arith.constant 0 : index
    %get3A_43 = arith.constant 0 : index
    %get3A_44 = vector.load %arg8[%get3A_42, %get3A_43] : memref<1x128xf32, #tpu.memory_space<vmem>>, vector<1x128xf32>
    %add3A_45 = vector.broadcast %get3A_44 : vector<1x128xf32> to vector<2560x128xf32>
    %add3A_46 = arith.addf %dot_general3A_41, %add3A_45 : vector<2560x128xf32>
    %max3A_47 = arith.constant 0.000000e+00 : f32
    %max3A_48 = vector.broadcast %max3A_47 : f32 to vector<2560x128xf32>
    %max3A_49 = arith.maximumf %add3A_46, %max3A_48 : vector<2560x128xf32>
    %jit3A = arith.constant 0.000000e+00 : f32
    %broadcast_in_dim3A = vector.shape_cast %lt3A_23 : vector<2560x1xi1> to vector<2560x1xi1>
    %broadcast_in_dim3A_50 = vector.broadcast %broadcast_in_dim3A : vector<2560x1xi1> to vector<2560x128xi1>
    %broadcast_in_dim3A_51 = vector.broadcast %jit3A : f32 to vector<2560x128xf32>
    %select_n3A = arith.select %broadcast_in_dim3A_50, %max3A_49, %broadcast_in_dim3A_51 : vector<2560x128xi1>, vector<2560x128xf32>
    %reduce_sum3A = arith.constant dense<0.000000e+00> : vector<128xf32>
    %reduce_sum3A_52 = vector.multi_reduction <add>, %select_n3A, %reduce_sum3A [0] : vector<2560x128xf32> to vector<128xf32>
    %broadcast_in_dim3A_53 = vector.shape_cast %reduce_sum3A_52 : vector<128xf32> to vector<1x128xf32>
    %get3A_54 = arith.constant 0 : index
    %get3A_55 = arith.constant 128 : index
    %get3A_56 = vector.load %arg9[%get3A_54, %get3A_55] : memref<16x512xf32, #tpu.memory_space<vmem>>, vector<16x128xf32>
    %dot_general3A_57 = arith.constant dense<0.000000e+00> : vector<2560x128xf32>
    %dot_general3A_58 = tpu.matmul %transpose3A_18, %get3A_56, %dot_general3A_57 {dimension_numbers = #tpu.dot_dimension_numbers<[1], [0], [0], [1], [0, 0, 1, 1], [], []>, transpose_lhs_hint = false} : vector<2560x16xf32>, vector<16x128xf32>, vector<2560x128xf32> -> vector<2560x128xf32>
    %mul3A_59 = arith.mulf %dot_general3A_58, %dot_general3A_14 : vector<2560x128xf32>
    %get3A_60 = arith.constant 0 : index
    %get3A_61 = arith.constant 0 : index
    %get3A_62 = vector.load %arg6[%get3A_60, %get3A_61] : memref<1x128xf32, #tpu.memory_space<vmem>>, vector<1x128xf32>
    %add3A_63 = vector.broadcast %get3A_62 : vector<1x128xf32> to vector<2560x128xf32>
    %add3A_64 = arith.addf %mul3A_59, %add3A_63 : vector<2560x128xf32>
    %max3A_65 = arith.constant 0.000000e+00 : f32
    %max3A_66 = vector.broadcast %max3A_65 : f32 to vector<2560x128xf32>
    %max3A_67 = arith.maximumf %add3A_64, %max3A_66 : vector<2560x128xf32>
    %get3A_68 = arith.constant 0 : index
    %get3A_69 = arith.constant 0 : index
    %get3A_70 = vector.load %arg7[%get3A_68, %get3A_69] : memref<128x128xf32, #tpu.memory_space<vmem>>, vector<128x128xf32>
    %dot_general3A_71 = arith.constant dense<0.000000e+00> : vector<2560x128xf32>
    %dot_general3A_72 = tpu.matmul %max3A_67, %get3A_70, %dot_general3A_71 {dimension_numbers = #tpu.dot_dimension_numbers<[1], [0], [0], [1], [0, 0, 1, 1], [], []>, transpose_lhs_hint = false} : vector<2560x128xf32>, vector<128x128xf32>, vector<2560x128xf32> -> vector<2560x128xf32>
    %get3A_73 = arith.constant 0 : index
    %get3A_74 = arith.constant 0 : index
    %get3A_75 = vector.load %arg8[%get3A_73, %get3A_74] : memref<1x128xf32, #tpu.memory_space<vmem>>, vector<1x128xf32>
    %add3A_76 = vector.broadcast %get3A_75 : vector<1x128xf32> to vector<2560x128xf32>
    %add3A_77 = arith.addf %dot_general3A_72, %add3A_76 : vector<2560x128xf32>
    %max3A_78 = arith.constant 0.000000e+00 : f32
    %max3A_79 = vector.broadcast %max3A_78 : f32 to vector<2560x128xf32>
    %max3A_80 = arith.maximumf %add3A_77, %max3A_79 : vector<2560x128xf32>
    %jit3A_81 = arith.constant 0.000000e+00 : f32
    %broadcast_in_dim3A_82 = vector.shape_cast %lt3A_23 : vector<2560x1xi1> to vector<2560x1xi1>
    %broadcast_in_dim3A_83 = vector.broadcast %broadcast_in_dim3A_82 : vector<2560x1xi1> to vector<2560x128xi1>
    %broadcast_in_dim3A_84 = vector.broadcast %jit3A_81 : f32 to vector<2560x128xf32>
    %select_n3A_85 = arith.select %broadcast_in_dim3A_83, %max3A_80, %broadcast_in_dim3A_84 : vector<2560x128xi1>, vector<2560x128xf32>
    %reduce_sum3A_86 = arith.constant dense<0.000000e+00> : vector<128xf32>
    %reduce_sum3A_87 = vector.multi_reduction <add>, %select_n3A_85, %reduce_sum3A_86 [0] : vector<2560x128xf32> to vector<128xf32>
    %broadcast_in_dim3A_88 = vector.shape_cast %reduce_sum3A_87 : vector<128xf32> to vector<1x128xf32>
    %get3A_89 = arith.constant 0 : index
    %get3A_90 = arith.constant 256 : index
    %get3A_91 = vector.load %arg9[%get3A_89, %get3A_90] : memref<16x512xf32, #tpu.memory_space<vmem>>, vector<16x128xf32>
    %dot_general3A_92 = arith.constant dense<0.000000e+00> : vector<2560x128xf32>
    %dot_general3A_93 = tpu.matmul %transpose3A_18, %get3A_91, %dot_general3A_92 {dimension_numbers = #tpu.dot_dimension_numbers<[1], [0], [0], [1], [0, 0, 1, 1], [], []>, transpose_lhs_hint = false} : vector<2560x16xf32>, vector<16x128xf32>, vector<2560x128xf32> -> vector<2560x128xf32>
    %mul3A_94 = arith.mulf %dot_general3A_93, %dot_general3A_14 : vector<2560x128xf32>
    %get3A_95 = arith.constant 0 : index
    %get3A_96 = arith.constant 0 : index
    %get3A_97 = vector.load %arg6[%get3A_95, %get3A_96] : memref<1x128xf32, #tpu.memory_space<vmem>>, vector<1x128xf32>
    %add3A_98 = vector.broadcast %get3A_97 : vector<1x128xf32> to vector<2560x128xf32>
    %add3A_99 = arith.addf %mul3A_94, %add3A_98 : vector<2560x128xf32>
    %max3A_100 = arith.constant 0.000000e+00 : f32
    %max3A_101 = vector.broadcast %max3A_100 : f32 to vector<2560x128xf32>
    %max3A_102 = arith.maximumf %add3A_99, %max3A_101 : vector<2560x128xf32>
    %get3A_103 = arith.constant 0 : index
    %get3A_104 = arith.constant 0 : index
    %get3A_105 = vector.load %arg7[%get3A_103, %get3A_104] : memref<128x128xf32, #tpu.memory_space<vmem>>, vector<128x128xf32>
    %dot_general3A_106 = arith.constant dense<0.000000e+00> : vector<2560x128xf32>
    %dot_general3A_107 = tpu.matmul %max3A_102, %get3A_105, %dot_general3A_106 {dimension_numbers = #tpu.dot_dimension_numbers<[1], [0], [0], [1], [0, 0, 1, 1], [], []>, transpose_lhs_hint = false} : vector<2560x128xf32>, vector<128x128xf32>, vector<2560x128xf32> -> vector<2560x128xf32>
    %get3A_108 = arith.constant 0 : index
    %get3A_109 = arith.constant 0 : index
    %get3A_110 = vector.load %arg8[%get3A_108, %get3A_109] : memref<1x128xf32, #tpu.memory_space<vmem>>, vector<1x128xf32>
    %add3A_111 = vector.broadcast %get3A_110 : vector<1x128xf32> to vector<2560x128xf32>
    %add3A_112 = arith.addf %dot_general3A_107, %add3A_111 : vector<2560x128xf32>
    %max3A_113 = arith.constant 0.000000e+00 : f32
    %max3A_114 = vector.broadcast %max3A_113 : f32 to vector<2560x128xf32>
    %max3A_115 = arith.maximumf %add3A_112, %max3A_114 : vector<2560x128xf32>
    %jit3A_116 = arith.constant 0.000000e+00 : f32
    %broadcast_in_dim3A_117 = vector.shape_cast %lt3A_23 : vector<2560x1xi1> to vector<2560x1xi1>
    %broadcast_in_dim3A_118 = vector.broadcast %broadcast_in_dim3A_117 : vector<2560x1xi1> to vector<2560x128xi1>
    %broadcast_in_dim3A_119 = vector.broadcast %jit3A_116 : f32 to vector<2560x128xf32>
    %select_n3A_120 = arith.select %broadcast_in_dim3A_118, %max3A_115, %broadcast_in_dim3A_119 : vector<2560x128xi1>, vector<2560x128xf32>
    %reduce_sum3A_121 = arith.constant dense<0.000000e+00> : vector<128xf32>
    %reduce_sum3A_122 = vector.multi_reduction <add>, %select_n3A_120, %reduce_sum3A_121 [0] : vector<2560x128xf32> to vector<128xf32>
    %broadcast_in_dim3A_123 = vector.shape_cast %reduce_sum3A_122 : vector<128xf32> to vector<1x128xf32>
    %get3A_124 = arith.constant 0 : index
    %get3A_125 = arith.constant 384 : index
    %get3A_126 = vector.load %arg9[%get3A_124, %get3A_125] : memref<16x512xf32, #tpu.memory_space<vmem>>, vector<16x128xf32>
    %dot_general3A_127 = arith.constant dense<0.000000e+00> : vector<2560x128xf32>
    %dot_general3A_128 = tpu.matmul %transpose3A_18, %get3A_126, %dot_general3A_127 {dimension_numbers = #tpu.dot_dimension_numbers<[1], [0], [0], [1], [0, 0, 1, 1], [], []>, transpose_lhs_hint = false} : vector<2560x16xf32>, vector<16x128xf32>, vector<2560x128xf32> -> vector<2560x128xf32>
    %mul3A_129 = arith.mulf %dot_general3A_128, %dot_general3A_14 : vector<2560x128xf32>
    %get3A_130 = arith.constant 0 : index
    %get3A_131 = arith.constant 0 : index
    %get3A_132 = vector.load %arg6[%get3A_130, %get3A_131] : memref<1x128xf32, #tpu.memory_space<vmem>>, vector<1x128xf32>
    %add3A_133 = vector.broadcast %get3A_132 : vector<1x128xf32> to vector<2560x128xf32>
    %add3A_134 = arith.addf %mul3A_129, %add3A_133 : vector<2560x128xf32>
    %max3A_135 = arith.constant 0.000000e+00 : f32
    %max3A_136 = vector.broadcast %max3A_135 : f32 to vector<2560x128xf32>
    %max3A_137 = arith.maximumf %add3A_134, %max3A_136 : vector<2560x128xf32>
    %get3A_138 = arith.constant 0 : index
    %get3A_139 = arith.constant 0 : index
    %get3A_140 = vector.load %arg7[%get3A_138, %get3A_139] : memref<128x128xf32, #tpu.memory_space<vmem>>, vector<128x128xf32>
    %dot_general3A_141 = arith.constant dense<0.000000e+00> : vector<2560x128xf32>
    %dot_general3A_142 = tpu.matmul %max3A_137, %get3A_140, %dot_general3A_141 {dimension_numbers = #tpu.dot_dimension_numbers<[1], [0], [0], [1], [0, 0, 1, 1], [], []>, transpose_lhs_hint = false} : vector<2560x128xf32>, vector<128x128xf32>, vector<2560x128xf32> -> vector<2560x128xf32>
    %get3A_143 = arith.constant 0 : index
    %get3A_144 = arith.constant 0 : index
    %get3A_145 = vector.load %arg8[%get3A_143, %get3A_144] : memref<1x128xf32, #tpu.memory_space<vmem>>, vector<1x128xf32>
    %add3A_146 = vector.broadcast %get3A_145 : vector<1x128xf32> to vector<2560x128xf32>
    %add3A_147 = arith.addf %dot_general3A_142, %add3A_146 : vector<2560x128xf32>
    %max3A_148 = arith.constant 0.000000e+00 : f32
    %max3A_149 = vector.broadcast %max3A_148 : f32 to vector<2560x128xf32>
    %max3A_150 = arith.maximumf %add3A_147, %max3A_149 : vector<2560x128xf32>
    %jit3A_151 = arith.constant 0.000000e+00 : f32
    %broadcast_in_dim3A_152 = vector.shape_cast %lt3A_23 : vector<2560x1xi1> to vector<2560x1xi1>
    %broadcast_in_dim3A_153 = vector.broadcast %broadcast_in_dim3A_152 : vector<2560x1xi1> to vector<2560x128xi1>
    %broadcast_in_dim3A_154 = vector.broadcast %jit3A_151 : f32 to vector<2560x128xf32>
    %select_n3A_155 = arith.select %broadcast_in_dim3A_153, %max3A_150, %broadcast_in_dim3A_154 : vector<2560x128xi1>, vector<2560x128xf32>
    %reduce_sum3A_156 = arith.constant dense<0.000000e+00> : vector<128xf32>
    %reduce_sum3A_157 = vector.multi_reduction <add>, %select_n3A_155, %reduce_sum3A_156 [0] : vector<2560x128xf32> to vector<128xf32>
    %broadcast_in_dim3A_158 = vector.shape_cast %reduce_sum3A_157 : vector<128xf32> to vector<1x128xf32>
    %concatenate3A = tpu.concatenate %broadcast_in_dim3A_53, %broadcast_in_dim3A_88, %broadcast_in_dim3A_123, %broadcast_in_dim3A_158 in 0 : vector<1x128xf32>, vector<1x128xf32>, vector<1x128xf32>, vector<1x128xf32> -> vector<4x128xf32>
    %mul3A_159 = arith.constant 9.99999974E-5 : f32
    %mul3A_160 = vector.broadcast %mul3A_159 : f32 to vector<4x128xf32>
    %mul3A_161 = arith.mulf %concatenate3A, %mul3A_160 : vector<4x128xf32>
    %eq3A = arith.constant 0 : i32
    %eq3A_162 = arith.cmpi eq, %arg0, %eq3A : i32
    %convert_element_type3A = arith.extui %eq3A_162 : i1 to i32
    %cond3A = arith.constant 0 : i32
    %cond3A_163 = arith.cmpi ne, %convert_element_type3A, %cond3A : i32
    scf.if %cond3A_163 {
      %broadcast_in_dim3A_170 = arith.constant 0.000000e+00 : f32
      %broadcast_in_dim3A_171 = vector.broadcast %broadcast_in_dim3A_170 : f32 to vector<4x128xf32>
      %swap3A_172 = arith.constant 0 : index
      %swap3A_173 = arith.constant 0 : index
      %swap3A_174 = vector.load %arg10[%swap3A_172, %swap3A_173] : memref<4x128xf32, #tpu.memory_space<vmem>>, vector<4x128xf32>
      tpu.vector_store %arg10[%swap3A_172, %swap3A_173], %broadcast_in_dim3A_171 {strides = array<i32>} : memref<4x128xf32, #tpu.memory_space<vmem>>, vector<4x128xf32>,
    } else {
    }
    %get3A_164 = arith.constant 0 : index
    %get3A_165 = arith.constant 0 : index
    %get3A_166 = vector.load %arg10[%get3A_164, %get3A_165] : memref<4x128xf32, #tpu.memory_space<vmem>>, vector<4x128xf32>
    %add3A_167 = arith.addf %get3A_166, %mul3A_161 : vector<4x128xf32>
    %swap3A = arith.constant 0 : index
    %swap3A_168 = arith.constant 0 : index
    %swap3A_169 = vector.load %arg10[%swap3A, %swap3A_168] : memref<4x128xf32, #tpu.memory_space<vmem>>, vector<4x128xf32>
    tpu.vector_store %arg10[%swap3A, %swap3A_168], %add3A_167 {strides = array<i32>} : memref<4x128xf32, #tpu.memory_space<vmem>>, vector<4x128xf32>,
    return
  }
  func.func @transform_0(%arg0: i32) -> (i32, i32) {
    %c0_i32 = arith.constant 0 : i32
    %c0_i32_0 = arith.constant 0 : i32
    return %c0_i32, %arg0 : i32, i32
  }
  func.func @transform_1(%arg0: i32) -> (i32, i32) {
    %c0_i32 = arith.constant 0 : i32
    %c0_i32_0 = arith.constant 0 : i32
    return %arg0, %c0_i32 : i32, i32
  }
  func.func @transform_2(%arg0: i32) -> (i32, i32) {
    %c0_i32 = arith.constant 0 : i32
    %c0_i32_0 = arith.constant 0 : i32
    %c0_i32_1 = arith.constant 0 : i32
    return %c0_i32, %c0_i32_0 : i32, i32
  }
  func.func @transform_3(%arg0: i32) -> (i32, i32) {
    %c0_i32 = arith.constant 0 : i32
    %c0_i32_0 = arith.constant 0 : i32
    %c0_i32_1 = arith.constant 0 : i32
    return %c0_i32, %c0_i32_0 : i32, i32
  }
  func.func @transform_4(%arg0: i32) -> (i32, i32) {
    %c0_i32 = arith.constant 0 : i32
    %c0_i32_0 = arith.constant 0 : i32
    %c0_i32_1 = arith.constant 0 : i32
    return %c0_i32, %c0_i32_0 : i32, i32
  }
  func.func @transform_5(%arg0: i32) -> (i32, i32) {
    %c0_i32 = arith.constant 0 : i32
    %c0_i32_0 = arith.constant 0 : i32
    %c0_i32_1 = arith.constant 0 : i32
    return %c0_i32, %c0_i32_0 : i32, i32
  }
  func.func @transform_6(%arg0: i32) -> (i32, i32) {
    %c0_i32 = arith.constant 0 : i32
    %c0_i32_0 = arith.constant 0 : i32
    %c0_i32_1 = arith.constant 0 : i32
    return %c0_i32, %c0_i32_0 : i32, i32
  }
  func.func @transform_7(%arg0: i32) -> (i32, i32) {
    %c0_i32 = arith.constant 0 : i32
    %c0_i32_0 = arith.constant 0 : i32
    %c0_i32_1 = arith.constant 0 : i32
    return %c0_i32, %c0_i32_0 : i32, i32
  }
  func.func @transform_8(%arg0: i32) -> (i32, i32) {
    %c0_i32 = arith.constant 0 : i32
    %c0_i32_0 = arith.constant 0 : i32
    %c0_i32_1 = arith.constant 0 : i32
    return %c0_i32, %c0_i32_0 : i32, i32
  }
  func.func @transform_9(%arg0: i32) -> (i32, i32) {
    %c0_i32 = arith.constant 0 : i32
    %c0_i32_0 = arith.constant 0 : i32
    %c0_i32_1 = arith.constant 0 : i32
    return %c0_i32, %c0_i32_0 : i32, i32
  }
}

module attributes {stable_mosaic.version = 14 : i64} {
  func.func @_tc_back_body(%arg0: i32, %arg1: memref<2x640x128xf32, #tpu.memory_space<vmem>>, %arg2: memref<640x8xf32, #tpu.memory_space<vmem>>, %arg3: memref<8x4xf32, #tpu.memory_space<vmem>>, %arg4: memref<4x128xf32, #tpu.memory_space<vmem>>, %arg5: memref<1x128xf32, #tpu.memory_space<vmem>>, %arg6: memref<1x32xf32, #tpu.memory_space<vmem>>) attributes {dimension_semantics = [#tpu.dimension_semantics<arbitrary>], iteration_bounds = array<i64: 4>, scalar_prefetch = 0 : i64, scratch_operands = 0 : i64, tpu.core_type = #tpu.core_type<tc>, window_params = [{transform_indices = @transform_0, window_bounds = array<i64: 2, 640, 128>}, {transform_indices = @transform_1, window_bounds = array<i64: 640, 8>}, {pipeline_mode = #tpu.pipeline_mode<synchronous>, transform_indices = @transform_2, window_bounds = array<i64: 8, 4>}, {pipeline_mode = #tpu.pipeline_mode<synchronous>, transform_indices = @transform_3, window_bounds = array<i64: 4, 128>}, {pipeline_mode = #tpu.pipeline_mode<synchronous>, transform_indices = @transform_4, window_bounds = array<i64: 1, 128>}, {pipeline_mode = #tpu.pipeline_mode<synchronous>, transform_indices = @transform_5, window_bounds = array<i64: 1, 32>}]} {
    %get3A = arith.constant 0 : index
    %get3A_0 = arith.constant 0 : index
    %get3A_1 = vector.load %arg3[%get3A, %get3A_0] : memref<8x4xf32, #tpu.memory_space<vmem>>, vector<8x4xf32>
    %get3A_2 = arith.constant 0 : index
    %get3A_3 = arith.constant 0 : index
    %get3A_4 = vector.load %arg4[%get3A_2, %get3A_3] : memref<4x128xf32, #tpu.memory_space<vmem>>, vector<4x128xf32>
    %get3A_5 = arith.constant 0 : index
    %get3A_6 = arith.constant 0 : index
    %get3A_7 = vector.load %arg2[%get3A_5, %get3A_6] : memref<640x8xf32, #tpu.memory_space<vmem>>, vector<640x8xf32>
    %dot_general3A = arith.constant dense<0.000000e+00> : vector<640x4xf32>
    %dot_general3A_8 = tpu.matmul %get3A_7, %get3A_1, %dot_general3A {dimension_numbers = #tpu.dot_dimension_numbers<[1], [0], [0], [1], [0, 0, 1, 1], [], []>, transpose_lhs_hint = false} : vector<640x8xf32>, vector<8x4xf32>, vector<640x4xf32> -> vector<640x4xf32>
    %add3A = arith.constant 1.000000e+00 : f32
    %add3A_9 = vector.broadcast %add3A : f32 to vector<640x4xf32>
    %add3A_10 = arith.addf %dot_general3A_8, %add3A_9 : vector<640x4xf32>
    %rsqrt3A = math.rsqrt %add3A_10 : vector<640x4xf32>
    %dot_general3A_11 = arith.constant dense<0.000000e+00> : vector<640x128xf32>
    %dot_general3A_12 = tpu.matmul %rsqrt3A, %get3A_4, %dot_general3A_11 {dimension_numbers = #tpu.dot_dimension_numbers<[1], [0], [0], [1], [0, 0, 1, 1], [], []>, transpose_lhs_hint = false} : vector<640x4xf32>, vector<4x128xf32>, vector<640x128xf32> -> vector<640x128xf32>
    %get3A_13 = arith.constant 0 : index
    %get3A_14 = arith.constant 0 : index
    %get3A_15 = arith.constant 0 : index
    %get3A_16 = vector.load %arg1[%get3A_13, %get3A_14, %get3A_15] : memref<2x640x128xf32, #tpu.memory_space<vmem>>, vector<1x640x128xf32>
    %get3A_17 = vector.shape_cast %get3A_16 : vector<1x640x128xf32> to vector<640x128xf32>
    %get3A_18 = arith.constant 1 : index
    %get3A_19 = arith.constant 0 : index
    %get3A_20 = arith.constant 0 : index
    %get3A_21 = vector.load %arg1[%get3A_18, %get3A_19, %get3A_20] : memref<2x640x128xf32, #tpu.memory_space<vmem>>, vector<1x640x128xf32>
    %get3A_22 = vector.shape_cast %get3A_21 : vector<1x640x128xf32> to vector<640x128xf32>
    %add3A_23 = arith.addf %get3A_17, %get3A_22 : vector<640x128xf32>
    %mul3A = arith.mulf %dot_general3A_12, %add3A_23 : vector<640x128xf32>
    %get3A_24 = arith.constant 0 : index
    %get3A_25 = arith.constant 0 : index
    %get3A_26 = vector.load %arg5[%get3A_24, %get3A_25] : memref<1x128xf32, #tpu.memory_space<vmem>>, vector<1x128xf32>
    %add3A_27 = vector.broadcast %get3A_26 : vector<1x128xf32> to vector<640x128xf32>
    %add3A_28 = arith.addf %mul3A, %add3A_27 : vector<640x128xf32>
    %max3A = arith.constant 0.000000e+00 : f32
    %max3A_29 = vector.broadcast %max3A : f32 to vector<640x128xf32>
    %max3A_30 = arith.maximumf %add3A_28, %max3A_29 : vector<640x128xf32>
    %mul3A_31 = arith.constant 2560 : i32
    %mul3A_32 = arith.muli %arg0, %mul3A_31 : i32
    %iota3A = tpu.iota {dimensions = array<i32: 0>} : vector<640x128xi32>
    %mul3A_33 = arith.constant 4 : i32
    %mul3A_34 = vector.broadcast %mul3A_33 : i32 to vector<640x128xi32>
    %mul3A_35 = arith.muli %mul3A_34, %iota3A : vector<640x128xi32>
    %add3A_36 = vector.broadcast %mul3A_32 : i32 to vector<640x128xi32>
    %add3A_37 = arith.addi %add3A_36, %mul3A_35 : vector<640x128xi32>
    %iota3A_38 = tpu.iota {dimensions = array<i32: 1>} : vector<640x128xi32>
    %jit3A = arith.constant 32 : i32
    %div3A = vector.broadcast %jit3A : i32 to vector<640x128xi32>
    %div3A_39 = arith.divsi %iota3A_38, %div3A : vector<640x128xi32>
    %sign3A = arith.constant 0 : i32
    %sign3A_40 = vector.broadcast %sign3A : i32 to vector<640x128xi32>
    %sign3A_41 = arith.cmpi sgt, %iota3A_38, %sign3A_40 : vector<640x128xi32>
    %sign3A_42 = arith.extui %sign3A_41 : vector<640x128xi1> to vector<640x128xi32>
    %sign3A_43 = arith.constant 0 : i32
    %sign3A_44 = vector.broadcast %sign3A_43 : i32 to vector<640x128xi32>
    %sign3A_45 = arith.cmpi slt, %iota3A_38, %sign3A_44 : vector<640x128xi32>
    %sign3A_46 = arith.extui %sign3A_45 : vector<640x128xi1> to vector<640x128xi32>
    %sign3A_47 = arith.subi %sign3A_42, %sign3A_46 : vector<640x128xi32>
    %sign3A_48 = arith.constant 0 : i32
    %sign3A_49 = arith.cmpi sgt, %jit3A, %sign3A_48 : i32
    %sign3A_50 = arith.extui %sign3A_49 : i1 to i32
    %sign3A_51 = arith.constant 0 : i32
    %sign3A_52 = arith.cmpi slt, %jit3A, %sign3A_51 : i32
    %sign3A_53 = arith.extui %sign3A_52 : i1 to i32
    %sign3A_54 = arith.subi %sign3A_50, %sign3A_53 : i32
    %ne3A = vector.broadcast %sign3A_54 : i32 to vector<640x128xi32>
    %ne3A_55 = arith.cmpi ne, %sign3A_47, %ne3A : vector<640x128xi32>
    %rem3A = vector.broadcast %jit3A : i32 to vector<640x128xi32>
    %rem3A_56 = arith.remsi %iota3A_38, %rem3A : vector<640x128xi32>
    %ne3A_57 = arith.constant 0 : i32
    %ne3A_58 = vector.broadcast %ne3A_57 : i32 to vector<640x128xi32>
    %ne3A_59 = arith.cmpi ne, %rem3A_56, %ne3A_58 : vector<640x128xi32>
    %and3A = arith.andi %ne3A_55, %ne3A_59 : vector<640x128xi1>
    %sub3A = arith.constant 1 : i32
    %sub3A_60 = vector.broadcast %sub3A : i32 to vector<640x128xi32>
    %sub3A_61 = arith.subi %div3A_39, %sub3A_60 : vector<640x128xi32>
    %select_n3A = arith.select %and3A, %sub3A_61, %div3A_39 : vector<640x128xi1>, vector<640x128xi32>
    %add3A_62 = arith.addi %add3A_37, %select_n3A : vector<640x128xi32>
    %lt3A = arith.constant 10000 : i32
    %lt3A_63 = vector.broadcast %lt3A : i32 to vector<640x128xi32>
    %lt3A_64 = arith.cmpi slt, %add3A_62, %lt3A_63 : vector<640x128xi32>
    %jit3A_65 = arith.constant 0.000000e+00 : f32
    %broadcast_in_dim3A = vector.broadcast %jit3A_65 : f32 to vector<640x128xf32>
    %select_n3A_66 = arith.select %lt3A_64, %max3A_30, %broadcast_in_dim3A : vector<640x128xi1>, vector<640x128xf32>
    %reduce_sum3A = arith.constant dense<0.000000e+00> : vector<128xf32>
    %reduce_sum3A_67 = vector.multi_reduction <add>, %select_n3A_66, %reduce_sum3A [0] : vector<640x128xf32> to vector<128xf32>
    %broadcast_in_dim3A_68 = vector.shape_cast %reduce_sum3A_67 : vector<128xf32> to vector<1x128xf32>
    %mul3A_69 = arith.constant 9.99999974E-5 : f32
    %mul3A_70 = vector.broadcast %mul3A_69 : f32 to vector<1x128xf32>
    %mul3A_71 = arith.mulf %broadcast_in_dim3A_68, %mul3A_70 : vector<1x128xf32>
    %slice3A = vector.extract_strided_slice %mul3A_71 {offsets = [0, 0], sizes = [1, 32], strides = [1, 1]} : vector<1x128xf32> to vector<1x32xf32>
    %slice3A_72 = vector.extract_strided_slice %mul3A_71 {offsets = [0, 32], sizes = [1, 32], strides = [1, 1]} : vector<1x128xf32> to vector<1x32xf32>
    %add3A_73 = arith.addf %slice3A, %slice3A_72 : vector<1x32xf32>
    %slice3A_74 = vector.extract_strided_slice %mul3A_71 {offsets = [0, 64], sizes = [1, 32], strides = [1, 1]} : vector<1x128xf32> to vector<1x32xf32>
    %add3A_75 = arith.addf %add3A_73, %slice3A_74 : vector<1x32xf32>
    %slice3A_76 = vector.extract_strided_slice %mul3A_71 {offsets = [0, 96], sizes = [1, 32], strides = [1, 1]} : vector<1x128xf32> to vector<1x32xf32>
    %add3A_77 = arith.addf %add3A_75, %slice3A_76 : vector<1x32xf32>
    %eq3A = arith.constant 0 : i32
    %eq3A_78 = arith.cmpi eq, %arg0, %eq3A : i32
    %convert_element_type3A = arith.extui %eq3A_78 : i1 to i32
    %cond3A = arith.constant 0 : i32
    %cond3A_79 = arith.cmpi ne, %convert_element_type3A, %cond3A : i32
    scf.if %cond3A_79 {
      %broadcast_in_dim3A_86 = arith.constant 0.000000e+00 : f32
      %broadcast_in_dim3A_87 = vector.broadcast %broadcast_in_dim3A_86 : f32 to vector<1x32xf32>
      %swap3A_88 = arith.constant 0 : index
      %swap3A_89 = arith.constant 0 : index
      %swap3A_90 = vector.load %arg6[%swap3A_88, %swap3A_89] : memref<1x32xf32, #tpu.memory_space<vmem>>, vector<1x32xf32>
      tpu.vector_store %arg6[%swap3A_88, %swap3A_89], %broadcast_in_dim3A_87 {strides = array<i32>} : memref<1x32xf32, #tpu.memory_space<vmem>>, vector<1x32xf32>,
    } else {
    }
    %get3A_80 = arith.constant 0 : index
    %get3A_81 = arith.constant 0 : index
    %get3A_82 = vector.load %arg6[%get3A_80, %get3A_81] : memref<1x32xf32, #tpu.memory_space<vmem>>, vector<1x32xf32>
    %add3A_83 = arith.addf %get3A_82, %add3A_77 : vector<1x32xf32>
    %swap3A = arith.constant 0 : index
    %swap3A_84 = arith.constant 0 : index
    %swap3A_85 = vector.load %arg6[%swap3A, %swap3A_84] : memref<1x32xf32, #tpu.memory_space<vmem>>, vector<1x32xf32>
    tpu.vector_store %arg6[%swap3A, %swap3A_84], %add3A_83 {strides = array<i32>} : memref<1x32xf32, #tpu.memory_space<vmem>>, vector<1x32xf32>,
    return
  }
  func.func @transform_0(%arg0: i32) -> (i32, i32, i32) {
    %c0_i32 = arith.constant 0 : i32
    %c0_i32_0 = arith.constant 0 : i32
    %c0_i32_1 = arith.constant 0 : i32
    return %c0_i32, %arg0, %c0_i32_0 : i32, i32, i32
  }
  func.func @transform_1(%arg0: i32) -> (i32, i32) {
    %c0_i32 = arith.constant 0 : i32
    %c0_i32_0 = arith.constant 0 : i32
    return %arg0, %c0_i32 : i32, i32
  }
  func.func @transform_2(%arg0: i32) -> (i32, i32) {
    %c0_i32 = arith.constant 0 : i32
    %c0_i32_0 = arith.constant 0 : i32
    %c0_i32_1 = arith.constant 0 : i32
    return %c0_i32, %c0_i32_0 : i32, i32
  }
  func.func @transform_3(%arg0: i32) -> (i32, i32) {
    %c0_i32 = arith.constant 0 : i32
    %c0_i32_0 = arith.constant 0 : i32
    %c0_i32_1 = arith.constant 0 : i32
    return %c0_i32, %c0_i32_0 : i32, i32
  }
  func.func @transform_4(%arg0: i32) -> (i32, i32) {
    %c0_i32 = arith.constant 0 : i32
    %c0_i32_0 = arith.constant 0 : i32
    %c0_i32_1 = arith.constant 0 : i32
    return %c0_i32, %c0_i32_0 : i32, i32
  }
  func.func @transform_5(%arg0: i32) -> (i32, i32) {
    %c0_i32 = arith.constant 0 : i32
    %c0_i32_0 = arith.constant 0 : i32
    %c0_i32_1 = arith.constant 0 : i32
    return %c0_i32, %c0_i32_0 : i32, i32
  }
}

</mosaic_0001>

<sc_bundles>
// kernel: kernel.10.cloned.1.call-start
scs
__scs_entry_jumppad:
0x0: {  	(pc) =	sbr.rel $0x88, $3  }
0x1: {  	(tag) =	ssettag $0x0;
	lr =	simm.s32 $0x1  }
0x2: {  	[smem:$0x3F97] =	sst lr;
	_ =	strace $0xD0000000  }
0x3: {  	_ = 	snop  }
0x4: {  	_ = 	snop  }
0x5: {  	_ = 	snop  }
0x6: {  	_ = 	snop  }
0x7: {  	_ = 	snop  }
__scs_overlays_trampoline_lowered:
0x8: {  	[smem:$0x3FA6] =	sst s0  }
0x9: {  	[smem:$0x3FA7] =	sst s1  }
0xa: {  	[smem:$0x3FA8] =	sst s2  }
0xb: {  	[smem:$0x3FA9] =	sst s3  }
0xc: {  	[smem:$0x3FAA] =	sst s4  }
0xd: {  	[smem:$0x3FAB] =	sst s5  }
0xe: {  	[smem:$0x3FAC] =	sst s6  }
0xf: {  	[smem:$0x3FAD] =	sst s7  }
0x10: {  	[smem:$0x3FAE] =	sst s8  }
0x11: {  	[smem:$0x3FAF] =	sst s9;
	s0 =	simm.s32 @!p0 $0x0  }
0x12: {  	s1 =	sld [smem:$0x3F95];
	s0 =	simm.s32 @p0 $0x1  }
0x13: {  	[smem:$0x3FB0] =	sst s0;
	s0 =	simm.s32 @!p1 $0x0  }
0x14: {  	s2 =	sld [smem:$0x3F94];
	s0 =	simm.s32 @p1 $0x1  }
0x15: {  	[smem:$0x3FB1] =	sst s0;
	s0 =	simm.s32 @!p2 $0x0  }
0x16: {  	s3 =	sld [smem:$0x3FDB];
	s0 =	simm.s32 @p2 $0x1  }
0x17: {  	s4 =	simm.s32 $0x1BF5;
	[smem:$0x3FB3] =	sst s0  }
0x18: {  	s0 =	sld [smem:$0x3F96];
	_ =	swait.ge [sflag:s4], $0x0  }
0x19: {  	s7 =	sld [smem:$0x3F97]  }
0x1a: {  	s8 =	sadd.s32 $0xFFFFE003, lr  }
0x1b: {  	s9 =	sadd.s32 $0xFFFFFEF7, lr;
	s5 =	simm.s32 $0xFFFFFFFF;
	p2 =	slt.u32 s8, $0xFFFFF086  }
0x1c: {  	p1 =	slt.u32 s9, $0xF7A;
	s5 =	simm.s32 @!p2 $0x0  }
0x1d: {  	s5 =	simm.s32 @p1 $0x1;
	p0 =	seq.s32 s7, s2  }
0x1e: {  	s7 =	smul.u32 @!p0 $0xF7A, s2;
	p2 =	seq.s32 @!p0 s5, $0x0  }
0x1f: {  	s9 =	smul.u32 $0xF7A, s1;
	s8 =	simm.s32 @!p0 $0x1BF5;
	p2 =	por !p2, p0  }
0x20: {  	[sflag:s8] =	ssyncset.s32 @!p0 $0xFFFFF086;
	s6 =	sadd.s32 @!p0 s3, s7;
	s7 =	simm.s32 @!p0 $0x108  }
0x21: {  	s3 =	sadd.s32 s3, s9;
	s6 =	sadd.s32 @!p0 $0x88, s6;
	s7 =	simm.s32 @p2 $0x1082  }
0x22: {  	[simem:s7], [sflag:s8] =	dma.local @!p0 [hbm:s6], $0xF7A  }
0x23: {  	s9 =	sor.u32 $0xD0000000, s2;
	s6 =	simm.s32 $0x108;
	_ =	swait.ge @!p0 [sflag:s8], $0x0  }
0x24: {  	s3 =	sadd.s32 $0x88, s3;
	s6 =	simm.s32 @!p1 $0x1082;
	[sflag:s4] =	ssyncset.s32 $0xFFFFF086  }
0x25: {  	[simem:s6], [sflag:s4] =	dma.local [hbm:s3], $0xF7A  }
0x26: {  	[smem:$0x3F97] =	sst s1;
	(tag) =	ssettag s2;
	_ =	strace s9  }
0x27: {  	s1 =	sld [smem:$0x3FA7]  }
0x28: {  	s2 =	sld [smem:$0x3FA8]  }
0x29: {  	s4 =	sld [smem:$0x3FAA]  }
0x2a: {  	p0 =	seq.s32 s5, $0x0;
	s5 =	sld [smem:$0x3FAB]  }
0x2b: {  	s6 =	sld [smem:$0x3FAC]  }
0x2c: {  	s7 =	sld [smem:$0x3FAD]  }
0x2d: {  	s3 =	simm.s32 $0x108;
	s8 =	sld [smem:$0x3FAE]  }
0x2e: {  	s3 =	simm.s32 @!p0 $0x1082;
	s9 =	sld [smem:$0x3FAF]  }
0x2f: {  	lr =	sadd.s32 s0, s3;
	s0 =	sld [smem:$0x3FA6]  }
0x30: {  	s3 =	sld [smem:$0x3FA9]  }
0x31: {  	[smem:$0x3FB2] =	sst s10  }
0x32: {  	s10 =	sld [smem:$0x3FB0];
	_ =	sdelay $0x3  }
0x33: {  	p0 =	seq.s32 s10, $0x1;
	s10 =	sld [smem:$0x3FB2];
	_ =	sdelay $0x3  }
0x34: {  	[smem:$0x3FB2] =	sst s10  }
0x35: {  	s10 =	sld [smem:$0x3FB1];
	_ =	sdelay $0x3  }
0x36: {  	p1 =	seq.s32 s10, $0x1;
	s10 =	sld [smem:$0x3FB2];
	_ =	sdelay $0x3  }
0x37: {  	[smem:$0x3FB2] =	sst s10  }
0x38: {  	s10 =	sld [smem:$0x3FB3]  }
0x39: {  	_ = 	snop;
	(pc) =	sbr.ind lr, $3  }
0x3a: {  	_ = 	snop  }
0x3b: {  	_ = 	snop  }
0x3c: {  	p2 =	seq.s32 s10, $0x1;
	s10 =	sld [smem:$0x3FB2]  }
0x3d: {  	_ =	shalt  }
0x3e: {  	_ =	shalt  }
0x3f: {  	_ =	shalt  }
0x40: {  	_ =	shalt  }
0x41: {  	_ =	shalt  }
0x42: {  	_ =	shalt  }
0x43: {  	_ =	shalt  }
0x44: {  	_ =	shalt  }
0x45: {  	_ =	shalt  }
0x46: {  	_ =	shalt  }
0x47: {  	_ =	shalt  }
0x48: {  	_ =	shalt  }
0x49: {  	_ =	shalt  }
0x4a: {  	_ =	shalt  }
0x4b: {  	_ =	shalt  }
0x4c: {  	_ =	shalt  }
0x4d: {  	_ =	shalt  }
0x4e: {  	_ =	shalt  }
0x4f: {  	_ =	shalt  }
0x50: {  	_ =	shalt  }
0x51: {  	_ =	shalt  }
0x52: {  	_ =	shalt  }
0x53: {  	_ =	shalt  }
0x54: {  	_ =	shalt  }
0x55: {  	_ =	shalt  }
0x56: {  	_ =	shalt  }
0x57: {  	_ =	shalt  }
0x58: {  	_ =	shalt  }
0x59: {  	_ =	shalt  }
0x5a: {  	_ =	shalt  }
0x5b: {  	_ =	shalt  }
0x5c: {  	_ =	shalt  }
0x5d: {  	_ =	shalt  }
0x5e: {  	_ =	shalt  }
0x5f: {  	_ =	shalt  }
0x60: {  	_ =	shalt  }
0x61: {  	_ =	shalt  }
0x62: {  	_ =	shalt  }
0x63: {  	_ =	shalt  }
0x64: {  	_ =	shalt  }
0x65: {  	_ =	shalt  }
0x66: {  	_ =	shalt  }
0x67: {  	_ =	shalt  }
0x68: {  	_ =	shalt  }
0x69: {  	_ =	shalt  }
0x6a: {  	_ =	shalt  }
0x6b: {  	_ =	shalt  }
0x6c: {  	_ =	shalt  }
0x6d: {  	_ =	shalt  }
0x6e: {  	_ =	shalt  }
0x6f: {  	_ =	shalt  }
0x70: {  	_ =	shalt  }
0x71: {  	_ =	shalt  }
0x72: {  	_ =	shalt  }
0x73: {  	_ =	shalt  }
0x74: {  	_ =	shalt  }
0x75: {  	_ =	shalt  }
0x76: {  	_ =	shalt  }
0x77: {  	_ =	shalt  }
0x78: {  	_ =	shalt  }
0x79: {  	_ =	shalt  }
0x7a: {  	_ =	shalt  }
0x7b: {  	_ =	shalt  }
0x7c: {  	_ =	shalt  }
0x7d: {  	_ =	shalt  }
0x7e: {  	_ =	shalt  }
0x7f: {  	_ =	shalt  }
0x80: {  	_ =	shalt  }
0x81: {  	_ =	shalt  }
0x82: {  	_ =	shalt  }
0x83: {  	_ =	shalt  }
0x84: {  	_ =	shalt  }
0x85: {  	_ =	shalt  }
0x86: {  	_ =	shalt  }
0x87: {  	_ =	shalt  }
.Lfunc_end0:
.L_simem_size_0:
called_computation_lowered:
.L_overlay_start_0:
0x88: {  	s2 =	sld [smem:$0x3FD9]  }
0x89: {  	s3 =	sld [smem:$0x3FFE];
	_ =	sdelay $0x1  }
0x8a: {  	s1 =	srdreg.scid  }
0x8b: {  	s0 =	sand.u32 $0x1, s1  }
0x8c: {  	s17 =	sshll.u32 s0, $0xA;
	s2 =	sadd.s32 s3, s2  }
0x8d: {  	s2 =	sadd.s32 s2, s17  }
0x8e: {  	[smem:$0x3FBE] =	sst s2  }
0x8f: {  	_ = 	snop  }
0x90: {  	s2 =	sld [smem:$0x3FD0];
	(tm) =	ssettm $0x1  }
0x91: {  	s18 =	sld [smem:$0x3FFB];
	_ =	sdelay $0x3  }
0x92: {  	_ =	strace s18  }
0x93: {  	s3 =	sld [smem:$0x3FFC];
	_ =	sdelay $0x3  }
0x94: {  	_ =	strace s3  }
0x95: {  	s3 =	sld [smem:$0x3FFD];
	_ =	sdelay $0x3  }
0x96: {  	_ =	strace s3  }
0x97: {  	_ =	strace $0x8FFFFFFF  }
0x98: {  	s19 =	sld [smem:$0x3FDB];
	_ =	sdelay $0x1  }
0x99: {  	s4 =	simm.s32 $_scs_section_size  }
0x9a: {  	s5 =	simm.s32 $_size__tile_overlayer_lowered;
	s6 =	simm.s32 $_tile_overlayer_lowered  }
0x9b: {  	s22 =	simm.s32 $0x1BFF;
	s21 =	sshll.u32 s6, $0x1;
	s3 =	sadd.s32 s4, s19  }
0x9c: {  	s7 =	simm.s32 $0x0;
	s20 =	sshll.u32 s5, $0x1;
	s5 =	sadd.s32 s21, s3  }
0x9d: {  	[timem:s7], [sflag:s22] =	dma.local [hbm:s5], s20  }
0x9e: {  	_ =	swait.ge [sflag:s22], s20  }
0x9f: {  	s4 =	ssub.s32 $0x0, s20;
	[sflag:s22] =	ssyncset.done $0x0  }
0xa0: {  	[sflag:s22] =	ssyncadd.s32 s4;
	_ =	sdelay $0x1  }
0xa1: {  	s23 =	simm.s32 $0x1B8B  }
0xa2: {  	_ =	swait.ge [sflag:s23], $0x1  }
0xa3: {  	[sflag:s23] =	ssyncset.done $0x0  }
0xa4: {  	s25 =	simm.s32 $0x1B8E;
	s24 =	sld [smem:$0x3FFE];
	[sflag:s23] =	ssyncadd.s32 $0xFFFFFFFF  }
0xa5: {  	s26 =	simm.s32 $execute0_lowered;
	[smem:$0x3FD2] =	sst s25  }
0xa6: {  	s5 =	sshll.u32 s26, $0x1;
	_ =	strace $0x80000046;
	[dreg:$0x1] =	wrdreg $0xFFFFFFFF  }
0xa7: {  	s28 =	simm.s32 $_size_execute0_lowered;
	s3 =	sadd.s32 s3, s5;
	[dreg:$0x0] =	wrdreg $0x0  }
0xa8: {  	s5 =	sshll.u32 s28, $0x1;
	[dreg:$0x2] =	wrdreg s3  }
0xa9: {  	[dreg:$0x3] =	wrdreg s5  }
0xaa: {  	[dreg:$0x4] =	wrdreg $0xC0  }
0xab: {  	_ =	task [dreg:s7], $0x5FFFF  }
0xac: {  	[dreg:$0x1] =	wrdreg $0xFFFFFFFF  }
0xad: {  	[dreg:$0x0] =	wrdreg $0x60  }
0xae: {  	[dreg:$0x2] =	wrdreg s24  }
0xaf: {  	[dreg:$0x3] =	wrdreg s2  }
0xb0: {  	[dreg:$0x4] =	wrdreg $0x14800  }
0xb1: {  	[dreg:$0x5] =	wrdreg $0x9  }
0xb2: {  	_ =	task.clear_ibuf [dreg:s7], $0x6FFFF;
	_ =	strace $0x90000046  }
0xb3: {  	s29 =	simm.s32 $0x9;
	_ =	strace $0x80000048  }
0xb4: {  	_ =	swait.ge [sflag:s29], $0x1  }
0xb5: {  	[sflag:s29] =	ssyncadd.s32 $0xFFFFFFFF  }
0xb6: {  	_ =	strace $0x90000048  }
0xb7: {  	_ =	sfence  }
0xb8: {  	s30 =	sld [smem:$0x0];
	_ =	sdelay $0x2  }
0xb9: {  	s31 =	sshll.u32 s1, $0xD;
	s1 =	sshrl.u32 s1, $0x2  }
0xba: {  	s3 =	sand.u32 $0x4000, s31;
	s1 =	sadd.s32 s1, s30  }
0xbb: {  	s0 =	sor.u32 s3, s0;
	s1 =	sshll.u32 s1, $0x11  }
0xbc: {  	s0 =	sor.u32 s1, s0  }
0xbd: {  	s0 =	sadd.s32 $0x8F2B, s0  }
0xbe: {  	[sflag:s0] =	ssyncadd.remote.s32 $0x1  }
0xbf: {  	_ =	sfence.sel $0xFFFF  }
0xc0: {  	[dreg:$0x0] =	wrdreg $0xFFFFFFFF;
	(pc) =	sbr.abs _section_cstart, $3  }
0xc1: {  	[dreg:$0x1] =	wrdreg $0xFFFFFFFF  }
0xc2: {  	_ =	task.clear_ibuf [dreg:s7], $0x2FFFF;
	_ =	strace $0x9FFFFFFF  }
0xc3: {  	(tm) =	ssettm $0x7FFFFFFF  }
tec
execute0_lowered:
.L_overlay_start_1:
0x0: {  	(tag) =	ssettag $0x1  }
0x1: {  	s0 =	rddreg [dreg:$0x0]  }
0x2: {  	s3 =	rddreg [dreg:$0x2]  }
0x3: {  	s9 =	stileid.u32;
	s1 =	srdreg.scid  }
0x4: {  	s4 =	simm.s32 $0x0;
	s12 =	simm.s32 $0x2;
	s13 =	simm.s32 $0x1400  }
0x5: {  	s14 =	simm.s32 $0x80;
	s19 =	simm.s32 $0xC80;
	s20 =	simm.s32 $0xD00  }
0x6: {  	s21 =	simm.s32 $0xD80;
	s22 =	simm.s32 $0xE00;
	s23 =	simm.s32 $0xE80  }
0x7: {  	s24 =	simm.s32 $0xF00;
	s28 =	simm.s32 $0x1080;
	s29 =	simm.s32 $0x1100  }
0x8: {  	s30 =	simm.s32 $0x1180;
	s31 =	simm.s32 $0x1200;
	s15 =	simm.s32 $0x0  }
0x9: {  	s2 =	smul.u32 $0x280, s9;
	s1 =	sand.u32 $0x1, s1;
	[smem:$0x7FF] =	sst s4  }
0xa: {  	s7 =	sadd.s32 $0x2800, s0;
	s26 =	sshll.u32 s9, $0x6;
	s5 =	smul.u32 $0x2800, s1  }
0xb: {  	_ =	strace $0x80000047;
	s8 =	sshll.u32 s1, $0x4;
	s1 =	ssub.s32 $0x2, s1  }
0xc: {  	s6 =	sshrl.u32 s2, $0x3;
	s11 =	sor.u32 s9, s8;
	s25 =	sshrl.u32 s1, $0x1  }
0xd: {  	s9 =	sshll.u32 s9, $0x4;
	s6 =	sadd.s32 s6, s0;
	s5 =	sadd.s32 s2, s5  }
0xe: {  	s8 =	smul.u32 $0x1380, s11;
	s1 =	ssub.s32 s1, s25;
	s2 =	sadd.s32 s2, s3  }
0xf: {  	s9 =	sadd.s32 s9, s7;
	p0 =	sgt.u32 s11, $0x1;
	s25 =	simm.s32 $0xF80  }
0x10: {  	s5 =	sshrl.u32 s5, $0x3;
	s10 =	smax.u32 s1, $0x1;
	s11 =	sshrl.u32 s2, $0x3  }
0x11: {  	s1 =	simm.s32 $0x1300;
	s2 =	simm.s32 $0x1;
	s8 =	sshrl.u32 s8, $0x3  }
0x12: {  	s0 =	sadd.s32 s5, s0;
	s5 =	sadd.s32 $0xC600, s6;
	s8 =	sadd.s32 s7, s8  }
0x13: {  	s6 =	sor.u32 $0x1C02, s26;
	s26 =	simm.s32 $0x1000;
	s7 =	sadd.s32 $0x4E20, s8  }
0x14: {  	s8 =	sadd.s32 $0x9C20, s9;
	s9 =	sadd.s32 $0xCC00, s0;
	s0 =	simm.s32 $0x1280  }
.LBB2_1:
0x15: {  	[spmem:s11], [sflag:s6] =	dma.local [hbm:s5], $0x50  }
0x16: {  	_ =	swait.ge [sflag:s12], $0x50  }
0x17: {  	[sflag:s12] =	ssyncset.done $0x0  }
0x18: {  	[sflag:s12] =	ssyncadd.s32 $0xFFFFFFB0  }
0x19: {  	s16 =	rddreg [dreg:$0x1]  }
0x1a: {  	[tilespmem:s13], [sflag:$0x2] =	stream.linear.gather [hbm4b:s16+s4], $0x80, $0x38;
	[tilespmem:$0x1700] =	vst v63  }
0x1b: {  	_ =	swait.ge [sflag:s12], $0x80  }
0x1c: {  	[sflag:s12] =	ssyncset.done $0x0  }
0x1d: {  	[sflag:s12] =	ssyncadd.s32 $0xFFFFFF80  }
0x1e: {  	[tilespmem:s4], [sflag:$0x2] =	stream.linear.gather [hbm4b:s7+s4], $0x1380, $0x38;
	[tilespmem:$0x1700] =	vst v63  }
0x1f: {  	_ =	swait.ge [sflag:s12], $0x1380  }
0x20: {  	[sflag:s12] =	ssyncset.done $0x0  }
0x21: {  	s17 =	simm.s32 @!p0 $0x1380;
	s16 =	simm.s32 @!p0 $0x0;
	[sflag:s12] =	ssyncadd.s32 $0xFFFFEC80  }
0x22: {  	[tilespmem:s17], [sflag:$0x2] =	stream.linear.gather @!p0 [hbm4b:s8+s16], $0x80, $0x38;
	[tilespmem:$0x1700] =	vst v63  }
0x23: {  	s16 =	simm.s32 @!p0 $0x2  }
0x24: {  	_ =	swait.ge @!p0 [sflag:s16], $0x80  }
0x25: {  	[sflag:s16] =	ssyncset.done @!p0 $0x0  }
0x26: {  	[sflag:s16] =	ssyncadd.s32 @!p0 $0xFFFFFF80  }
0x27: {  	[bflag:$0x0] =	sbarrier.arrive $0xFFFF  }
0x28: {  	[spmem:s3] =	stream.indirect.scatter.add.f32 [tilespmem:s13], [sflag:$0x1], $0x1, s4, s14, $0xb8;
	[tilespmem:$0x1700] =	vst v63  }
0x29: {  	_ = 	snop  }
0x2a: {  	[spmem:s3] =	stream.indirect.scatter.add.f32 [tilespmem:s13], [sflag:$0x1], $0x1, s14, s14, $0xb8;
	[tilespmem:$0x1700] =	vst v63  }
0x2b: {  	s18 =	simm.s32 $0x100  }
0x2c: {  	[spmem:s3] =	stream.indirect.scatter.add.f32 [tilespmem:s13], [sflag:$0x1], $0x1, s18, s14, $0xb8;
	[tilespmem:$0x1700] =	vst v63  }
0x2d: {  	s18 =	simm.s32 $0x180  }
0x2e: {  	[spmem:s3] =	stream.indirect.scatter.add.f32 [tilespmem:s13], [sflag:$0x1], $0x1, s18, s14, $0xb8;
	[tilespmem:$0x1700] =	vst v63  }
0x2f: {  	s18 =	simm.s32 $0x200  }
0x30: {  	[spmem:s3] =	stream.indirect.scatter.add.f32 [tilespmem:s13], [sflag:$0x1], $0x1, s18, s14, $0xb8;
	[tilespmem:$0x1700] =	vst v63  }
0x31: {  	s18 =	simm.s32 $0x280  }
0x32: {  	[spmem:s3] =	stream.indirect.scatter.add.f32 [tilespmem:s13], [sflag:$0x1], $0x1, s18, s14, $0xb8;
	[tilespmem:$0x1700] =	vst v63  }
0x33: {  	s18 =	simm.s32 $0x300  }
0x34: {  	[spmem:s3] =	stream.indirect.scatter.add.f32 [tilespmem:s13], [sflag:$0x1], $0x1, s18, s14, $0xb8;
	[tilespmem:$0x1700] =	vst v63  }
0x35: {  	s18 =	simm.s32 $0x380  }
0x36: {  	[spmem:s3] =	stream.indirect.scatter.add.f32 [tilespmem:s13], [sflag:$0x1], $0x1, s18, s14, $0xb8;
	[tilespmem:$0x1700] =	vst v63  }
0x37: {  	s18 =	simm.s32 $0x400  }
0x38: {  	[spmem:s3] =	stream.indirect.scatter.add.f32 [tilespmem:s13], [sflag:$0x1], $0x1, s18, s14, $0xb8;
	[tilespmem:$0x1700] =	vst v63  }
0x39: {  	s18 =	simm.s32 $0x480  }
0x3a: {  	[spmem:s3] =	stream.indirect.scatter.add.f32 [tilespmem:s13], [sflag:$0x1], $0x1, s18, s14, $0xb8;
	[tilespmem:$0x1700] =	vst v63  }
0x3b: {  	s18 =	simm.s32 $0x500  }
0x3c: {  	[spmem:s3] =	stream.indirect.scatter.add.f32 [tilespmem:s13], [sflag:$0x1], $0x1, s18, s14, $0xb8;
	[tilespmem:$0x1700] =	vst v63  }
0x3d: {  	s18 =	simm.s32 $0x580  }
0x3e: {  	[spmem:s3] =	stream.indirect.scatter.add.f32 [tilespmem:s13], [sflag:$0x1], $0x1, s18, s14, $0xb8;
	[tilespmem:$0x1700] =	vst v63  }
0x3f: {  	s18 =	simm.s32 $0x600  }
0x40: {  	[spmem:s3] =	stream.indirect.scatter.add.f32 [tilespmem:s13], [sflag:$0x1], $0x1, s18, s14, $0xb8;
	[tilespmem:$0x1700] =	vst v63  }
0x41: {  	s18 =	simm.s32 $0x680  }
0x42: {  	[spmem:s3] =	stream.indirect.scatter.add.f32 [tilespmem:s13], [sflag:$0x1], $0x1, s18, s14, $0xb8;
	[tilespmem:$0x1700] =	vst v63  }
0x43: {  	s18 =	simm.s32 $0x700  }
0x44: {  	[spmem:s3] =	stream.indirect.scatter.add.f32 [tilespmem:s13], [sflag:$0x1], $0x1, s18, s14, $0xb8;
	[tilespmem:$0x1700] =	vst v63  }
0x45: {  	s18 =	simm.s32 $0x780  }
0x46: {  	[spmem:s3] =	stream.indirect.scatter.add.f32 [tilespmem:s13], [sflag:$0x1], $0x1, s18, s14, $0xb8;
	[tilespmem:$0x1700] =	vst v63  }
0x47: {  	s18 =	simm.s32 $0x800  }
0x48: {  	[spmem:s3] =	stream.indirect.scatter.add.f32 [tilespmem:s13], [sflag:$0x1], $0x1, s18, s14, $0xb8;
	[tilespmem:$0x1700] =	vst v63  }
0x49: {  	s18 =	simm.s32 $0x880  }
0x4a: {  	[spmem:s3] =	stream.indirect.scatter.add.f32 [tilespmem:s13], [sflag:$0x1], $0x1, s18, s14, $0xb8;
	[tilespmem:$0x1700] =	vst v63  }
0x4b: {  	s18 =	simm.s32 $0x900  }
0x4c: {  	[spmem:s3] =	stream.indirect.scatter.add.f32 [tilespmem:s13], [sflag:$0x1], $0x1, s18, s14, $0xb8;
	[tilespmem:$0x1700] =	vst v63  }
0x4d: {  	s18 =	simm.s32 $0x980  }
0x4e: {  	[spmem:s3] =	stream.indirect.scatter.add.f32 [tilespmem:s13], [sflag:$0x1], $0x1, s18, s14, $0xb8;
	[tilespmem:$0x1700] =	vst v63  }
0x4f: {  	s18 =	simm.s32 $0xA00  }
0x50: {  	[spmem:s3] =	stream.indirect.scatter.add.f32 [tilespmem:s13], [sflag:$0x1], $0x1, s18, s14, $0xb8;
	[tilespmem:$0x1700] =	vst v63  }
0x51: {  	s18 =	simm.s32 $0xA80  }
0x52: {  	[spmem:s3] =	stream.indirect.scatter.add.f32 [tilespmem:s13], [sflag:$0x1], $0x1, s18, s14, $0xb8;
	[tilespmem:$0x1700] =	vst v63  }
0x53: {  	s18 =	simm.s32 $0xB00  }
0x54: {  	[spmem:s3] =	stream.indirect.scatter.add.f32 [tilespmem:s13], [sflag:$0x1], $0x1, s18, s14, $0xb8;
	[tilespmem:$0x1700] =	vst v63  }
0x55: {  	s18 =	simm.s32 $0xB80  }
0x56: {  	[spmem:s3] =	stream.indirect.scatter.add.f32 [tilespmem:s13], [sflag:$0x1], $0x1, s18, s14, $0xb8;
	[tilespmem:$0x1700] =	vst v63  }
0x57: {  	s18 =	simm.s32 $0xC00  }
0x58: {  	[spmem:s3] =	stream.indirect.scatter.add.f32 [tilespmem:s13], [sflag:$0x1], $0x1, s18, s14, $0xb8;
	[tilespmem:$0x1700] =	vst v63  }
0x59: {  	_ = 	snop  }
0x5a: {  	[spmem:s3] =	stream.indirect.scatter.add.f32 [tilespmem:s13], [sflag:$0x1], $0x1, s19, s14, $0xb8;
	[tilespmem:$0x1700] =	vst v63  }
0x5b: {  	_ = 	snop  }
0x5c: {  	[spmem:s3] =	stream.indirect.scatter.add.f32 [tilespmem:s13], [sflag:$0x1], $0x1, s20, s14, $0xb8;
	[tilespmem:$0x1700] =	vst v63  }
0x5d: {  	_ = 	snop  }
0x5e: {  	[spmem:s3] =	stream.indirect.scatter.add.f32 [tilespmem:s13], [sflag:$0x1], $0x1, s21, s14, $0xb8;
	[tilespmem:$0x1700] =	vst v63  }
0x5f: {  	_ = 	snop  }
0x60: {  	[spmem:s3] =	stream.indirect.scatter.add.f32 [tilespmem:s13], [sflag:$0x1], $0x1, s22, s14, $0xb8;
	[tilespmem:$0x1700] =	vst v63  }
0x61: {  	_ = 	snop  }
0x62: {  	[spmem:s3] =	stream.indirect.scatter.add.f32 [tilespmem:s13], [sflag:$0x1], $0x1, s23, s14, $0xb8;
	[tilespmem:$0x1700] =	vst v63  }
0x63: {  	_ = 	snop  }
0x64: {  	[spmem:s3] =	stream.indirect.scatter.add.f32 [tilespmem:s13], [sflag:$0x1], $0x1, s24, s14, $0xb8;
	[tilespmem:$0x1700] =	vst v63  }
0x65: {  	_ = 	snop  }
0x66: {  	[spmem:s3] =	stream.indirect.scatter.add.f32 [tilespmem:s13], [sflag:$0x1], $0x1, s25, s14, $0xb8;
	[tilespmem:$0x1700] =	vst v63  }
0x67: {  	_ = 	snop  }
0x68: {  	[spmem:s3] =	stream.indirect.scatter.add.f32 [tilespmem:s13], [sflag:$0x1], $0x1, s26, s14, $0xb8;
	[tilespmem:$0x1700] =	vst v63  }
0x69: {  	_ = 	snop  }
0x6a: {  	[spmem:s3] =	stream.indirect.scatter.add.f32 [tilespmem:s13], [sflag:$0x1], $0x1, s28, s14, $0xb8;
	[tilespmem:$0x1700] =	vst v63  }
0x6b: {  	_ = 	snop  }
0x6c: {  	[spmem:s3] =	stream.indirect.scatter.add.f32 [tilespmem:s13], [sflag:$0x1], $0x1, s29, s14, $0xb8;
	[tilespmem:$0x1700] =	vst v63  }
0x6d: {  	_ = 	snop  }
0x6e: {  	[spmem:s3] =	stream.indirect.scatter.add.f32 [tilespmem:s13], [sflag:$0x1], $0x1, s30, s14, $0xb8;
	[tilespmem:$0x1700] =	vst v63  }
0x6f: {  	_ = 	snop  }
0x70: {  	[spmem:s3] =	stream.indirect.scatter.add.f32 [tilespmem:s13], [sflag:$0x1], $0x1, s31, s14, $0xb8;
	[tilespmem:$0x1700] =	vst v63  }
0x71: {  	_ = 	snop  }
0x72: {  	[spmem:s3] =	stream.indirect.scatter.add.f32 [tilespmem:s13], [sflag:$0x1], $0x1, s0, s14, $0xb8;
	[tilespmem:$0x1700] =	vst v63  }
0x73: {  	_ = 	snop  }
0x74: {  	[spmem:s3] =	stream.indirect.scatter.add.f32 [tilespmem:s13], [sflag:$0x1], $0x1, s1, s14, $0xb8;
	[tilespmem:$0x1700] =	vst v63  }
0x75: {  	s16 =	simm.s32 @!p0 $0x80;
	s18 =	simm.s32 @!p0 $0x1400  }
0x76: {  	[spmem:s3] =	stream.indirect.scatter.add.f32 @!p0 [tilespmem:s18], [sflag:$0x1], $0x1, s17, s16, $0xb8;
	[tilespmem:$0x1700] =	vst v63  }
0x77: {  	_ =	swait.ge [sflag:s2], $0x80  }
0x78: {  	s16 =	simm.s32 $0x26;
	[sflag:s2] =	ssyncset.done $0x0  }
.LBB2_2:
0x79: {  	p1 =	sne.s32 s16, $0x1;
	s16 =	sadd.s32 $0xFFFFFFFF, s16;
	[sflag:s2] =	ssyncadd.s32 $0xFFFFFF80  }
.Ltmp0:
0x7a: {  	(pc) =	sbr.rel @p1 .LBB2_2-.Ltmp0, $3  }
0x7b: {  	_ =	sdelay $0x1  }
0x7c: {  	_ =	swait.ge [sflag:s2], $0x80  }
0x7d: {  	[sflag:s2] =	ssyncset.done $0x0  }
0x7e: {  	[sflag:s2] =	ssyncadd.s32 $0xFFFFFF80;
	s16 =	simm.s32 @!p0 $0x1  }
0x7f: {  	_ =	swait.ge @!p0 [sflag:s16], $0x80  }
0x80: {  	s15 =	sadd.s32 $0x1, s15;
	[sflag:s16] =	ssyncset.done @!p0 $0x0  }
0x81: {  	p1 =	sne.s32 s15, s10;
	[sflag:s16] =	ssyncadd.s32 @!p0 $0xFFFFFF80  }
.Ltmp1:
0x82: {  	[bflag:$0x0] =	sbarrier.arrive $0xFFFF;
	(pc) =	sbr.rel @p1 .LBB2_1-.Ltmp1, $4  }
0x83: {  	[hbm:s9], [sflag:s6] =	dma.local [spmem:s11], $0x50  }
0x84: {  	_ =	swait.ge [sflag:s12], $0x50  }
0x85: {  	[sflag:s12] =	ssyncset.done $0x0  }
0x86: {  	[sflag:s12] =	ssyncadd.s32 $0xFFFFFFB0  }
0x87: {  	_ =	sfence.sel $0x180000  }
0x88: {  	[bflag:$0x0] =	sbarrier.arrive $0xFFFF  }
0x89: {  	_ =	strace $0x90000047  }
0x8a: {  	s0 =	stileid.u32;
	[bflag:$0x2] =	sbarrier.arrive $0xFFFF  }
0x8b: {  	p0 =	sne.s32 s0, $0x0;
	s0 =	rddreg [dreg:$0x3]  }
0x8c: {  	s0 =	sadd.s32 @!p0 $0x100000, s0  }
0x8d: {  	[sflag:s0] =	ssyncadd.tile.s32 @!p0 $0x1;
	_ =	shalt  }
.Lfunc_end2:
_tile_overlayer_lowered:
.L_overlay_start_2:
0x8e: {  	(tag) =	ssettag $0x2  }
0x8f: {  	s0 =	rddreg [dreg:$0x0];
	s2 =	stileid.u32  }
0x90: {  	s1 =	rddreg [dreg:$0x1];
	p0 =	sne.s32 s2, $0x0  }
0x91: {  	s3 =	rddreg [dreg:$0x2];
	[bflag:$0x3] =	sbarrier.arrive $0xFFFF;
	s2 =	simm.s32 @!p0 $0x1C02  }
0x92: {  	[timem:s3], [sflag:s2] =	dma.local @!p0 [hbm:s0], s1  }
0x93: {  	s0 =	simm.s32 @!p0 $0x2  }
0x94: {  	_ =	swait.ge @!p0 [sflag:s0], s1  }
0x95: {  	s1 =	ssub.s32 @!p0 $0x0, s1;
	[sflag:s0] =	ssyncset.done @!p0 $0x0  }
0x96: {  	[sflag:s0] =	ssyncadd.s32 @!p0 s1  }
0x97: {  	[bflag:$0x3] =	sbarrier.arrive $0xFFFF  }
0x98: {  	_ =	shalt  }

// kernel: kernel.13.cloned.1.call-start
scs
__scs_entry_jumppad:
0x0: {  	(pc) =	sbr.rel $0x88, $3  }
0x1: {  	(tag) =	ssettag $0x0;
	lr =	simm.s32 $0x1  }
0x2: {  	[smem:$0x3F97] =	sst lr;
	_ =	strace $0xD0000000  }
0x3: {  	_ = 	snop  }
0x4: {  	_ = 	snop  }
0x5: {  	_ = 	snop  }
0x6: {  	_ = 	snop  }
0x7: {  	_ = 	snop  }
__scs_overlays_trampoline_lowered:
0x8: {  	[smem:$0x3FA6] =	sst s0  }
0x9: {  	[smem:$0x3FA7] =	sst s1  }
0xa: {  	[smem:$0x3FA8] =	sst s2  }
0xb: {  	[smem:$0x3FA9] =	sst s3  }
0xc: {  	[smem:$0x3FAA] =	sst s4  }
0xd: {  	[smem:$0x3FAB] =	sst s5  }
0xe: {  	[smem:$0x3FAC] =	sst s6  }
0xf: {  	[smem:$0x3FAD] =	sst s7  }
0x10: {  	[smem:$0x3FAE] =	sst s8  }
0x11: {  	[smem:$0x3FAF] =	sst s9;
	s0 =	simm.s32 @!p0 $0x0  }
0x12: {  	s1 =	sld [smem:$0x3F95];
	s0 =	simm.s32 @p0 $0x1  }
0x13: {  	[smem:$0x3FB0] =	sst s0;
	s0 =	simm.s32 @!p1 $0x0  }
0x14: {  	s2 =	sld [smem:$0x3F94];
	s0 =	simm.s32 @p1 $0x1  }
0x15: {  	[smem:$0x3FB1] =	sst s0;
	s0 =	simm.s32 @!p2 $0x0  }
0x16: {  	s3 =	sld [smem:$0x3FDB];
	s0 =	simm.s32 @p2 $0x1  }
0x17: {  	s4 =	simm.s32 $0x1BF5;
	[smem:$0x3FB3] =	sst s0  }
0x18: {  	s0 =	sld [smem:$0x3F96];
	_ =	swait.ge [sflag:s4], $0x0  }
0x19: {  	s7 =	sld [smem:$0x3F97]  }
0x1a: {  	s8 =	sadd.s32 $0xFFFFE003, lr  }
0x1b: {  	s9 =	sadd.s32 $0xFFFFFEF7, lr;
	s5 =	simm.s32 $0xFFFFFFFF;
	p2 =	slt.u32 s8, $0xFFFFF086  }
0x1c: {  	p1 =	slt.u32 s9, $0xF7A;
	s5 =	simm.s32 @!p2 $0x0  }
0x1d: {  	s5 =	simm.s32 @p1 $0x1;
	p0 =	seq.s32 s7, s2  }
0x1e: {  	s7 =	smul.u32 @!p0 $0xF7A, s2;
	p2 =	seq.s32 @!p0 s5, $0x0  }
0x1f: {  	s9 =	smul.u32 $0xF7A, s1;
	s8 =	simm.s32 @!p0 $0x1BF5;
	p2 =	por !p2, p0  }
0x20: {  	[sflag:s8] =	ssyncset.s32 @!p0 $0xFFFFF086;
	s6 =	sadd.s32 @!p0 s3, s7;
	s7 =	simm.s32 @!p0 $0x108  }
0x21: {  	s3 =	sadd.s32 s3, s9;
	s6 =	sadd.s32 @!p0 $0x88, s6;
	s7 =	simm.s32 @p2 $0x1082  }
0x22: {  	[simem:s7], [sflag:s8] =	dma.local @!p0 [hbm:s6], $0xF7A  }
0x23: {  	s9 =	sor.u32 $0xD0000000, s2;
	s6 =	simm.s32 $0x108;
	_ =	swait.ge @!p0 [sflag:s8], $0x0  }
0x24: {  	s3 =	sadd.s32 $0x88, s3;
	s6 =	simm.s32 @!p1 $0x1082;
	[sflag:s4] =	ssyncset.s32 $0xFFFFF086  }
0x25: {  	[simem:s6], [sflag:s4] =	dma.local [hbm:s3], $0xF7A  }
0x26: {  	[smem:$0x3F97] =	sst s1;
	(tag) =	ssettag s2;
	_ =	strace s9  }
0x27: {  	s1 =	sld [smem:$0x3FA7]  }
0x28: {  	s2 =	sld [smem:$0x3FA8]  }
0x29: {  	s4 =	sld [smem:$0x3FAA]  }
0x2a: {  	p0 =	seq.s32 s5, $0x0;
	s5 =	sld [smem:$0x3FAB]  }
0x2b: {  	s6 =	sld [smem:$0x3FAC]  }
0x2c: {  	s7 =	sld [smem:$0x3FAD]  }
0x2d: {  	s3 =	simm.s32 $0x108;
	s8 =	sld [smem:$0x3FAE]  }
0x2e: {  	s3 =	simm.s32 @!p0 $0x1082;
	s9 =	sld [smem:$0x3FAF]  }
0x2f: {  	lr =	sadd.s32 s0, s3;
	s0 =	sld [smem:$0x3FA6]  }
0x30: {  	s3 =	sld [smem:$0x3FA9]  }
0x31: {  	[smem:$0x3FB2] =	sst s10  }
0x32: {  	s10 =	sld [smem:$0x3FB0];
	_ =	sdelay $0x3  }
0x33: {  	p0 =	seq.s32 s10, $0x1;
	s10 =	sld [smem:$0x3FB2];
	_ =	sdelay $0x3  }
0x34: {  	[smem:$0x3FB2] =	sst s10  }
0x35: {  	s10 =	sld [smem:$0x3FB1];
	_ =	sdelay $0x3  }
0x36: {  	p1 =	seq.s32 s10, $0x1;
	s10 =	sld [smem:$0x3FB2];
	_ =	sdelay $0x3  }
0x37: {  	[smem:$0x3FB2] =	sst s10  }
0x38: {  	s10 =	sld [smem:$0x3FB3]  }
0x39: {  	_ = 	snop;
	(pc) =	sbr.ind lr, $3  }
0x3a: {  	_ = 	snop  }
0x3b: {  	_ = 	snop  }
0x3c: {  	p2 =	seq.s32 s10, $0x1;
	s10 =	sld [smem:$0x3FB2]  }
0x3d: {  	_ =	shalt  }
0x3e: {  	_ =	shalt  }
0x3f: {  	_ =	shalt  }
0x40: {  	_ =	shalt  }
0x41: {  	_ =	shalt  }
0x42: {  	_ =	shalt  }
0x43: {  	_ =	shalt  }
0x44: {  	_ =	shalt  }
0x45: {  	_ =	shalt  }
0x46: {  	_ =	shalt  }
0x47: {  	_ =	shalt  }
0x48: {  	_ =	shalt  }
0x49: {  	_ =	shalt  }
0x4a: {  	_ =	shalt  }
0x4b: {  	_ =	shalt  }
0x4c: {  	_ =	shalt  }
0x4d: {  	_ =	shalt  }
0x4e: {  	_ =	shalt  }
0x4f: {  	_ =	shalt  }
0x50: {  	_ =	shalt  }
0x51: {  	_ =	shalt  }
0x52: {  	_ =	shalt  }
0x53: {  	_ =	shalt  }
0x54: {  	_ =	shalt  }
0x55: {  	_ =	shalt  }
0x56: {  	_ =	shalt  }
0x57: {  	_ =	shalt  }
0x58: {  	_ =	shalt  }
0x59: {  	_ =	shalt  }
0x5a: {  	_ =	shalt  }
0x5b: {  	_ =	shalt  }
0x5c: {  	_ =	shalt  }
0x5d: {  	_ =	shalt  }
0x5e: {  	_ =	shalt  }
0x5f: {  	_ =	shalt  }
0x60: {  	_ =	shalt  }
0x61: {  	_ =	shalt  }
0x62: {  	_ =	shalt  }
0x63: {  	_ =	shalt  }
0x64: {  	_ =	shalt  }
0x65: {  	_ =	shalt  }
0x66: {  	_ =	shalt  }
0x67: {  	_ =	shalt  }
0x68: {  	_ =	shalt  }
0x69: {  	_ =	shalt  }
0x6a: {  	_ =	shalt  }
0x6b: {  	_ =	shalt  }
0x6c: {  	_ =	shalt  }
0x6d: {  	_ =	shalt  }
0x6e: {  	_ =	shalt  }
0x6f: {  	_ =	shalt  }
0x70: {  	_ =	shalt  }
0x71: {  	_ =	shalt  }
0x72: {  	_ =	shalt  }
0x73: {  	_ =	shalt  }
0x74: {  	_ =	shalt  }
0x75: {  	_ =	shalt  }
0x76: {  	_ =	shalt  }
0x77: {  	_ =	shalt  }
0x78: {  	_ =	shalt  }
0x79: {  	_ =	shalt  }
0x7a: {  	_ =	shalt  }
0x7b: {  	_ =	shalt  }
0x7c: {  	_ =	shalt  }
0x7d: {  	_ =	shalt  }
0x7e: {  	_ =	shalt  }
0x7f: {  	_ =	shalt  }
0x80: {  	_ =	shalt  }
0x81: {  	_ =	shalt  }
0x82: {  	_ =	shalt  }
0x83: {  	_ =	shalt  }
0x84: {  	_ =	shalt  }
0x85: {  	_ =	shalt  }
0x86: {  	_ =	shalt  }
0x87: {  	_ =	shalt  }
.Lfunc_end0:
.L_simem_size_0:
called_computation.1_lowered:
.L_overlay_start_0:
0x88: {  	s2 =	sld [smem:$0x3FD9]  }
0x89: {  	s3 =	sld [smem:$0x3FFE];
	_ =	sdelay $0x1  }
0x8a: {  	s1 =	srdreg.scid  }
0x8b: {  	s0 =	sand.u32 $0x1, s1  }
0x8c: {  	s16 =	sshll.u32 s0, $0xA;
	s2 =	sadd.s32 s3, s2  }
0x8d: {  	s2 =	sadd.s32 s2, s16  }
0x8e: {  	[smem:$0x3FBE] =	sst s2  }
0x8f: {  	_ = 	snop  }
0x90: {  	(tm) =	ssettm $0x1  }
0x91: {  	s17 =	sld [smem:$0x3FFB];
	_ =	sdelay $0x3  }
0x92: {  	_ =	strace s17  }
0x93: {  	s2 =	sld [smem:$0x3FFC];
	_ =	sdelay $0x3  }
0x94: {  	_ =	strace s2  }
0x95: {  	s2 =	sld [smem:$0x3FFD];
	_ =	sdelay $0x3  }
0x96: {  	_ =	strace s2  }
0x97: {  	_ =	strace $0x8FFFFFFF  }
0x98: {  	s18 =	sld [smem:$0x3FDB];
	_ =	sdelay $0x1  }
0x99: {  	s19 =	simm.s32 $_scs_section_size  }
0x9a: {  	s4 =	simm.s32 $_size__tile_overlayer_lowered;
	s5 =	simm.s32 $_tile_overlayer_lowered  }
0x9b: {  	s22 =	simm.s32 $0x1BFF;
	s21 =	sshll.u32 s5, $0x1;
	s2 =	sadd.s32 s19, s18  }
0x9c: {  	s6 =	simm.s32 $0x0;
	s20 =	sshll.u32 s4, $0x1;
	s4 =	sadd.s32 s21, s2  }
0x9d: {  	[timem:s6], [sflag:s22] =	dma.local [hbm:s4], s20  }
0x9e: {  	_ =	swait.ge [sflag:s22], s20  }
0x9f: {  	s3 =	ssub.s32 $0x0, s20;
	[sflag:s22] =	ssyncset.done $0x0  }
0xa0: {  	[sflag:s22] =	ssyncadd.s32 s3;
	_ =	sdelay $0x1  }
0xa1: {  	s23 =	simm.s32 $0x1B8B  }
0xa2: {  	_ =	swait.ge [sflag:s23], $0x1  }
0xa3: {  	[sflag:s23] =	ssyncset.done $0x0  }
0xa4: {  	s25 =	simm.s32 $0x1B8E;
	s24 =	sld [smem:$0x3FFE];
	[sflag:s23] =	ssyncadd.s32 $0xFFFFFFFF  }
0xa5: {  	s26 =	simm.s32 $execute0_lowered;
	[smem:$0x3FD2] =	sst s25  }
0xa6: {  	s4 =	sshll.u32 s26, $0x1;
	_ =	strace $0x80000049;
	[dreg:$0x1] =	wrdreg $0xFFFFFFFF  }
0xa7: {  	s28 =	simm.s32 $_size_execute0_lowered;
	s2 =	sadd.s32 s2, s4;
	[dreg:$0x0] =	wrdreg $0x0  }
0xa8: {  	s4 =	sshll.u32 s28, $0x1;
	[dreg:$0x2] =	wrdreg s2  }
0xa9: {  	[dreg:$0x3] =	wrdreg s4  }
0xaa: {  	[dreg:$0x4] =	wrdreg $0xC0  }
0xab: {  	_ =	task [dreg:s6], $0x5FFFF  }
0xac: {  	[dreg:$0x1] =	wrdreg $0xFFFFFFFF  }
0xad: {  	[dreg:$0x0] =	wrdreg $0x60  }
0xae: {  	[dreg:$0x2] =	wrdreg s24  }
0xaf: {  	[dreg:$0x3] =	wrdreg $0xE8000  }
0xb0: {  	[dreg:$0x4] =	wrdreg $0x9  }
0xb1: {  	_ =	task.clear_ibuf [dreg:s6], $0x5FFFF;
	_ =	strace $0x90000049  }
0xb2: {  	s29 =	simm.s32 $0x9;
	_ =	strace $0x8000004B  }
0xb3: {  	_ =	swait.ge [sflag:s29], $0x1  }
0xb4: {  	[sflag:s29] =	ssyncadd.s32 $0xFFFFFFFF  }
0xb5: {  	_ =	strace $0x9000004B  }
0xb6: {  	_ =	sfence  }
0xb7: {  	s30 =	sld [smem:$0x0];
	_ =	sdelay $0x2  }
0xb8: {  	s31 =	sshll.u32 s1, $0xD;
	s1 =	sshrl.u32 s1, $0x2  }
0xb9: {  	s3 =	sand.u32 $0x4000, s31;
	s1 =	sadd.s32 s1, s30  }
0xba: {  	s0 =	sor.u32 s3, s0;
	s1 =	sshll.u32 s1, $0x11  }
0xbb: {  	s0 =	sor.u32 s1, s0  }
0xbc: {  	s0 =	sadd.s32 $0x8F2B, s0  }
0xbd: {  	[sflag:s0] =	ssyncadd.remote.s32 $0x1  }
0xbe: {  	_ =	sfence.sel $0xFFFF  }
0xbf: {  	[dreg:$0x0] =	wrdreg $0xFFFFFFFF;
	(pc) =	sbr.abs _section_cstart, $3  }
0xc0: {  	[dreg:$0x1] =	wrdreg $0xFFFFFFFF  }
0xc1: {  	_ =	task.clear_ibuf [dreg:s6], $0x2FFFF;
	_ =	strace $0x9FFFFFFF  }
0xc2: {  	(tm) =	ssettm $0x7FFFFFFF  }
0xc3: {  	_ =	shalt  }
tec
execute0_lowered:
.L_overlay_start_1:
0x0: {  	(tag) =	ssettag $0x1  }
0x1: {  	s0 =	rddreg [dreg:$0x0]  }
0x2: {  	s2 =	rddreg [dreg:$0x1]  }
0x3: {  	s1 =	srdreg.scid;
	s11 =	stileid.u32;
	s4 =	simm.s32 $0x0  }
0x4: {  	s15 =	simm.s32 $0x80;
	s28 =	simm.s32 $0x2800;
	s19 =	simm.s32 $0x4800  }
0x5: {  	s29 =	simm.s32 $0x2;
	s31 =	simm.s32 $0x3;
	s12 =	simm.s32 $0x10  }
0x6: {  	s13 =	simm.s32 $0xC;
	s14 =	simm.s32 $0x12;
	s18 =	simm.s32 $0x9800  }
0x7: {  	s30 =	simm.s32 $0x4800;
	s1 =	sand.u32 $0x1, s1;
	s3 =	smul.u32 $0x5000, s11  }
0x8: {  	[smem:$0x7FF] =	sst s4;
	s6 =	sadd.s32 $0x2800, s0;
	s4 =	sadd.s32 $0xC600, s0  }
0x9: {  	s10 =	sadd.s32 $0x16600, s0;
	s23 =	sshll.u32 s11, $0x4;
	s25 =	sshll.u32 s11, $0x6  }
0xa: {  	s5 =	smul.u32 $0x50000, s1;
	_ =	strace $0x8000004A;
	s7 =	sshll.u32 s1, $0x4  }
0xb: {  	s8 =	ssub.s32 $0x2, s1;
	p0 =	seq.s32 s1, $0x0;
	s1 =	sadd.s32 s23, s6  }
0xc: {  	s17 =	sor.u32 $0x1C19, s25;
	s25 =	simm.s32 $0x3800;
	s7 =	sor.u32 s11, s7  }
0xd: {  	s20 =	sshrl.u32 s8, $0x1;
	s22 =	sadd.s32 s3, s2;
	s10 =	smov.u32 @p0 s4  }
0xe: {  	s11 =	simm.s32 $0xF;
	[dreg:$0xa] =	wrdreg s17;
	s5 =	sadd.s32 s3, s5  }
0xf: {  	s9 =	smul.u32 $0x1380, s7;
	s3 =	sshrl.u32 s3, $0x3;
	p0 =	sgt.u32 s7, $0x1  }
0x10: {  	s7 =	simm.s32 $0x7;
	s5 =	sshrl.u32 s5, $0x3;
	s26 =	sadd.s32 s10, s3  }
0x11: {  	s10 =	simm.s32 $0xE;
	s3 =	simm.s32 $0xA800;
	s0 =	sadd.s32 s5, s0  }
0x12: {  	s5 =	ssub.s32 s8, s20;
	s21 =	sshrl.u32 s9, $0x3;
	[dreg:$0x9] =	wrdreg s26  }
0x13: {  	s26 =	simm.s32 $0x1;
	s8 =	simm.s32 $0xD;
	s9 =	sadd.s32 s6, s21  }
0x14: {  	s20 =	simm.s32 $0xD800;
	s6 =	sadd.s32 $0x4E00, s1;
	[dreg:$0x3] =	wrdreg s9  }
0x15: {  	s1 =	sadd.s32 $0x9C20, s1;
	s0 =	sadd.s32 $0x20600, s0;
	[dreg:$0x5] =	wrdreg s6  }
.Ltmp0:
0x16: {  	s24 =	smax.u32 s5, $0x1;
	[dreg:$0x6] =	wrdreg s1;
	(pc) =	sbr.rel .LBB2_1-.Ltmp0, $4  }
0x17: {  	s21 =	sshrl.u32 s22, $0x3;
	s22 =	simm.s32 $0x19;
	[dreg:$0x7] =	wrdreg s0  }
0x18: {  	s5 =	simm.s32 $0x9;
	s9 =	sadd.s32 $0x4E20, s9;
	[dreg:$0x8] =	wrdreg s24  }
0x19: {  	s24 =	simm.s32 $0x6;
	s6 =	simm.s32 $0xA;
	[dreg:$0xb] =	wrdreg s21  }
0x1a: {  	s0 =	simm.s32 $0x0;
	[dreg:$0x4] =	wrdreg s9;
	s9 =	simm.s32 $0x8  }
.LBB2_4:
0x1b: {  	_ =	swait.ge [sflag:s26], $0x1000  }
0x1c: {  	s28 =	simm.s32 $0x2800;
	[sflag:s26] =	ssyncset.done $0x0  }
0x1d: {  	s0 =	simm.s32 $0x2600;
	s22 =	simm.s32 $0x13;
	[sflag:s26] =	ssyncadd.s32 $0xFFFFF000  }
0x1e: {  	[spmem:s2] =	stream.indirect.scatter.add.f32 [tilespmem:s28], [sflag:$0xD], $0x20, s0, s15, $0xb8;
	[tilespmem:$0x13800] =	vst v63  }
0x1f: {  	_ =	swait.ge [sflag:s22], $0x1000  }
0x20: {  	[sflag:s22] =	ssyncset.done $0x0  }
0x21: {  	[sflag:s22] =	ssyncadd.s32 $0xFFFFF000  }
0x22: {  	_ =	swait.ge [sflag:s29], $0x1000  }
0x23: {  	s25 =	simm.s32 $0x3800;
	[sflag:s29] =	ssyncset.done $0x0  }
0x24: {  	s23 =	simm.s32 $0x2680;
	s1 =	simm.s32 $0x14;
	[sflag:s29] =	ssyncadd.s32 $0xFFFFF000  }
0x25: {  	[spmem:s2] =	stream.indirect.scatter.add.f32 [tilespmem:s25], [sflag:$0xE], $0x20, s23, s15, $0xb8;
	[tilespmem:$0x13800] =	vst v63  }
0x26: {  	_ =	swait.ge [sflag:s1], $0x1000  }
0x27: {  	[sflag:s1] =	ssyncset.done $0x0  }
0x28: {  	[sflag:s1] =	ssyncadd.s32 $0xFFFFF000  }
0x29: {  	_ =	swait.ge [sflag:s31], $0x1000  }
0x2a: {  	s19 =	simm.s32 $0x4800;
	[sflag:s31] =	ssyncset.done $0x0  }
0x2b: {  	s16 =	simm.s32 $0x2700;
	s17 =	simm.s32 $0x15;
	[sflag:s31] =	ssyncadd.s32 $0xFFFFF000  }
0x2c: {  	[spmem:s2] =	stream.indirect.scatter.add.f32 [tilespmem:s19], [sflag:$0xF], $0x20, s16, s15, $0xb8;
	[tilespmem:$0x13800] =	vst v63  }
0x2d: {  	_ =	swait.ge [sflag:s17], $0x1000  }
0x2e: {  	[sflag:s17] =	ssyncset.done $0x0  }
0x2f: {  	s21 =	simm.s32 $0x16;
	[sflag:s17] =	ssyncadd.s32 $0xFFFFF000  }
0x30: {  	_ =	swait.ge [sflag:s21], $0x1000  }
0x31: {  	[sflag:s21] =	ssyncset.done $0x0  }
0x32: {  	s22 =	simm.s32 $0x17;
	[sflag:s21] =	ssyncadd.s32 $0xFFFFF000  }
0x33: {  	_ =	swait.ge [sflag:s22], $0x1000  }
0x34: {  	[sflag:s22] =	ssyncset.done $0x0  }
0x35: {  	s23 =	simm.s32 $0x18;
	[sflag:s22] =	ssyncadd.s32 $0xFFFFF000  }
0x36: {  	_ =	swait.ge [sflag:s23], $0x1000  }
0x37: {  	[sflag:s23] =	ssyncset.done $0x0  }
0x38: {  	[sflag:s23] =	ssyncadd.s32 $0xFFFFF000  }
0x39: {  	_ =	swait.ge [sflag:s8], $0x1000  }
0x3a: {  	[sflag:s8] =	ssyncset.done $0x0  }
0x3b: {  	[sflag:s8] =	ssyncadd.s32 $0xFFFFF000  }
0x3c: {  	_ =	swait.ge [sflag:s10], $0x1000  }
0x3d: {  	[sflag:s10] =	ssyncset.done $0x0  }
0x3e: {  	[sflag:s10] =	ssyncadd.s32 $0xFFFFF000  }
0x3f: {  	_ =	swait.ge [sflag:s11], $0x1000  }
0x40: {  	s16 =	simm.s32 @!p0 $0x80;
	[sflag:s11] =	ssyncset.done $0x0  }
0x41: {  	s17 =	simm.s32 @!p0 $0x1380;
	s21 =	simm.s32 @!p0 $0x2800;
	[sflag:s11] =	ssyncadd.s32 $0xFFFFF000  }
0x42: {  	[tilespmem:s21], [sflag:$0x19] =	stream.indirect.gather @!p0 [hbm4b:s4+s16], $0x20, s17, s16, $0xb8;
	[tilespmem:$0x13800] =	vst v63  }
0x43: {  	s17 =	simm.s32 @!p0 $0x19  }
0x44: {  	_ =	swait.ge @!p0 [sflag:s17], $0x1000  }
0x45: {  	[sflag:s17] =	ssyncset.done @!p0 $0x0  }
0x46: {  	s22 =	simm.s32 @!p0 $0x2780;
	[sflag:s17] =	ssyncadd.s32 @!p0 $0xFFFFF000  }
0x47: {  	[spmem:s2] =	stream.indirect.scatter.add.f32 @!p0 [tilespmem:s21], [sflag:$0x19], $0x20, s22, s16, $0xb8;
	[tilespmem:$0x13800] =	vst v63  }
0x48: {  	_ =	swait.ge @!p0 [sflag:s17], $0x1000  }
0x49: {  	[sflag:s17] =	ssyncset.done @!p0 $0x0  }
0x4a: {  	[sflag:s17] =	ssyncadd.s32 @!p0 $0xFFFFF000  }
0x4b: {  	[bflag:$0x0] =	sbarrier.arrive $0xFFFF  }
0x4c: {  	s1 =	rddreg [dreg:$0x7]  }
0x4d: {  	s17 =	rddreg [dreg:$0xa]  }
0x4e: {  	s22 =	simm.s32 $0x19;
	s21 =	rddreg [dreg:$0xb]  }
0x4f: {  	[hbm:s1], [sflag:s17] =	dma.local [spmem:s21], $0xA00  }
0x50: {  	_ =	swait.ge [sflag:s22], $0xA00  }
0x51: {  	s16 =	rddreg [dreg:$0xc]  }
0x52: {  	s23 =	rddreg [dreg:$0x8];
	s0 =	sadd.s32 $0x1, s16  }
0x53: {  	p1 =	sne.s32 s0, s23  }
.Ltmp1:
0x54: {  	_ = 	snop;
	(pc) =	sbr.rel @!p1 .LBB2_5-.Ltmp1, $3  }
0x55: {  	_ =	sdelay $0x1  }
0x56: {  	[sflag:s22] =	ssyncset.done $0x0  }
0x57: {  	[sflag:s22] =	ssyncadd.s32 $0xFFFFF600  }
.LBB2_1:
0x58: {  	[dreg:$0xc] =	wrdreg s0  }
0x59: {  	s16 =	rddreg [dreg:$0x9]  }
0x5a: {  	[spmem:s21], [sflag:s17] =	dma.local [hbm:s16], $0xA00  }
0x5b: {  	_ =	swait.ge [sflag:s22], $0xA00  }
0x5c: {  	[sflag:s22] =	ssyncset.done $0x0  }
0x5d: {  	s0 =	simm.s32 $0x0;
	s1 =	rddreg [dreg:$0x3];
	[sflag:s22] =	ssyncadd.s32 $0xFFFFF600  }
0x5e: {  	[tilespmem:s0], [sflag:$0x19] =	stream.linear.gather [hbm4b:s1+s0], $0x1380, $0x38;
	[tilespmem:$0x13800] =	vst v63  }
0x5f: {  	_ =	swait.ge [sflag:s22], $0x1380  }
0x60: {  	s21 =	simm.s32 @p0 $0x0;
	[sflag:s22] =	ssyncset.done $0x0  }
0x61: {  	s17 =	rddreg [dreg:$0x4];
	[sflag:s22] =	ssyncadd.s32 $0xFFFFEC80;
	s22 =	simm.s32 @p0 $0x1400  }
0x62: {  	[tilespmem:s22], [sflag:$0x19] =	stream.linear.gather @p0 [hbm4b:s17+s21], $0x1380, $0x38;
	[tilespmem:$0x13800] =	vst v63  }
0x63: {  	s21 =	simm.s32 @p0 $0x19  }
0x64: {  	_ =	swait.ge @p0 [sflag:s21], $0x1380  }
0x65: {  	s22 =	simm.s32 @!p0 $0x1380;
	[sflag:s21] =	ssyncset.done @p0 $0x0  }
0x66: {  	s23 =	rddreg [dreg:$0x5];
	[sflag:s21] =	ssyncadd.s32 @p0 $0xFFFFEC80;
	s21 =	simm.s32 @!p0 $0x0  }
0x67: {  	[tilespmem:s22], [sflag:$0x19] =	stream.linear.gather @!p0 [hbm4b:s23+s21], $0x80, $0x38;
	[tilespmem:$0x13800] =	vst v63  }
0x68: {  	s22 =	simm.s32 @!p0 $0x19  }
0x69: {  	_ =	swait.ge @!p0 [sflag:s22], $0x80  }
0x6a: {  	[sflag:s22] =	ssyncset.done @!p0 $0x0  }
0x6b: {  	s23 =	simm.s32 @!p0 $0x1400;
	[sflag:s22] =	ssyncadd.s32 @!p0 $0xFFFFFF80  }
0x6c: {  	[tilespmem:s23], [sflag:$0x19] =	stream.linear.gather @!p0 [hbm4b:s17+s21], $0x1380, $0x38;
	[tilespmem:$0x13800] =	vst v63  }
0x6d: {  	_ =	swait.ge @!p0 [sflag:s22], $0x1380  }
0x6e: {  	[sflag:s22] =	ssyncset.done @!p0 $0x0  }
0x6f: {  	s23 =	simm.s32 @!p0 $0x2780;
	s17 =	rddreg [dreg:$0x6];
	[sflag:s22] =	ssyncadd.s32 @!p0 $0xFFFFEC80  }
0x70: {  	[tilespmem:s23], [sflag:$0x19] =	stream.linear.gather @!p0 [hbm4b:s17+s21], $0x80, $0x38;
	[tilespmem:$0x13800] =	vst v63  }
0x71: {  	_ =	swait.ge @!p0 [sflag:s22], $0x80  }
0x72: {  	[sflag:s22] =	ssyncset.done @!p0 $0x0  }
0x73: {  	[sflag:s22] =	ssyncadd.s32 @!p0 $0xFFFFFF80  }
0x74: {  	[tilespmem:s28], [sflag:$0x1] =	stream.indirect.gather [hbm4b:s4+s15], $0x20, s0, s15, $0xb8;
	[tilespmem:$0x13800] =	vst v63  }
0x75: {  	_ = 	snop  }
0x76: {  	[tilespmem:s25], [sflag:$0x2] =	stream.indirect.gather [hbm4b:s4+s15], $0x20, s15, s15, $0xb8;
	[tilespmem:$0x13800] =	vst v63  }
0x77: {  	s17 =	simm.s32 $0x100  }
0x78: {  	[tilespmem:s19], [sflag:$0x3] =	stream.indirect.gather [hbm4b:s4+s15], $0x20, s17, s15, $0xb8;
	[tilespmem:$0x13800] =	vst v63  }
0x79: {  	s21 =	simm.s32 $0x5800;
	s19 =	simm.s32 $0x180  }
0x7a: {  	[tilespmem:s21], [sflag:$0x4] =	stream.indirect.gather [hbm4b:s4+s15], $0x20, s19, s15, $0xb8;
	[tilespmem:$0x13800] =	vst v63  }
0x7b: {  	s23 =	simm.s32 $0x6800;
	s22 =	simm.s32 $0x200  }
0x7c: {  	[tilespmem:s23], [sflag:$0x5] =	stream.indirect.gather [hbm4b:s4+s15], $0x20, s22, s15, $0xb8;
	[tilespmem:$0x13800] =	vst v63  }
0x7d: {  	s25 =	simm.s32 $0x280;
	s19 =	simm.s32 $0x7800  }
0x7e: {  	[tilespmem:s19], [sflag:$0x6] =	stream.indirect.gather [hbm4b:s4+s15], $0x20, s25, s15, $0xb8;
	[tilespmem:$0x13800] =	vst v63  }
0x7f: {  	s21 =	simm.s32 $0x3;
	s23 =	simm.s32 $0x0;
	[bflag:$0x0] =	sbarrier.arrive $0xFFFF  }
.LBB2_2:
0x80: {  	_ =	swait.ge [sflag:s26], $0x1000  }
0x81: {  	s22 =	sshra.s32 s23, $0x2;
	[sflag:s26] =	ssyncset.done $0x0  }
0x82: {  	p1 =	seq.s32 s23, $0x0;
	s25 =	sadd.s32 $0x1400, s22;
	[sflag:s26] =	ssyncadd.s32 $0xFFFFF000  }
0x83: {  	[spmem:s2] =	stream.indirect.scatter.add.f32 [tilespmem:s28], [sflag:$0xD], $0x20, s25, s15, $0xb8;
	[tilespmem:$0x13800] =	vst v63  }
0x84: {  	s25 =	simm.s32 @!p1 $0x13  }
0x85: {  	_ =	swait.ge @!p1 [sflag:s25], $0x1000  }
0x86: {  	[sflag:s25] =	ssyncset.done @!p1 $0x0  }
0x87: {  	s0 =	simm.s32 $0x8800;
	s17 =	sadd.s32 $0x300, s22;
	[sflag:s25] =	ssyncadd.s32 @!p1 $0xFFFFF000  }
0x88: {  	[tilespmem:s0], [sflag:$0x7] =	stream.indirect.gather [hbm4b:s4+s15], $0x20, s17, s15, $0xb8;
	[tilespmem:$0x13800] =	vst v63  }
0x89: {  	_ =	swait.ge [sflag:s29], $0x1000  }
0x8a: {  	s1 =	sadd.s32 $0x1480, s22;
	[sflag:s29] =	ssyncset.done $0x0  }
0x8b: {  	s25 =	simm.s32 @!p1 $0x14;
	s17 =	simm.s32 $0x3800;
	[sflag:s29] =	ssyncadd.s32 $0xFFFFF000  }
0x8c: {  	[spmem:s2] =	stream.indirect.scatter.add.f32 [tilespmem:s17], [sflag:$0xE], $0x20, s1, s15, $0xb8;
	[tilespmem:$0x13800] =	vst v63  }
0x8d: {  	_ =	swait.ge @!p1 [sflag:s25], $0x1000  }
0x8e: {  	[sflag:s25] =	ssyncset.done @!p1 $0x0  }
0x8f: {  	s16 =	sadd.s32 $0x380, s22;
	[sflag:s25] =	ssyncadd.s32 @!p1 $0xFFFFF000  }
0x90: {  	[tilespmem:s18], [sflag:$0x8] =	stream.indirect.gather [hbm4b:s4+s15], $0x20, s16, s15, $0xb8;
	[tilespmem:$0x13800] =	vst v63  }
0x91: {  	_ =	swait.ge [sflag:s31], $0x1000  }
0x92: {  	s1 =	sadd.s32 $0xFFFFFFFF, s21;
	[sflag:s31] =	ssyncset.done $0x0  }
0x93: {  	p2 =	slt.u32 s1, $0x6;
	s16 =	sadd.s32 $0x1500, s22;
	[sflag:s31] =	ssyncadd.s32 $0xFFFFF000  }
0x94: {  	[spmem:s2] =	stream.indirect.scatter.add.f32 [tilespmem:s30], [sflag:$0xF], $0x20, s16, s15, $0xb8;
	[tilespmem:$0x13800] =	vst v63  }
0x95: {  	s16 =	simm.s32 @!p2 $0x15  }
0x96: {  	_ =	swait.ge @!p2 [sflag:s16], $0x1000  }
0x97: {  	[sflag:s16] =	ssyncset.done @!p2 $0x0  }
0x98: {  	s1 =	sadd.s32 $0x400, s22;
	[sflag:s16] =	ssyncadd.s32 @!p2 $0xFFFFF000  }
0x99: {  	[tilespmem:s3], [sflag:$0x9] =	stream.indirect.gather [hbm4b:s4+s15], $0x20, s1, s15, $0xb8;
	[tilespmem:$0x13800] =	vst v63  }
0x9a: {  	s1 =	simm.s32 $0x4  }
0x9b: {  	_ =	swait.ge [sflag:s1], $0x1000  }
0x9c: {  	s25 =	sadd.s32 $0x1580, s22;
	p2 =	slt.u32 s21, $0x6;
	[sflag:s1] =	ssyncset.done $0x0  }
0x9d: {  	s16 =	simm.s32 @!p2 $0x16;
	[sflag:s1] =	ssyncadd.s32 $0xFFFFF000;
	s1 =	simm.s32 $0x5800  }
0x9e: {  	[spmem:s2] =	stream.indirect.scatter.add.f32 [tilespmem:s1], [sflag:$0x10], $0x20, s25, s15, $0xb8;
	[tilespmem:$0x13800] =	vst v63  }
0x9f: {  	_ =	swait.ge @!p2 [sflag:s16], $0x1000  }
0xa0: {  	[sflag:s16] =	ssyncset.done @!p2 $0x0  }
0xa1: {  	s25 =	sadd.s32 $0x480, s22;
	s1 =	simm.s32 $0xB800;
	[sflag:s16] =	ssyncadd.s32 @!p2 $0xFFFFF000  }
0xa2: {  	[tilespmem:s1], [sflag:$0xA] =	stream.indirect.gather [hbm4b:s4+s15], $0x20, s25, s15, $0xb8;
	[tilespmem:$0x13800] =	vst v63  }
0xa3: {  	s25 =	simm.s32 $0x5  }
0xa4: {  	_ =	swait.ge [sflag:s25], $0x1000  }
0xa5: {  	[sflag:s25] =	ssyncset.done $0x0  }
0xa6: {  	s16 =	sadd.s32 $0x1600, s22;
	[sflag:s25] =	ssyncadd.s32 $0xFFFFF000;
	s25 =	simm.s32 $0x6800  }
0xa7: {  	[spmem:s2] =	stream.indirect.scatter.add.f32 [tilespmem:s25], [sflag:$0x11], $0x20, s16, s15, $0xb8;
	[tilespmem:$0x13800] =	vst v63  }
0xa8: {  	s16 =	simm.s32 @!p1 $0x17  }
0xa9: {  	_ =	swait.ge @!p1 [sflag:s16], $0x1000  }
0xaa: {  	[sflag:s16] =	ssyncset.done @!p1 $0x0  }
0xab: {  	s25 =	simm.s32 $0xC800;
	[sflag:s16] =	ssyncadd.s32 @!p1 $0xFFFFF000;
	s16 =	sadd.s32 $0x500, s22  }
0xac: {  	[tilespmem:s25], [sflag:$0xB] =	stream.indirect.gather [hbm4b:s4+s15], $0x20, s16, s15, $0xb8;
	[tilespmem:$0x13800] =	vst v63  }
0xad: {  	_ =	swait.ge [sflag:s24], $0x1000  }
0xae: {  	[sflag:s24] =	ssyncset.done $0x0  }
0xaf: {  	s25 =	sadd.s32 $0x1680, s22;
	s16 =	simm.s32 @!p1 $0x18;
	[sflag:s24] =	ssyncadd.s32 $0xFFFFF000  }
0xb0: {  	[spmem:s2] =	stream.indirect.scatter.add.f32 [tilespmem:s19], [sflag:$0x12], $0x20, s25, s15, $0xb8;
	[tilespmem:$0x13800] =	vst v63  }
0xb1: {  	_ =	swait.ge @!p1 [sflag:s16], $0x1000  }
0xb2: {  	[sflag:s16] =	ssyncset.done @!p1 $0x0  }
0xb3: {  	s25 =	sadd.s32 $0x580, s22;
	[sflag:s16] =	ssyncadd.s32 @!p1 $0xFFFFF000  }
0xb4: {  	[tilespmem:s20], [sflag:$0xC] =	stream.indirect.gather [hbm4b:s4+s15], $0x20, s25, s15, $0xb8;
	[tilespmem:$0x13800] =	vst v63  }
0xb5: {  	_ =	swait.ge [sflag:s7], $0x1000  }
0xb6: {  	[sflag:s7] =	ssyncset.done $0x0  }
0xb7: {  	s25 =	sadd.s32 $0x1700, s22;
	[sflag:s7] =	ssyncadd.s32 $0xFFFFF000  }
0xb8: {  	[spmem:s2] =	stream.indirect.scatter.add.f32 [tilespmem:s0], [sflag:$0x13], $0x20, s25, s15, $0xb8;
	[tilespmem:$0x13800] =	vst v63  }
0xb9: {  	_ =	swait.ge [sflag:s8], $0x1000  }
0xba: {  	[sflag:s8] =	ssyncset.done $0x0  }
0xbb: {  	s0 =	sadd.s32 $0x600, s22;
	[sflag:s8] =	ssyncadd.s32 $0xFFFFF000  }
0xbc: {  	[tilespmem:s28], [sflag:$0x1] =	stream.indirect.gather [hbm4b:s4+s15], $0x20, s0, s15, $0xb8;
	[tilespmem:$0x13800] =	vst v63  }
0xbd: {  	_ =	swait.ge [sflag:s9], $0x1000  }
0xbe: {  	[sflag:s9] =	ssyncset.done $0x0  }
0xbf: {  	s25 =	sadd.s32 $0x1780, s22;
	[sflag:s9] =	ssyncadd.s32 $0xFFFFF000  }
0xc0: {  	[spmem:s2] =	stream.indirect.scatter.add.f32 [tilespmem:s18], [sflag:$0x14], $0x20, s25, s15, $0xb8;
	[tilespmem:$0x13800] =	vst v63  }
0xc1: {  	_ =	swait.ge [sflag:s10], $0x1000  }
0xc2: {  	[sflag:s10] =	ssyncset.done $0x0  }
0xc3: {  	s28 =	sadd.s32 $0x680, s22;
	[sflag:s10] =	ssyncadd.s32 $0xFFFFF000  }
0xc4: {  	[tilespmem:s17], [sflag:$0x2] =	stream.indirect.gather [hbm4b:s4+s15], $0x20, s28, s15, $0xb8;
	[tilespmem:$0x13800] =	vst v63  }
0xc5: {  	_ =	swait.ge [sflag:s5], $0x1000  }
0xc6: {  	[sflag:s5] =	ssyncset.done $0x0  }
0xc7: {  	s0 =	sadd.s32 $0x1800, s22;
	[sflag:s5] =	ssyncadd.s32 $0xFFFFF000  }
0xc8: {  	[spmem:s2] =	stream.indirect.scatter.add.f32 [tilespmem:s3], [sflag:$0x15], $0x20, s0, s15, $0xb8;
	[tilespmem:$0x13800] =	vst v63  }
0xc9: {  	_ =	swait.ge [sflag:s11], $0x1000  }
0xca: {  	[sflag:s11] =	ssyncset.done $0x0  }
0xcb: {  	s17 =	sadd.s32 $0x700, s22;
	[sflag:s11] =	ssyncadd.s32 $0xFFFFF000  }
0xcc: {  	[tilespmem:s30], [sflag:$0x3] =	stream.indirect.gather [hbm4b:s4+s15], $0x20, s17, s15, $0xb8;
	[tilespmem:$0x13800] =	vst v63  }
0xcd: {  	_ =	swait.ge [sflag:s6], $0x1000  }
0xce: {  	[sflag:s6] =	ssyncset.done $0x0  }
0xcf: {  	s25 =	sadd.s32 $0x1880, s22;
	[sflag:s6] =	ssyncadd.s32 $0xFFFFF000  }
0xd0: {  	[spmem:s2] =	stream.indirect.scatter.add.f32 [tilespmem:s1], [sflag:$0x16], $0x20, s25, s15, $0xb8;
	[tilespmem:$0x13800] =	vst v63  }
0xd1: {  	_ =	swait.ge [sflag:s12], $0x1000  }
0xd2: {  	p1 =	seq.s32 s23, $0x3000;
	[sflag:s12] =	ssyncset.done $0x0  }
0xd3: {  	s16 =	simm.s32 @p1 $0xB;
	[sflag:s12] =	ssyncadd.s32 $0xFFFFF000  }
0xd4: {  	_ =	swait.ge @p1 [sflag:s16], $0x1000  }
0xd5: {  	[sflag:s16] =	ssyncset.done @p1 $0x0  }
0xd6: {  	[sflag:s16] =	ssyncadd.s32 @p1 $0xFFFFF000;
	s16 =	sshra.s32 @p1 s23, $0x2  }
0xd7: {  	s17 =	simm.s32 @p1 $0xC800;
	s25 =	simm.s32 @p1 $0x80;
	s16 =	sadd.s32 @p1 $0x1900, s16  }
0xd8: {  	[spmem:s2] =	stream.indirect.scatter.add.f32 @p1 [tilespmem:s17], [sflag:$0x17], $0x20, s16, s25, $0xb8;
	[tilespmem:$0x13800] =	vst v63  }
0xd9: {  	s16 =	simm.s32 @p1 $0x11  }
0xda: {  	_ =	swait.ge @p1 [sflag:s16], $0x1000  }
0xdb: {  	[sflag:s16] =	ssyncset.done @p1 $0x0  }
0xdc: {  	[sflag:s16] =	ssyncadd.s32 @p1 $0xFFFFF000;
	s16 =	sshra.s32 @!p1 s23, $0x2  }
0xdd: {  	s28 =	simm.s32 @!p1 $0x5800;
	s25 =	simm.s32 @!p1 $0x80;
	s17 =	sadd.s32 @!p1 $0x780, s16  }
0xde: {  	[tilespmem:s28], [sflag:$0x4] =	stream.indirect.gather @!p1 [hbm4b:s4+s25], $0x20, s17, s25, $0xb8;
	[tilespmem:$0x13800] =	vst v63  }
0xdf: {  	s17 =	simm.s32 @!p1 $0xB  }
0xe0: {  	_ =	swait.ge @!p1 [sflag:s17], $0x1000  }
0xe1: {  	[sflag:s17] =	ssyncset.done @!p1 $0x0  }
0xe2: {  	s28 =	simm.s32 @!p1 $0xC800;
	[sflag:s17] =	ssyncadd.s32 @!p1 $0xFFFFF000;
	s17 =	sadd.s32 @!p1 $0x1900, s16  }
0xe3: {  	[spmem:s2] =	stream.indirect.scatter.add.f32 @!p1 [tilespmem:s28], [sflag:$0x17], $0x20, s17, s25, $0xb8;
	[tilespmem:$0x13800] =	vst v63  }
0xe4: {  	s17 =	simm.s32 @!p1 $0x11  }
0xe5: {  	_ =	swait.ge @!p1 [sflag:s17], $0x1000  }
0xe6: {  	[sflag:s17] =	ssyncset.done @!p1 $0x0  }
0xe7: {  	s16 =	sadd.s32 @!p1 $0x800, s16;
	[sflag:s17] =	ssyncadd.s32 @!p1 $0xFFFFF000;
	s17 =	simm.s32 @!p1 $0x6800  }
0xe8: {  	[tilespmem:s17], [sflag:$0x5] =	stream.indirect.gather @!p1 [hbm4b:s4+s25], $0x20, s16, s25, $0xb8;
	[tilespmem:$0x13800] =	vst v63  }
0xe9: {  	_ =	swait.ge [sflag:s13], $0x1000  }
0xea: {  	[sflag:s13] =	ssyncset.done $0x0  }
.Ltmp2:
0xeb: {  	s28 =	sadd.s32 $0x1980, s22;
	[sflag:s13] =	ssyncadd.s32 $0xFFFFF000;
	(pc) =	sbr.rel @p1 .LBB2_4-.Ltmp2, $4  }
0xec: {  	[spmem:s2] =	stream.indirect.scatter.add.f32 [tilespmem:s20], [sflag:$0x18], $0x20, s28, s15, $0xb8;
	[tilespmem:$0x13800] =	vst v63  }
0xed: {  	_ =	swait.ge [sflag:s14], $0x1000  }
0xee: {  	[sflag:s14] =	ssyncset.done $0x0  }
0xef: {  	[sflag:s14] =	ssyncadd.s32 $0xFFFFF000  }
.Ltmp3:
0xf0: {  	(pc) =	sbr.rel .LBB2_2-.Ltmp3, $4  }
0xf1: {  	_ = 	snop  }
0xf2: {  	s16 =	sadd.s32 $0x880, s22  }
0xf3: {  	s23 =	sadd.s32 $0x1800, s23;
	s21 =	sadd.s32 $0xC, s21;
	s28 =	simm.s32 $0x2800  }
0xf4: {  	[tilespmem:s19], [sflag:$0x6] =	stream.indirect.gather [hbm4b:s4+s15], $0x20, s16, s15, $0xb8;
	[tilespmem:$0x13800] =	vst v63  }
.LBB2_5:
0xf5: {  	_ =	sfence.sel $0x180000  }
0xf6: {  	[bflag:$0x0] =	sbarrier.arrive $0xFFFF  }
0xf7: {  	_ =	strace $0x9000004A  }
0xf8: {  	s0 =	stileid.u32;
	[bflag:$0x2] =	sbarrier.arrive $0xFFFF  }
0xf9: {  	p0 =	sne.s32 s0, $0x0;
	s0 =	rddreg [dreg:$0x2]  }
0xfa: {  	s0 =	sadd.s32 @!p0 $0x100000, s0  }
0xfb: {  	[sflag:s0] =	ssyncadd.tile.s32 @!p0 $0x1;
	_ =	shalt  }
.Lfunc_end2:
_tile_overlayer_lowered:
.L_overlay_start_2:
0xfc: {  	(tag) =	ssettag $0x2  }
0xfd: {  	s0 =	rddreg [dreg:$0x0];
	s2 =	stileid.u32  }
0xfe: {  	s1 =	rddreg [dreg:$0x1];
	p0 =	sne.s32 s2, $0x0  }
0xff: {  	s3 =	rddreg [dreg:$0x2];
	[bflag:$0x3] =	sbarrier.arrive $0xFFFF;
	s2 =	simm.s32 @!p0 $0x1C19  }
0x100: {  	[timem:s3], [sflag:s2] =	dma.local @!p0 [hbm:s0], s1  }
0x101: {  	s0 =	simm.s32 @!p0 $0x19  }
0x102: {  	_ =	swait.ge @!p0 [sflag:s0], s1  }
0x103: {  	s1 =	ssub.s32 @!p0 $0x0, s1;
	[sflag:s0] =	ssyncset.done @!p0 $0x0  }
0x104: {  	[sflag:s0] =	ssyncadd.s32 @!p0 s1  }
0x105: {  	[bflag:$0x3] =	sbarrier.arrive $0xFFFF  }
0x106: {  	_ =	shalt  }

// kernel: kernel.16.cloned.1.call-start
scs
__scs_entry_jumppad:
0x0: {  	(pc) =	sbr.rel $0x88, $3  }
0x1: {  	(tag) =	ssettag $0x0;
	lr =	simm.s32 $0x1  }
0x2: {  	[smem:$0x3F97] =	sst lr;
	_ =	strace $0xD0000000  }
0x3: {  	_ = 	snop  }
0x4: {  	_ = 	snop  }
0x5: {  	_ = 	snop  }
0x6: {  	_ = 	snop  }
0x7: {  	_ = 	snop  }
__scs_overlays_trampoline_lowered:
0x8: {  	[smem:$0x3FA6] =	sst s0  }
0x9: {  	[smem:$0x3FA7] =	sst s1  }
0xa: {  	[smem:$0x3FA8] =	sst s2  }
0xb: {  	[smem:$0x3FA9] =	sst s3  }
0xc: {  	[smem:$0x3FAA] =	sst s4  }
0xd: {  	[smem:$0x3FAB] =	sst s5  }
0xe: {  	[smem:$0x3FAC] =	sst s6  }
0xf: {  	[smem:$0x3FAD] =	sst s7  }
0x10: {  	[smem:$0x3FAE] =	sst s8  }
0x11: {  	[smem:$0x3FAF] =	sst s9;
	s0 =	simm.s32 @!p0 $0x0  }
0x12: {  	s1 =	sld [smem:$0x3F95];
	s0 =	simm.s32 @p0 $0x1  }
0x13: {  	[smem:$0x3FB0] =	sst s0;
	s0 =	simm.s32 @!p1 $0x0  }
0x14: {  	s2 =	sld [smem:$0x3F94];
	s0 =	simm.s32 @p1 $0x1  }
0x15: {  	[smem:$0x3FB1] =	sst s0;
	s0 =	simm.s32 @!p2 $0x0  }
0x16: {  	s3 =	sld [smem:$0x3FDB];
	s0 =	simm.s32 @p2 $0x1  }
0x17: {  	s4 =	simm.s32 $0x1BF5;
	[smem:$0x3FB3] =	sst s0  }
0x18: {  	s0 =	sld [smem:$0x3F96];
	_ =	swait.ge [sflag:s4], $0x0  }
0x19: {  	s7 =	sld [smem:$0x3F97]  }
0x1a: {  	s8 =	sadd.s32 $0xFFFFE003, lr  }
0x1b: {  	s9 =	sadd.s32 $0xFFFFFEF7, lr;
	s5 =	simm.s32 $0xFFFFFFFF;
	p2 =	slt.u32 s8, $0xFFFFF086  }
0x1c: {  	p1 =	slt.u32 s9, $0xF7A;
	s5 =	simm.s32 @!p2 $0x0  }
0x1d: {  	s5 =	simm.s32 @p1 $0x1;
	p0 =	seq.s32 s7, s2  }
0x1e: {  	s7 =	smul.u32 @!p0 $0xF7A, s2;
	p2 =	seq.s32 @!p0 s5, $0x0  }
0x1f: {  	s9 =	smul.u32 $0xF7A, s1;
	s8 =	simm.s32 @!p0 $0x1BF5;
	p2 =	por !p2, p0  }
0x20: {  	[sflag:s8] =	ssyncset.s32 @!p0 $0xFFFFF086;
	s6 =	sadd.s32 @!p0 s3, s7;
	s7 =	simm.s32 @!p0 $0x108  }
0x21: {  	s3 =	sadd.s32 s3, s9;
	s6 =	sadd.s32 @!p0 $0x88, s6;
	s7 =	simm.s32 @p2 $0x1082  }
0x22: {  	[simem:s7], [sflag:s8] =	dma.local @!p0 [hbm:s6], $0xF7A  }
0x23: {  	s9 =	sor.u32 $0xD0000000, s2;
	s6 =	simm.s32 $0x108;
	_ =	swait.ge @!p0 [sflag:s8], $0x0  }
0x24: {  	s3 =	sadd.s32 $0x88, s3;
	s6 =	simm.s32 @!p1 $0x1082;
	[sflag:s4] =	ssyncset.s32 $0xFFFFF086  }
0x25: {  	[simem:s6], [sflag:s4] =	dma.local [hbm:s3], $0xF7A  }
0x26: {  	[smem:$0x3F97] =	sst s1;
	(tag) =	ssettag s2;
	_ =	strace s9  }
0x27: {  	s1 =	sld [smem:$0x3FA7]  }
0x28: {  	s2 =	sld [smem:$0x3FA8]  }
0x29: {  	s4 =	sld [smem:$0x3FAA]  }
0x2a: {  	p0 =	seq.s32 s5, $0x0;
	s5 =	sld [smem:$0x3FAB]  }
0x2b: {  	s6 =	sld [smem:$0x3FAC]  }
0x2c: {  	s7 =	sld [smem:$0x3FAD]  }
0x2d: {  	s3 =	simm.s32 $0x108;
	s8 =	sld [smem:$0x3FAE]  }
0x2e: {  	s3 =	simm.s32 @!p0 $0x1082;
	s9 =	sld [smem:$0x3FAF]  }
0x2f: {  	lr =	sadd.s32 s0, s3;
	s0 =	sld [smem:$0x3FA6]  }
0x30: {  	s3 =	sld [smem:$0x3FA9]  }
0x31: {  	[smem:$0x3FB2] =	sst s10  }
0x32: {  	s10 =	sld [smem:$0x3FB0];
	_ =	sdelay $0x3  }
0x33: {  	p0 =	seq.s32 s10, $0x1;
	s10 =	sld [smem:$0x3FB2];
	_ =	sdelay $0x3  }
0x34: {  	[smem:$0x3FB2] =	sst s10  }
0x35: {  	s10 =	sld [smem:$0x3FB1];
	_ =	sdelay $0x3  }
0x36: {  	p1 =	seq.s32 s10, $0x1;
	s10 =	sld [smem:$0x3FB2];
	_ =	sdelay $0x3  }
0x37: {  	[smem:$0x3FB2] =	sst s10  }
0x38: {  	s10 =	sld [smem:$0x3FB3]  }
0x39: {  	_ = 	snop;
	(pc) =	sbr.ind lr, $3  }
0x3a: {  	_ = 	snop  }
0x3b: {  	_ = 	snop  }
0x3c: {  	p2 =	seq.s32 s10, $0x1;
	s10 =	sld [smem:$0x3FB2]  }
0x3d: {  	_ =	shalt  }
0x3e: {  	_ =	shalt  }
0x3f: {  	_ =	shalt  }
0x40: {  	_ =	shalt  }
0x41: {  	_ =	shalt  }
0x42: {  	_ =	shalt  }
0x43: {  	_ =	shalt  }
0x44: {  	_ =	shalt  }
0x45: {  	_ =	shalt  }
0x46: {  	_ =	shalt  }
0x47: {  	_ =	shalt  }
0x48: {  	_ =	shalt  }
0x49: {  	_ =	shalt  }
0x4a: {  	_ =	shalt  }
0x4b: {  	_ =	shalt  }
0x4c: {  	_ =	shalt  }
0x4d: {  	_ =	shalt  }
0x4e: {  	_ =	shalt  }
0x4f: {  	_ =	shalt  }
0x50: {  	_ =	shalt  }
0x51: {  	_ =	shalt  }
0x52: {  	_ =	shalt  }
0x53: {  	_ =	shalt  }
0x54: {  	_ =	shalt  }
0x55: {  	_ =	shalt  }
0x56: {  	_ =	shalt  }
0x57: {  	_ =	shalt  }
0x58: {  	_ =	shalt  }
0x59: {  	_ =	shalt  }
0x5a: {  	_ =	shalt  }
0x5b: {  	_ =	shalt  }
0x5c: {  	_ =	shalt  }
0x5d: {  	_ =	shalt  }
0x5e: {  	_ =	shalt  }
0x5f: {  	_ =	shalt  }
0x60: {  	_ =	shalt  }
0x61: {  	_ =	shalt  }
0x62: {  	_ =	shalt  }
0x63: {  	_ =	shalt  }
0x64: {  	_ =	shalt  }
0x65: {  	_ =	shalt  }
0x66: {  	_ =	shalt  }
0x67: {  	_ =	shalt  }
0x68: {  	_ =	shalt  }
0x69: {  	_ =	shalt  }
0x6a: {  	_ =	shalt  }
0x6b: {  	_ =	shalt  }
0x6c: {  	_ =	shalt  }
0x6d: {  	_ =	shalt  }
0x6e: {  	_ =	shalt  }
0x6f: {  	_ =	shalt  }
0x70: {  	_ =	shalt  }
0x71: {  	_ =	shalt  }
0x72: {  	_ =	shalt  }
0x73: {  	_ =	shalt  }
0x74: {  	_ =	shalt  }
0x75: {  	_ =	shalt  }
0x76: {  	_ =	shalt  }
0x77: {  	_ =	shalt  }
0x78: {  	_ =	shalt  }
0x79: {  	_ =	shalt  }
0x7a: {  	_ =	shalt  }
0x7b: {  	_ =	shalt  }
0x7c: {  	_ =	shalt  }
0x7d: {  	_ =	shalt  }
0x7e: {  	_ =	shalt  }
0x7f: {  	_ =	shalt  }
0x80: {  	_ =	shalt  }
0x81: {  	_ =	shalt  }
0x82: {  	_ =	shalt  }
0x83: {  	_ =	shalt  }
0x84: {  	_ =	shalt  }
0x85: {  	_ =	shalt  }
0x86: {  	_ =	shalt  }
0x87: {  	_ =	shalt  }
.Lfunc_end0:
.L_simem_size_0:
called_computation.2_lowered:
.L_overlay_start_0:
0x88: {  	s2 =	sld [smem:$0x3FD9]  }
0x89: {  	s3 =	sld [smem:$0x3FFE];
	_ =	sdelay $0x1  }
0x8a: {  	s1 =	srdreg.scid  }
0x8b: {  	s0 =	sand.u32 $0x1, s1  }
0x8c: {  	s16 =	sshll.u32 s0, $0xA;
	s2 =	sadd.s32 s3, s2  }
0x8d: {  	s2 =	sadd.s32 s2, s16  }
0x8e: {  	[smem:$0x3FBE] =	sst s2  }
0x8f: {  	_ = 	snop  }
0x90: {  	(tm) =	ssettm $0x1  }
0x91: {  	s17 =	sld [smem:$0x3FFB];
	_ =	sdelay $0x3  }
0x92: {  	_ =	strace s17  }
0x93: {  	s2 =	sld [smem:$0x3FFC];
	_ =	sdelay $0x3  }
0x94: {  	_ =	strace s2  }
0x95: {  	s2 =	sld [smem:$0x3FFD];
	_ =	sdelay $0x3  }
0x96: {  	_ =	strace s2  }
0x97: {  	_ =	strace $0x8FFFFFFF  }
0x98: {  	s18 =	sld [smem:$0x3FDB];
	_ =	sdelay $0x1  }
0x99: {  	s19 =	simm.s32 $_scs_section_size  }
0x9a: {  	s4 =	simm.s32 $_size__tile_overlayer_lowered;
	s5 =	simm.s32 $_tile_overlayer_lowered  }
0x9b: {  	s22 =	simm.s32 $0x1BFF;
	s21 =	sshll.u32 s5, $0x1;
	s2 =	sadd.s32 s19, s18  }
0x9c: {  	s6 =	simm.s32 $0x0;
	s20 =	sshll.u32 s4, $0x1;
	s4 =	sadd.s32 s21, s2  }
0x9d: {  	[timem:s6], [sflag:s22] =	dma.local [hbm:s4], s20  }
0x9e: {  	_ =	swait.ge [sflag:s22], s20  }
0x9f: {  	s3 =	ssub.s32 $0x0, s20;
	[sflag:s22] =	ssyncset.done $0x0  }
0xa0: {  	[sflag:s22] =	ssyncadd.s32 s3;
	_ =	sdelay $0x1  }
0xa1: {  	s23 =	simm.s32 $0x1B8B  }
0xa2: {  	_ =	swait.ge [sflag:s23], $0x1  }
0xa3: {  	[sflag:s23] =	ssyncset.done $0x0  }
0xa4: {  	s25 =	simm.s32 $0x1B8E;
	s24 =	sld [smem:$0x3FFE];
	[sflag:s23] =	ssyncadd.s32 $0xFFFFFFFF  }
0xa5: {  	s26 =	simm.s32 $execute0_lowered;
	[smem:$0x3FD2] =	sst s25  }
0xa6: {  	s4 =	sshll.u32 s26, $0x1;
	_ =	strace $0x8000004C;
	[dreg:$0x1] =	wrdreg $0xFFFFFFFF  }
0xa7: {  	s28 =	simm.s32 $_size_execute0_lowered;
	s2 =	sadd.s32 s2, s4;
	[dreg:$0x0] =	wrdreg $0x0  }
0xa8: {  	s4 =	sshll.u32 s28, $0x1;
	[dreg:$0x2] =	wrdreg s2  }
0xa9: {  	[dreg:$0x3] =	wrdreg s4  }
0xaa: {  	[dreg:$0x4] =	wrdreg $0xC0  }
0xab: {  	_ =	task [dreg:s6], $0x5FFFF  }
0xac: {  	[dreg:$0x1] =	wrdreg $0xFFFFFFFF  }
0xad: {  	[dreg:$0x0] =	wrdreg $0x60  }
0xae: {  	[dreg:$0x2] =	wrdreg s24  }
0xaf: {  	[dreg:$0x3] =	wrdreg $0xE8000  }
0xb0: {  	[dreg:$0x4] =	wrdreg $0x9  }
0xb1: {  	_ =	task.clear_ibuf [dreg:s6], $0x5FFFF;
	_ =	strace $0x9000004C  }
0xb2: {  	s29 =	simm.s32 $0x9;
	_ =	strace $0x8000004E  }
0xb3: {  	_ =	swait.ge [sflag:s29], $0x1  }
0xb4: {  	[sflag:s29] =	ssyncadd.s32 $0xFFFFFFFF  }
0xb5: {  	_ =	strace $0x9000004E  }
0xb6: {  	_ =	sfence  }
0xb7: {  	s30 =	sld [smem:$0x0];
	_ =	sdelay $0x2  }
0xb8: {  	s31 =	sshll.u32 s1, $0xD;
	s1 =	sshrl.u32 s1, $0x2  }
0xb9: {  	s3 =	sand.u32 $0x4000, s31;
	s1 =	sadd.s32 s1, s30  }
0xba: {  	s0 =	sor.u32 s3, s0;
	s1 =	sshll.u32 s1, $0x11  }
0xbb: {  	s0 =	sor.u32 s1, s0  }
0xbc: {  	s0 =	sadd.s32 $0x8F2B, s0  }
0xbd: {  	[sflag:s0] =	ssyncadd.remote.s32 $0x1  }
0xbe: {  	_ =	sfence.sel $0xFFFF  }
0xbf: {  	[dreg:$0x0] =	wrdreg $0xFFFFFFFF;
	(pc) =	sbr.abs _section_cstart, $3  }
0xc0: {  	[dreg:$0x1] =	wrdreg $0xFFFFFFFF  }
0xc1: {  	_ =	task.clear_ibuf [dreg:s6], $0x2FFFF;
	_ =	strace $0x9FFFFFFF  }
0xc2: {  	(tm) =	ssettm $0x7FFFFFFF  }
0xc3: {  	_ =	shalt  }
tec
execute0_lowered:
.L_overlay_start_1:
0x0: {  	(tag) =	ssettag $0x1  }
0x1: {  	s0 =	rddreg [dreg:$0x0]  }
0x2: {  	s2 =	rddreg [dreg:$0x1]  }
0x3: {  	s1 =	srdreg.scid;
	s11 =	stileid.u32;
	s4 =	simm.s32 $0x0  }
0x4: {  	s15 =	simm.s32 $0x80;
	s28 =	simm.s32 $0x2800;
	s19 =	simm.s32 $0x4800  }
0x5: {  	s29 =	simm.s32 $0x2;
	s31 =	simm.s32 $0x3;
	s12 =	simm.s32 $0x10  }
0x6: {  	s13 =	simm.s32 $0xC;
	s14 =	simm.s32 $0x12;
	s18 =	simm.s32 $0x9800  }
0x7: {  	s30 =	simm.s32 $0x4800;
	s1 =	sand.u32 $0x1, s1;
	s3 =	smul.u32 $0x5000, s11  }
0x8: {  	[smem:$0x7FF] =	sst s4;
	s6 =	sadd.s32 $0x2800, s0;
	s4 =	sadd.s32 $0xC600, s0  }
0x9: {  	s10 =	sadd.s32 $0x16600, s0;
	s23 =	sshll.u32 s11, $0x4;
	s25 =	sshll.u32 s11, $0x6  }
0xa: {  	s5 =	smul.u32 $0x50000, s1;
	_ =	strace $0x8000004D;
	s7 =	sshll.u32 s1, $0x4  }
0xb: {  	s8 =	ssub.s32 $0x2, s1;
	p0 =	seq.s32 s1, $0x0;
	s1 =	sadd.s32 s23, s6  }
0xc: {  	s17 =	sor.u32 $0x1C19, s25;
	s25 =	simm.s32 $0x3800;
	s7 =	sor.u32 s11, s7  }
0xd: {  	s20 =	sshrl.u32 s8, $0x1;
	s22 =	sadd.s32 s3, s2;
	s10 =	smov.u32 @p0 s4  }
0xe: {  	s11 =	simm.s32 $0xF;
	[dreg:$0xa] =	wrdreg s17;
	s5 =	sadd.s32 s3, s5  }
0xf: {  	s9 =	smul.u32 $0x1380, s7;
	s3 =	sshrl.u32 s3, $0x3;
	p0 =	sgt.u32 s7, $0x1  }
0x10: {  	s7 =	simm.s32 $0x7;
	s5 =	sshrl.u32 s5, $0x3;
	s26 =	sadd.s32 s10, s3  }
0x11: {  	s10 =	simm.s32 $0xE;
	s3 =	simm.s32 $0xA800;
	s0 =	sadd.s32 s5, s0  }
0x12: {  	s5 =	ssub.s32 s8, s20;
	s21 =	sshrl.u32 s9, $0x3;
	[dreg:$0x9] =	wrdreg s26  }
0x13: {  	s26 =	simm.s32 $0x1;
	s8 =	simm.s32 $0xD;
	s9 =	sadd.s32 s6, s21  }
0x14: {  	s20 =	simm.s32 $0xD800;
	s6 =	sadd.s32 $0x4E00, s1;
	[dreg:$0x3] =	wrdreg s9  }
0x15: {  	s1 =	sadd.s32 $0x9C20, s1;
	s0 =	sadd.s32 $0x20600, s0;
	[dreg:$0x5] =	wrdreg s6  }
.Ltmp0:
0x16: {  	s24 =	smax.u32 s5, $0x1;
	[dreg:$0x6] =	wrdreg s1;
	(pc) =	sbr.rel .LBB2_1-.Ltmp0, $4  }
0x17: {  	s21 =	sshrl.u32 s22, $0x3;
	s22 =	simm.s32 $0x19;
	[dreg:$0x7] =	wrdreg s0  }
0x18: {  	s5 =	simm.s32 $0x9;
	s9 =	sadd.s32 $0x4E20, s9;
	[dreg:$0x8] =	wrdreg s24  }
0x19: {  	s24 =	simm.s32 $0x6;
	s6 =	simm.s32 $0xA;
	[dreg:$0xb] =	wrdreg s21  }
0x1a: {  	s0 =	simm.s32 $0x0;
	[dreg:$0x4] =	wrdreg s9;
	s9 =	simm.s32 $0x8  }
.LBB2_4:
0x1b: {  	_ =	swait.ge [sflag:s26], $0x1000  }
0x1c: {  	s28 =	simm.s32 $0x2800;
	[sflag:s26] =	ssyncset.done $0x0  }
0x1d: {  	s0 =	simm.s32 $0x2600;
	s22 =	simm.s32 $0x13;
	[sflag:s26] =	ssyncadd.s32 $0xFFFFF000  }
0x1e: {  	[spmem:s2] =	stream.indirect.scatter.add.f32 [tilespmem:s28], [sflag:$0xD], $0x20, s0, s15, $0xb8;
	[tilespmem:$0x13800] =	vst v63  }
0x1f: {  	_ =	swait.ge [sflag:s22], $0x1000  }
0x20: {  	[sflag:s22] =	ssyncset.done $0x0  }
0x21: {  	[sflag:s22] =	ssyncadd.s32 $0xFFFFF000  }
0x22: {  	_ =	swait.ge [sflag:s29], $0x1000  }
0x23: {  	s25 =	simm.s32 $0x3800;
	[sflag:s29] =	ssyncset.done $0x0  }
0x24: {  	s23 =	simm.s32 $0x2680;
	s1 =	simm.s32 $0x14;
	[sflag:s29] =	ssyncadd.s32 $0xFFFFF000  }
0x25: {  	[spmem:s2] =	stream.indirect.scatter.add.f32 [tilespmem:s25], [sflag:$0xE], $0x20, s23, s15, $0xb8;
	[tilespmem:$0x13800] =	vst v63  }
0x26: {  	_ =	swait.ge [sflag:s1], $0x1000  }
0x27: {  	[sflag:s1] =	ssyncset.done $0x0  }
0x28: {  	[sflag:s1] =	ssyncadd.s32 $0xFFFFF000  }
0x29: {  	_ =	swait.ge [sflag:s31], $0x1000  }
0x2a: {  	s19 =	simm.s32 $0x4800;
	[sflag:s31] =	ssyncset.done $0x0  }
0x2b: {  	s16 =	simm.s32 $0x2700;
	s17 =	simm.s32 $0x15;
	[sflag:s31] =	ssyncadd.s32 $0xFFFFF000  }
0x2c: {  	[spmem:s2] =	stream.indirect.scatter.add.f32 [tilespmem:s19], [sflag:$0xF], $0x20, s16, s15, $0xb8;
	[tilespmem:$0x13800] =	vst v63  }
0x2d: {  	_ =	swait.ge [sflag:s17], $0x1000  }
0x2e: {  	[sflag:s17] =	ssyncset.done $0x0  }
0x2f: {  	s21 =	simm.s32 $0x16;
	[sflag:s17] =	ssyncadd.s32 $0xFFFFF000  }
0x30: {  	_ =	swait.ge [sflag:s21], $0x1000  }
0x31: {  	[sflag:s21] =	ssyncset.done $0x0  }
0x32: {  	s22 =	simm.s32 $0x17;
	[sflag:s21] =	ssyncadd.s32 $0xFFFFF000  }
0x33: {  	_ =	swait.ge [sflag:s22], $0x1000  }
0x34: {  	[sflag:s22] =	ssyncset.done $0x0  }
0x35: {  	s23 =	simm.s32 $0x18;
	[sflag:s22] =	ssyncadd.s32 $0xFFFFF000  }
0x36: {  	_ =	swait.ge [sflag:s23], $0x1000  }
0x37: {  	[sflag:s23] =	ssyncset.done $0x0  }
0x38: {  	[sflag:s23] =	ssyncadd.s32 $0xFFFFF000  }
0x39: {  	_ =	swait.ge [sflag:s8], $0x1000  }
0x3a: {  	[sflag:s8] =	ssyncset.done $0x0  }
0x3b: {  	[sflag:s8] =	ssyncadd.s32 $0xFFFFF000  }
0x3c: {  	_ =	swait.ge [sflag:s10], $0x1000  }
0x3d: {  	[sflag:s10] =	ssyncset.done $0x0  }
0x3e: {  	[sflag:s10] =	ssyncadd.s32 $0xFFFFF000  }
0x3f: {  	_ =	swait.ge [sflag:s11], $0x1000  }
0x40: {  	s16 =	simm.s32 @!p0 $0x80;
	[sflag:s11] =	ssyncset.done $0x0  }
0x41: {  	s17 =	simm.s32 @!p0 $0x1380;
	s21 =	simm.s32 @!p0 $0x2800;
	[sflag:s11] =	ssyncadd.s32 $0xFFFFF000  }
0x42: {  	[tilespmem:s21], [sflag:$0x19] =	stream.indirect.gather @!p0 [hbm4b:s4+s16], $0x20, s17, s16, $0xb8;
	[tilespmem:$0x13800] =	vst v63  }
0x43: {  	s17 =	simm.s32 @!p0 $0x19  }
0x44: {  	_ =	swait.ge @!p0 [sflag:s17], $0x1000  }
0x45: {  	[sflag:s17] =	ssyncset.done @!p0 $0x0  }
0x46: {  	s22 =	simm.s32 @!p0 $0x2780;
	[sflag:s17] =	ssyncadd.s32 @!p0 $0xFFFFF000  }
0x47: {  	[spmem:s2] =	stream.indirect.scatter.add.f32 @!p0 [tilespmem:s21], [sflag:$0x19], $0x20, s22, s16, $0xb8;
	[tilespmem:$0x13800] =	vst v63  }
0x48: {  	_ =	swait.ge @!p0 [sflag:s17], $0x1000  }
0x49: {  	[sflag:s17] =	ssyncset.done @!p0 $0x0  }
0x4a: {  	[sflag:s17] =	ssyncadd.s32 @!p0 $0xFFFFF000  }
0x4b: {  	[bflag:$0x0] =	sbarrier.arrive $0xFFFF  }
0x4c: {  	s1 =	rddreg [dreg:$0x7]  }
0x4d: {  	s17 =	rddreg [dreg:$0xa]  }
0x4e: {  	s22 =	simm.s32 $0x19;
	s21 =	rddreg [dreg:$0xb]  }
0x4f: {  	[hbm:s1], [sflag:s17] =	dma.local [spmem:s21], $0xA00  }
0x50: {  	_ =	swait.ge [sflag:s22], $0xA00  }
0x51: {  	s16 =	rddreg [dreg:$0xc]  }
0x52: {  	s23 =	rddreg [dreg:$0x8];
	s0 =	sadd.s32 $0x1, s16  }
0x53: {  	p1 =	sne.s32 s0, s23  }
.Ltmp1:
0x54: {  	_ = 	snop;
	(pc) =	sbr.rel @!p1 .LBB2_5-.Ltmp1, $3  }
0x55: {  	_ =	sdelay $0x1  }
0x56: {  	[sflag:s22] =	ssyncset.done $0x0  }
0x57: {  	[sflag:s22] =	ssyncadd.s32 $0xFFFFF600  }
.LBB2_1:
0x58: {  	[dreg:$0xc] =	wrdreg s0  }
0x59: {  	s16 =	rddreg [dreg:$0x9]  }
0x5a: {  	[spmem:s21], [sflag:s17] =	dma.local [hbm:s16], $0xA00  }
0x5b: {  	_ =	swait.ge [sflag:s22], $0xA00  }
0x5c: {  	[sflag:s22] =	ssyncset.done $0x0  }
0x5d: {  	s0 =	simm.s32 $0x0;
	s1 =	rddreg [dreg:$0x3];
	[sflag:s22] =	ssyncadd.s32 $0xFFFFF600  }
0x5e: {  	[tilespmem:s0], [sflag:$0x19] =	stream.linear.gather [hbm4b:s1+s0], $0x1380, $0x38;
	[tilespmem:$0x13800] =	vst v63  }
0x5f: {  	_ =	swait.ge [sflag:s22], $0x1380  }
0x60: {  	s21 =	simm.s32 @p0 $0x0;
	[sflag:s22] =	ssyncset.done $0x0  }
0x61: {  	s17 =	rddreg [dreg:$0x4];
	[sflag:s22] =	ssyncadd.s32 $0xFFFFEC80;
	s22 =	simm.s32 @p0 $0x1400  }
0x62: {  	[tilespmem:s22], [sflag:$0x19] =	stream.linear.gather @p0 [hbm4b:s17+s21], $0x1380, $0x38;
	[tilespmem:$0x13800] =	vst v63  }
0x63: {  	s21 =	simm.s32 @p0 $0x19  }
0x64: {  	_ =	swait.ge @p0 [sflag:s21], $0x1380  }
0x65: {  	s22 =	simm.s32 @!p0 $0x1380;
	[sflag:s21] =	ssyncset.done @p0 $0x0  }
0x66: {  	s23 =	rddreg [dreg:$0x5];
	[sflag:s21] =	ssyncadd.s32 @p0 $0xFFFFEC80;
	s21 =	simm.s32 @!p0 $0x0  }
0x67: {  	[tilespmem:s22], [sflag:$0x19] =	stream.linear.gather @!p0 [hbm4b:s23+s21], $0x80, $0x38;
	[tilespmem:$0x13800] =	vst v63  }
0x68: {  	s22 =	simm.s32 @!p0 $0x19  }
0x69: {  	_ =	swait.ge @!p0 [sflag:s22], $0x80  }
0x6a: {  	[sflag:s22] =	ssyncset.done @!p0 $0x0  }
0x6b: {  	s23 =	simm.s32 @!p0 $0x1400;
	[sflag:s22] =	ssyncadd.s32 @!p0 $0xFFFFFF80  }
0x6c: {  	[tilespmem:s23], [sflag:$0x19] =	stream.linear.gather @!p0 [hbm4b:s17+s21], $0x1380, $0x38;
	[tilespmem:$0x13800] =	vst v63  }
0x6d: {  	_ =	swait.ge @!p0 [sflag:s22], $0x1380  }
0x6e: {  	[sflag:s22] =	ssyncset.done @!p0 $0x0  }
0x6f: {  	s23 =	simm.s32 @!p0 $0x2780;
	s17 =	rddreg [dreg:$0x6];
	[sflag:s22] =	ssyncadd.s32 @!p0 $0xFFFFEC80  }
0x70: {  	[tilespmem:s23], [sflag:$0x19] =	stream.linear.gather @!p0 [hbm4b:s17+s21], $0x80, $0x38;
	[tilespmem:$0x13800] =	vst v63  }
0x71: {  	_ =	swait.ge @!p0 [sflag:s22], $0x80  }
0x72: {  	[sflag:s22] =	ssyncset.done @!p0 $0x0  }
0x73: {  	[sflag:s22] =	ssyncadd.s32 @!p0 $0xFFFFFF80  }
0x74: {  	[tilespmem:s28], [sflag:$0x1] =	stream.indirect.gather [hbm4b:s4+s15], $0x20, s0, s15, $0xb8;
	[tilespmem:$0x13800] =	vst v63  }
0x75: {  	_ = 	snop  }
0x76: {  	[tilespmem:s25], [sflag:$0x2] =	stream.indirect.gather [hbm4b:s4+s15], $0x20, s15, s15, $0xb8;
	[tilespmem:$0x13800] =	vst v63  }
0x77: {  	s17 =	simm.s32 $0x100  }
0x78: {  	[tilespmem:s19], [sflag:$0x3] =	stream.indirect.gather [hbm4b:s4+s15], $0x20, s17, s15, $0xb8;
	[tilespmem:$0x13800] =	vst v63  }
0x79: {  	s21 =	simm.s32 $0x5800;
	s19 =	simm.s32 $0x180  }
0x7a: {  	[tilespmem:s21], [sflag:$0x4] =	stream.indirect.gather [hbm4b:s4+s15], $0x20, s19, s15, $0xb8;
	[tilespmem:$0x13800] =	vst v63  }
0x7b: {  	s23 =	simm.s32 $0x6800;
	s22 =	simm.s32 $0x200  }
0x7c: {  	[tilespmem:s23], [sflag:$0x5] =	stream.indirect.gather [hbm4b:s4+s15], $0x20, s22, s15, $0xb8;
	[tilespmem:$0x13800] =	vst v63  }
0x7d: {  	s25 =	simm.s32 $0x280;
	s19 =	simm.s32 $0x7800  }
0x7e: {  	[tilespmem:s19], [sflag:$0x6] =	stream.indirect.gather [hbm4b:s4+s15], $0x20, s25, s15, $0xb8;
	[tilespmem:$0x13800] =	vst v63  }
0x7f: {  	s21 =	simm.s32 $0x3;
	s23 =	simm.s32 $0x0;
	[bflag:$0x0] =	sbarrier.arrive $0xFFFF  }
.LBB2_2:
0x80: {  	_ =	swait.ge [sflag:s26], $0x1000  }
0x81: {  	s22 =	sshra.s32 s23, $0x2;
	[sflag:s26] =	ssyncset.done $0x0  }
0x82: {  	p1 =	seq.s32 s23, $0x0;
	s25 =	sadd.s32 $0x1400, s22;
	[sflag:s26] =	ssyncadd.s32 $0xFFFFF000  }
0x83: {  	[spmem:s2] =	stream.indirect.scatter.add.f32 [tilespmem:s28], [sflag:$0xD], $0x20, s25, s15, $0xb8;
	[tilespmem:$0x13800] =	vst v63  }
0x84: {  	s25 =	simm.s32 @!p1 $0x13  }
0x85: {  	_ =	swait.ge @!p1 [sflag:s25], $0x1000  }
0x86: {  	[sflag:s25] =	ssyncset.done @!p1 $0x0  }
0x87: {  	s0 =	simm.s32 $0x8800;
	s17 =	sadd.s32 $0x300, s22;
	[sflag:s25] =	ssyncadd.s32 @!p1 $0xFFFFF000  }
0x88: {  	[tilespmem:s0], [sflag:$0x7] =	stream.indirect.gather [hbm4b:s4+s15], $0x20, s17, s15, $0xb8;
	[tilespmem:$0x13800] =	vst v63  }
0x89: {  	_ =	swait.ge [sflag:s29], $0x1000  }
0x8a: {  	s1 =	sadd.s32 $0x1480, s22;
	[sflag:s29] =	ssyncset.done $0x0  }
0x8b: {  	s25 =	simm.s32 @!p1 $0x14;
	s17 =	simm.s32 $0x3800;
	[sflag:s29] =	ssyncadd.s32 $0xFFFFF000  }
0x8c: {  	[spmem:s2] =	stream.indirect.scatter.add.f32 [tilespmem:s17], [sflag:$0xE], $0x20, s1, s15, $0xb8;
	[tilespmem:$0x13800] =	vst v63  }
0x8d: {  	_ =	swait.ge @!p1 [sflag:s25], $0x1000  }
0x8e: {  	[sflag:s25] =	ssyncset.done @!p1 $0x0  }
0x8f: {  	s16 =	sadd.s32 $0x380, s22;
	[sflag:s25] =	ssyncadd.s32 @!p1 $0xFFFFF000  }
0x90: {  	[tilespmem:s18], [sflag:$0x8] =	stream.indirect.gather [hbm4b:s4+s15], $0x20, s16, s15, $0xb8;
	[tilespmem:$0x13800] =	vst v63  }
0x91: {  	_ =	swait.ge [sflag:s31], $0x1000  }
0x92: {  	s1 =	sadd.s32 $0xFFFFFFFF, s21;
	[sflag:s31] =	ssyncset.done $0x0  }
0x93: {  	p2 =	slt.u32 s1, $0x6;
	s16 =	sadd.s32 $0x1500, s22;
	[sflag:s31] =	ssyncadd.s32 $0xFFFFF000  }
0x94: {  	[spmem:s2] =	stream.indirect.scatter.add.f32 [tilespmem:s30], [sflag:$0xF], $0x20, s16, s15, $0xb8;
	[tilespmem:$0x13800] =	vst v63  }
0x95: {  	s16 =	simm.s32 @!p2 $0x15  }
0x96: {  	_ =	swait.ge @!p2 [sflag:s16], $0x1000  }
0x97: {  	[sflag:s16] =	ssyncset.done @!p2 $0x0  }
0x98: {  	s1 =	sadd.s32 $0x400, s22;
	[sflag:s16] =	ssyncadd.s32 @!p2 $0xFFFFF000  }
0x99: {  	[tilespmem:s3], [sflag:$0x9] =	stream.indirect.gather [hbm4b:s4+s15], $0x20, s1, s15, $0xb8;
	[tilespmem:$0x13800] =	vst v63  }
0x9a: {  	s1 =	simm.s32 $0x4  }
0x9b: {  	_ =	swait.ge [sflag:s1], $0x1000  }
0x9c: {  	s25 =	sadd.s32 $0x1580, s22;
	p2 =	slt.u32 s21, $0x6;
	[sflag:s1] =	ssyncset.done $0x0  }
0x9d: {  	s16 =	simm.s32 @!p2 $0x16;
	[sflag:s1] =	ssyncadd.s32 $0xFFFFF000;
	s1 =	simm.s32 $0x5800  }
0x9e: {  	[spmem:s2] =	stream.indirect.scatter.add.f32 [tilespmem:s1], [sflag:$0x10], $0x20, s25, s15, $0xb8;
	[tilespmem:$0x13800] =	vst v63  }
0x9f: {  	_ =	swait.ge @!p2 [sflag:s16], $0x1000  }
0xa0: {  	[sflag:s16] =	ssyncset.done @!p2 $0x0  }
0xa1: {  	s25 =	sadd.s32 $0x480, s22;
	s1 =	simm.s32 $0xB800;
	[sflag:s16] =	ssyncadd.s32 @!p2 $0xFFFFF000  }
0xa2: {  	[tilespmem:s1], [sflag:$0xA] =	stream.indirect.gather [hbm4b:s4+s15], $0x20, s25, s15, $0xb8;
	[tilespmem:$0x13800] =	vst v63  }
0xa3: {  	s25 =	simm.s32 $0x5  }
0xa4: {  	_ =	swait.ge [sflag:s25], $0x1000  }
0xa5: {  	[sflag:s25] =	ssyncset.done $0x0  }
0xa6: {  	s16 =	sadd.s32 $0x1600, s22;
	[sflag:s25] =	ssyncadd.s32 $0xFFFFF000;
	s25 =	simm.s32 $0x6800  }
0xa7: {  	[spmem:s2] =	stream.indirect.scatter.add.f32 [tilespmem:s25], [sflag:$0x11], $0x20, s16, s15, $0xb8;
	[tilespmem:$0x13800] =	vst v63  }
0xa8: {  	s16 =	simm.s32 @!p1 $0x17  }
0xa9: {  	_ =	swait.ge @!p1 [sflag:s16], $0x1000  }
0xaa: {  	[sflag:s16] =	ssyncset.done @!p1 $0x0  }
0xab: {  	s25 =	simm.s32 $0xC800;
	[sflag:s16] =	ssyncadd.s32 @!p1 $0xFFFFF000;
	s16 =	sadd.s32 $0x500, s22  }
0xac: {  	[tilespmem:s25], [sflag:$0xB] =	stream.indirect.gather [hbm4b:s4+s15], $0x20, s16, s15, $0xb8;
	[tilespmem:$0x13800] =	vst v63  }
0xad: {  	_ =	swait.ge [sflag:s24], $0x1000  }
0xae: {  	[sflag:s24] =	ssyncset.done $0x0  }
0xaf: {  	s25 =	sadd.s32 $0x1680, s22;
	s16 =	simm.s32 @!p1 $0x18;
	[sflag:s24] =	ssyncadd.s32 $0xFFFFF000  }
0xb0: {  	[spmem:s2] =	stream.indirect.scatter.add.f32 [tilespmem:s19], [sflag:$0x12], $0x20, s25, s15, $0xb8;
	[tilespmem:$0x13800] =	vst v63  }
0xb1: {  	_ =	swait.ge @!p1 [sflag:s16], $0x1000  }
0xb2: {  	[sflag:s16] =	ssyncset.done @!p1 $0x0  }
0xb3: {  	s25 =	sadd.s32 $0x580, s22;
	[sflag:s16] =	ssyncadd.s32 @!p1 $0xFFFFF000  }
0xb4: {  	[tilespmem:s20], [sflag:$0xC] =	stream.indirect.gather [hbm4b:s4+s15], $0x20, s25, s15, $0xb8;
	[tilespmem:$0x13800] =	vst v63  }
0xb5: {  	_ =	swait.ge [sflag:s7], $0x1000  }
0xb6: {  	[sflag:s7] =	ssyncset.done $0x0  }
0xb7: {  	s25 =	sadd.s32 $0x1700, s22;
	[sflag:s7] =	ssyncadd.s32 $0xFFFFF000  }
0xb8: {  	[spmem:s2] =	stream.indirect.scatter.add.f32 [tilespmem:s0], [sflag:$0x13], $0x20, s25, s15, $0xb8;
	[tilespmem:$0x13800] =	vst v63  }
0xb9: {  	_ =	swait.ge [sflag:s8], $0x1000  }
0xba: {  	[sflag:s8] =	ssyncset.done $0x0  }
0xbb: {  	s0 =	sadd.s32 $0x600, s22;
	[sflag:s8] =	ssyncadd.s32 $0xFFFFF000  }
0xbc: {  	[tilespmem:s28], [sflag:$0x1] =	stream.indirect.gather [hbm4b:s4+s15], $0x20, s0, s15, $0xb8;
	[tilespmem:$0x13800] =	vst v63  }
0xbd: {  	_ =	swait.ge [sflag:s9], $0x1000  }
0xbe: {  	[sflag:s9] =	ssyncset.done $0x0  }
0xbf: {  	s25 =	sadd.s32 $0x1780, s22;
	[sflag:s9] =	ssyncadd.s32 $0xFFFFF000  }
0xc0: {  	[spmem:s2] =	stream.indirect.scatter.add.f32 [tilespmem:s18], [sflag:$0x14], $0x20, s25, s15, $0xb8;
	[tilespmem:$0x13800] =	vst v63  }
0xc1: {  	_ =	swait.ge [sflag:s10], $0x1000  }
0xc2: {  	[sflag:s10] =	ssyncset.done $0x0  }
0xc3: {  	s28 =	sadd.s32 $0x680, s22;
	[sflag:s10] =	ssyncadd.s32 $0xFFFFF000  }
0xc4: {  	[tilespmem:s17], [sflag:$0x2] =	stream.indirect.gather [hbm4b:s4+s15], $0x20, s28, s15, $0xb8;
	[tilespmem:$0x13800] =	vst v63  }
0xc5: {  	_ =	swait.ge [sflag:s5], $0x1000  }
0xc6: {  	[sflag:s5] =	ssyncset.done $0x0  }
0xc7: {  	s0 =	sadd.s32 $0x1800, s22;
	[sflag:s5] =	ssyncadd.s32 $0xFFFFF000  }
0xc8: {  	[spmem:s2] =	stream.indirect.scatter.add.f32 [tilespmem:s3], [sflag:$0x15], $0x20, s0, s15, $0xb8;
	[tilespmem:$0x13800] =	vst v63  }
0xc9: {  	_ =	swait.ge [sflag:s11], $0x1000  }
0xca: {  	[sflag:s11] =	ssyncset.done $0x0  }
0xcb: {  	s17 =	sadd.s32 $0x700, s22;
	[sflag:s11] =	ssyncadd.s32 $0xFFFFF000  }
0xcc: {  	[tilespmem:s30], [sflag:$0x3] =	stream.indirect.gather [hbm4b:s4+s15], $0x20, s17, s15, $0xb8;
	[tilespmem:$0x13800] =	vst v63  }
0xcd: {  	_ =	swait.ge [sflag:s6], $0x1000  }
0xce: {  	[sflag:s6] =	ssyncset.done $0x0  }
0xcf: {  	s25 =	sadd.s32 $0x1880, s22;
	[sflag:s6] =	ssyncadd.s32 $0xFFFFF000  }
0xd0: {  	[spmem:s2] =	stream.indirect.scatter.add.f32 [tilespmem:s1], [sflag:$0x16], $0x20, s25, s15, $0xb8;
	[tilespmem:$0x13800] =	vst v63  }
0xd1: {  	_ =	swait.ge [sflag:s12], $0x1000  }
0xd2: {  	p1 =	seq.s32 s23, $0x3000;
	[sflag:s12] =	ssyncset.done $0x0  }
0xd3: {  	s16 =	simm.s32 @p1 $0xB;
	[sflag:s12] =	ssyncadd.s32 $0xFFFFF000  }
0xd4: {  	_ =	swait.ge @p1 [sflag:s16], $0x1000  }
0xd5: {  	[sflag:s16] =	ssyncset.done @p1 $0x0  }
0xd6: {  	[sflag:s16] =	ssyncadd.s32 @p1 $0xFFFFF000;
	s16 =	sshra.s32 @p1 s23, $0x2  }
0xd7: {  	s17 =	simm.s32 @p1 $0xC800;
	s25 =	simm.s32 @p1 $0x80;
	s16 =	sadd.s32 @p1 $0x1900, s16  }
0xd8: {  	[spmem:s2] =	stream.indirect.scatter.add.f32 @p1 [tilespmem:s17], [sflag:$0x17], $0x20, s16, s25, $0xb8;
	[tilespmem:$0x13800] =	vst v63  }
0xd9: {  	s16 =	simm.s32 @p1 $0x11  }
0xda: {  	_ =	swait.ge @p1 [sflag:s16], $0x1000  }
0xdb: {  	[sflag:s16] =	ssyncset.done @p1 $0x0  }
0xdc: {  	[sflag:s16] =	ssyncadd.s32 @p1 $0xFFFFF000;
	s16 =	sshra.s32 @!p1 s23, $0x2  }
0xdd: {  	s28 =	simm.s32 @!p1 $0x5800;
	s25 =	simm.s32 @!p1 $0x80;
	s17 =	sadd.s32 @!p1 $0x780, s16  }
0xde: {  	[tilespmem:s28], [sflag:$0x4] =	stream.indirect.gather @!p1 [hbm4b:s4+s25], $0x20, s17, s25, $0xb8;
	[tilespmem:$0x13800] =	vst v63  }
0xdf: {  	s17 =	simm.s32 @!p1 $0xB  }
0xe0: {  	_ =	swait.ge @!p1 [sflag:s17], $0x1000  }
0xe1: {  	[sflag:s17] =	ssyncset.done @!p1 $0x0  }
0xe2: {  	s28 =	simm.s32 @!p1 $0xC800;
	[sflag:s17] =	ssyncadd.s32 @!p1 $0xFFFFF000;
	s17 =	sadd.s32 @!p1 $0x1900, s16  }
0xe3: {  	[spmem:s2] =	stream.indirect.scatter.add.f32 @!p1 [tilespmem:s28], [sflag:$0x17], $0x20, s17, s25, $0xb8;
	[tilespmem:$0x13800] =	vst v63  }
0xe4: {  	s17 =	simm.s32 @!p1 $0x11  }
0xe5: {  	_ =	swait.ge @!p1 [sflag:s17], $0x1000  }
0xe6: {  	[sflag:s17] =	ssyncset.done @!p1 $0x0  }
0xe7: {  	s16 =	sadd.s32 @!p1 $0x800, s16;
	[sflag:s17] =	ssyncadd.s32 @!p1 $0xFFFFF000;
	s17 =	simm.s32 @!p1 $0x6800  }
0xe8: {  	[tilespmem:s17], [sflag:$0x5] =	stream.indirect.gather @!p1 [hbm4b:s4+s25], $0x20, s16, s25, $0xb8;
	[tilespmem:$0x13800] =	vst v63  }
0xe9: {  	_ =	swait.ge [sflag:s13], $0x1000  }
0xea: {  	[sflag:s13] =	ssyncset.done $0x0  }
.Ltmp2:
0xeb: {  	s28 =	sadd.s32 $0x1980, s22;
	[sflag:s13] =	ssyncadd.s32 $0xFFFFF000;
	(pc) =	sbr.rel @p1 .LBB2_4-.Ltmp2, $4  }
0xec: {  	[spmem:s2] =	stream.indirect.scatter.add.f32 [tilespmem:s20], [sflag:$0x18], $0x20, s28, s15, $0xb8;
	[tilespmem:$0x13800] =	vst v63  }
0xed: {  	_ =	swait.ge [sflag:s14], $0x1000  }
0xee: {  	[sflag:s14] =	ssyncset.done $0x0  }
0xef: {  	[sflag:s14] =	ssyncadd.s32 $0xFFFFF000  }
.Ltmp3:
0xf0: {  	(pc) =	sbr.rel .LBB2_2-.Ltmp3, $4  }
0xf1: {  	_ = 	snop  }
0xf2: {  	s16 =	sadd.s32 $0x880, s22  }
0xf3: {  	s23 =	sadd.s32 $0x1800, s23;
	s21 =	sadd.s32 $0xC, s21;
	s28 =	simm.s32 $0x2800  }
0xf4: {  	[tilespmem:s19], [sflag:$0x6] =	stream.indirect.gather [hbm4b:s4+s15], $0x20, s16, s15, $0xb8;
	[tilespmem:$0x13800] =	vst v63  }
.LBB2_5:
0xf5: {  	_ =	sfence.sel $0x180000  }
0xf6: {  	[bflag:$0x0] =	sbarrier.arrive $0xFFFF  }
0xf7: {  	_ =	strace $0x9000004D  }
0xf8: {  	s0 =	stileid.u32;
	[bflag:$0x2] =	sbarrier.arrive $0xFFFF  }
0xf9: {  	p0 =	sne.s32 s0, $0x0;
	s0 =	rddreg [dreg:$0x2]  }
0xfa: {  	s0 =	sadd.s32 @!p0 $0x100000, s0  }
0xfb: {  	[sflag:s0] =	ssyncadd.tile.s32 @!p0 $0x1;
	_ =	shalt  }
.Lfunc_end2:
_tile_overlayer_lowered:
.L_overlay_start_2:
0xfc: {  	(tag) =	ssettag $0x2  }
0xfd: {  	s0 =	rddreg [dreg:$0x0];
	s2 =	stileid.u32  }
0xfe: {  	s1 =	rddreg [dreg:$0x1];
	p0 =	sne.s32 s2, $0x0  }
0xff: {  	s3 =	rddreg [dreg:$0x2];
	[bflag:$0x3] =	sbarrier.arrive $0xFFFF;
	s2 =	simm.s32 @!p0 $0x1C19  }
0x100: {  	[timem:s3], [sflag:s2] =	dma.local @!p0 [hbm:s0], s1  }
0x101: {  	s0 =	simm.s32 @!p0 $0x19  }
0x102: {  	_ =	swait.ge @!p0 [sflag:s0], s1  }
0x103: {  	s1 =	ssub.s32 @!p0 $0x0, s1;
	[sflag:s0] =	ssyncset.done @!p0 $0x0  }
0x104: {  	[sflag:s0] =	ssyncadd.s32 @!p0 s1  }
0x105: {  	[bflag:$0x3] =	sbarrier.arrive $0xFFFF  }
0x106: {  	_ =	shalt  }

</sc_bundles>
